<compile_context>
chip_gen: v7x
topology: tpu7x:2x2x1
jax: 0.10.2.dev20260603
libtpu: 0.0.44.dev20260713+nightly
codegen_flags: <defaults>
</compile_context>

<pallas_src>
import functools

import jax
import jax.numpy as jnp
from jax import lax
from jax.experimental import pallas as pl
from jax.experimental.pallas import tpu as pltpu
from jax.experimental.pallas import tpu_sc as plsc

N = 50000
E = 800000
G = 16
H = 16
C = 4
HC = H * C
HID = 64

NW = 32
N_P = 50176
E_P = 819200
EPW = E_P // NW
EPC = E_P // 16
K = 128
NIT = EPW // K
NIT2 = EPC // K
SAGE_W = 32
PAY_W = 40
DEG_W = 8
HALF = N_P // 2
HR = HALF + 128
RPH = HR // 16

BLK = 512
NB = N_P // BLK

_mesh = plsc.VectorSubcoreMesh(core_axis_name="c", subcore_axis_name="s")
_sc_params = pltpu.CompilerParams(needs_layout_passes=False,
                                  use_tc_tiling_on_sc=False)


def _zero_acc(zeros_hbm, acc_sh, sid):
    r0 = pl.multiple_of(sid * RPH, 8)
    pltpu.sync_copy(zeros_hbm, acc_sh.at[pl.ds(r0, RPH)])


@functools.partial(
    pl.kernel,
    out_type=jax.ShapeDtypeStruct((E_P, PAY_W), jnp.float32),
    mesh=_mesh,
    compiler_params=_sc_params,
    scratch_types=[
        pltpu.VMEM((N_P,), jnp.float32),
        pltpu.VMEM((K,), jnp.int32),
        pltpu.VMEM((K,), jnp.int32),
        pltpu.VMEM((K,), jnp.float32),
        pltpu.VMEM((K, PAY_W), jnp.float32),
        pltpu.VMEM((5 * C * 16,), jnp.float32),
    ],
)
def _gat_edge_sc(x_hbm, src_hbm, dst_hbm, ea_hbm, wp_hbm, ones_hbm, pay_hbm,
                 x_v, src_v, dst_v, ea_v, pay_v, wp_v):
    cid = lax.axis_index("c")
    sid = lax.axis_index("s")
    wid = sid * 2 + cid

    pltpu.sync_copy(wp_hbm, wp_v)
    pltpu.sync_copy(x_hbm, x_v)
    pltpu.sync_copy(ones_hbm, pay_v.at[:, pl.ds(32, DEG_W)])

    wv = [[wp_v[pl.ds((j * C + c) * 16, 16)] for c in range(C)]
          for j in range(5)]

    base = wid * EPW

    @pl.loop(0, NIT)
    def _chunk(it):
        off = pl.multiple_of(base + it * K, 8)
        pltpu.sync_copy(
            (src_hbm.at[pl.ds(off, K)], dst_hbm.at[pl.ds(off, K)],
             ea_hbm.at[pl.ds(off, K)]),
            (src_v, dst_v, ea_v))

        @pl.loop(0, K // 16)
        def _group(g):
            g16 = g * 16
            s16 = src_v[pl.ds(g16, 16)]
            d16 = dst_v[pl.ds(g16, 16)]
            e16 = ea_v[pl.ds(g16, 16)]
            xs16 = plsc.load_gather(x_v, [s16])
            xd16 = plsc.load_gather(x_v, [d16])
            for l in range(16):
                xs = xs16[l]
                xd = xd16[l]
                ea = e16[l]
                lg = None
                for c in range(C):
                    t = (xs * wv[0][c] + xd * wv[1][c]
                         + ea * wv[2][c] + wv[3][c])
                    m = jnp.maximum(t, 0.2 * t)
                    contrib = m * wv[4][c]
                    lg = contrib if lg is None else lg + contrib
                w = jnp.exp(lg)
                r = g16 + l
                pay_v[r, pl.ds(0, 16)] = w
                pay_v[r, pl.ds(16, 16)] = w * xs

        pltpu.sync_copy(pay_v, pay_hbm.at[pl.ds(off, K)])


@functools.partial(
    pl.kernel,
    out_type=jax.ShapeDtypeStruct((2, HR, PAY_W), jnp.float32),
    mesh=_mesh,
    compiler_params=_sc_params,
    scratch_types=[
        pltpu.VMEM((K,), jnp.int32),
        pltpu.VMEM((K, PAY_W), jnp.float32),
        pltpu.VMEM_SHARED((HR, PAY_W), jnp.float32),
    ],
)
def _scat_sc(pay_hbm, idx_hbm, z40_hbm, out_hbm,
             idx_v, pay_v, acc_sh):
    cid = lax.axis_index("c")
    sid = lax.axis_index("s")

    _zero_acc(z40_hbm, acc_sh, sid)
    plsc.subcore_barrier()

    base = sid * EPC

    @pl.loop(0, NIT2)
    def _chunk(it):
        off = pl.multiple_of(base + it * K, 8)
        pltpu.sync_copy(
            (idx_hbm.at[cid, pl.ds(off, K)], pay_hbm.at[pl.ds(off, K)]),
            (idx_v, pay_v))
        pltpu.sync_copy(pay_v, acc_sh.at[idx_v], add=True)

    plsc.subcore_barrier()
    r0 = pl.multiple_of(sid * RPH, 8)
    sl = pl.ds(r0, RPH)
    pltpu.sync_copy(acc_sh.at[sl], out_hbm.at[cid, sl])


@functools.partial(
    pl.kernel,
    out_type=jax.ShapeDtypeStruct((2, HR, SAGE_W), jnp.float32),
    mesh=_mesh,
    compiler_params=_sc_params,
    scratch_types=[
        pltpu.VMEM((K,), jnp.int32),
        pltpu.VMEM((K,), jnp.int32),
        pltpu.VMEM((K, SAGE_W), jnp.float32),
        pltpu.VMEM_SHARED((HR, SAGE_W), jnp.float32),
        pltpu.SemaphoreType.DMA,
    ],
)
def _sage_sc(h1_hbm, src_hbm, idx_hbm, z32_hbm, out_hbm,
             src_v, idx_v, rows_v, acc_sh, sem):
    cid = lax.axis_index("c")
    sid = lax.axis_index("s")

    _zero_acc(z32_hbm, acc_sh, sid)
    plsc.subcore_barrier()

    base = sid * EPC

    @pl.loop(0, NIT2)
    def _chunk(it):
        off = pl.multiple_of(base + it * K, 8)
        pltpu.sync_copy(
            (src_hbm.at[pl.ds(off, K)], idx_hbm.at[cid, pl.ds(off, K)]),
            (src_v, idx_v))
        pltpu.async_copy(h1_hbm.at[src_v], rows_v, sem).wait()
        pltpu.sync_copy(rows_v, acc_sh.at[idx_v], add=True)

    plsc.subcore_barrier()
    r0 = pl.multiple_of(sid * RPH, 8)
    sl = pl.ds(r0, RPH)
    pltpu.sync_copy(acc_sh.at[sl], out_hbm.at[cid, sl])



def _easum_body(ea_ref, out_ref):
    out_ref[...] = jnp.sum(ea_ref[...]).reshape(1, 1)


def _idx_body(dst_ref, i0_ref, i1_ref):
    d = dst_ref[...]
    i0_ref[...] = jnp.where(d < HALF, d, HALF)
    i1_ref[...] = jnp.where(d >= HALF, d - HALF, HALF)


def _onehot(batch_col):
    io = lax.broadcasted_iota(jnp.int32, (1, G), 1)
    return (batch_col == io).astype(jnp.float32)


def _b1_body(acc_ref, x_ref, b_ref, wsum_ref, we_ref,
             bsum_ref, amat_ref, wl_ref, bl_ref, bg_ref, eh_ref, easum_ref,
             h1_ref, deg_ref, sums_ref, cnt_ref, sums_s, cnt_s):
    i = pl.program_id(0)

    @pl.when(i == 0)
    def _():
        sums_s[...] = jnp.zeros_like(sums_s)
        cnt_s[...] = jnp.zeros_like(cnt_s)

    a = acc_ref[...]
    den16 = a[:, 0:16]
    s116 = a[:, 16:32]
    deg_ref[...] = a[:, 32:33]

    xb = x_ref[...]
    eamean = easum_ref[0, 0] * (1.0 / E)
    t = xb * wsum_ref[...] + eamean * we_ref[...] + bsum_ref[...]
    m = jnp.maximum(t, 0.2 * t)
    logits = jnp.dot(m, amat_ref[...], preferred_element_type=jnp.float32)
    wself = jnp.exp(logits)
    den16 = den16 + wself
    s116 = s116 + wself * xb

    den64 = jnp.dot(den16, eh_ref[...], preferred_element_type=jnp.float32)
    s164 = jnp.dot(s116, eh_ref[...], preferred_element_type=jnp.float32)
    num = wl_ref[...] * s164 + bl_ref[...] * den64
    h1p = jax.nn.relu(num / (den64 + 1e-16) + bg_ref[...])
    h1_ref[...] = h1p

    oh = _onehot(b_ref[...])
    sums_s[...] += lax.dot_general(oh, h1p, (((0,), (0,)), ((), ())),
                                   preferred_element_type=jnp.float32)
    cnt_s[...] += jnp.sum(oh, axis=0, keepdims=True)

    @pl.when(i == NB - 1)
    def _():
        sums_ref[...] = sums_s[...]
        cnt_ref[...] = cnt_s[...]


def _b2_body(h1_ref, b_ref, sums_ref, cntc_ref, gnms_ref,
             cen_ref, ssq_ref, ssq_s):
    i = pl.program_id(0)

    @pl.when(i == 0)
    def _():
        ssq_s[...] = jnp.zeros_like(ssq_s)

    mean = sums_ref[...] / cntc_ref[...]
    oh = _onehot(b_ref[...])
    mb = jnp.dot(oh, mean, preferred_element_type=jnp.float32)
    cen = h1_ref[...] - gnms_ref[...] * mb
    cen_ref[...] = cen
    ssq_s[...] += lax.dot_general(oh, cen * cen, (((0,), (0,)), ((), ())),
                                  preferred_element_type=jnp.float32)

    @pl.when(i == NB - 1)
    def _():
        ssq_ref[...] = ssq_s[...]


def _b3_body(cen_ref, b_ref, ssq_ref, cntc_ref, gnw_ref, gnb_ref, wsr_ref,
             h1a_ref, h1b_ref, t2_ref):
    var = ssq_ref[...] / cntc_ref[...]
    scale = 1.0 / jnp.sqrt(var + 1e-5)
    oh = _onehot(b_ref[...])
    sb = jnp.dot(oh, scale, preferred_element_type=jnp.float32)
    h1 = gnw_ref[...] * cen_ref[...] * sb + gnb_ref[...]
    h1a_ref[...] = h1[:, :32]
    h1b_ref[...] = h1[:, 32:]
    t2_ref[...] = jnp.dot(h1, wsr_ref[...], preferred_element_type=jnp.float32)


def _c_body(aa_ref, ab_ref, deg_ref, t2_ref, b_ref, wsl_ref, bsl_ref,
            cntc_ref, gmax_ref, gmean_ref, gmax_s, gsum_s):
    i = pl.program_id(0)

    @pl.when(i == 0)
    def _():
        gmax_s[...] = jnp.full_like(gmax_s, -jnp.inf)
        gsum_s[...] = jnp.zeros_like(gsum_s)

    agg = jnp.concatenate([aa_ref[...], ab_ref[...]], axis=1)
    degc = jnp.maximum(deg_ref[...], 1.0)
    aggn = agg / degc
    h2 = jax.nn.relu(
        jnp.dot(aggn, wsl_ref[...], preferred_element_type=jnp.float32)
        + bsl_ref[...] + t2_ref[...])

    bcol = b_ref[...]
    for g in range(G):
        mask = bcol == g
        vals = jnp.where(mask, h2, -jnp.inf)
        mg = jnp.max(vals, axis=0, keepdims=True)
        gmax_s[pl.ds(g, 1), :] = jnp.maximum(gmax_s[pl.ds(g, 1), :], mg)

    oh = _onehot(bcol)
    gsum_s[...] += lax.dot_general(oh, h2, (((0,), (0,)), ((), ())),
                                   preferred_element_type=jnp.float32)

    @pl.when(i == NB - 1)
    def _():
        gm = gmax_s[...]
        gmax_ref[...] = jnp.where(jnp.isfinite(gm), gm, 0.0)
        gmean_ref[...] = gsum_s[...] / cntc_ref[...]


def _d_body(gmax_ref, gmean_ref, w1_ref, b1_ref, w2_ref, b2_ref,
            w3_ref, b3_ref, out_ref):
    z = jnp.concatenate([gmax_ref[...], gmean_ref[...]], axis=1)
    z = jax.nn.relu(jnp.dot(z, w1_ref[...], preferred_element_type=jnp.float32)
                    + b1_ref[...])
    z = jax.nn.relu(jnp.dot(z, w2_ref[...], preferred_element_type=jnp.float32)
                    + b2_ref[...])
    out_ref[...] = (jnp.dot(z, w3_ref[...], preferred_element_type=jnp.float32)
                    + b3_ref[...])


def _full(shape):
    return pl.BlockSpec(shape, lambda i: tuple(0 for _ in shape))


def _rows(width):
    return pl.BlockSpec((BLK, width), lambda i: (i, 0))


def kernel(x, edge_index, edge_attr, batch, Wl, bl, Wr, br, We, att, bg,
           Wsl, bsl, Wsr, gn_w, gn_b, gn_ms, W1, b1, W2, b2, W3, b3):
    f32 = jnp.float32
    src = edge_index[0].astype(jnp.int32)
    dst = edge_index[1].astype(jnp.int32)

    pe = E_P - E
    srcp = jnp.concatenate([src, jnp.full((pe,), N, jnp.int32)])
    dstp = jnp.concatenate([dst, jnp.full((pe,), N, jnp.int32)])
    eap = jnp.concatenate([edge_attr.astype(f32), jnp.zeros((pe,), f32)])
    xp = jnp.concatenate([x.astype(f32), jnp.zeros((N_P - N,), f32)])
    batchp = jnp.concatenate([batch.astype(jnp.int32),
                              jnp.full((N_P - N,), G, jnp.int32)])
    x2 = xp.reshape(N_P, 1)
    b2col = batchp.reshape(N_P, 1)

    wl = Wl.reshape(1, HC)
    wr = Wr.reshape(1, HC)
    we = We.reshape(1, HC)
    blr = bl.reshape(1, HC)
    bsum = (bl + br).reshape(1, HC)
    attf = att.reshape(HC)
    wpack = jnp.concatenate(
        [a.reshape(H, C).T.reshape(1, HC)
         for a in (Wl[0], Wr[0], We[0], bl + br, attf)], axis=0).reshape(-1)
    eh = jnp.kron(jnp.eye(H, dtype=f32), jnp.ones((1, C), f32))
    amat = eh.T * attf[:, None]

    easum = pl.pallas_call(
        _easum_body,
        out_shape=jax.ShapeDtypeStruct((1, 1), f32),
    )(eap.reshape(E_P // 128, 128))

    zer40 = jnp.zeros((RPH, PAY_W), f32)
    zer32 = jnp.zeros((RPH, SAGE_W), f32)
    ones8 = jnp.ones((K, DEG_W), f32)
    idx0, idx1 = pl.pallas_call(
        _idx_body,
        out_shape=[jax.ShapeDtypeStruct((E_P // 128, 128), jnp.int32)] * 2,
    )(dstp.reshape(E_P // 128, 128))
    idx2 = jnp.stack([idx0.reshape(E_P), idx1.reshape(E_P)])
    pay = _gat_edge_sc(xp, srcp, dstp, eap, wpack, ones8)
    oacc = _scat_sc(pay, idx2, zer40)
    acc = jnp.concatenate([oacc[0, :HALF], oacc[1, :HALF]], axis=0)

    h1p, deg, sums, cnt = pl.pallas_call(
        _b1_body,
        grid=(NB,),
        in_specs=[
            _rows(PAY_W),
            _rows(1), _rows(1),
            _full((1, HC)), _full((1, HC)), _full((1, HC)),
            _full((HC, H)), _full((1, HC)), _full((1, HC)), _full((1, HC)),
            _full((H, HC)), _full((1, 1)),
        ],
        out_specs=[_rows(HC), _rows(1), _full((G, HC)), _full((1, G))],
        out_shape=[
            jax.ShapeDtypeStruct((N_P, HC), f32),
            jax.ShapeDtypeStruct((N_P, 1), f32),
            jax.ShapeDtypeStruct((G, HC), f32),
            jax.ShapeDtypeStruct((1, G), f32),
        ],
        scratch_shapes=[pltpu.VMEM((G, HC), f32), pltpu.VMEM((1, G), f32)],
    )(acc, x2, b2col, wl + wr, we, bsum, amat, wl, blr,
      bg.reshape(1, HC), eh, easum)

    cntc = jnp.maximum(cnt.reshape(G, 1), 1.0)

    cen, ssq = pl.pallas_call(
        _b2_body,
        grid=(NB,),
        in_specs=[_rows(HC), _rows(1), _full((G, HC)), _full((G, 1)),
                  _full((1, HC))],
        out_specs=[_rows(HC), _full((G, HC))],
        out_shape=[jax.ShapeDtypeStruct((N_P, HC), f32),
                   jax.ShapeDtypeStruct((G, HC), f32)],
        scratch_shapes=[pltpu.VMEM((G, HC), f32)],
    )(h1p, b2col, sums, cntc, gn_ms.reshape(1, HC))

    h1a, h1b, t2 = pl.pallas_call(
        _b3_body,
        grid=(NB,),
        in_specs=[_rows(HC), _rows(1), _full((G, HC)), _full((G, 1)),
                  _full((1, HC)), _full((1, HC)), _full((HC, HID))],
        out_specs=[_rows(32), _rows(32), _rows(HID)],
        out_shape=[jax.ShapeDtypeStruct((N_P, 32), f32),
                   jax.ShapeDtypeStruct((N_P, 32), f32),
                   jax.ShapeDtypeStruct((N_P, HID), f32)],
    )(cen, b2col, ssq, cntc, gn_w.reshape(1, HC), gn_b.reshape(1, HC), Wsr)

    def _sage_full(h1half):
        o = _sage_sc(h1half, srcp, idx2, zer32)
        return jnp.concatenate([o[0, :HALF], o[1, :HALF]], axis=0)

    agg_a = _sage_full(h1a)
    agg_b = _sage_full(h1b)

    gmax, gmean = pl.pallas_call(
        _c_body,
        grid=(NB,),
        in_specs=[
            _rows(SAGE_W), _rows(SAGE_W),
            _rows(1), _rows(HID), _rows(1),
            _full((HID, HID)), _full((1, HID)), _full((G, 1)),
        ],
        out_specs=[_full((G, HID)), _full((G, HID))],
        out_shape=[jax.ShapeDtypeStruct((G, HID), f32),
                   jax.ShapeDtypeStruct((G, HID), f32)],
        scratch_shapes=[pltpu.VMEM((G, HID), f32), pltpu.VMEM((G, HID), f32)],
    )(agg_a, agg_b, deg, t2, b2col, Wsl, bsl.reshape(1, HID), cntc)

    out = pl.pallas_call(
        _d_body,
        out_shape=jax.ShapeDtypeStruct((G, 3), f32),
    )(gmax, gmean, W1, b1.reshape(1, -1), W2, b2.reshape(1, -1),
      W3, b3.reshape(1, -1))
    return out

# --- scband reference (transcript-rebuilt; emitter-appended) ---
"""Pipeline reference for scband-gat-34316788695901 (READ-ONLY COPY).

The authoritative reference and input builder live on the scoring server;
editing this copy changes nothing except your own understanding.
"""

import jax, jax.numpy as jnp
import numpy as np

N = 50000
E = 800000
G = 16
H = 16
C = 4
HID = 64
SFC1 = 2048
SFC2 = 1024


def _glorot(key, shape):
    fan_in, fan_out = shape[0], shape[-1]
    lim = float(np.sqrt(6.0 / (fan_in + fan_out)))
    return jax.random.uniform(key, shape, minval=-lim, maxval=lim, dtype=jnp.float32)


def setup_inputs(seed: int = 0):
    key = jax.random.key(seed)
    ks = jax.random.split(key, 16)
    inp = {}
    inp["x"] = jax.random.normal(ks[0], (N,), dtype=jnp.float32)
    inp["edge_index"] = jax.random.randint(ks[1], (2, E), 0, N)
    inp["edge_attr"] = jax.random.normal(ks[2], (E,), dtype=jnp.float32)
    inp["batch"] = jnp.sort(jax.random.randint(ks[3], (N,), 0, G))
    inp["Wl"] = _glorot(ks[4], (1, H * C))
    inp["bl"] = jnp.full((H * C,), 0.01, dtype=jnp.float32)
    inp["Wr"] = _glorot(ks[5], (1, H * C))
    inp["br"] = jnp.full((H * C,), 0.01, dtype=jnp.float32)
    inp["We"] = _glorot(ks[6], (1, H * C))
    inp["att"] = _glorot(ks[7], (H, C))
    inp["bg"] = jnp.zeros((H * C,), dtype=jnp.float32)
    inp["Wsl"] = _glorot(ks[8], (H * C, HID))
    inp["bsl"] = jnp.full((HID,), 0.01, dtype=jnp.float32)
    inp["Wsr"] = _glorot(ks[9], (H * C, HID))
    inp["gn_w"] = jnp.ones((H * C,), dtype=jnp.float32)
    inp["gn_b"] = jnp.zeros((H * C,), dtype=jnp.float32)
    inp["gn_ms"] = jnp.ones((H * C,), dtype=jnp.float32)
    inp["W1"] = _glorot(ks[10], (2 * HID, SFC1))
    inp["b1"] = jnp.full((SFC1,), 0.01, dtype=jnp.float32)
    inp["W2"] = _glorot(ks[11], (SFC1, SFC2))
    inp["b2"] = jnp.full((SFC2,), 0.01, dtype=jnp.float32)
    inp["W3"] = _glorot(ks[12], (SFC2, 3))
    inp["b3"] = jnp.full((3,), 0.01, dtype=jnp.float32)
    return inp


def _forward(x, edge_attr, Wl, bl, Wr, br, We, att, bg, Wsl, bsl, Wsr, gn_w, gn_b, gn_ms, W1, b1, W2, b2, W3, b3, edge_index, batch):
    n = x.shape[0]
    xin = x[:, None]
    ea = edge_attr[:, None]
    # GATv2Conv with add_self_loops=True, edge_attr fill='mean'
    loop = jnp.arange(n)
    src = jnp.concatenate([edge_index[0], loop])
    dst = jnp.concatenate([edge_index[1], loop])
    ea_full = jnp.concatenate([ea, jnp.broadcast_to(jnp.mean(ea, axis=0, keepdims=True), (n, 1))], axis=0)
    xl = (xin @ Wl + bl).reshape(n, H, C)
    xr = (xin @ Wr + br).reshape(n, H, C)
    ee = (ea_full @ We).reshape(-1, H, C)
    m = xl[src] + xr[dst] + ee
    m = jax.nn.leaky_relu(m, 0.2)
    logits = jnp.sum(m * att[None, :, :], axis=-1)
    lmax = jax.ops.segment_max(logits, dst, num_segments=n)
    lmax = jnp.where(jnp.isfinite(lmax), lmax, 0.0)
    ex = jnp.exp(logits - lmax[dst])
    den = jax.ops.segment_sum(ex, dst, num_segments=n)
    alpha = ex / (den[dst] + 1e-16)
    h1 = jax.ops.segment_sum(xl[src] * alpha[:, :, None], dst, num_segments=n)
    h1 = h1.reshape(n, H * C) + bg
    h1 = jax.nn.relu(h1)
    # GraphNorm over batch segments
    cnt = jnp.maximum(jax.ops.segment_sum(jnp.ones((n,), jnp.float32), batch, num_segments=G), 1.0)
    mean = jax.ops.segment_sum(h1, batch, num_segments=G) / cnt[:, None]
    cen = h1 - gn_ms * mean[batch]
    var = jax.ops.segment_sum(cen * cen, batch, num_segments=G) / cnt[:, None]
    h1 = gn_w * cen / jnp.sqrt(var[batch] + 1e-5) + gn_b
    # SAGEConv mean aggregation (no self loops), normalize=False
    s, d = edge_index[0], edge_index[1]
    deg = jnp.maximum(jax.ops.segment_sum(jnp.ones((s.shape[0],), jnp.float32), d, num_segments=n), 1.0)
    agg = jax.ops.segment_sum(h1[s], d, num_segments=n) / deg[:, None]
    h2 = agg @ Wsl + bsl + h1 @ Wsr
    h2 = jax.nn.relu(h2)
    # global max / mean pool
    gmax = jax.ops.segment_max(h2, batch, num_segments=G)
    gmax = jnp.where(jnp.isfinite(gmax), gmax, 0.0)
    gmean = jax.ops.segment_sum(h2, batch, num_segments=G) / cnt[:, None]
    z = jnp.concatenate([gmax, gmean], axis=1)
    z = jax.nn.relu(z @ W1 + b1)
    z = jax.nn.relu(z @ W2 + b2)
    return z @ W3 + b3


def reference(x, edge_index, edge_attr, batch, Wl, bl, Wr, br, We, att, bg, Wsl, bsl, Wsr, gn_w, gn_b, gn_ms, W1, b1, W2, b2, W3, b3):
    return _forward(x, edge_attr, Wl, bl, Wr, br, We, att, bg, Wsl, bsl, Wsr, gn_w, gn_b, gn_ms, W1, b1, W2, b2, W3, b3, edge_index, batch)

if __name__ == "__main__":
    import jax
    _d = setup_inputs()
    print(jax.jit(kernel)(*tuple(_d.values())))

</pallas_src>

<mosaic_0001>
#map = affine_map<(d0, d1) -> (0)>
#map1 = affine_map<(d0, d1) -> (0, 0)>
module attributes {stable_mosaic.version = 14 : i64} {
  func.func @_gat_edge_sc(%arg0: i32, %arg1: i32, %arg2: memref<50176xf32, #tpu.memory_space<hbm>>, %arg3: memref<819200xi32, #tpu.memory_space<hbm>>, %arg4: memref<819200xi32, #tpu.memory_space<hbm>>, %arg5: memref<819200xf32, #tpu.memory_space<hbm>>, %arg6: memref<320xf32, #tpu.memory_space<hbm>>, %arg7: memref<128x8xf32, #tpu.memory_space<hbm>>, %arg8: memref<819200x40xf32, #tpu.memory_space<hbm>>, %arg9: memref<50176xf32, #tpu.memory_space<vmem>>, %arg10: memref<128xi32, #tpu.memory_space<vmem>>, %arg11: memref<128xi32, #tpu.memory_space<vmem>>, %arg12: memref<128xf32, #tpu.memory_space<vmem>>, %arg13: memref<128x40xf32, #tpu.memory_space<vmem>>, %arg14: memref<320xf32, #tpu.memory_space<vmem>>) attributes {dimension_semantics = [#tpu.dimension_semantics<core_parallel>, #tpu.dimension_semantics<subcore_parallel>], iteration_bounds = array<i64: 2, 16>, scalar_prefetch = 0 : i64, scratch_operands = 6 : i64, tpu.core_type = #tpu.core_type<sc_vector_subcore>, window_params = [{transform_indices = #map}, {transform_indices = #map}, {transform_indices = #map}, {transform_indices = #map}, {transform_indices = #map}, {transform_indices = #map1}, {transform_indices = #map1}]} {
    %mul3A = arith.constant 2 : i32
    %mul3A_0 = arith.muli %arg1, %mul3A : i32
    %add3A = arith.addi %mul3A_0, %arg0 : i32
    "tpu.region"() ({
      %run_scoped3A = tpu.sem_alloc : memref<!tpu.dma_semaphore, #tpu.memory_space<semaphore_mem>>
      tpu.enqueue_dma source(%arg6 : memref<320xf32, #tpu.memory_space<hbm>>) target(%arg14 : memref<320xf32, #tpu.memory_space<vmem>>) target_semaphore(%run_scoped3A : memref<!tpu.dma_semaphore, #tpu.memory_space<semaphore_mem>>)
      tpu.wait_dma2 semaphore(%run_scoped3A : memref<!tpu.dma_semaphore, #tpu.memory_space<semaphore_mem>>) src(%arg6 : memref<320xf32, #tpu.memory_space<hbm>>) dst(%arg14 : memref<320xf32, #tpu.memory_space<vmem>>)
      tpu.yield
    }) : () -> ()
    "tpu.region"() ({
      %run_scoped3A = tpu.sem_alloc : memref<!tpu.dma_semaphore, #tpu.memory_space<semaphore_mem>>
      tpu.enqueue_dma source(%arg2 : memref<50176xf32, #tpu.memory_space<hbm>>) target(%arg9 : memref<50176xf32, #tpu.memory_space<vmem>>) target_semaphore(%run_scoped3A : memref<!tpu.dma_semaphore, #tpu.memory_space<semaphore_mem>>)
      tpu.wait_dma2 semaphore(%run_scoped3A : memref<!tpu.dma_semaphore, #tpu.memory_space<semaphore_mem>>) src(%arg2 : memref<50176xf32, #tpu.memory_space<hbm>>) dst(%arg9 : memref<50176xf32, #tpu.memory_space<vmem>>)
      tpu.yield
    }) : () -> ()
    "tpu.region"() ({
      %run_scoped3A = tpu.sem_alloc : memref<!tpu.dma_semaphore, #tpu.memory_space<semaphore_mem>>
      %dma_start3A = arith.constant 0 : i32
      %dma_start3A_46 = arith.constant 32 : i32
      %dma_start3A_47 = tpu.memref_slice %arg13[%dma_start3A, %dma_start3A_46] : memref<128x40xf32, #tpu.memory_space<vmem>> -> memref<128x8xf32, #tpu.memory_space<vmem>>
      %dma_start3A_48 = arith.constant 0 : i32
      %dma_start3A_49 = arith.constant 32 : i32
      %dma_start3A_50 = tpu.memref_slice %arg13[%dma_start3A_48, %dma_start3A_49] : memref<128x40xf32, #tpu.memory_space<vmem>> -> memref<128x8xf32, #tpu.memory_space<vmem>>
      tpu.enqueue_dma source(%arg7 : memref<128x8xf32, #tpu.memory_space<hbm>>) target(%dma_start3A_50 : memref<128x8xf32, #tpu.memory_space<vmem>>) target_semaphore(%run_scoped3A : memref<!tpu.dma_semaphore, #tpu.memory_space<semaphore_mem>>)
      %dma_wait3A = arith.constant 0 : i32
      %dma_wait3A_51 = arith.constant 32 : i32
      %dma_wait3A_52 = tpu.memref_slice %arg13[%dma_wait3A, %dma_wait3A_51] : memref<128x40xf32, #tpu.memory_space<vmem>> -> memref<128x8xf32, #tpu.memory_space<vmem>>
      %dma_wait3A_53 = arith.constant 0 : i32
      %dma_wait3A_54 = arith.constant 32 : i32
      %dma_wait3A_55 = tpu.memref_slice %arg13[%dma_wait3A_53, %dma_wait3A_54] : memref<128x40xf32, #tpu.memory_space<vmem>> -> memref<128x8xf32, #tpu.memory_space<vmem>>
      tpu.wait_dma2 semaphore(%run_scoped3A : memref<!tpu.dma_semaphore, #tpu.memory_space<semaphore_mem>>) src(%arg7 : memref<128x8xf32, #tpu.memory_space<hbm>>) dst(%dma_wait3A_55 : memref<128x8xf32, #tpu.memory_space<vmem>>)
      tpu.yield
    }) : () -> ()
    %get3A = arith.constant 0 : index
    %get3A_1 = tpu.vector_load %arg14[%get3A] {strides = array<i32>} : memref<320xf32, #tpu.memory_space<vmem>>, vector<16xf32>,
    %get3A_2 = arith.constant 16 : index
    %get3A_3 = tpu.vector_load %arg14[%get3A_2] {strides = array<i32>} : memref<320xf32, #tpu.memory_space<vmem>>, vector<16xf32>,
    %get3A_4 = arith.constant 32 : index
    %get3A_5 = tpu.vector_load %arg14[%get3A_4] {strides = array<i32>} : memref<320xf32, #tpu.memory_space<vmem>>, vector<16xf32>,
    %get3A_6 = arith.constant 48 : index
    %get3A_7 = tpu.vector_load %arg14[%get3A_6] {strides = array<i32>} : memref<320xf32, #tpu.memory_space<vmem>>, vector<16xf32>,
    %get3A_8 = arith.constant 64 : index
    %get3A_9 = tpu.vector_load %arg14[%get3A_8] {strides = array<i32>} : memref<320xf32, #tpu.memory_space<vmem>>, vector<16xf32>,
    %get3A_10 = arith.constant 80 : index
    %get3A_11 = tpu.vector_load %arg14[%get3A_10] {strides = array<i32>} : memref<320xf32, #tpu.memory_space<vmem>>, vector<16xf32>,
    %get3A_12 = arith.constant 96 : index
    %get3A_13 = tpu.vector_load %arg14[%get3A_12] {strides = array<i32>} : memref<320xf32, #tpu.memory_space<vmem>>, vector<16xf32>,
    %get3A_14 = arith.constant 112 : index
    %get3A_15 = tpu.vector_load %arg14[%get3A_14] {strides = array<i32>} : memref<320xf32, #tpu.memory_space<vmem>>, vector<16xf32>,
    %get3A_16 = arith.constant 128 : index
    %get3A_17 = tpu.vector_load %arg14[%get3A_16] {strides = array<i32>} : memref<320xf32, #tpu.memory_space<vmem>>, vector<16xf32>,
    %get3A_18 = arith.constant 144 : index
    %get3A_19 = tpu.vector_load %arg14[%get3A_18] {strides = array<i32>} : memref<320xf32, #tpu.memory_space<vmem>>, vector<16xf32>,
    %get3A_20 = arith.constant 160 : index
    %get3A_21 = tpu.vector_load %arg14[%get3A_20] {strides = array<i32>} : memref<320xf32, #tpu.memory_space<vmem>>, vector<16xf32>,
    %get3A_22 = arith.constant 176 : index
    %get3A_23 = tpu.vector_load %arg14[%get3A_22] {strides = array<i32>} : memref<320xf32, #tpu.memory_space<vmem>>, vector<16xf32>,
    %get3A_24 = arith.constant 192 : index
    %get3A_25 = tpu.vector_load %arg14[%get3A_24] {strides = array<i32>} : memref<320xf32, #tpu.memory_space<vmem>>, vector<16xf32>,
    %get3A_26 = arith.constant 208 : index
    %get3A_27 = tpu.vector_load %arg14[%get3A_26] {strides = array<i32>} : memref<320xf32, #tpu.memory_space<vmem>>, vector<16xf32>,
    %get3A_28 = arith.constant 224 : index
    %get3A_29 = tpu.vector_load %arg14[%get3A_28] {strides = array<i32>} : memref<320xf32, #tpu.memory_space<vmem>>, vector<16xf32>,
    %get3A_30 = arith.constant 240 : index
    %get3A_31 = tpu.vector_load %arg14[%get3A_30] {strides = array<i32>} : memref<320xf32, #tpu.memory_space<vmem>>, vector<16xf32>,
    %get3A_32 = arith.constant 256 : index
    %get3A_33 = tpu.vector_load %arg14[%get3A_32] {strides = array<i32>} : memref<320xf32, #tpu.memory_space<vmem>>, vector<16xf32>,
    %get3A_34 = arith.constant 272 : index
    %get3A_35 = tpu.vector_load %arg14[%get3A_34] {strides = array<i32>} : memref<320xf32, #tpu.memory_space<vmem>>, vector<16xf32>,
    %get3A_36 = arith.constant 288 : index
    %get3A_37 = tpu.vector_load %arg14[%get3A_36] {strides = array<i32>} : memref<320xf32, #tpu.memory_space<vmem>>, vector<16xf32>,
    %get3A_38 = arith.constant 304 : index
    %get3A_39 = tpu.vector_load %arg14[%get3A_38] {strides = array<i32>} : memref<320xf32, #tpu.memory_space<vmem>>, vector<16xf32>,
    %mul3A_40 = arith.constant 25600 : i32
    %mul3A_41 = arith.muli %add3A, %mul3A_40 : i32
    %scan3A = arith.constant 0 : i32
    %scan3A_42 = arith.constant 200 : i32
    %scan3A_43 = arith.addi %scan3A, %scan3A_42 : i32
    %scan3A_44 = arith.constant 1 : i32
    scf.for %scan3A_46 = %scan3A to %scan3A_43 step %scan3A_44  : i32 {
      %mul3A_47 = arith.constant 1 : i32
      %mul3A_48 = arith.muli %scan3A_46, %mul3A_47 : i32
      %add3A_49 = arith.constant 0 : i32
      %add3A_50 = arith.addi %add3A_49, %mul3A_48 : i32
      %mul3A_51 = arith.constant 128 : i32
      %mul3A_52 = arith.muli %add3A_50, %mul3A_51 : i32
      %add3A_53 = arith.addi %mul3A_41, %mul3A_52 : i32
      %multiple_of3A = tpu.assume_multiple %add3A_53, 8 : i32
      "tpu.region"() ({
        %run_scoped3A = tpu.sem_alloc : memref<!tpu.dma_semaphore, #tpu.memory_space<semaphore_mem>>
        %dma_start3A = tpu.memref_slice %arg3[%multiple_of3A] : memref<819200xi32, #tpu.memory_space<hbm>> -> memref<128xi32, #tpu.memory_space<hbm>>
        %dma_start3A_59 = tpu.memref_slice %arg3[%multiple_of3A] : memref<819200xi32, #tpu.memory_space<hbm>> -> memref<128xi32, #tpu.memory_space<hbm>>
        tpu.enqueue_dma source(%dma_start3A_59 : memref<128xi32, #tpu.memory_space<hbm>>) target(%arg10 : memref<128xi32, #tpu.memory_space<vmem>>) target_semaphore(%run_scoped3A : memref<!tpu.dma_semaphore, #tpu.memory_space<semaphore_mem>>)
        %dma_start3A_60 = tpu.memref_slice %arg4[%multiple_of3A] : memref<819200xi32, #tpu.memory_space<hbm>> -> memref<128xi32, #tpu.memory_space<hbm>>
        %dma_start3A_61 = tpu.memref_slice %arg4[%multiple_of3A] : memref<819200xi32, #tpu.memory_space<hbm>> -> memref<128xi32, #tpu.memory_space<hbm>>
        tpu.enqueue_dma source(%dma_start3A_61 : memref<128xi32, #tpu.memory_space<hbm>>) target(%arg11 : memref<128xi32, #tpu.memory_space<vmem>>) target_semaphore(%run_scoped3A : memref<!tpu.dma_semaphore, #tpu.memory_space<semaphore_mem>>)
        %dma_start3A_62 = tpu.memref_slice %arg5[%multiple_of3A] : memref<819200xf32, #tpu.memory_space<hbm>> -> memref<128xf32, #tpu.memory_space<hbm>>
        %dma_start3A_63 = tpu.memref_slice %arg5[%multiple_of3A] : memref<819200xf32, #tpu.memory_space<hbm>> -> memref<128xf32, #tpu.memory_space<hbm>>
        tpu.enqueue_dma source(%dma_start3A_63 : memref<128xf32, #tpu.memory_space<hbm>>) target(%arg12 : memref<128xf32, #tpu.memory_space<vmem>>) target_semaphore(%run_scoped3A : memref<!tpu.dma_semaphore, #tpu.memory_space<semaphore_mem>>)
        %dma_wait3A = tpu.memref_slice %arg3[%multiple_of3A] : memref<819200xi32, #tpu.memory_space<hbm>> -> memref<128xi32, #tpu.memory_space<hbm>>
        %dma_wait3A_64 = tpu.memref_slice %arg3[%multiple_of3A] : memref<819200xi32, #tpu.memory_space<hbm>> -> memref<128xi32, #tpu.memory_space<hbm>>
        tpu.wait_dma2 semaphore(%run_scoped3A : memref<!tpu.dma_semaphore, #tpu.memory_space<semaphore_mem>>) src(%dma_wait3A_64 : memref<128xi32, #tpu.memory_space<hbm>>) dst(%arg10 : memref<128xi32, #tpu.memory_space<vmem>>)
        %dma_wait3A_65 = tpu.memref_slice %arg4[%multiple_of3A] : memref<819200xi32, #tpu.memory_space<hbm>> -> memref<128xi32, #tpu.memory_space<hbm>>
        %dma_wait3A_66 = tpu.memref_slice %arg4[%multiple_of3A] : memref<819200xi32, #tpu.memory_space<hbm>> -> memref<128xi32, #tpu.memory_space<hbm>>
        tpu.wait_dma2 semaphore(%run_scoped3A : memref<!tpu.dma_semaphore, #tpu.memory_space<semaphore_mem>>) src(%dma_wait3A_66 : memref<128xi32, #tpu.memory_space<hbm>>) dst(%arg11 : memref<128xi32, #tpu.memory_space<vmem>>)
        %dma_wait3A_67 = tpu.memref_slice %arg5[%multiple_of3A] : memref<819200xf32, #tpu.memory_space<hbm>> -> memref<128xf32, #tpu.memory_space<hbm>>
        %dma_wait3A_68 = tpu.memref_slice %arg5[%multiple_of3A] : memref<819200xf32, #tpu.memory_space<hbm>> -> memref<128xf32, #tpu.memory_space<hbm>>
        tpu.wait_dma2 semaphore(%run_scoped3A : memref<!tpu.dma_semaphore, #tpu.memory_space<semaphore_mem>>) src(%dma_wait3A_68 : memref<128xf32, #tpu.memory_space<hbm>>) dst(%arg12 : memref<128xf32, #tpu.memory_space<vmem>>)
        tpu.yield
      }) : () -> ()
      %scan3A_54 = arith.constant 0 : i32
      %scan3A_55 = arith.constant 8 : i32
      %scan3A_56 = arith.addi %scan3A_54, %scan3A_55 : i32
      %scan3A_57 = arith.constant 1 : i32
      scf.for %scan3A_59 = %scan3A_54 to %scan3A_56 step %scan3A_57  : i32 {
        %mul3A_60 = arith.constant 1 : i32
        %mul3A_61 = arith.muli %scan3A_59, %mul3A_60 : i32
        %add3A_62 = arith.constant 0 : i32
        %add3A_63 = arith.addi %add3A_62, %mul3A_61 : i32
        %mul3A_64 = arith.constant 16 : i32
        %mul3A_65 = arith.muli %add3A_63, %mul3A_64 : i32
        %get3A_66 = arith.index_cast %mul3A_65 : i32 to index
        %get3A_67 = tpu.vector_load %arg10[%get3A_66] {strides = array<i32>} : memref<128xi32, #tpu.memory_space<vmem>>, vector<16xi32>,
        %get3A_68 = arith.index_cast %mul3A_65 : i32 to index
        %get3A_69 = tpu.vector_load %arg11[%get3A_68] {strides = array<i32>} : memref<128xi32, #tpu.memory_space<vmem>>, vector<16xi32>,
        %get3A_70 = arith.index_cast %mul3A_65 : i32 to index
        %get3A_71 = tpu.vector_load %arg12[%get3A_70] {strides = array<i32>} : memref<128xf32, #tpu.memory_space<vmem>>, vector<16xf32>,
        %gather3A = tpu.vector_load_idx %arg9[%get3A_67] : memref<50176xf32, #tpu.memory_space<vmem>>[vector<16xi32>], vector<16xf32>,
        %gather3A_72 = tpu.vector_load_idx %arg9[%get3A_69] : memref<50176xf32, #tpu.memory_space<vmem>>[vector<16xi32>], vector<16xf32>,
        %slice3A = vector.extract_strided_slice %gather3A {offsets = [0], sizes = [1], strides = [1]} : vector<16xf32> to vector<1xf32>
        %squeeze3A = vector.extract %slice3A[0] : f32 from vector<1xf32>
        %slice3A_73 = vector.extract_strided_slice %gather3A_72 {offsets = [0], sizes = [1], strides = [1]} : vector<16xf32> to vector<1xf32>
        %squeeze3A_74 = vector.extract %slice3A_73[0] : f32 from vector<1xf32>
        %slice3A_75 = vector.extract_strided_slice %get3A_71 {offsets = [0], sizes = [1], strides = [1]} : vector<16xf32> to vector<1xf32>
        %squeeze3A_76 = vector.extract %slice3A_75[0] : f32 from vector<1xf32>
        %mul3A_77 = vector.broadcast %squeeze3A : f32 to vector<16xf32>
        %mul3A_78 = arith.mulf %mul3A_77, %get3A_1 : vector<16xf32>
        %mul3A_79 = vector.broadcast %squeeze3A_74 : f32 to vector<16xf32>
        %mul3A_80 = arith.mulf %mul3A_79, %get3A_9 : vector<16xf32>
        %add3A_81 = arith.addf %mul3A_78, %mul3A_80 : vector<16xf32>
        %mul3A_82 = vector.broadcast %squeeze3A_76 : f32 to vector<16xf32>
        %mul3A_83 = arith.mulf %mul3A_82, %get3A_17 : vector<16xf32>
        %add3A_84 = arith.addf %add3A_81, %mul3A_83 : vector<16xf32>
        %add3A_85 = arith.addf %add3A_84, %get3A_25 : vector<16xf32>
        %mul3A_86 = arith.constant 2.000000e-01 : f32
        %mul3A_87 = vector.broadcast %mul3A_86 : f32 to vector<16xf32>
        %mul3A_88 = arith.mulf %mul3A_87, %add3A_85 : vector<16xf32>
        %max3A = arith.maximumf %add3A_85, %mul3A_88 : vector<16xf32>
        %mul3A_89 = arith.mulf %max3A, %get3A_33 : vector<16xf32>
        %mul3A_90 = vector.broadcast %squeeze3A : f32 to vector<16xf32>
        %mul3A_91 = arith.mulf %mul3A_90, %get3A_3 : vector<16xf32>
        %mul3A_92 = vector.broadcast %squeeze3A_74 : f32 to vector<16xf32>
        %mul3A_93 = arith.mulf %mul3A_92, %get3A_11 : vector<16xf32>
        %add3A_94 = arith.addf %mul3A_91, %mul3A_93 : vector<16xf32>
        %mul3A_95 = vector.broadcast %squeeze3A_76 : f32 to vector<16xf32>
        %mul3A_96 = arith.mulf %mul3A_95, %get3A_19 : vector<16xf32>
        %add3A_97 = arith.addf %add3A_94, %mul3A_96 : vector<16xf32>
        %add3A_98 = arith.addf %add3A_97, %get3A_27 : vector<16xf32>
        %mul3A_99 = arith.constant 2.000000e-01 : f32
        %mul3A_100 = vector.broadcast %mul3A_99 : f32 to vector<16xf32>
        %mul3A_101 = arith.mulf %mul3A_100, %add3A_98 : vector<16xf32>
        %max3A_102 = arith.maximumf %add3A_98, %mul3A_101 : vector<16xf32>
        %mul3A_103 = arith.mulf %max3A_102, %get3A_35 : vector<16xf32>
        %add3A_104 = arith.addf %mul3A_89, %mul3A_103 : vector<16xf32>
        %mul3A_105 = vector.broadcast %squeeze3A : f32 to vector<16xf32>
        %mul3A_106 = arith.mulf %mul3A_105, %get3A_5 : vector<16xf32>
        %mul3A_107 = vector.broadcast %squeeze3A_74 : f32 to vector<16xf32>
        %mul3A_108 = arith.mulf %mul3A_107, %get3A_13 : vector<16xf32>
        %add3A_109 = arith.addf %mul3A_106, %mul3A_108 : vector<16xf32>
        %mul3A_110 = vector.broadcast %squeeze3A_76 : f32 to vector<16xf32>
        %mul3A_111 = arith.mulf %mul3A_110, %get3A_21 : vector<16xf32>
        %add3A_112 = arith.addf %add3A_109, %mul3A_111 : vector<16xf32>
        %add3A_113 = arith.addf %add3A_112, %get3A_29 : vector<16xf32>
        %mul3A_114 = arith.constant 2.000000e-01 : f32
        %mul3A_115 = vector.broadcast %mul3A_114 : f32 to vector<16xf32>
        %mul3A_116 = arith.mulf %mul3A_115, %add3A_113 : vector<16xf32>
        %max3A_117 = arith.maximumf %add3A_113, %mul3A_116 : vector<16xf32>
        %mul3A_118 = arith.mulf %max3A_117, %get3A_37 : vector<16xf32>
        %add3A_119 = arith.addf %add3A_104, %mul3A_118 : vector<16xf32>
        %mul3A_120 = vector.broadcast %squeeze3A : f32 to vector<16xf32>
        %mul3A_121 = arith.mulf %mul3A_120, %get3A_7 : vector<16xf32>
        %mul3A_122 = vector.broadcast %squeeze3A_74 : f32 to vector<16xf32>
        %mul3A_123 = arith.mulf %mul3A_122, %get3A_15 : vector<16xf32>
        %add3A_124 = arith.addf %mul3A_121, %mul3A_123 : vector<16xf32>
        %mul3A_125 = vector.broadcast %squeeze3A_76 : f32 to vector<16xf32>
        %mul3A_126 = arith.mulf %mul3A_125, %get3A_23 : vector<16xf32>
        %add3A_127 = arith.addf %add3A_124, %mul3A_126 : vector<16xf32>
        %add3A_128 = arith.addf %add3A_127, %get3A_31 : vector<16xf32>
        %mul3A_129 = arith.constant 2.000000e-01 : f32
        %mul3A_130 = vector.broadcast %mul3A_129 : f32 to vector<16xf32>
        %mul3A_131 = arith.mulf %mul3A_130, %add3A_128 : vector<16xf32>
        %max3A_132 = arith.maximumf %add3A_128, %mul3A_131 : vector<16xf32>
        %mul3A_133 = arith.mulf %max3A_132, %get3A_39 : vector<16xf32>
        %add3A_134 = arith.addf %add3A_119, %mul3A_133 : vector<16xf32>
        %exp3A = math.exp %add3A_134 : vector<16xf32>
        %add3A_135 = arith.constant 0 : i32
        %add3A_136 = arith.addi %mul3A_65, %add3A_135 : i32
        %swap3A = arith.index_cast %add3A_136 : i32 to index
        %swap3A_137 = arith.constant 0 : index
        %swap3A_138 = tpu.vector_load %arg13[%swap3A, %swap3A_137] {strides = array<i32>} : memref<128x40xf32, #tpu.memory_space<vmem>>, vector<16xf32>,
        tpu.vector_store %arg13[%swap3A, %swap3A_137], %exp3A {strides = array<i32>} : memref<128x40xf32, #tpu.memory_space<vmem>>, vector<16xf32>,
        %mul3A_139 = vector.broadcast %squeeze3A : f32 to vector<16xf32>
        %mul3A_140 = arith.mulf %exp3A, %mul3A_139 : vector<16xf32>
        %swap3A_141 = arith.index_cast %add3A_136 : i32 to index
        %swap3A_142 = arith.constant 16 : index
        %swap3A_143 = tpu.vector_load %arg13[%swap3A_141, %swap3A_142] {strides = array<i32>} : memref<128x40xf32, #tpu.memory_space<vmem>>, vector<16xf32>,
        tpu.vector_store %arg13[%swap3A_141, %swap3A_142], %mul3A_140 {strides = array<i32>} : memref<128x40xf32, #tpu.memory_space<vmem>>, vector<16xf32>,
        %slice3A_144 = vector.extract_strided_slice %gather3A {offsets = [1], sizes = [1], strides = [1]} : vector<16xf32> to vector<1xf32>
        %squeeze3A_145 = vector.extract %slice3A_144[0] : f32 from vector<1xf32>
        %slice3A_146 = vector.extract_strided_slice %gather3A_72 {offsets = [1], sizes = [1], strides = [1]} : vector<16xf32> to vector<1xf32>
        %squeeze3A_147 = vector.extract %slice3A_146[0] : f32 from vector<1xf32>
        %slice3A_148 = vector.extract_strided_slice %get3A_71 {offsets = [1], sizes = [1], strides = [1]} : vector<16xf32> to vector<1xf32>
        %squeeze3A_149 = vector.extract %slice3A_148[0] : f32 from vector<1xf32>
        %mul3A_150 = vector.broadcast %squeeze3A_145 : f32 to vector<16xf32>
        %mul3A_151 = arith.mulf %mul3A_150, %get3A_1 : vector<16xf32>
        %mul3A_152 = vector.broadcast %squeeze3A_147 : f32 to vector<16xf32>
        %mul3A_153 = arith.mulf %mul3A_152, %get3A_9 : vector<16xf32>
        %add3A_154 = arith.addf %mul3A_151, %mul3A_153 : vector<16xf32>
        %mul3A_155 = vector.broadcast %squeeze3A_149 : f32 to vector<16xf32>
        %mul3A_156 = arith.mulf %mul3A_155, %get3A_17 : vector<16xf32>
        %add3A_157 = arith.addf %add3A_154, %mul3A_156 : vector<16xf32>
        %add3A_158 = arith.addf %add3A_157, %get3A_25 : vector<16xf32>
        %mul3A_159 = arith.constant 2.000000e-01 : f32
        %mul3A_160 = vector.broadcast %mul3A_159 : f32 to vector<16xf32>
        %mul3A_161 = arith.mulf %mul3A_160, %add3A_158 : vector<16xf32>
        %max3A_162 = arith.maximumf %add3A_158, %mul3A_161 : vector<16xf32>
        %mul3A_163 = arith.mulf %max3A_162, %get3A_33 : vector<16xf32>
        %mul3A_164 = vector.broadcast %squeeze3A_145 : f32 to vector<16xf32>
        %mul3A_165 = arith.mulf %mul3A_164, %get3A_3 : vector<16xf32>
        %mul3A_166 = vector.broadcast %squeeze3A_147 : f32 to vector<16xf32>
        %mul3A_167 = arith.mulf %mul3A_166, %get3A_11 : vector<16xf32>
        %add3A_168 = arith.addf %mul3A_165, %mul3A_167 : vector<16xf32>
        %mul3A_169 = vector.broadcast %squeeze3A_149 : f32 to vector<16xf32>
        %mul3A_170 = arith.mulf %mul3A_169, %get3A_19 : vector<16xf32>
        %add3A_171 = arith.addf %add3A_168, %mul3A_170 : vector<16xf32>
        %add3A_172 = arith.addf %add3A_171, %get3A_27 : vector<16xf32>
        %mul3A_173 = arith.constant 2.000000e-01 : f32
        %mul3A_174 = vector.broadcast %mul3A_173 : f32 to vector<16xf32>
        %mul3A_175 = arith.mulf %mul3A_174, %add3A_172 : vector<16xf32>
        %max3A_176 = arith.maximumf %add3A_172, %mul3A_175 : vector<16xf32>
        %mul3A_177 = arith.mulf %max3A_176, %get3A_35 : vector<16xf32>
        %add3A_178 = arith.addf %mul3A_163, %mul3A_177 : vector<16xf32>
        %mul3A_179 = vector.broadcast %squeeze3A_145 : f32 to vector<16xf32>
        %mul3A_180 = arith.mulf %mul3A_179, %get3A_5 : vector<16xf32>
        %mul3A_181 = vector.broadcast %squeeze3A_147 : f32 to vector<16xf32>
        %mul3A_182 = arith.mulf %mul3A_181, %get3A_13 : vector<16xf32>
        %add3A_183 = arith.addf %mul3A_180, %mul3A_182 : vector<16xf32>
        %mul3A_184 = vector.broadcast %squeeze3A_149 : f32 to vector<16xf32>
        %mul3A_185 = arith.mulf %mul3A_184, %get3A_21 : vector<16xf32>
        %add3A_186 = arith.addf %add3A_183, %mul3A_185 : vector<16xf32>
        %add3A_187 = arith.addf %add3A_186, %get3A_29 : vector<16xf32>
        %mul3A_188 = arith.constant 2.000000e-01 : f32
        %mul3A_189 = vector.broadcast %mul3A_188 : f32 to vector<16xf32>
        %mul3A_190 = arith.mulf %mul3A_189, %add3A_187 : vector<16xf32>
        %max3A_191 = arith.maximumf %add3A_187, %mul3A_190 : vector<16xf32>
        %mul3A_192 = arith.mulf %max3A_191, %get3A_37 : vector<16xf32>
        %add3A_193 = arith.addf %add3A_178, %mul3A_192 : vector<16xf32>
        %mul3A_194 = vector.broadcast %squeeze3A_145 : f32 to vector<16xf32>
        %mul3A_195 = arith.mulf %mul3A_194, %get3A_7 : vector<16xf32>
        %mul3A_196 = vector.broadcast %squeeze3A_147 : f32 to vector<16xf32>
        %mul3A_197 = arith.mulf %mul3A_196, %get3A_15 : vector<16xf32>
        %add3A_198 = arith.addf %mul3A_195, %mul3A_197 : vector<16xf32>
        %mul3A_199 = vector.broadcast %squeeze3A_149 : f32 to vector<16xf32>
        %mul3A_200 = arith.mulf %mul3A_199, %get3A_23 : vector<16xf32>
        %add3A_201 = arith.addf %add3A_198, %mul3A_200 : vector<16xf32>
        %add3A_202 = arith.addf %add3A_201, %get3A_31 : vector<16xf32>
        %mul3A_203 = arith.constant 2.000000e-01 : f32
        %mul3A_204 = vector.broadcast %mul3A_203 : f32 to vector<16xf32>
        %mul3A_205 = arith.mulf %mul3A_204, %add3A_202 : vector<16xf32>
        %max3A_206 = arith.maximumf %add3A_202, %mul3A_205 : vector<16xf32>
        %mul3A_207 = arith.mulf %max3A_206, %get3A_39 : vector<16xf32>
        %add3A_208 = arith.addf %add3A_193, %mul3A_207 : vector<16xf32>
        %exp3A_209 = math.exp %add3A_208 : vector<16xf32>
        %add3A_210 = arith.constant 1 : i32
        %add3A_211 = arith.addi %mul3A_65, %add3A_210 : i32
        %swap3A_212 = arith.index_cast %add3A_211 : i32 to index
        %swap3A_213 = arith.constant 0 : index
        %swap3A_214 = tpu.vector_load %arg13[%swap3A_212, %swap3A_213] {strides = array<i32>} : memref<128x40xf32, #tpu.memory_space<vmem>>, vector<16xf32>,
        tpu.vector_store %arg13[%swap3A_212, %swap3A_213], %exp3A_209 {strides = array<i32>} : memref<128x40xf32, #tpu.memory_space<vmem>>, vector<16xf32>,
        %mul3A_215 = vector.broadcast %squeeze3A_145 : f32 to vector<16xf32>
        %mul3A_216 = arith.mulf %exp3A_209, %mul3A_215 : vector<16xf32>
        %swap3A_217 = arith.index_cast %add3A_211 : i32 to index
        %swap3A_218 = arith.constant 16 : index
        %swap3A_219 = tpu.vector_load %arg13[%swap3A_217, %swap3A_218] {strides = array<i32>} : memref<128x40xf32, #tpu.memory_space<vmem>>, vector<16xf32>,
        tpu.vector_store %arg13[%swap3A_217, %swap3A_218], %mul3A_216 {strides = array<i32>} : memref<128x40xf32, #tpu.memory_space<vmem>>, vector<16xf32>,
        %slice3A_220 = vector.extract_strided_slice %gather3A {offsets = [2], sizes = [1], strides = [1]} : vector<16xf32> to vector<1xf32>
        %squeeze3A_221 = vector.extract %slice3A_220[0] : f32 from vector<1xf32>
        %slice3A_222 = vector.extract_strided_slice %gather3A_72 {offsets = [2], sizes = [1], strides = [1]} : vector<16xf32> to vector<1xf32>
        %squeeze3A_223 = vector.extract %slice3A_222[0] : f32 from vector<1xf32>
        %slice3A_224 = vector.extract_strided_slice %get3A_71 {offsets = [2], sizes = [1], strides = [1]} : vector<16xf32> to vector<1xf32>
        %squeeze3A_225 = vector.extract %slice3A_224[0] : f32 from vector<1xf32>
        %mul3A_226 = vector.broadcast %squeeze3A_221 : f32 to vector<16xf32>
        %mul3A_227 = arith.mulf %mul3A_226, %get3A_1 : vector<16xf32>
        %mul3A_228 = vector.broadcast %squeeze3A_223 : f32 to vector<16xf32>
        %mul3A_229 = arith.mulf %mul3A_228, %get3A_9 : vector<16xf32>
        %add3A_230 = arith.addf %mul3A_227, %mul3A_229 : vector<16xf32>
        %mul3A_231 = vector.broadcast %squeeze3A_225 : f32 to vector<16xf32>
        %mul3A_232 = arith.mulf %mul3A_231, %get3A_17 : vector<16xf32>
        %add3A_233 = arith.addf %add3A_230, %mul3A_232 : vector<16xf32>
        %add3A_234 = arith.addf %add3A_233, %get3A_25 : vector<16xf32>
        %mul3A_235 = arith.constant 2.000000e-01 : f32
        %mul3A_236 = vector.broadcast %mul3A_235 : f32 to vector<16xf32>
        %mul3A_237 = arith.mulf %mul3A_236, %add3A_234 : vector<16xf32>
        %max3A_238 = arith.maximumf %add3A_234, %mul3A_237 : vector<16xf32>
        %mul3A_239 = arith.mulf %max3A_238, %get3A_33 : vector<16xf32>
        %mul3A_240 = vector.broadcast %squeeze3A_221 : f32 to vector<16xf32>
        %mul3A_241 = arith.mulf %mul3A_240, %get3A_3 : vector<16xf32>
        %mul3A_242 = vector.broadcast %squeeze3A_223 : f32 to vector<16xf32>
        %mul3A_243 = arith.mulf %mul3A_242, %get3A_11 : vector<16xf32>
        %add3A_244 = arith.addf %mul3A_241, %mul3A_243 : vector<16xf32>
        %mul3A_245 = vector.broadcast %squeeze3A_225 : f32 to vector<16xf32>
        %mul3A_246 = arith.mulf %mul3A_245, %get3A_19 : vector<16xf32>
        %add3A_247 = arith.addf %add3A_244, %mul3A_246 : vector<16xf32>
        %add3A_248 = arith.addf %add3A_247, %get3A_27 : vector<16xf32>
        %mul3A_249 = arith.constant 2.000000e-01 : f32
        %mul3A_250 = vector.broadcast %mul3A_249 : f32 to vector<16xf32>
        %mul3A_251 = arith.mulf %mul3A_250, %add3A_248 : vector<16xf32>
        %max3A_252 = arith.maximumf %add3A_248, %mul3A_251 : vector<16xf32>
        %mul3A_253 = arith.mulf %max3A_252, %get3A_35 : vector<16xf32>
        %add3A_254 = arith.addf %mul3A_239, %mul3A_253 : vector<16xf32>
        %mul3A_255 = vector.broadcast %squeeze3A_221 : f32 to vector<16xf32>
        %mul3A_256 = arith.mulf %mul3A_255, %get3A_5 : vector<16xf32>
        %mul3A_257 = vector.broadcast %squeeze3A_223 : f32 to vector<16xf32>
        %mul3A_258 = arith.mulf %mul3A_257, %get3A_13 : vector<16xf32>
        %add3A_259 = arith.addf %mul3A_256, %mul3A_258 : vector<16xf32>
        %mul3A_260 = vector.broadcast %squeeze3A_225 : f32 to vector<16xf32>
        %mul3A_261 = arith.mulf %mul3A_260, %get3A_21 : vector<16xf32>
        %add3A_262 = arith.addf %add3A_259, %mul3A_261 : vector<16xf32>
        %add3A_263 = arith.addf %add3A_262, %get3A_29 : vector<16xf32>
        %mul3A_264 = arith.constant 2.000000e-01 : f32
        %mul3A_265 = vector.broadcast %mul3A_264 : f32 to vector<16xf32>
        %mul3A_266 = arith.mulf %mul3A_265, %add3A_263 : vector<16xf32>
        %max3A_267 = arith.maximumf %add3A_263, %mul3A_266 : vector<16xf32>
        %mul3A_268 = arith.mulf %max3A_267, %get3A_37 : vector<16xf32>
        %add3A_269 = arith.addf %add3A_254, %mul3A_268 : vector<16xf32>
        %mul3A_270 = vector.broadcast %squeeze3A_221 : f32 to vector<16xf32>
        %mul3A_271 = arith.mulf %mul3A_270, %get3A_7 : vector<16xf32>
        %mul3A_272 = vector.broadcast %squeeze3A_223 : f32 to vector<16xf32>
        %mul3A_273 = arith.mulf %mul3A_272, %get3A_15 : vector<16xf32>
        %add3A_274 = arith.addf %mul3A_271, %mul3A_273 : vector<16xf32>
        %mul3A_275 = vector.broadcast %squeeze3A_225 : f32 to vector<16xf32>
        %mul3A_276 = arith.mulf %mul3A_275, %get3A_23 : vector<16xf32>
        %add3A_277 = arith.addf %add3A_274, %mul3A_276 : vector<16xf32>
        %add3A_278 = arith.addf %add3A_277, %get3A_31 : vector<16xf32>
        %mul3A_279 = arith.constant 2.000000e-01 : f32
        %mul3A_280 = vector.broadcast %mul3A_279 : f32 to vector<16xf32>
        %mul3A_281 = arith.mulf %mul3A_280, %add3A_278 : vector<16xf32>
        %max3A_282 = arith.maximumf %add3A_278, %mul3A_281 : vector<16xf32>
        %mul3A_283 = arith.mulf %max3A_282, %get3A_39 : vector<16xf32>
        %add3A_284 = arith.addf %add3A_269, %mul3A_283 : vector<16xf32>
        %exp3A_285 = math.exp %add3A_284 : vector<16xf32>
        %add3A_286 = arith.constant 2 : i32
        %add3A_287 = arith.addi %mul3A_65, %add3A_286 : i32
        %swap3A_288 = arith.index_cast %add3A_287 : i32 to index
        %swap3A_289 = arith.constant 0 : index
        %swap3A_290 = tpu.vector_load %arg13[%swap3A_288, %swap3A_289] {strides = array<i32>} : memref<128x40xf32, #tpu.memory_space<vmem>>, vector<16xf32>,
        tpu.vector_store %arg13[%swap3A_288, %swap3A_289], %exp3A_285 {strides = array<i32>} : memref<128x40xf32, #tpu.memory_space<vmem>>, vector<16xf32>,
        %mul3A_291 = vector.broadcast %squeeze3A_221 : f32 to vector<16xf32>
        %mul3A_292 = arith.mulf %exp3A_285, %mul3A_291 : vector<16xf32>
        %swap3A_293 = arith.index_cast %add3A_287 : i32 to index
        %swap3A_294 = arith.constant 16 : index
        %swap3A_295 = tpu.vector_load %arg13[%swap3A_293, %swap3A_294] {strides = array<i32>} : memref<128x40xf32, #tpu.memory_space<vmem>>, vector<16xf32>,
        tpu.vector_store %arg13[%swap3A_293, %swap3A_294], %mul3A_292 {strides = array<i32>} : memref<128x40xf32, #tpu.memory_space<vmem>>, vector<16xf32>,
        %slice3A_296 = vector.extract_strided_slice %gather3A {offsets = [3], sizes = [1], strides = [1]} : vector<16xf32> to vector<1xf32>
        %squeeze3A_297 = vector.extract %slice3A_296[0] : f32 from vector<1xf32>
        %slice3A_298 = vector.extract_strided_slice %gather3A_72 {offsets = [3], sizes = [1], strides = [1]} : vector<16xf32> to vector<1xf32>
        %squeeze3A_299 = vector.extract %slice3A_298[0] : f32 from vector<1xf32>
        %slice3A_300 = vector.extract_strided_slice %get3A_71 {offsets = [3], sizes = [1], strides = [1]} : vector<16xf32> to vector<1xf32>
        %squeeze3A_301 = vector.extract %slice3A_300[0] : f32 from vector<1xf32>
        %mul3A_302 = vector.broadcast %squeeze3A_297 : f32 to vector<16xf32>
        %mul3A_303 = arith.mulf %mul3A_302, %get3A_1 : vector<16xf32>
        %mul3A_304 = vector.broadcast %squeeze3A_299 : f32 to vector<16xf32>
        %mul3A_305 = arith.mulf %mul3A_304, %get3A_9 : vector<16xf32>
        %add3A_306 = arith.addf %mul3A_303, %mul3A_305 : vector<16xf32>
        %mul3A_307 = vector.broadcast %squeeze3A_301 : f32 to vector<16xf32>
        %mul3A_308 = arith.mulf %mul3A_307, %get3A_17 : vector<16xf32>
        %add3A_309 = arith.addf %add3A_306, %mul3A_308 : vector<16xf32>
        %add3A_310 = arith.addf %add3A_309, %get3A_25 : vector<16xf32>
        %mul3A_311 = arith.constant 2.000000e-01 : f32
        %mul3A_312 = vector.broadcast %mul3A_311 : f32 to vector<16xf32>
        %mul3A_313 = arith.mulf %mul3A_312, %add3A_310 : vector<16xf32>
        %max3A_314 = arith.maximumf %add3A_310, %mul3A_313 : vector<16xf32>
        %mul3A_315 = arith.mulf %max3A_314, %get3A_33 : vector<16xf32>
        %mul3A_316 = vector.broadcast %squeeze3A_297 : f32 to vector<16xf32>
        %mul3A_317 = arith.mulf %mul3A_316, %get3A_3 : vector<16xf32>
        %mul3A_318 = vector.broadcast %squeeze3A_299 : f32 to vector<16xf32>
        %mul3A_319 = arith.mulf %mul3A_318, %get3A_11 : vector<16xf32>
        %add3A_320 = arith.addf %mul3A_317, %mul3A_319 : vector<16xf32>
        %mul3A_321 = vector.broadcast %squeeze3A_301 : f32 to vector<16xf32>
        %mul3A_322 = arith.mulf %mul3A_321, %get3A_19 : vector<16xf32>
        %add3A_323 = arith.addf %add3A_320, %mul3A_322 : vector<16xf32>
        %add3A_324 = arith.addf %add3A_323, %get3A_27 : vector<16xf32>
        %mul3A_325 = arith.constant 2.000000e-01 : f32
        %mul3A_326 = vector.broadcast %mul3A_325 : f32 to vector<16xf32>
        %mul3A_327 = arith.mulf %mul3A_326, %add3A_324 : vector<16xf32>
        %max3A_328 = arith.maximumf %add3A_324, %mul3A_327 : vector<16xf32>
        %mul3A_329 = arith.mulf %max3A_328, %get3A_35 : vector<16xf32>
        %add3A_330 = arith.addf %mul3A_315, %mul3A_329 : vector<16xf32>
        %mul3A_331 = vector.broadcast %squeeze3A_297 : f32 to vector<16xf32>
        %mul3A_332 = arith.mulf %mul3A_331, %get3A_5 : vector<16xf32>
        %mul3A_333 = vector.broadcast %squeeze3A_299 : f32 to vector<16xf32>
        %mul3A_334 = arith.mulf %mul3A_333, %get3A_13 : vector<16xf32>
        %add3A_335 = arith.addf %mul3A_332, %mul3A_334 : vector<16xf32>
        %mul3A_336 = vector.broadcast %squeeze3A_301 : f32 to vector<16xf32>
        %mul3A_337 = arith.mulf %mul3A_336, %get3A_21 : vector<16xf32>
        %add3A_338 = arith.addf %add3A_335, %mul3A_337 : vector<16xf32>
        %add3A_339 = arith.addf %add3A_338, %get3A_29 : vector<16xf32>
        %mul3A_340 = arith.constant 2.000000e-01 : f32
        %mul3A_341 = vector.broadcast %mul3A_340 : f32 to vector<16xf32>
        %mul3A_342 = arith.mulf %mul3A_341, %add3A_339 : vector<16xf32>
        %max3A_343 = arith.maximumf %add3A_339, %mul3A_342 : vector<16xf32>
        %mul3A_344 = arith.mulf %max3A_343, %get3A_37 : vector<16xf32>
        %add3A_345 = arith.addf %add3A_330, %mul3A_344 : vector<16xf32>
        %mul3A_346 = vector.broadcast %squeeze3A_297 : f32 to vector<16xf32>
        %mul3A_347 = arith.mulf %mul3A_346, %get3A_7 : vector<16xf32>
        %mul3A_348 = vector.broadcast %squeeze3A_299 : f32 to vector<16xf32>
        %mul3A_349 = arith.mulf %mul3A_348, %get3A_15 : vector<16xf32>
        %add3A_350 = arith.addf %mul3A_347, %mul3A_349 : vector<16xf32>
        %mul3A_351 = vector.broadcast %squeeze3A_301 : f32 to vector<16xf32>
        %mul3A_352 = arith.mulf %mul3A_351, %get3A_23 : vector<16xf32>
        %add3A_353 = arith.addf %add3A_350, %mul3A_352 : vector<16xf32>
        %add3A_354 = arith.addf %add3A_353, %get3A_31 : vector<16xf32>
        %mul3A_355 = arith.constant 2.000000e-01 : f32
        %mul3A_356 = vector.broadcast %mul3A_355 : f32 to vector<16xf32>
        %mul3A_357 = arith.mulf %mul3A_356, %add3A_354 : vector<16xf32>
        %max3A_358 = arith.maximumf %add3A_354, %mul3A_357 : vector<16xf32>
        %mul3A_359 = arith.mulf %max3A_358, %get3A_39 : vector<16xf32>
        %add3A_360 = arith.addf %add3A_345, %mul3A_359 : vector<16xf32>
        %exp3A_361 = math.exp %add3A_360 : vector<16xf32>
        %add3A_362 = arith.constant 3 : i32
        %add3A_363 = arith.addi %mul3A_65, %add3A_362 : i32
        %swap3A_364 = arith.index_cast %add3A_363 : i32 to index
        %swap3A_365 = arith.constant 0 : index
        %swap3A_366 = tpu.vector_load %arg13[%swap3A_364, %swap3A_365] {strides = array<i32>} : memref<128x40xf32, #tpu.memory_space<vmem>>, vector<16xf32>,
        tpu.vector_store %arg13[%swap3A_364, %swap3A_365], %exp3A_361 {strides = array<i32>} : memref<128x40xf32, #tpu.memory_space<vmem>>, vector<16xf32>,
        %mul3A_367 = vector.broadcast %squeeze3A_297 : f32 to vector<16xf32>
        %mul3A_368 = arith.mulf %exp3A_361, %mul3A_367 : vector<16xf32>
        %swap3A_369 = arith.index_cast %add3A_363 : i32 to index
        %swap3A_370 = arith.constant 16 : index
        %swap3A_371 = tpu.vector_load %arg13[%swap3A_369, %swap3A_370] {strides = array<i32>} : memref<128x40xf32, #tpu.memory_space<vmem>>, vector<16xf32>,
        tpu.vector_store %arg13[%swap3A_369, %swap3A_370], %mul3A_368 {strides = array<i32>} : memref<128x40xf32, #tpu.memory_space<vmem>>, vector<16xf32>,
        %slice3A_372 = vector.extract_strided_slice %gather3A {offsets = [4], sizes = [1], strides = [1]} : vector<16xf32> to vector<1xf32>
        %squeeze3A_373 = vector.extract %slice3A_372[0] : f32 from vector<1xf32>
        %slice3A_374 = vector.extract_strided_slice %gather3A_72 {offsets = [4], sizes = [1], strides = [1]} : vector<16xf32> to vector<1xf32>
        %squeeze3A_375 = vector.extract %slice3A_374[0] : f32 from vector<1xf32>
        %slice3A_376 = vector.extract_strided_slice %get3A_71 {offsets = [4], sizes = [1], strides = [1]} : vector<16xf32> to vector<1xf32>
        %squeeze3A_377 = vector.extract %slice3A_376[0] : f32 from vector<1xf32>
        %mul3A_378 = vector.broadcast %squeeze3A_373 : f32 to vector<16xf32>
        %mul3A_379 = arith.mulf %mul3A_378, %get3A_1 : vector<16xf32>
        %mul3A_380 = vector.broadcast %squeeze3A_375 : f32 to vector<16xf32>
        %mul3A_381 = arith.mulf %mul3A_380, %get3A_9 : vector<16xf32>
        %add3A_382 = arith.addf %mul3A_379, %mul3A_381 : vector<16xf32>
        %mul3A_383 = vector.broadcast %squeeze3A_377 : f32 to vector<16xf32>
        %mul3A_384 = arith.mulf %mul3A_383, %get3A_17 : vector<16xf32>
        %add3A_385 = arith.addf %add3A_382, %mul3A_384 : vector<16xf32>
        %add3A_386 = arith.addf %add3A_385, %get3A_25 : vector<16xf32>
        %mul3A_387 = arith.constant 2.000000e-01 : f32
        %mul3A_388 = vector.broadcast %mul3A_387 : f32 to vector<16xf32>
        %mul3A_389 = arith.mulf %mul3A_388, %add3A_386 : vector<16xf32>
        %max3A_390 = arith.maximumf %add3A_386, %mul3A_389 : vector<16xf32>
        %mul3A_391 = arith.mulf %max3A_390, %get3A_33 : vector<16xf32>
        %mul3A_392 = vector.broadcast %squeeze3A_373 : f32 to vector<16xf32>
        %mul3A_393 = arith.mulf %mul3A_392, %get3A_3 : vector<16xf32>
        %mul3A_394 = vector.broadcast %squeeze3A_375 : f32 to vector<16xf32>
        %mul3A_395 = arith.mulf %mul3A_394, %get3A_11 : vector<16xf32>
        %add3A_396 = arith.addf %mul3A_393, %mul3A_395 : vector<16xf32>
        %mul3A_397 = vector.broadcast %squeeze3A_377 : f32 to vector<16xf32>
        %mul3A_398 = arith.mulf %mul3A_397, %get3A_19 : vector<16xf32>
        %add3A_399 = arith.addf %add3A_396, %mul3A_398 : vector<16xf32>
        %add3A_400 = arith.addf %add3A_399, %get3A_27 : vector<16xf32>
        %mul3A_401 = arith.constant 2.000000e-01 : f32
        %mul3A_402 = vector.broadcast %mul3A_401 : f32 to vector<16xf32>
        %mul3A_403 = arith.mulf %mul3A_402, %add3A_400 : vector<16xf32>
        %max3A_404 = arith.maximumf %add3A_400, %mul3A_403 : vector<16xf32>
        %mul3A_405 = arith.mulf %max3A_404, %get3A_35 : vector<16xf32>
        %add3A_406 = arith.addf %mul3A_391, %mul3A_405 : vector<16xf32>
        %mul3A_407 = vector.broadcast %squeeze3A_373 : f32 to vector<16xf32>
        %mul3A_408 = arith.mulf %mul3A_407, %get3A_5 : vector<16xf32>
        %mul3A_409 = vector.broadcast %squeeze3A_375 : f32 to vector<16xf32>
        %mul3A_410 = arith.mulf %mul3A_409, %get3A_13 : vector<16xf32>
        %add3A_411 = arith.addf %mul3A_408, %mul3A_410 : vector<16xf32>
        %mul3A_412 = vector.broadcast %squeeze3A_377 : f32 to vector<16xf32>
        %mul3A_413 = arith.mulf %mul3A_412, %get3A_21 : vector<16xf32>
        %add3A_414 = arith.addf %add3A_411, %mul3A_413 : vector<16xf32>
        %add3A_415 = arith.addf %add3A_414, %get3A_29 : vector<16xf32>
        %mul3A_416 = arith.constant 2.000000e-01 : f32
        %mul3A_417 = vector.broadcast %mul3A_416 : f32 to vector<16xf32>
        %mul3A_418 = arith.mulf %mul3A_417, %add3A_415 : vector<16xf32>
        %max3A_419 = arith.maximumf %add3A_415, %mul3A_418 : vector<16xf32>
        %mul3A_420 = arith.mulf %max3A_419, %get3A_37 : vector<16xf32>
        %add3A_421 = arith.addf %add3A_406, %mul3A_420 : vector<16xf32>
        %mul3A_422 = vector.broadcast %squeeze3A_373 : f32 to vector<16xf32>
        %mul3A_423 = arith.mulf %mul3A_422, %get3A_7 : vector<16xf32>
        %mul3A_424 = vector.broadcast %squeeze3A_375 : f32 to vector<16xf32>
        %mul3A_425 = arith.mulf %mul3A_424, %get3A_15 : vector<16xf32>
        %add3A_426 = arith.addf %mul3A_423, %mul3A_425 : vector<16xf32>
        %mul3A_427 = vector.broadcast %squeeze3A_377 : f32 to vector<16xf32>
        %mul3A_428 = arith.mulf %mul3A_427, %get3A_23 : vector<16xf32>
        %add3A_429 = arith.addf %add3A_426, %mul3A_428 : vector<16xf32>
        %add3A_430 = arith.addf %add3A_429, %get3A_31 : vector<16xf32>
        %mul3A_431 = arith.constant 2.000000e-01 : f32
        %mul3A_432 = vector.broadcast %mul3A_431 : f32 to vector<16xf32>
        %mul3A_433 = arith.mulf %mul3A_432, %add3A_430 : vector<16xf32>
        %max3A_434 = arith.maximumf %add3A_430, %mul3A_433 : vector<16xf32>
        %mul3A_435 = arith.mulf %max3A_434, %get3A_39 : vector<16xf32>
        %add3A_436 = arith.addf %add3A_421, %mul3A_435 : vector<16xf32>
        %exp3A_437 = math.exp %add3A_436 : vector<16xf32>
        %add3A_438 = arith.constant 4 : i32
        %add3A_439 = arith.addi %mul3A_65, %add3A_438 : i32
        %swap3A_440 = arith.index_cast %add3A_439 : i32 to index
        %swap3A_441 = arith.constant 0 : index
        %swap3A_442 = tpu.vector_load %arg13[%swap3A_440, %swap3A_441] {strides = array<i32>} : memref<128x40xf32, #tpu.memory_space<vmem>>, vector<16xf32>,
        tpu.vector_store %arg13[%swap3A_440, %swap3A_441], %exp3A_437 {strides = array<i32>} : memref<128x40xf32, #tpu.memory_space<vmem>>, vector<16xf32>,
        %mul3A_443 = vector.broadcast %squeeze3A_373 : f32 to vector<16xf32>
        %mul3A_444 = arith.mulf %exp3A_437, %mul3A_443 : vector<16xf32>
        %swap3A_445 = arith.index_cast %add3A_439 : i32 to index
        %swap3A_446 = arith.constant 16 : index
        %swap3A_447 = tpu.vector_load %arg13[%swap3A_445, %swap3A_446] {strides = array<i32>} : memref<128x40xf32, #tpu.memory_space<vmem>>, vector<16xf32>,
        tpu.vector_store %arg13[%swap3A_445, %swap3A_446], %mul3A_444 {strides = array<i32>} : memref<128x40xf32, #tpu.memory_space<vmem>>, vector<16xf32>,
        %slice3A_448 = vector.extract_strided_slice %gather3A {offsets = [5], sizes = [1], strides = [1]} : vector<16xf32> to vector<1xf32>
        %squeeze3A_449 = vector.extract %slice3A_448[0] : f32 from vector<1xf32>
        %slice3A_450 = vector.extract_strided_slice %gather3A_72 {offsets = [5], sizes = [1], strides = [1]} : vector<16xf32> to vector<1xf32>
        %squeeze3A_451 = vector.extract %slice3A_450[0] : f32 from vector<1xf32>
        %slice3A_452 = vector.extract_strided_slice %get3A_71 {offsets = [5], sizes = [1], strides = [1]} : vector<16xf32> to vector<1xf32>
        %squeeze3A_453 = vector.extract %slice3A_452[0] : f32 from vector<1xf32>
        %mul3A_454 = vector.broadcast %squeeze3A_449 : f32 to vector<16xf32>
        %mul3A_455 = arith.mulf %mul3A_454, %get3A_1 : vector<16xf32>
        %mul3A_456 = vector.broadcast %squeeze3A_451 : f32 to vector<16xf32>
        %mul3A_457 = arith.mulf %mul3A_456, %get3A_9 : vector<16xf32>
        %add3A_458 = arith.addf %mul3A_455, %mul3A_457 : vector<16xf32>
        %mul3A_459 = vector.broadcast %squeeze3A_453 : f32 to vector<16xf32>
        %mul3A_460 = arith.mulf %mul3A_459, %get3A_17 : vector<16xf32>
        %add3A_461 = arith.addf %add3A_458, %mul3A_460 : vector<16xf32>
        %add3A_462 = arith.addf %add3A_461, %get3A_25 : vector<16xf32>
        %mul3A_463 = arith.constant 2.000000e-01 : f32
        %mul3A_464 = vector.broadcast %mul3A_463 : f32 to vector<16xf32>
        %mul3A_465 = arith.mulf %mul3A_464, %add3A_462 : vector<16xf32>
        %max3A_466 = arith.maximumf %add3A_462, %mul3A_465 : vector<16xf32>
        %mul3A_467 = arith.mulf %max3A_466, %get3A_33 : vector<16xf32>
        %mul3A_468 = vector.broadcast %squeeze3A_449 : f32 to vector<16xf32>
        %mul3A_469 = arith.mulf %mul3A_468, %get3A_3 : vector<16xf32>
        %mul3A_470 = vector.broadcast %squeeze3A_451 : f32 to vector<16xf32>
        %mul3A_471 = arith.mulf %mul3A_470, %get3A_11 : vector<16xf32>
        %add3A_472 = arith.addf %mul3A_469, %mul3A_471 : vector<16xf32>
        %mul3A_473 = vector.broadcast %squeeze3A_453 : f32 to vector<16xf32>
        %mul3A_474 = arith.mulf %mul3A_473, %get3A_19 : vector<16xf32>
        %add3A_475 = arith.addf %add3A_472, %mul3A_474 : vector<16xf32>
        %add3A_476 = arith.addf %add3A_475, %get3A_27 : vector<16xf32>
        %mul3A_477 = arith.constant 2.000000e-01 : f32
        %mul3A_478 = vector.broadcast %mul3A_477 : f32 to vector<16xf32>
        %mul3A_479 = arith.mulf %mul3A_478, %add3A_476 : vector<16xf32>
        %max3A_480 = arith.maximumf %add3A_476, %mul3A_479 : vector<16xf32>
        %mul3A_481 = arith.mulf %max3A_480, %get3A_35 : vector<16xf32>
        %add3A_482 = arith.addf %mul3A_467, %mul3A_481 : vector<16xf32>
        %mul3A_483 = vector.broadcast %squeeze3A_449 : f32 to vector<16xf32>
        %mul3A_484 = arith.mulf %mul3A_483, %get3A_5 : vector<16xf32>
        %mul3A_485 = vector.broadcast %squeeze3A_451 : f32 to vector<16xf32>
        %mul3A_486 = arith.mulf %mul3A_485, %get3A_13 : vector<16xf32>
        %add3A_487 = arith.addf %mul3A_484, %mul3A_486 : vector<16xf32>
        %mul3A_488 = vector.broadcast %squeeze3A_453 : f32 to vector<16xf32>
        %mul3A_489 = arith.mulf %mul3A_488, %get3A_21 : vector<16xf32>
        %add3A_490 = arith.addf %add3A_487, %mul3A_489 : vector<16xf32>
        %add3A_491 = arith.addf %add3A_490, %get3A_29 : vector<16xf32>
        %mul3A_492 = arith.constant 2.000000e-01 : f32
        %mul3A_493 = vector.broadcast %mul3A_492 : f32 to vector<16xf32>
        %mul3A_494 = arith.mulf %mul3A_493, %add3A_491 : vector<16xf32>
        %max3A_495 = arith.maximumf %add3A_491, %mul3A_494 : vector<16xf32>
        %mul3A_496 = arith.mulf %max3A_495, %get3A_37 : vector<16xf32>
        %add3A_497 = arith.addf %add3A_482, %mul3A_496 : vector<16xf32>
        %mul3A_498 = vector.broadcast %squeeze3A_449 : f32 to vector<16xf32>
        %mul3A_499 = arith.mulf %mul3A_498, %get3A_7 : vector<16xf32>
        %mul3A_500 = vector.broadcast %squeeze3A_451 : f32 to vector<16xf32>
        %mul3A_501 = arith.mulf %mul3A_500, %get3A_15 : vector<16xf32>
        %add3A_502 = arith.addf %mul3A_499, %mul3A_501 : vector<16xf32>
        %mul3A_503 = vector.broadcast %squeeze3A_453 : f32 to vector<16xf32>
        %mul3A_504 = arith.mulf %mul3A_503, %get3A_23 : vector<16xf32>
        %add3A_505 = arith.addf %add3A_502, %mul3A_504 : vector<16xf32>
        %add3A_506 = arith.addf %add3A_505, %get3A_31 : vector<16xf32>
        %mul3A_507 = arith.constant 2.000000e-01 : f32
        %mul3A_508 = vector.broadcast %mul3A_507 : f32 to vector<16xf32>
        %mul3A_509 = arith.mulf %mul3A_508, %add3A_506 : vector<16xf32>
        %max3A_510 = arith.maximumf %add3A_506, %mul3A_509 : vector<16xf32>
        %mul3A_511 = arith.mulf %max3A_510, %get3A_39 : vector<16xf32>
        %add3A_512 = arith.addf %add3A_497, %mul3A_511 : vector<16xf32>
        %exp3A_513 = math.exp %add3A_512 : vector<16xf32>
        %add3A_514 = arith.constant 5 : i32
        %add3A_515 = arith.addi %mul3A_65, %add3A_514 : i32
        %swap3A_516 = arith.index_cast %add3A_515 : i32 to index
        %swap3A_517 = arith.constant 0 : index
        %swap3A_518 = tpu.vector_load %arg13[%swap3A_516, %swap3A_517] {strides = array<i32>} : memref<128x40xf32, #tpu.memory_space<vmem>>, vector<16xf32>,
        tpu.vector_store %arg13[%swap3A_516, %swap3A_517], %exp3A_513 {strides = array<i32>} : memref<128x40xf32, #tpu.memory_space<vmem>>, vector<16xf32>,
        %mul3A_519 = vector.broadcast %squeeze3A_449 : f32 to vector<16xf32>
        %mul3A_520 = arith.mulf %exp3A_513, %mul3A_519 : vector<16xf32>
        %swap3A_521 = arith.index_cast %add3A_515 : i32 to index
        %swap3A_522 = arith.constant 16 : index
        %swap3A_523 = tpu.vector_load %arg13[%swap3A_521, %swap3A_522] {strides = array<i32>} : memref<128x40xf32, #tpu.memory_space<vmem>>, vector<16xf32>,
        tpu.vector_store %arg13[%swap3A_521, %swap3A_522], %mul3A_520 {strides = array<i32>} : memref<128x40xf32, #tpu.memory_space<vmem>>, vector<16xf32>,
        %slice3A_524 = vector.extract_strided_slice %gather3A {offsets = [6], sizes = [1], strides = [1]} : vector<16xf32> to vector<1xf32>
        %squeeze3A_525 = vector.extract %slice3A_524[0] : f32 from vector<1xf32>
        %slice3A_526 = vector.extract_strided_slice %gather3A_72 {offsets = [6], sizes = [1], strides = [1]} : vector<16xf32> to vector<1xf32>
        %squeeze3A_527 = vector.extract %slice3A_526[0] : f32 from vector<1xf32>
        %slice3A_528 = vector.extract_strided_slice %get3A_71 {offsets = [6], sizes = [1], strides = [1]} : vector<16xf32> to vector<1xf32>
        %squeeze3A_529 = vector.extract %slice3A_528[0] : f32 from vector<1xf32>
        %mul3A_530 = vector.broadcast %squeeze3A_525 : f32 to vector<16xf32>
        %mul3A_531 = arith.mulf %mul3A_530, %get3A_1 : vector<16xf32>
        %mul3A_532 = vector.broadcast %squeeze3A_527 : f32 to vector<16xf32>
        %mul3A_533 = arith.mulf %mul3A_532, %get3A_9 : vector<16xf32>
        %add3A_534 = arith.addf %mul3A_531, %mul3A_533 : vector<16xf32>
        %mul3A_535 = vector.broadcast %squeeze3A_529 : f32 to vector<16xf32>
        %mul3A_536 = arith.mulf %mul3A_535, %get3A_17 : vector<16xf32>
        %add3A_537 = arith.addf %add3A_534, %mul3A_536 : vector<16xf32>
        %add3A_538 = arith.addf %add3A_537, %get3A_25 : vector<16xf32>
        %mul3A_539 = arith.constant 2.000000e-01 : f32
        %mul3A_540 = vector.broadcast %mul3A_539 : f32 to vector<16xf32>
        %mul3A_541 = arith.mulf %mul3A_540, %add3A_538 : vector<16xf32>
        %max3A_542 = arith.maximumf %add3A_538, %mul3A_541 : vector<16xf32>
        %mul3A_543 = arith.mulf %max3A_542, %get3A_33 : vector<16xf32>
        %mul3A_544 = vector.broadcast %squeeze3A_525 : f32 to vector<16xf32>
        %mul3A_545 = arith.mulf %mul3A_544, %get3A_3 : vector<16xf32>
        %mul3A_546 = vector.broadcast %squeeze3A_527 : f32 to vector<16xf32>
        %mul3A_547 = arith.mulf %mul3A_546, %get3A_11 : vector<16xf32>
        %add3A_548 = arith.addf %mul3A_545, %mul3A_547 : vector<16xf32>
        %mul3A_549 = vector.broadcast %squeeze3A_529 : f32 to vector<16xf32>
        %mul3A_550 = arith.mulf %mul3A_549, %get3A_19 : vector<16xf32>
        %add3A_551 = arith.addf %add3A_548, %mul3A_550 : vector<16xf32>
        %add3A_552 = arith.addf %add3A_551, %get3A_27 : vector<16xf32>
        %mul3A_553 = arith.constant 2.000000e-01 : f32
        %mul3A_554 = vector.broadcast %mul3A_553 : f32 to vector<16xf32>
        %mul3A_555 = arith.mulf %mul3A_554, %add3A_552 : vector<16xf32>
        %max3A_556 = arith.maximumf %add3A_552, %mul3A_555 : vector<16xf32>
        %mul3A_557 = arith.mulf %max3A_556, %get3A_35 : vector<16xf32>
        %add3A_558 = arith.addf %mul3A_543, %mul3A_557 : vector<16xf32>
        %mul3A_559 = vector.broadcast %squeeze3A_525 : f32 to vector<16xf32>
        %mul3A_560 = arith.mulf %mul3A_559, %get3A_5 : vector<16xf32>
        %mul3A_561 = vector.broadcast %squeeze3A_527 : f32 to vector<16xf32>
        %mul3A_562 = arith.mulf %mul3A_561, %get3A_13 : vector<16xf32>
        %add3A_563 = arith.addf %mul3A_560, %mul3A_562 : vector<16xf32>
        %mul3A_564 = vector.broadcast %squeeze3A_529 : f32 to vector<16xf32>
        %mul3A_565 = arith.mulf %mul3A_564, %get3A_21 : vector<16xf32>
        %add3A_566 = arith.addf %add3A_563, %mul3A_565 : vector<16xf32>
        %add3A_567 = arith.addf %add3A_566, %get3A_29 : vector<16xf32>
        %mul3A_568 = arith.constant 2.000000e-01 : f32
        %mul3A_569 = vector.broadcast %mul3A_568 : f32 to vector<16xf32>
        %mul3A_570 = arith.mulf %mul3A_569, %add3A_567 : vector<16xf32>
        %max3A_571 = arith.maximumf %add3A_567, %mul3A_570 : vector<16xf32>
        %mul3A_572 = arith.mulf %max3A_571, %get3A_37 : vector<16xf32>
        %add3A_573 = arith.addf %add3A_558, %mul3A_572 : vector<16xf32>
        %mul3A_574 = vector.broadcast %squeeze3A_525 : f32 to vector<16xf32>
        %mul3A_575 = arith.mulf %mul3A_574, %get3A_7 : vector<16xf32>
        %mul3A_576 = vector.broadcast %squeeze3A_527 : f32 to vector<16xf32>
        %mul3A_577 = arith.mulf %mul3A_576, %get3A_15 : vector<16xf32>
        %add3A_578 = arith.addf %mul3A_575, %mul3A_577 : vector<16xf32>
        %mul3A_579 = vector.broadcast %squeeze3A_529 : f32 to vector<16xf32>
        %mul3A_580 = arith.mulf %mul3A_579, %get3A_23 : vector<16xf32>
        %add3A_581 = arith.addf %add3A_578, %mul3A_580 : vector<16xf32>
        %add3A_582 = arith.addf %add3A_581, %get3A_31 : vector<16xf32>
        %mul3A_583 = arith.constant 2.000000e-01 : f32
        %mul3A_584 = vector.broadcast %mul3A_583 : f32 to vector<16xf32>
        %mul3A_585 = arith.mulf %mul3A_584, %add3A_582 : vector<16xf32>
        %max3A_586 = arith.maximumf %add3A_582, %mul3A_585 : vector<16xf32>
        %mul3A_587 = arith.mulf %max3A_586, %get3A_39 : vector<16xf32>
        %add3A_588 = arith.addf %add3A_573, %mul3A_587 : vector<16xf32>
        %exp3A_589 = math.exp %add3A_588 : vector<16xf32>
        %add3A_590 = arith.constant 6 : i32
        %add3A_591 = arith.addi %mul3A_65, %add3A_590 : i32
        %swap3A_592 = arith.index_cast %add3A_591 : i32 to index
        %swap3A_593 = arith.constant 0 : index
        %swap3A_594 = tpu.vector_load %arg13[%swap3A_592, %swap3A_593] {strides = array<i32>} : memref<128x40xf32, #tpu.memory_space<vmem>>, vector<16xf32>,
        tpu.vector_store %arg13[%swap3A_592, %swap3A_593], %exp3A_589 {strides = array<i32>} : memref<128x40xf32, #tpu.memory_space<vmem>>, vector<16xf32>,
        %mul3A_595 = vector.broadcast %squeeze3A_525 : f32 to vector<16xf32>
        %mul3A_596 = arith.mulf %exp3A_589, %mul3A_595 : vector<16xf32>
        %swap3A_597 = arith.index_cast %add3A_591 : i32 to index
        %swap3A_598 = arith.constant 16 : index
        %swap3A_599 = tpu.vector_load %arg13[%swap3A_597, %swap3A_598] {strides = array<i32>} : memref<128x40xf32, #tpu.memory_space<vmem>>, vector<16xf32>,
        tpu.vector_store %arg13[%swap3A_597, %swap3A_598], %mul3A_596 {strides = array<i32>} : memref<128x40xf32, #tpu.memory_space<vmem>>, vector<16xf32>,
        %slice3A_600 = vector.extract_strided_slice %gather3A {offsets = [7], sizes = [1], strides = [1]} : vector<16xf32> to vector<1xf32>
        %squeeze3A_601 = vector.extract %slice3A_600[0] : f32 from vector<1xf32>
        %slice3A_602 = vector.extract_strided_slice %gather3A_72 {offsets = [7], sizes = [1], strides = [1]} : vector<16xf32> to vector<1xf32>
        %squeeze3A_603 = vector.extract %slice3A_602[0] : f32 from vector<1xf32>
        %slice3A_604 = vector.extract_strided_slice %get3A_71 {offsets = [7], sizes = [1], strides = [1]} : vector<16xf32> to vector<1xf32>
        %squeeze3A_605 = vector.extract %slice3A_604[0] : f32 from vector<1xf32>
        %mul3A_606 = vector.broadcast %squeeze3A_601 : f32 to vector<16xf32>
        %mul3A_607 = arith.mulf %mul3A_606, %get3A_1 : vector<16xf32>
        %mul3A_608 = vector.broadcast %squeeze3A_603 : f32 to vector<16xf32>
        %mul3A_609 = arith.mulf %mul3A_608, %get3A_9 : vector<16xf32>
        %add3A_610 = arith.addf %mul3A_607, %mul3A_609 : vector<16xf32>
        %mul3A_611 = vector.broadcast %squeeze3A_605 : f32 to vector<16xf32>
        %mul3A_612 = arith.mulf %mul3A_611, %get3A_17 : vector<16xf32>
        %add3A_613 = arith.addf %add3A_610, %mul3A_612 : vector<16xf32>
        %add3A_614 = arith.addf %add3A_613, %get3A_25 : vector<16xf32>
        %mul3A_615 = arith.constant 2.000000e-01 : f32
        %mul3A_616 = vector.broadcast %mul3A_615 : f32 to vector<16xf32>
        %mul3A_617 = arith.mulf %mul3A_616, %add3A_614 : vector<16xf32>
        %max3A_618 = arith.maximumf %add3A_614, %mul3A_617 : vector<16xf32>
        %mul3A_619 = arith.mulf %max3A_618, %get3A_33 : vector<16xf32>
        %mul3A_620 = vector.broadcast %squeeze3A_601 : f32 to vector<16xf32>
        %mul3A_621 = arith.mulf %mul3A_620, %get3A_3 : vector<16xf32>
        %mul3A_622 = vector.broadcast %squeeze3A_603 : f32 to vector<16xf32>
        %mul3A_623 = arith.mulf %mul3A_622, %get3A_11 : vector<16xf32>
        %add3A_624 = arith.addf %mul3A_621, %mul3A_623 : vector<16xf32>
        %mul3A_625 = vector.broadcast %squeeze3A_605 : f32 to vector<16xf32>
        %mul3A_626 = arith.mulf %mul3A_625, %get3A_19 : vector<16xf32>
        %add3A_627 = arith.addf %add3A_624, %mul3A_626 : vector<16xf32>
        %add3A_628 = arith.addf %add3A_627, %get3A_27 : vector<16xf32>
        %mul3A_629 = arith.constant 2.000000e-01 : f32
        %mul3A_630 = vector.broadcast %mul3A_629 : f32 to vector<16xf32>
        %mul3A_631 = arith.mulf %mul3A_630, %add3A_628 : vector<16xf32>
        %max3A_632 = arith.maximumf %add3A_628, %mul3A_631 : vector<16xf32>
        %mul3A_633 = arith.mulf %max3A_632, %get3A_35 : vector<16xf32>
        %add3A_634 = arith.addf %mul3A_619, %mul3A_633 : vector<16xf32>
        %mul3A_635 = vector.broadcast %squeeze3A_601 : f32 to vector<16xf32>
        %mul3A_636 = arith.mulf %mul3A_635, %get3A_5 : vector<16xf32>
        %mul3A_637 = vector.broadcast %squeeze3A_603 : f32 to vector<16xf32>
        %mul3A_638 = arith.mulf %mul3A_637, %get3A_13 : vector<16xf32>
        %add3A_639 = arith.addf %mul3A_636, %mul3A_638 : vector<16xf32>
        %mul3A_640 = vector.broadcast %squeeze3A_605 : f32 to vector<16xf32>
        %mul3A_641 = arith.mulf %mul3A_640, %get3A_21 : vector<16xf32>
        %add3A_642 = arith.addf %add3A_639, %mul3A_641 : vector<16xf32>
        %add3A_643 = arith.addf %add3A_642, %get3A_29 : vector<16xf32>
        %mul3A_644 = arith.constant 2.000000e-01 : f32
        %mul3A_645 = vector.broadcast %mul3A_644 : f32 to vector<16xf32>
        %mul3A_646 = arith.mulf %mul3A_645, %add3A_643 : vector<16xf32>
        %max3A_647 = arith.maximumf %add3A_643, %mul3A_646 : vector<16xf32>
        %mul3A_648 = arith.mulf %max3A_647, %get3A_37 : vector<16xf32>
        %add3A_649 = arith.addf %add3A_634, %mul3A_648 : vector<16xf32>
        %mul3A_650 = vector.broadcast %squeeze3A_601 : f32 to vector<16xf32>
        %mul3A_651 = arith.mulf %mul3A_650, %get3A_7 : vector<16xf32>
        %mul3A_652 = vector.broadcast %squeeze3A_603 : f32 to vector<16xf32>
        %mul3A_653 = arith.mulf %mul3A_652, %get3A_15 : vector<16xf32>
        %add3A_654 = arith.addf %mul3A_651, %mul3A_653 : vector<16xf32>
        %mul3A_655 = vector.broadcast %squeeze3A_605 : f32 to vector<16xf32>
        %mul3A_656 = arith.mulf %mul3A_655, %get3A_23 : vector<16xf32>
        %add3A_657 = arith.addf %add3A_654, %mul3A_656 : vector<16xf32>
        %add3A_658 = arith.addf %add3A_657, %get3A_31 : vector<16xf32>
        %mul3A_659 = arith.constant 2.000000e-01 : f32
        %mul3A_660 = vector.broadcast %mul3A_659 : f32 to vector<16xf32>
        %mul3A_661 = arith.mulf %mul3A_660, %add3A_658 : vector<16xf32>
        %max3A_662 = arith.maximumf %add3A_658, %mul3A_661 : vector<16xf32>
        %mul3A_663 = arith.mulf %max3A_662, %get3A_39 : vector<16xf32>
        %add3A_664 = arith.addf %add3A_649, %mul3A_663 : vector<16xf32>
        %exp3A_665 = math.exp %add3A_664 : vector<16xf32>
        %add3A_666 = arith.constant 7 : i32
        %add3A_667 = arith.addi %mul3A_65, %add3A_666 : i32
        %swap3A_668 = arith.index_cast %add3A_667 : i32 to index
        %swap3A_669 = arith.constant 0 : index
        %swap3A_670 = tpu.vector_load %arg13[%swap3A_668, %swap3A_669] {strides = array<i32>} : memref<128x40xf32, #tpu.memory_space<vmem>>, vector<16xf32>,
        tpu.vector_store %arg13[%swap3A_668, %swap3A_669], %exp3A_665 {strides = array<i32>} : memref<128x40xf32, #tpu.memory_space<vmem>>, vector<16xf32>,
        %mul3A_671 = vector.broadcast %squeeze3A_601 : f32 to vector<16xf32>
        %mul3A_672 = arith.mulf %exp3A_665, %mul3A_671 : vector<16xf32>
        %swap3A_673 = arith.index_cast %add3A_667 : i32 to index
        %swap3A_674 = arith.constant 16 : index
        %swap3A_675 = tpu.vector_load %arg13[%swap3A_673, %swap3A_674] {strides = array<i32>} : memref<128x40xf32, #tpu.memory_space<vmem>>, vector<16xf32>,
        tpu.vector_store %arg13[%swap3A_673, %swap3A_674], %mul3A_672 {strides = array<i32>} : memref<128x40xf32, #tpu.memory_space<vmem>>, vector<16xf32>,
        %slice3A_676 = vector.extract_strided_slice %gather3A {offsets = [8], sizes = [1], strides = [1]} : vector<16xf32> to vector<1xf32>
        %squeeze3A_677 = vector.extract %slice3A_676[0] : f32 from vector<1xf32>
        %slice3A_678 = vector.extract_strided_slice %gather3A_72 {offsets = [8], sizes = [1], strides = [1]} : vector<16xf32> to vector<1xf32>
        %squeeze3A_679 = vector.extract %slice3A_678[0] : f32 from vector<1xf32>
        %slice3A_680 = vector.extract_strided_slice %get3A_71 {offsets = [8], sizes = [1], strides = [1]} : vector<16xf32> to vector<1xf32>
        %squeeze3A_681 = vector.extract %slice3A_680[0] : f32 from vector<1xf32>
        %mul3A_682 = vector.broadcast %squeeze3A_677 : f32 to vector<16xf32>
        %mul3A_683 = arith.mulf %mul3A_682, %get3A_1 : vector<16xf32>
        %mul3A_684 = vector.broadcast %squeeze3A_679 : f32 to vector<16xf32>
        %mul3A_685 = arith.mulf %mul3A_684, %get3A_9 : vector<16xf32>
        %add3A_686 = arith.addf %mul3A_683, %mul3A_685 : vector<16xf32>
        %mul3A_687 = vector.broadcast %squeeze3A_681 : f32 to vector<16xf32>
        %mul3A_688 = arith.mulf %mul3A_687, %get3A_17 : vector<16xf32>
        %add3A_689 = arith.addf %add3A_686, %mul3A_688 : vector<16xf32>
        %add3A_690 = arith.addf %add3A_689, %get3A_25 : vector<16xf32>
        %mul3A_691 = arith.constant 2.000000e-01 : f32
        %mul3A_692 = vector.broadcast %mul3A_691 : f32 to vector<16xf32>
        %mul3A_693 = arith.mulf %mul3A_692, %add3A_690 : vector<16xf32>
        %max3A_694 = arith.maximumf %add3A_690, %mul3A_693 : vector<16xf32>
        %mul3A_695 = arith.mulf %max3A_694, %get3A_33 : vector<16xf32>
        %mul3A_696 = vector.broadcast %squeeze3A_677 : f32 to vector<16xf32>
        %mul3A_697 = arith.mulf %mul3A_696, %get3A_3 : vector<16xf32>
        %mul3A_698 = vector.broadcast %squeeze3A_679 : f32 to vector<16xf32>
        %mul3A_699 = arith.mulf %mul3A_698, %get3A_11 : vector<16xf32>
        %add3A_700 = arith.addf %mul3A_697, %mul3A_699 : vector<16xf32>
        %mul3A_701 = vector.broadcast %squeeze3A_681 : f32 to vector<16xf32>
        %mul3A_702 = arith.mulf %mul3A_701, %get3A_19 : vector<16xf32>
        %add3A_703 = arith.addf %add3A_700, %mul3A_702 : vector<16xf32>
        %add3A_704 = arith.addf %add3A_703, %get3A_27 : vector<16xf32>
        %mul3A_705 = arith.constant 2.000000e-01 : f32
        %mul3A_706 = vector.broadcast %mul3A_705 : f32 to vector<16xf32>
        %mul3A_707 = arith.mulf %mul3A_706, %add3A_704 : vector<16xf32>
        %max3A_708 = arith.maximumf %add3A_704, %mul3A_707 : vector<16xf32>
        %mul3A_709 = arith.mulf %max3A_708, %get3A_35 : vector<16xf32>
        %add3A_710 = arith.addf %mul3A_695, %mul3A_709 : vector<16xf32>
        %mul3A_711 = vector.broadcast %squeeze3A_677 : f32 to vector<16xf32>
        %mul3A_712 = arith.mulf %mul3A_711, %get3A_5 : vector<16xf32>
        %mul3A_713 = vector.broadcast %squeeze3A_679 : f32 to vector<16xf32>
        %mul3A_714 = arith.mulf %mul3A_713, %get3A_13 : vector<16xf32>
        %add3A_715 = arith.addf %mul3A_712, %mul3A_714 : vector<16xf32>
        %mul3A_716 = vector.broadcast %squeeze3A_681 : f32 to vector<16xf32>
        %mul3A_717 = arith.mulf %mul3A_716, %get3A_21 : vector<16xf32>
        %add3A_718 = arith.addf %add3A_715, %mul3A_717 : vector<16xf32>
        %add3A_719 = arith.addf %add3A_718, %get3A_29 : vector<16xf32>
        %mul3A_720 = arith.constant 2.000000e-01 : f32
        %mul3A_721 = vector.broadcast %mul3A_720 : f32 to vector<16xf32>
        %mul3A_722 = arith.mulf %mul3A_721, %add3A_719 : vector<16xf32>
        %max3A_723 = arith.maximumf %add3A_719, %mul3A_722 : vector<16xf32>
        %mul3A_724 = arith.mulf %max3A_723, %get3A_37 : vector<16xf32>
        %add3A_725 = arith.addf %add3A_710, %mul3A_724 : vector<16xf32>
        %mul3A_726 = vector.broadcast %squeeze3A_677 : f32 to vector<16xf32>
        %mul3A_727 = arith.mulf %mul3A_726, %get3A_7 : vector<16xf32>
        %mul3A_728 = vector.broadcast %squeeze3A_679 : f32 to vector<16xf32>
        %mul3A_729 = arith.mulf %mul3A_728, %get3A_15 : vector<16xf32>
        %add3A_730 = arith.addf %mul3A_727, %mul3A_729 : vector<16xf32>
        %mul3A_731 = vector.broadcast %squeeze3A_681 : f32 to vector<16xf32>
        %mul3A_732 = arith.mulf %mul3A_731, %get3A_23 : vector<16xf32>
        %add3A_733 = arith.addf %add3A_730, %mul3A_732 : vector<16xf32>
        %add3A_734 = arith.addf %add3A_733, %get3A_31 : vector<16xf32>
        %mul3A_735 = arith.constant 2.000000e-01 : f32
        %mul3A_736 = vector.broadcast %mul3A_735 : f32 to vector<16xf32>
        %mul3A_737 = arith.mulf %mul3A_736, %add3A_734 : vector<16xf32>
        %max3A_738 = arith.maximumf %add3A_734, %mul3A_737 : vector<16xf32>
        %mul3A_739 = arith.mulf %max3A_738, %get3A_39 : vector<16xf32>
        %add3A_740 = arith.addf %add3A_725, %mul3A_739 : vector<16xf32>
        %exp3A_741 = math.exp %add3A_740 : vector<16xf32>
        %add3A_742 = arith.constant 8 : i32
        %add3A_743 = arith.addi %mul3A_65, %add3A_742 : i32
        %swap3A_744 = arith.index_cast %add3A_743 : i32 to index
        %swap3A_745 = arith.constant 0 : index
        %swap3A_746 = tpu.vector_load %arg13[%swap3A_744, %swap3A_745] {strides = array<i32>} : memref<128x40xf32, #tpu.memory_space<vmem>>, vector<16xf32>,
        tpu.vector_store %arg13[%swap3A_744, %swap3A_745], %exp3A_741 {strides = array<i32>} : memref<128x40xf32, #tpu.memory_space<vmem>>, vector<16xf32>,
        %mul3A_747 = vector.broadcast %squeeze3A_677 : f32 to vector<16xf32>
        %mul3A_748 = arith.mulf %exp3A_741, %mul3A_747 : vector<16xf32>
        %swap3A_749 = arith.index_cast %add3A_743 : i32 to index
        %swap3A_750 = arith.constant 16 : index
        %swap3A_751 = tpu.vector_load %arg13[%swap3A_749, %swap3A_750] {strides = array<i32>} : memref<128x40xf32, #tpu.memory_space<vmem>>, vector<16xf32>,
        tpu.vector_store %arg13[%swap3A_749, %swap3A_750], %mul3A_748 {strides = array<i32>} : memref<128x40xf32, #tpu.memory_space<vmem>>, vector<16xf32>,
        %slice3A_752 = vector.extract_strided_slice %gather3A {offsets = [9], sizes = [1], strides = [1]} : vector<16xf32> to vector<1xf32>
        %squeeze3A_753 = vector.extract %slice3A_752[0] : f32 from vector<1xf32>
        %slice3A_754 = vector.extract_strided_slice %gather3A_72 {offsets = [9], sizes = [1], strides = [1]} : vector<16xf32> to vector<1xf32>
        %squeeze3A_755 = vector.extract %slice3A_754[0] : f32 from vector<1xf32>
        %slice3A_756 = vector.extract_strided_slice %get3A_71 {offsets = [9], sizes = [1], strides = [1]} : vector<16xf32> to vector<1xf32>
        %squeeze3A_757 = vector.extract %slice3A_756[0] : f32 from vector<1xf32>
        %mul3A_758 = vector.broadcast %squeeze3A_753 : f32 to vector<16xf32>
        %mul3A_759 = arith.mulf %mul3A_758, %get3A_1 : vector<16xf32>
        %mul3A_760 = vector.broadcast %squeeze3A_755 : f32 to vector<16xf32>
        %mul3A_761 = arith.mulf %mul3A_760, %get3A_9 : vector<16xf32>
        %add3A_762 = arith.addf %mul3A_759, %mul3A_761 : vector<16xf32>
        %mul3A_763 = vector.broadcast %squeeze3A_757 : f32 to vector<16xf32>
        %mul3A_764 = arith.mulf %mul3A_763, %get3A_17 : vector<16xf32>
        %add3A_765 = arith.addf %add3A_762, %mul3A_764 : vector<16xf32>
        %add3A_766 = arith.addf %add3A_765, %get3A_25 : vector<16xf32>
        %mul3A_767 = arith.constant 2.000000e-01 : f32
        %mul3A_768 = vector.broadcast %mul3A_767 : f32 to vector<16xf32>
        %mul3A_769 = arith.mulf %mul3A_768, %add3A_766 : vector<16xf32>
        %max3A_770 = arith.maximumf %add3A_766, %mul3A_769 : vector<16xf32>
        %mul3A_771 = arith.mulf %max3A_770, %get3A_33 : vector<16xf32>
        %mul3A_772 = vector.broadcast %squeeze3A_753 : f32 to vector<16xf32>
        %mul3A_773 = arith.mulf %mul3A_772, %get3A_3 : vector<16xf32>
        %mul3A_774 = vector.broadcast %squeeze3A_755 : f32 to vector<16xf32>
        %mul3A_775 = arith.mulf %mul3A_774, %get3A_11 : vector<16xf32>
        %add3A_776 = arith.addf %mul3A_773, %mul3A_775 : vector<16xf32>
        %mul3A_777 = vector.broadcast %squeeze3A_757 : f32 to vector<16xf32>
        %mul3A_778 = arith.mulf %mul3A_777, %get3A_19 : vector<16xf32>
        %add3A_779 = arith.addf %add3A_776, %mul3A_778 : vector<16xf32>
        %add3A_780 = arith.addf %add3A_779, %get3A_27 : vector<16xf32>
        %mul3A_781 = arith.constant 2.000000e-01 : f32
        %mul3A_782 = vector.broadcast %mul3A_781 : f32 to vector<16xf32>
        %mul3A_783 = arith.mulf %mul3A_782, %add3A_780 : vector<16xf32>
        %max3A_784 = arith.maximumf %add3A_780, %mul3A_783 : vector<16xf32>
        %mul3A_785 = arith.mulf %max3A_784, %get3A_35 : vector<16xf32>
        %add3A_786 = arith.addf %mul3A_771, %mul3A_785 : vector<16xf32>
        %mul3A_787 = vector.broadcast %squeeze3A_753 : f32 to vector<16xf32>
        %mul3A_788 = arith.mulf %mul3A_787, %get3A_5 : vector<16xf32>
        %mul3A_789 = vector.broadcast %squeeze3A_755 : f32 to vector<16xf32>
        %mul3A_790 = arith.mulf %mul3A_789, %get3A_13 : vector<16xf32>
        %add3A_791 = arith.addf %mul3A_788, %mul3A_790 : vector<16xf32>
        %mul3A_792 = vector.broadcast %squeeze3A_757 : f32 to vector<16xf32>
        %mul3A_793 = arith.mulf %mul3A_792, %get3A_21 : vector<16xf32>
        %add3A_794 = arith.addf %add3A_791, %mul3A_793 : vector<16xf32>
        %add3A_795 = arith.addf %add3A_794, %get3A_29 : vector<16xf32>
        %mul3A_796 = arith.constant 2.000000e-01 : f32
        %mul3A_797 = vector.broadcast %mul3A_796 : f32 to vector<16xf32>
        %mul3A_798 = arith.mulf %mul3A_797, %add3A_795 : vector<16xf32>
        %max3A_799 = arith.maximumf %add3A_795, %mul3A_798 : vector<16xf32>
        %mul3A_800 = arith.mulf %max3A_799, %get3A_37 : vector<16xf32>
        %add3A_801 = arith.addf %add3A_786, %mul3A_800 : vector<16xf32>
        %mul3A_802 = vector.broadcast %squeeze3A_753 : f32 to vector<16xf32>
        %mul3A_803 = arith.mulf %mul3A_802, %get3A_7 : vector<16xf32>
        %mul3A_804 = vector.broadcast %squeeze3A_755 : f32 to vector<16xf32>
        %mul3A_805 = arith.mulf %mul3A_804, %get3A_15 : vector<16xf32>
        %add3A_806 = arith.addf %mul3A_803, %mul3A_805 : vector<16xf32>
        %mul3A_807 = vector.broadcast %squeeze3A_757 : f32 to vector<16xf32>
        %mul3A_808 = arith.mulf %mul3A_807, %get3A_23 : vector<16xf32>
        %add3A_809 = arith.addf %add3A_806, %mul3A_808 : vector<16xf32>
        %add3A_810 = arith.addf %add3A_809, %get3A_31 : vector<16xf32>
        %mul3A_811 = arith.constant 2.000000e-01 : f32
        %mul3A_812 = vector.broadcast %mul3A_811 : f32 to vector<16xf32>
        %mul3A_813 = arith.mulf %mul3A_812, %add3A_810 : vector<16xf32>
        %max3A_814 = arith.maximumf %add3A_810, %mul3A_813 : vector<16xf32>
        %mul3A_815 = arith.mulf %max3A_814, %get3A_39 : vector<16xf32>
        %add3A_816 = arith.addf %add3A_801, %mul3A_815 : vector<16xf32>
        %exp3A_817 = math.exp %add3A_816 : vector<16xf32>
        %add3A_818 = arith.constant 9 : i32
        %add3A_819 = arith.addi %mul3A_65, %add3A_818 : i32
        %swap3A_820 = arith.index_cast %add3A_819 : i32 to index
        %swap3A_821 = arith.constant 0 : index
        %swap3A_822 = tpu.vector_load %arg13[%swap3A_820, %swap3A_821] {strides = array<i32>} : memref<128x40xf32, #tpu.memory_space<vmem>>, vector<16xf32>,
        tpu.vector_store %arg13[%swap3A_820, %swap3A_821], %exp3A_817 {strides = array<i32>} : memref<128x40xf32, #tpu.memory_space<vmem>>, vector<16xf32>,
        %mul3A_823 = vector.broadcast %squeeze3A_753 : f32 to vector<16xf32>
        %mul3A_824 = arith.mulf %exp3A_817, %mul3A_823 : vector<16xf32>
        %swap3A_825 = arith.index_cast %add3A_819 : i32 to index
        %swap3A_826 = arith.constant 16 : index
        %swap3A_827 = tpu.vector_load %arg13[%swap3A_825, %swap3A_826] {strides = array<i32>} : memref<128x40xf32, #tpu.memory_space<vmem>>, vector<16xf32>,
        tpu.vector_store %arg13[%swap3A_825, %swap3A_826], %mul3A_824 {strides = array<i32>} : memref<128x40xf32, #tpu.memory_space<vmem>>, vector<16xf32>,
        %slice3A_828 = vector.extract_strided_slice %gather3A {offsets = [10], sizes = [1], strides = [1]} : vector<16xf32> to vector<1xf32>
        %squeeze3A_829 = vector.extract %slice3A_828[0] : f32 from vector<1xf32>
        %slice3A_830 = vector.extract_strided_slice %gather3A_72 {offsets = [10], sizes = [1], strides = [1]} : vector<16xf32> to vector<1xf32>
        %squeeze3A_831 = vector.extract %slice3A_830[0] : f32 from vector<1xf32>
        %slice3A_832 = vector.extract_strided_slice %get3A_71 {offsets = [10], sizes = [1], strides = [1]} : vector<16xf32> to vector<1xf32>
        %squeeze3A_833 = vector.extract %slice3A_832[0] : f32 from vector<1xf32>
        %mul3A_834 = vector.broadcast %squeeze3A_829 : f32 to vector<16xf32>
        %mul3A_835 = arith.mulf %mul3A_834, %get3A_1 : vector<16xf32>
        %mul3A_836 = vector.broadcast %squeeze3A_831 : f32 to vector<16xf32>
        %mul3A_837 = arith.mulf %mul3A_836, %get3A_9 : vector<16xf32>
        %add3A_838 = arith.addf %mul3A_835, %mul3A_837 : vector<16xf32>
        %mul3A_839 = vector.broadcast %squeeze3A_833 : f32 to vector<16xf32>
        %mul3A_840 = arith.mulf %mul3A_839, %get3A_17 : vector<16xf32>
        %add3A_841 = arith.addf %add3A_838, %mul3A_840 : vector<16xf32>
        %add3A_842 = arith.addf %add3A_841, %get3A_25 : vector<16xf32>
        %mul3A_843 = arith.constant 2.000000e-01 : f32
        %mul3A_844 = vector.broadcast %mul3A_843 : f32 to vector<16xf32>
        %mul3A_845 = arith.mulf %mul3A_844, %add3A_842 : vector<16xf32>
        %max3A_846 = arith.maximumf %add3A_842, %mul3A_845 : vector<16xf32>
        %mul3A_847 = arith.mulf %max3A_846, %get3A_33 : vector<16xf32>
        %mul3A_848 = vector.broadcast %squeeze3A_829 : f32 to vector<16xf32>
        %mul3A_849 = arith.mulf %mul3A_848, %get3A_3 : vector<16xf32>
        %mul3A_850 = vector.broadcast %squeeze3A_831 : f32 to vector<16xf32>
        %mul3A_851 = arith.mulf %mul3A_850, %get3A_11 : vector<16xf32>
        %add3A_852 = arith.addf %mul3A_849, %mul3A_851 : vector<16xf32>
        %mul3A_853 = vector.broadcast %squeeze3A_833 : f32 to vector<16xf32>
        %mul3A_854 = arith.mulf %mul3A_853, %get3A_19 : vector<16xf32>
        %add3A_855 = arith.addf %add3A_852, %mul3A_854 : vector<16xf32>
        %add3A_856 = arith.addf %add3A_855, %get3A_27 : vector<16xf32>
        %mul3A_857 = arith.constant 2.000000e-01 : f32
        %mul3A_858 = vector.broadcast %mul3A_857 : f32 to vector<16xf32>
        %mul3A_859 = arith.mulf %mul3A_858, %add3A_856 : vector<16xf32>
        %max3A_860 = arith.maximumf %add3A_856, %mul3A_859 : vector<16xf32>
        %mul3A_861 = arith.mulf %max3A_860, %get3A_35 : vector<16xf32>
        %add3A_862 = arith.addf %mul3A_847, %mul3A_861 : vector<16xf32>
        %mul3A_863 = vector.broadcast %squeeze3A_829 : f32 to vector<16xf32>
        %mul3A_864 = arith.mulf %mul3A_863, %get3A_5 : vector<16xf32>
        %mul3A_865 = vector.broadcast %squeeze3A_831 : f32 to vector<16xf32>
        %mul3A_866 = arith.mulf %mul3A_865, %get3A_13 : vector<16xf32>
        %add3A_867 = arith.addf %mul3A_864, %mul3A_866 : vector<16xf32>
        %mul3A_868 = vector.broadcast %squeeze3A_833 : f32 to vector<16xf32>
        %mul3A_869 = arith.mulf %mul3A_868, %get3A_21 : vector<16xf32>
        %add3A_870 = arith.addf %add3A_867, %mul3A_869 : vector<16xf32>
        %add3A_871 = arith.addf %add3A_870, %get3A_29 : vector<16xf32>
        %mul3A_872 = arith.constant 2.000000e-01 : f32
        %mul3A_873 = vector.broadcast %mul3A_872 : f32 to vector<16xf32>
        %mul3A_874 = arith.mulf %mul3A_873, %add3A_871 : vector<16xf32>
        %max3A_875 = arith.maximumf %add3A_871, %mul3A_874 : vector<16xf32>
        %mul3A_876 = arith.mulf %max3A_875, %get3A_37 : vector<16xf32>
        %add3A_877 = arith.addf %add3A_862, %mul3A_876 : vector<16xf32>
        %mul3A_878 = vector.broadcast %squeeze3A_829 : f32 to vector<16xf32>
        %mul3A_879 = arith.mulf %mul3A_878, %get3A_7 : vector<16xf32>
        %mul3A_880 = vector.broadcast %squeeze3A_831 : f32 to vector<16xf32>
        %mul3A_881 = arith.mulf %mul3A_880, %get3A_15 : vector<16xf32>
        %add3A_882 = arith.addf %mul3A_879, %mul3A_881 : vector<16xf32>
        %mul3A_883 = vector.broadcast %squeeze3A_833 : f32 to vector<16xf32>
        %mul3A_884 = arith.mulf %mul3A_883, %get3A_23 : vector<16xf32>
        %add3A_885 = arith.addf %add3A_882, %mul3A_884 : vector<16xf32>
        %add3A_886 = arith.addf %add3A_885, %get3A_31 : vector<16xf32>
        %mul3A_887 = arith.constant 2.000000e-01 : f32
        %mul3A_888 = vector.broadcast %mul3A_887 : f32 to vector<16xf32>
        %mul3A_889 = arith.mulf %mul3A_888, %add3A_886 : vector<16xf32>
        %max3A_890 = arith.maximumf %add3A_886, %mul3A_889 : vector<16xf32>
        %mul3A_891 = arith.mulf %max3A_890, %get3A_39 : vector<16xf32>
        %add3A_892 = arith.addf %add3A_877, %mul3A_891 : vector<16xf32>
        %exp3A_893 = math.exp %add3A_892 : vector<16xf32>
        %add3A_894 = arith.constant 10 : i32
        %add3A_895 = arith.addi %mul3A_65, %add3A_894 : i32
        %swap3A_896 = arith.index_cast %add3A_895 : i32 to index
        %swap3A_897 = arith.constant 0 : index
        %swap3A_898 = tpu.vector_load %arg13[%swap3A_896, %swap3A_897] {strides = array<i32>} : memref<128x40xf32, #tpu.memory_space<vmem>>, vector<16xf32>,
        tpu.vector_store %arg13[%swap3A_896, %swap3A_897], %exp3A_893 {strides = array<i32>} : memref<128x40xf32, #tpu.memory_space<vmem>>, vector<16xf32>,
        %mul3A_899 = vector.broadcast %squeeze3A_829 : f32 to vector<16xf32>
        %mul3A_900 = arith.mulf %exp3A_893, %mul3A_899 : vector<16xf32>
        %swap3A_901 = arith.index_cast %add3A_895 : i32 to index
        %swap3A_902 = arith.constant 16 : index
        %swap3A_903 = tpu.vector_load %arg13[%swap3A_901, %swap3A_902] {strides = array<i32>} : memref<128x40xf32, #tpu.memory_space<vmem>>, vector<16xf32>,
        tpu.vector_store %arg13[%swap3A_901, %swap3A_902], %mul3A_900 {strides = array<i32>} : memref<128x40xf32, #tpu.memory_space<vmem>>, vector<16xf32>,
        %slice3A_904 = vector.extract_strided_slice %gather3A {offsets = [11], sizes = [1], strides = [1]} : vector<16xf32> to vector<1xf32>
        %squeeze3A_905 = vector.extract %slice3A_904[0] : f32 from vector<1xf32>
        %slice3A_906 = vector.extract_strided_slice %gather3A_72 {offsets = [11], sizes = [1], strides = [1]} : vector<16xf32> to vector<1xf32>
        %squeeze3A_907 = vector.extract %slice3A_906[0] : f32 from vector<1xf32>
        %slice3A_908 = vector.extract_strided_slice %get3A_71 {offsets = [11], sizes = [1], strides = [1]} : vector<16xf32> to vector<1xf32>
        %squeeze3A_909 = vector.extract %slice3A_908[0] : f32 from vector<1xf32>
        %mul3A_910 = vector.broadcast %squeeze3A_905 : f32 to vector<16xf32>
        %mul3A_911 = arith.mulf %mul3A_910, %get3A_1 : vector<16xf32>
        %mul3A_912 = vector.broadcast %squeeze3A_907 : f32 to vector<16xf32>
        %mul3A_913 = arith.mulf %mul3A_912, %get3A_9 : vector<16xf32>
        %add3A_914 = arith.addf %mul3A_911, %mul3A_913 : vector<16xf32>
        %mul3A_915 = vector.broadcast %squeeze3A_909 : f32 to vector<16xf32>
        %mul3A_916 = arith.mulf %mul3A_915, %get3A_17 : vector<16xf32>
        %add3A_917 = arith.addf %add3A_914, %mul3A_916 : vector<16xf32>
        %add3A_918 = arith.addf %add3A_917, %get3A_25 : vector<16xf32>
        %mul3A_919 = arith.constant 2.000000e-01 : f32
        %mul3A_920 = vector.broadcast %mul3A_919 : f32 to vector<16xf32>
        %mul3A_921 = arith.mulf %mul3A_920, %add3A_918 : vector<16xf32>
        %max3A_922 = arith.maximumf %add3A_918, %mul3A_921 : vector<16xf32>
        %mul3A_923 = arith.mulf %max3A_922, %get3A_33 : vector<16xf32>
        %mul3A_924 = vector.broadcast %squeeze3A_905 : f32 to vector<16xf32>
        %mul3A_925 = arith.mulf %mul3A_924, %get3A_3 : vector<16xf32>
        %mul3A_926 = vector.broadcast %squeeze3A_907 : f32 to vector<16xf32>
        %mul3A_927 = arith.mulf %mul3A_926, %get3A_11 : vector<16xf32>
        %add3A_928 = arith.addf %mul3A_925, %mul3A_927 : vector<16xf32>
        %mul3A_929 = vector.broadcast %squeeze3A_909 : f32 to vector<16xf32>
        %mul3A_930 = arith.mulf %mul3A_929, %get3A_19 : vector<16xf32>
        %add3A_931 = arith.addf %add3A_928, %mul3A_930 : vector<16xf32>
        %add3A_932 = arith.addf %add3A_931, %get3A_27 : vector<16xf32>
        %mul3A_933 = arith.constant 2.000000e-01 : f32
        %mul3A_934 = vector.broadcast %mul3A_933 : f32 to vector<16xf32>
        %mul3A_935 = arith.mulf %mul3A_934, %add3A_932 : vector<16xf32>
        %max3A_936 = arith.maximumf %add3A_932, %mul3A_935 : vector<16xf32>
        %mul3A_937 = arith.mulf %max3A_936, %get3A_35 : vector<16xf32>
        %add3A_938 = arith.addf %mul3A_923, %mul3A_937 : vector<16xf32>
        %mul3A_939 = vector.broadcast %squeeze3A_905 : f32 to vector<16xf32>
        %mul3A_940 = arith.mulf %mul3A_939, %get3A_5 : vector<16xf32>
        %mul3A_941 = vector.broadcast %squeeze3A_907 : f32 to vector<16xf32>
        %mul3A_942 = arith.mulf %mul3A_941, %get3A_13 : vector<16xf32>
        %add3A_943 = arith.addf %mul3A_940, %mul3A_942 : vector<16xf32>
        %mul3A_944 = vector.broadcast %squeeze3A_909 : f32 to vector<16xf32>
        %mul3A_945 = arith.mulf %mul3A_944, %get3A_21 : vector<16xf32>
        %add3A_946 = arith.addf %add3A_943, %mul3A_945 : vector<16xf32>
        %add3A_947 = arith.addf %add3A_946, %get3A_29 : vector<16xf32>
        %mul3A_948 = arith.constant 2.000000e-01 : f32
        %mul3A_949 = vector.broadcast %mul3A_948 : f32 to vector<16xf32>
        %mul3A_950 = arith.mulf %mul3A_949, %add3A_947 : vector<16xf32>
        %max3A_951 = arith.maximumf %add3A_947, %mul3A_950 : vector<16xf32>
        %mul3A_952 = arith.mulf %max3A_951, %get3A_37 : vector<16xf32>
        %add3A_953 = arith.addf %add3A_938, %mul3A_952 : vector<16xf32>
        %mul3A_954 = vector.broadcast %squeeze3A_905 : f32 to vector<16xf32>
        %mul3A_955 = arith.mulf %mul3A_954, %get3A_7 : vector<16xf32>
        %mul3A_956 = vector.broadcast %squeeze3A_907 : f32 to vector<16xf32>
        %mul3A_957 = arith.mulf %mul3A_956, %get3A_15 : vector<16xf32>
        %add3A_958 = arith.addf %mul3A_955, %mul3A_957 : vector<16xf32>
        %mul3A_959 = vector.broadcast %squeeze3A_909 : f32 to vector<16xf32>
        %mul3A_960 = arith.mulf %mul3A_959, %get3A_23 : vector<16xf32>
        %add3A_961 = arith.addf %add3A_958, %mul3A_960 : vector<16xf32>
        %add3A_962 = arith.addf %add3A_961, %get3A_31 : vector<16xf32>
        %mul3A_963 = arith.constant 2.000000e-01 : f32
        %mul3A_964 = vector.broadcast %mul3A_963 : f32 to vector<16xf32>
        %mul3A_965 = arith.mulf %mul3A_964, %add3A_962 : vector<16xf32>
        %max3A_966 = arith.maximumf %add3A_962, %mul3A_965 : vector<16xf32>
        %mul3A_967 = arith.mulf %max3A_966, %get3A_39 : vector<16xf32>
        %add3A_968 = arith.addf %add3A_953, %mul3A_967 : vector<16xf32>
        %exp3A_969 = math.exp %add3A_968 : vector<16xf32>
        %add3A_970 = arith.constant 11 : i32
        %add3A_971 = arith.addi %mul3A_65, %add3A_970 : i32
        %swap3A_972 = arith.index_cast %add3A_971 : i32 to index
        %swap3A_973 = arith.constant 0 : index
        %swap3A_974 = tpu.vector_load %arg13[%swap3A_972, %swap3A_973] {strides = array<i32>} : memref<128x40xf32, #tpu.memory_space<vmem>>, vector<16xf32>,
        tpu.vector_store %arg13[%swap3A_972, %swap3A_973], %exp3A_969 {strides = array<i32>} : memref<128x40xf32, #tpu.memory_space<vmem>>, vector<16xf32>,
        %mul3A_975 = vector.broadcast %squeeze3A_905 : f32 to vector<16xf32>
        %mul3A_976 = arith.mulf %exp3A_969, %mul3A_975 : vector<16xf32>
        %swap3A_977 = arith.index_cast %add3A_971 : i32 to index
        %swap3A_978 = arith.constant 16 : index
        %swap3A_979 = tpu.vector_load %arg13[%swap3A_977, %swap3A_978] {strides = array<i32>} : memref<128x40xf32, #tpu.memory_space<vmem>>, vector<16xf32>,
        tpu.vector_store %arg13[%swap3A_977, %swap3A_978], %mul3A_976 {strides = array<i32>} : memref<128x40xf32, #tpu.memory_space<vmem>>, vector<16xf32>,
        %slice3A_980 = vector.extract_strided_slice %gather3A {offsets = [12], sizes = [1], strides = [1]} : vector<16xf32> to vector<1xf32>
        %squeeze3A_981 = vector.extract %slice3A_980[0] : f32 from vector<1xf32>
        %slice3A_982 = vector.extract_strided_slice %gather3A_72 {offsets = [12], sizes = [1], strides = [1]} : vector<16xf32> to vector<1xf32>
        %squeeze3A_983 = vector.extract %slice3A_982[0] : f32 from vector<1xf32>
        %slice3A_984 = vector.extract_strided_slice %get3A_71 {offsets = [12], sizes = [1], strides = [1]} : vector<16xf32> to vector<1xf32>
        %squeeze3A_985 = vector.extract %slice3A_984[0] : f32 from vector<1xf32>
        %mul3A_986 = vector.broadcast %squeeze3A_981 : f32 to vector<16xf32>
        %mul3A_987 = arith.mulf %mul3A_986, %get3A_1 : vector<16xf32>
        %mul3A_988 = vector.broadcast %squeeze3A_983 : f32 to vector<16xf32>
        %mul3A_989 = arith.mulf %mul3A_988, %get3A_9 : vector<16xf32>
        %add3A_990 = arith.addf %mul3A_987, %mul3A_989 : vector<16xf32>
        %mul3A_991 = vector.broadcast %squeeze3A_985 : f32 to vector<16xf32>
        %mul3A_992 = arith.mulf %mul3A_991, %get3A_17 : vector<16xf32>
        %add3A_993 = arith.addf %add3A_990, %mul3A_992 : vector<16xf32>
        %add3A_994 = arith.addf %add3A_993, %get3A_25 : vector<16xf32>
        %mul3A_995 = arith.constant 2.000000e-01 : f32
        %mul3A_996 = vector.broadcast %mul3A_995 : f32 to vector<16xf32>
        %mul3A_997 = arith.mulf %mul3A_996, %add3A_994 : vector<16xf32>
        %max3A_998 = arith.maximumf %add3A_994, %mul3A_997 : vector<16xf32>
        %mul3A_999 = arith.mulf %max3A_998, %get3A_33 : vector<16xf32>
        %mul3A_1000 = vector.broadcast %squeeze3A_981 : f32 to vector<16xf32>
        %mul3A_1001 = arith.mulf %mul3A_1000, %get3A_3 : vector<16xf32>
        %mul3A_1002 = vector.broadcast %squeeze3A_983 : f32 to vector<16xf32>
        %mul3A_1003 = arith.mulf %mul3A_1002, %get3A_11 : vector<16xf32>
        %add3A_1004 = arith.addf %mul3A_1001, %mul3A_1003 : vector<16xf32>
        %mul3A_1005 = vector.broadcast %squeeze3A_985 : f32 to vector<16xf32>
        %mul3A_1006 = arith.mulf %mul3A_1005, %get3A_19 : vector<16xf32>
        %add3A_1007 = arith.addf %add3A_1004, %mul3A_1006 : vector<16xf32>
        %add3A_1008 = arith.addf %add3A_1007, %get3A_27 : vector<16xf32>
        %mul3A_1009 = arith.constant 2.000000e-01 : f32
        %mul3A_1010 = vector.broadcast %mul3A_1009 : f32 to vector<16xf32>
        %mul3A_1011 = arith.mulf %mul3A_1010, %add3A_1008 : vector<16xf32>
        %max3A_1012 = arith.maximumf %add3A_1008, %mul3A_1011 : vector<16xf32>
        %mul3A_1013 = arith.mulf %max3A_1012, %get3A_35 : vector<16xf32>
        %add3A_1014 = arith.addf %mul3A_999, %mul3A_1013 : vector<16xf32>
        %mul3A_1015 = vector.broadcast %squeeze3A_981 : f32 to vector<16xf32>
        %mul3A_1016 = arith.mulf %mul3A_1015, %get3A_5 : vector<16xf32>
        %mul3A_1017 = vector.broadcast %squeeze3A_983 : f32 to vector<16xf32>
        %mul3A_1018 = arith.mulf %mul3A_1017, %get3A_13 : vector<16xf32>
        %add3A_1019 = arith.addf %mul3A_1016, %mul3A_1018 : vector<16xf32>
        %mul3A_1020 = vector.broadcast %squeeze3A_985 : f32 to vector<16xf32>
        %mul3A_1021 = arith.mulf %mul3A_1020, %get3A_21 : vector<16xf32>
        %add3A_1022 = arith.addf %add3A_1019, %mul3A_1021 : vector<16xf32>
        %add3A_1023 = arith.addf %add3A_1022, %get3A_29 : vector<16xf32>
        %mul3A_1024 = arith.constant 2.000000e-01 : f32
        %mul3A_1025 = vector.broadcast %mul3A_1024 : f32 to vector<16xf32>
        %mul3A_1026 = arith.mulf %mul3A_1025, %add3A_1023 : vector<16xf32>
        %max3A_1027 = arith.maximumf %add3A_1023, %mul3A_1026 : vector<16xf32>
        %mul3A_1028 = arith.mulf %max3A_1027, %get3A_37 : vector<16xf32>
        %add3A_1029 = arith.addf %add3A_1014, %mul3A_1028 : vector<16xf32>
        %mul3A_1030 = vector.broadcast %squeeze3A_981 : f32 to vector<16xf32>
        %mul3A_1031 = arith.mulf %mul3A_1030, %get3A_7 : vector<16xf32>
        %mul3A_1032 = vector.broadcast %squeeze3A_983 : f32 to vector<16xf32>
        %mul3A_1033 = arith.mulf %mul3A_1032, %get3A_15 : vector<16xf32>
        %add3A_1034 = arith.addf %mul3A_1031, %mul3A_1033 : vector<16xf32>
        %mul3A_1035 = vector.broadcast %squeeze3A_985 : f32 to vector<16xf32>
        %mul3A_1036 = arith.mulf %mul3A_1035, %get3A_23 : vector<16xf32>
        %add3A_1037 = arith.addf %add3A_1034, %mul3A_1036 : vector<16xf32>
        %add3A_1038 = arith.addf %add3A_1037, %get3A_31 : vector<16xf32>
        %mul3A_1039 = arith.constant 2.000000e-01 : f32
        %mul3A_1040 = vector.broadcast %mul3A_1039 : f32 to vector<16xf32>
        %mul3A_1041 = arith.mulf %mul3A_1040, %add3A_1038 : vector<16xf32>
        %max3A_1042 = arith.maximumf %add3A_1038, %mul3A_1041 : vector<16xf32>
        %mul3A_1043 = arith.mulf %max3A_1042, %get3A_39 : vector<16xf32>
        %add3A_1044 = arith.addf %add3A_1029, %mul3A_1043 : vector<16xf32>
        %exp3A_1045 = math.exp %add3A_1044 : vector<16xf32>
        %add3A_1046 = arith.constant 12 : i32
        %add3A_1047 = arith.addi %mul3A_65, %add3A_1046 : i32
        %swap3A_1048 = arith.index_cast %add3A_1047 : i32 to index
        %swap3A_1049 = arith.constant 0 : index
        %swap3A_1050 = tpu.vector_load %arg13[%swap3A_1048, %swap3A_1049] {strides = array<i32>} : memref<128x40xf32, #tpu.memory_space<vmem>>, vector<16xf32>,
        tpu.vector_store %arg13[%swap3A_1048, %swap3A_1049], %exp3A_1045 {strides = array<i32>} : memref<128x40xf32, #tpu.memory_space<vmem>>, vector<16xf32>,
        %mul3A_1051 = vector.broadcast %squeeze3A_981 : f32 to vector<16xf32>
        %mul3A_1052 = arith.mulf %exp3A_1045, %mul3A_1051 : vector<16xf32>
        %swap3A_1053 = arith.index_cast %add3A_1047 : i32 to index
        %swap3A_1054 = arith.constant 16 : index
        %swap3A_1055 = tpu.vector_load %arg13[%swap3A_1053, %swap3A_1054] {strides = array<i32>} : memref<128x40xf32, #tpu.memory_space<vmem>>, vector<16xf32>,
        tpu.vector_store %arg13[%swap3A_1053, %swap3A_1054], %mul3A_1052 {strides = array<i32>} : memref<128x40xf32, #tpu.memory_space<vmem>>, vector<16xf32>,
        %slice3A_1056 = vector.extract_strided_slice %gather3A {offsets = [13], sizes = [1], strides = [1]} : vector<16xf32> to vector<1xf32>
        %squeeze3A_1057 = vector.extract %slice3A_1056[0] : f32 from vector<1xf32>
        %slice3A_1058 = vector.extract_strided_slice %gather3A_72 {offsets = [13], sizes = [1], strides = [1]} : vector<16xf32> to vector<1xf32>
        %squeeze3A_1059 = vector.extract %slice3A_1058[0] : f32 from vector<1xf32>
        %slice3A_1060 = vector.extract_strided_slice %get3A_71 {offsets = [13], sizes = [1], strides = [1]} : vector<16xf32> to vector<1xf32>
        %squeeze3A_1061 = vector.extract %slice3A_1060[0] : f32 from vector<1xf32>
        %mul3A_1062 = vector.broadcast %squeeze3A_1057 : f32 to vector<16xf32>
        %mul3A_1063 = arith.mulf %mul3A_1062, %get3A_1 : vector<16xf32>
        %mul3A_1064 = vector.broadcast %squeeze3A_1059 : f32 to vector<16xf32>
        %mul3A_1065 = arith.mulf %mul3A_1064, %get3A_9 : vector<16xf32>
        %add3A_1066 = arith.addf %mul3A_1063, %mul3A_1065 : vector<16xf32>
        %mul3A_1067 = vector.broadcast %squeeze3A_1061 : f32 to vector<16xf32>
        %mul3A_1068 = arith.mulf %mul3A_1067, %get3A_17 : vector<16xf32>
        %add3A_1069 = arith.addf %add3A_1066, %mul3A_1068 : vector<16xf32>
        %add3A_1070 = arith.addf %add3A_1069, %get3A_25 : vector<16xf32>
        %mul3A_1071 = arith.constant 2.000000e-01 : f32
        %mul3A_1072 = vector.broadcast %mul3A_1071 : f32 to vector<16xf32>
        %mul3A_1073 = arith.mulf %mul3A_1072, %add3A_1070 : vector<16xf32>
        %max3A_1074 = arith.maximumf %add3A_1070, %mul3A_1073 : vector<16xf32>
        %mul3A_1075 = arith.mulf %max3A_1074, %get3A_33 : vector<16xf32>
        %mul3A_1076 = vector.broadcast %squeeze3A_1057 : f32 to vector<16xf32>
        %mul3A_1077 = arith.mulf %mul3A_1076, %get3A_3 : vector<16xf32>
        %mul3A_1078 = vector.broadcast %squeeze3A_1059 : f32 to vector<16xf32>
        %mul3A_1079 = arith.mulf %mul3A_1078, %get3A_11 : vector<16xf32>
        %add3A_1080 = arith.addf %mul3A_1077, %mul3A_1079 : vector<16xf32>
        %mul3A_1081 = vector.broadcast %squeeze3A_1061 : f32 to vector<16xf32>
        %mul3A_1082 = arith.mulf %mul3A_1081, %get3A_19 : vector<16xf32>
        %add3A_1083 = arith.addf %add3A_1080, %mul3A_1082 : vector<16xf32>
        %add3A_1084 = arith.addf %add3A_1083, %get3A_27 : vector<16xf32>
        %mul3A_1085 = arith.constant 2.000000e-01 : f32
        %mul3A_1086 = vector.broadcast %mul3A_1085 : f32 to vector<16xf32>
        %mul3A_1087 = arith.mulf %mul3A_1086, %add3A_1084 : vector<16xf32>
        %max3A_1088 = arith.maximumf %add3A_1084, %mul3A_1087 : vector<16xf32>
        %mul3A_1089 = arith.mulf %max3A_1088, %get3A_35 : vector<16xf32>
        %add3A_1090 = arith.addf %mul3A_1075, %mul3A_1089 : vector<16xf32>
        %mul3A_1091 = vector.broadcast %squeeze3A_1057 : f32 to vector<16xf32>
        %mul3A_1092 = arith.mulf %mul3A_1091, %get3A_5 : vector<16xf32>
        %mul3A_1093 = vector.broadcast %squeeze3A_1059 : f32 to vector<16xf32>
        %mul3A_1094 = arith.mulf %mul3A_1093, %get3A_13 : vector<16xf32>
        %add3A_1095 = arith.addf %mul3A_1092, %mul3A_1094 : vector<16xf32>
        %mul3A_1096 = vector.broadcast %squeeze3A_1061 : f32 to vector<16xf32>
        %mul3A_1097 = arith.mulf %mul3A_1096, %get3A_21 : vector<16xf32>
        %add3A_1098 = arith.addf %add3A_1095, %mul3A_1097 : vector<16xf32>
        %add3A_1099 = arith.addf %add3A_1098, %get3A_29 : vector<16xf32>
        %mul3A_1100 = arith.constant 2.000000e-01 : f32
        %mul3A_1101 = vector.broadcast %mul3A_1100 : f32 to vector<16xf32>
        %mul3A_1102 = arith.mulf %mul3A_1101, %add3A_1099 : vector<16xf32>
        %max3A_1103 = arith.maximumf %add3A_1099, %mul3A_1102 : vector<16xf32>
        %mul3A_1104 = arith.mulf %max3A_1103, %get3A_37 : vector<16xf32>
        %add3A_1105 = arith.addf %add3A_1090, %mul3A_1104 : vector<16xf32>
        %mul3A_1106 = vector.broadcast %squeeze3A_1057 : f32 to vector<16xf32>
        %mul3A_1107 = arith.mulf %mul3A_1106, %get3A_7 : vector<16xf32>
        %mul3A_1108 = vector.broadcast %squeeze3A_1059 : f32 to vector<16xf32>
        %mul3A_1109 = arith.mulf %mul3A_1108, %get3A_15 : vector<16xf32>
        %add3A_1110 = arith.addf %mul3A_1107, %mul3A_1109 : vector<16xf32>
        %mul3A_1111 = vector.broadcast %squeeze3A_1061 : f32 to vector<16xf32>
        %mul3A_1112 = arith.mulf %mul3A_1111, %get3A_23 : vector<16xf32>
        %add3A_1113 = arith.addf %add3A_1110, %mul3A_1112 : vector<16xf32>
        %add3A_1114 = arith.addf %add3A_1113, %get3A_31 : vector<16xf32>
        %mul3A_1115 = arith.constant 2.000000e-01 : f32
        %mul3A_1116 = vector.broadcast %mul3A_1115 : f32 to vector<16xf32>
        %mul3A_1117 = arith.mulf %mul3A_1116, %add3A_1114 : vector<16xf32>
        %max3A_1118 = arith.maximumf %add3A_1114, %mul3A_1117 : vector<16xf32>
        %mul3A_1119 = arith.mulf %max3A_1118, %get3A_39 : vector<16xf32>
        %add3A_1120 = arith.addf %add3A_1105, %mul3A_1119 : vector<16xf32>
        %exp3A_1121 = math.exp %add3A_1120 : vector<16xf32>
        %add3A_1122 = arith.constant 13 : i32
        %add3A_1123 = arith.addi %mul3A_65, %add3A_1122 : i32
        %swap3A_1124 = arith.index_cast %add3A_1123 : i32 to index
        %swap3A_1125 = arith.constant 0 : index
        %swap3A_1126 = tpu.vector_load %arg13[%swap3A_1124, %swap3A_1125] {strides = array<i32>} : memref<128x40xf32, #tpu.memory_space<vmem>>, vector<16xf32>,
        tpu.vector_store %arg13[%swap3A_1124, %swap3A_1125], %exp3A_1121 {strides = array<i32>} : memref<128x40xf32, #tpu.memory_space<vmem>>, vector<16xf32>,
        %mul3A_1127 = vector.broadcast %squeeze3A_1057 : f32 to vector<16xf32>
        %mul3A_1128 = arith.mulf %exp3A_1121, %mul3A_1127 : vector<16xf32>
        %swap3A_1129 = arith.index_cast %add3A_1123 : i32 to index
        %swap3A_1130 = arith.constant 16 : index
        %swap3A_1131 = tpu.vector_load %arg13[%swap3A_1129, %swap3A_1130] {strides = array<i32>} : memref<128x40xf32, #tpu.memory_space<vmem>>, vector<16xf32>,
        tpu.vector_store %arg13[%swap3A_1129, %swap3A_1130], %mul3A_1128 {strides = array<i32>} : memref<128x40xf32, #tpu.memory_space<vmem>>, vector<16xf32>,
        %slice3A_1132 = vector.extract_strided_slice %gather3A {offsets = [14], sizes = [1], strides = [1]} : vector<16xf32> to vector<1xf32>
        %squeeze3A_1133 = vector.extract %slice3A_1132[0] : f32 from vector<1xf32>
        %slice3A_1134 = vector.extract_strided_slice %gather3A_72 {offsets = [14], sizes = [1], strides = [1]} : vector<16xf32> to vector<1xf32>
        %squeeze3A_1135 = vector.extract %slice3A_1134[0] : f32 from vector<1xf32>
        %slice3A_1136 = vector.extract_strided_slice %get3A_71 {offsets = [14], sizes = [1], strides = [1]} : vector<16xf32> to vector<1xf32>
        %squeeze3A_1137 = vector.extract %slice3A_1136[0] : f32 from vector<1xf32>
        %mul3A_1138 = vector.broadcast %squeeze3A_1133 : f32 to vector<16xf32>
        %mul3A_1139 = arith.mulf %mul3A_1138, %get3A_1 : vector<16xf32>
        %mul3A_1140 = vector.broadcast %squeeze3A_1135 : f32 to vector<16xf32>
        %mul3A_1141 = arith.mulf %mul3A_1140, %get3A_9 : vector<16xf32>
        %add3A_1142 = arith.addf %mul3A_1139, %mul3A_1141 : vector<16xf32>
        %mul3A_1143 = vector.broadcast %squeeze3A_1137 : f32 to vector<16xf32>
        %mul3A_1144 = arith.mulf %mul3A_1143, %get3A_17 : vector<16xf32>
        %add3A_1145 = arith.addf %add3A_1142, %mul3A_1144 : vector<16xf32>
        %add3A_1146 = arith.addf %add3A_1145, %get3A_25 : vector<16xf32>
        %mul3A_1147 = arith.constant 2.000000e-01 : f32
        %mul3A_1148 = vector.broadcast %mul3A_1147 : f32 to vector<16xf32>
        %mul3A_1149 = arith.mulf %mul3A_1148, %add3A_1146 : vector<16xf32>
        %max3A_1150 = arith.maximumf %add3A_1146, %mul3A_1149 : vector<16xf32>
        %mul3A_1151 = arith.mulf %max3A_1150, %get3A_33 : vector<16xf32>
        %mul3A_1152 = vector.broadcast %squeeze3A_1133 : f32 to vector<16xf32>
        %mul3A_1153 = arith.mulf %mul3A_1152, %get3A_3 : vector<16xf32>
        %mul3A_1154 = vector.broadcast %squeeze3A_1135 : f32 to vector<16xf32>
        %mul3A_1155 = arith.mulf %mul3A_1154, %get3A_11 : vector<16xf32>
        %add3A_1156 = arith.addf %mul3A_1153, %mul3A_1155 : vector<16xf32>
        %mul3A_1157 = vector.broadcast %squeeze3A_1137 : f32 to vector<16xf32>
        %mul3A_1158 = arith.mulf %mul3A_1157, %get3A_19 : vector<16xf32>
        %add3A_1159 = arith.addf %add3A_1156, %mul3A_1158 : vector<16xf32>
        %add3A_1160 = arith.addf %add3A_1159, %get3A_27 : vector<16xf32>
        %mul3A_1161 = arith.constant 2.000000e-01 : f32
        %mul3A_1162 = vector.broadcast %mul3A_1161 : f32 to vector<16xf32>
        %mul3A_1163 = arith.mulf %mul3A_1162, %add3A_1160 : vector<16xf32>
        %max3A_1164 = arith.maximumf %add3A_1160, %mul3A_1163 : vector<16xf32>
        %mul3A_1165 = arith.mulf %max3A_1164, %get3A_35 : vector<16xf32>
        %add3A_1166 = arith.addf %mul3A_1151, %mul3A_1165 : vector<16xf32>
        %mul3A_1167 = vector.broadcast %squeeze3A_1133 : f32 to vector<16xf32>
        %mul3A_1168 = arith.mulf %mul3A_1167, %get3A_5 : vector<16xf32>
        %mul3A_1169 = vector.broadcast %squeeze3A_1135 : f32 to vector<16xf32>
        %mul3A_1170 = arith.mulf %mul3A_1169, %get3A_13 : vector<16xf32>
        %add3A_1171 = arith.addf %mul3A_1168, %mul3A_1170 : vector<16xf32>
        %mul3A_1172 = vector.broadcast %squeeze3A_1137 : f32 to vector<16xf32>
        %mul3A_1173 = arith.mulf %mul3A_1172, %get3A_21 : vector<16xf32>
        %add3A_1174 = arith.addf %add3A_1171, %mul3A_1173 : vector<16xf32>
        %add3A_1175 = arith.addf %add3A_1174, %get3A_29 : vector<16xf32>
        %mul3A_1176 = arith.constant 2.000000e-01 : f32
        %mul3A_1177 = vector.broadcast %mul3A_1176 : f32 to vector<16xf32>
        %mul3A_1178 = arith.mulf %mul3A_1177, %add3A_1175 : vector<16xf32>
        %max3A_1179 = arith.maximumf %add3A_1175, %mul3A_1178 : vector<16xf32>
        %mul3A_1180 = arith.mulf %max3A_1179, %get3A_37 : vector<16xf32>
        %add3A_1181 = arith.addf %add3A_1166, %mul3A_1180 : vector<16xf32>
        %mul3A_1182 = vector.broadcast %squeeze3A_1133 : f32 to vector<16xf32>
        %mul3A_1183 = arith.mulf %mul3A_1182, %get3A_7 : vector<16xf32>
        %mul3A_1184 = vector.broadcast %squeeze3A_1135 : f32 to vector<16xf32>
        %mul3A_1185 = arith.mulf %mul3A_1184, %get3A_15 : vector<16xf32>
        %add3A_1186 = arith.addf %mul3A_1183, %mul3A_1185 : vector<16xf32>
        %mul3A_1187 = vector.broadcast %squeeze3A_1137 : f32 to vector<16xf32>
        %mul3A_1188 = arith.mulf %mul3A_1187, %get3A_23 : vector<16xf32>
        %add3A_1189 = arith.addf %add3A_1186, %mul3A_1188 : vector<16xf32>
        %add3A_1190 = arith.addf %add3A_1189, %get3A_31 : vector<16xf32>
        %mul3A_1191 = arith.constant 2.000000e-01 : f32
        %mul3A_1192 = vector.broadcast %mul3A_1191 : f32 to vector<16xf32>
        %mul3A_1193 = arith.mulf %mul3A_1192, %add3A_1190 : vector<16xf32>
        %max3A_1194 = arith.maximumf %add3A_1190, %mul3A_1193 : vector<16xf32>
        %mul3A_1195 = arith.mulf %max3A_1194, %get3A_39 : vector<16xf32>
        %add3A_1196 = arith.addf %add3A_1181, %mul3A_1195 : vector<16xf32>
        %exp3A_1197 = math.exp %add3A_1196 : vector<16xf32>
        %add3A_1198 = arith.constant 14 : i32
        %add3A_1199 = arith.addi %mul3A_65, %add3A_1198 : i32
        %swap3A_1200 = arith.index_cast %add3A_1199 : i32 to index
        %swap3A_1201 = arith.constant 0 : index
        %swap3A_1202 = tpu.vector_load %arg13[%swap3A_1200, %swap3A_1201] {strides = array<i32>} : memref<128x40xf32, #tpu.memory_space<vmem>>, vector<16xf32>,
        tpu.vector_store %arg13[%swap3A_1200, %swap3A_1201], %exp3A_1197 {strides = array<i32>} : memref<128x40xf32, #tpu.memory_space<vmem>>, vector<16xf32>,
        %mul3A_1203 = vector.broadcast %squeeze3A_1133 : f32 to vector<16xf32>
        %mul3A_1204 = arith.mulf %exp3A_1197, %mul3A_1203 : vector<16xf32>
        %swap3A_1205 = arith.index_cast %add3A_1199 : i32 to index
        %swap3A_1206 = arith.constant 16 : index
        %swap3A_1207 = tpu.vector_load %arg13[%swap3A_1205, %swap3A_1206] {strides = array<i32>} : memref<128x40xf32, #tpu.memory_space<vmem>>, vector<16xf32>,
        tpu.vector_store %arg13[%swap3A_1205, %swap3A_1206], %mul3A_1204 {strides = array<i32>} : memref<128x40xf32, #tpu.memory_space<vmem>>, vector<16xf32>,
        %slice3A_1208 = vector.extract_strided_slice %gather3A {offsets = [15], sizes = [1], strides = [1]} : vector<16xf32> to vector<1xf32>
        %squeeze3A_1209 = vector.extract %slice3A_1208[0] : f32 from vector<1xf32>
        %slice3A_1210 = vector.extract_strided_slice %gather3A_72 {offsets = [15], sizes = [1], strides = [1]} : vector<16xf32> to vector<1xf32>
        %squeeze3A_1211 = vector.extract %slice3A_1210[0] : f32 from vector<1xf32>
        %slice3A_1212 = vector.extract_strided_slice %get3A_71 {offsets = [15], sizes = [1], strides = [1]} : vector<16xf32> to vector<1xf32>
        %squeeze3A_1213 = vector.extract %slice3A_1212[0] : f32 from vector<1xf32>
        %mul3A_1214 = vector.broadcast %squeeze3A_1209 : f32 to vector<16xf32>
        %mul3A_1215 = arith.mulf %mul3A_1214, %get3A_1 : vector<16xf32>
        %mul3A_1216 = vector.broadcast %squeeze3A_1211 : f32 to vector<16xf32>
        %mul3A_1217 = arith.mulf %mul3A_1216, %get3A_9 : vector<16xf32>
        %add3A_1218 = arith.addf %mul3A_1215, %mul3A_1217 : vector<16xf32>
        %mul3A_1219 = vector.broadcast %squeeze3A_1213 : f32 to vector<16xf32>
        %mul3A_1220 = arith.mulf %mul3A_1219, %get3A_17 : vector<16xf32>
        %add3A_1221 = arith.addf %add3A_1218, %mul3A_1220 : vector<16xf32>
        %add3A_1222 = arith.addf %add3A_1221, %get3A_25 : vector<16xf32>
        %mul3A_1223 = arith.constant 2.000000e-01 : f32
        %mul3A_1224 = vector.broadcast %mul3A_1223 : f32 to vector<16xf32>
        %mul3A_1225 = arith.mulf %mul3A_1224, %add3A_1222 : vector<16xf32>
        %max3A_1226 = arith.maximumf %add3A_1222, %mul3A_1225 : vector<16xf32>
        %mul3A_1227 = arith.mulf %max3A_1226, %get3A_33 : vector<16xf32>
        %mul3A_1228 = vector.broadcast %squeeze3A_1209 : f32 to vector<16xf32>
        %mul3A_1229 = arith.mulf %mul3A_1228, %get3A_3 : vector<16xf32>
        %mul3A_1230 = vector.broadcast %squeeze3A_1211 : f32 to vector<16xf32>
        %mul3A_1231 = arith.mulf %mul3A_1230, %get3A_11 : vector<16xf32>
        %add3A_1232 = arith.addf %mul3A_1229, %mul3A_1231 : vector<16xf32>
        %mul3A_1233 = vector.broadcast %squeeze3A_1213 : f32 to vector<16xf32>
        %mul3A_1234 = arith.mulf %mul3A_1233, %get3A_19 : vector<16xf32>
        %add3A_1235 = arith.addf %add3A_1232, %mul3A_1234 : vector<16xf32>
        %add3A_1236 = arith.addf %add3A_1235, %get3A_27 : vector<16xf32>
        %mul3A_1237 = arith.constant 2.000000e-01 : f32
        %mul3A_1238 = vector.broadcast %mul3A_1237 : f32 to vector<16xf32>
        %mul3A_1239 = arith.mulf %mul3A_1238, %add3A_1236 : vector<16xf32>
        %max3A_1240 = arith.maximumf %add3A_1236, %mul3A_1239 : vector<16xf32>
        %mul3A_1241 = arith.mulf %max3A_1240, %get3A_35 : vector<16xf32>
        %add3A_1242 = arith.addf %mul3A_1227, %mul3A_1241 : vector<16xf32>
        %mul3A_1243 = vector.broadcast %squeeze3A_1209 : f32 to vector<16xf32>
        %mul3A_1244 = arith.mulf %mul3A_1243, %get3A_5 : vector<16xf32>
        %mul3A_1245 = vector.broadcast %squeeze3A_1211 : f32 to vector<16xf32>
        %mul3A_1246 = arith.mulf %mul3A_1245, %get3A_13 : vector<16xf32>
        %add3A_1247 = arith.addf %mul3A_1244, %mul3A_1246 : vector<16xf32>
        %mul3A_1248 = vector.broadcast %squeeze3A_1213 : f32 to vector<16xf32>
        %mul3A_1249 = arith.mulf %mul3A_1248, %get3A_21 : vector<16xf32>
        %add3A_1250 = arith.addf %add3A_1247, %mul3A_1249 : vector<16xf32>
        %add3A_1251 = arith.addf %add3A_1250, %get3A_29 : vector<16xf32>
        %mul3A_1252 = arith.constant 2.000000e-01 : f32
        %mul3A_1253 = vector.broadcast %mul3A_1252 : f32 to vector<16xf32>
        %mul3A_1254 = arith.mulf %mul3A_1253, %add3A_1251 : vector<16xf32>
        %max3A_1255 = arith.maximumf %add3A_1251, %mul3A_1254 : vector<16xf32>
        %mul3A_1256 = arith.mulf %max3A_1255, %get3A_37 : vector<16xf32>
        %add3A_1257 = arith.addf %add3A_1242, %mul3A_1256 : vector<16xf32>
        %mul3A_1258 = vector.broadcast %squeeze3A_1209 : f32 to vector<16xf32>
        %mul3A_1259 = arith.mulf %mul3A_1258, %get3A_7 : vector<16xf32>
        %mul3A_1260 = vector.broadcast %squeeze3A_1211 : f32 to vector<16xf32>
        %mul3A_1261 = arith.mulf %mul3A_1260, %get3A_15 : vector<16xf32>
        %add3A_1262 = arith.addf %mul3A_1259, %mul3A_1261 : vector<16xf32>
        %mul3A_1263 = vector.broadcast %squeeze3A_1213 : f32 to vector<16xf32>
        %mul3A_1264 = arith.mulf %mul3A_1263, %get3A_23 : vector<16xf32>
        %add3A_1265 = arith.addf %add3A_1262, %mul3A_1264 : vector<16xf32>
        %add3A_1266 = arith.addf %add3A_1265, %get3A_31 : vector<16xf32>
        %mul3A_1267 = arith.constant 2.000000e-01 : f32
        %mul3A_1268 = vector.broadcast %mul3A_1267 : f32 to vector<16xf32>
        %mul3A_1269 = arith.mulf %mul3A_1268, %add3A_1266 : vector<16xf32>
        %max3A_1270 = arith.maximumf %add3A_1266, %mul3A_1269 : vector<16xf32>
        %mul3A_1271 = arith.mulf %max3A_1270, %get3A_39 : vector<16xf32>
        %add3A_1272 = arith.addf %add3A_1257, %mul3A_1271 : vector<16xf32>
        %exp3A_1273 = math.exp %add3A_1272 : vector<16xf32>
        %add3A_1274 = arith.constant 15 : i32
        %add3A_1275 = arith.addi %mul3A_65, %add3A_1274 : i32
        %swap3A_1276 = arith.index_cast %add3A_1275 : i32 to index
        %swap3A_1277 = arith.constant 0 : index
        %swap3A_1278 = tpu.vector_load %arg13[%swap3A_1276, %swap3A_1277] {strides = array<i32>} : memref<128x40xf32, #tpu.memory_space<vmem>>, vector<16xf32>,
        tpu.vector_store %arg13[%swap3A_1276, %swap3A_1277], %exp3A_1273 {strides = array<i32>} : memref<128x40xf32, #tpu.memory_space<vmem>>, vector<16xf32>,
        %mul3A_1279 = vector.broadcast %squeeze3A_1209 : f32 to vector<16xf32>
        %mul3A_1280 = arith.mulf %exp3A_1273, %mul3A_1279 : vector<16xf32>
        %swap3A_1281 = arith.index_cast %add3A_1275 : i32 to index
        %swap3A_1282 = arith.constant 16 : index
        %swap3A_1283 = tpu.vector_load %arg13[%swap3A_1281, %swap3A_1282] {strides = array<i32>} : memref<128x40xf32, #tpu.memory_space<vmem>>, vector<16xf32>,
        tpu.vector_store %arg13[%swap3A_1281, %swap3A_1282], %mul3A_1280 {strides = array<i32>} : memref<128x40xf32, #tpu.memory_space<vmem>>, vector<16xf32>,
      }
      %scan3A_58 = arith.constant 8 : i32
      "tpu.region"() ({
        %run_scoped3A = tpu.sem_alloc : memref<!tpu.dma_semaphore, #tpu.memory_space<semaphore_mem>>
        %dma_start3A = arith.constant 0 : i32
        %dma_start3A_59 = tpu.memref_slice %arg8[%multiple_of3A, %dma_start3A] : memref<819200x40xf32, #tpu.memory_space<hbm>> -> memref<128x40xf32, #tpu.memory_space<hbm>>
        %dma_start3A_60 = arith.constant 0 : i32
        %dma_start3A_61 = tpu.memref_slice %arg8[%multiple_of3A, %dma_start3A_60] : memref<819200x40xf32, #tpu.memory_space<hbm>> -> memref<128x40xf32, #tpu.memory_space<hbm>>
        tpu.enqueue_dma source(%arg13 : memref<128x40xf32, #tpu.memory_space<vmem>>) target(%dma_start3A_61 : memref<128x40xf32, #tpu.memory_space<hbm>>) target_semaphore(%run_scoped3A : memref<!tpu.dma_semaphore, #tpu.memory_space<semaphore_mem>>)
        %dma_wait3A = arith.constant 0 : i32
        %dma_wait3A_62 = tpu.memref_slice %arg8[%multiple_of3A, %dma_wait3A] : memref<819200x40xf32, #tpu.memory_space<hbm>> -> memref<128x40xf32, #tpu.memory_space<hbm>>
        %dma_wait3A_63 = arith.constant 0 : i32
        %dma_wait3A_64 = tpu.memref_slice %arg8[%multiple_of3A, %dma_wait3A_63] : memref<819200x40xf32, #tpu.memory_space<hbm>> -> memref<128x40xf32, #tpu.memory_space<hbm>>
        tpu.wait_dma2 semaphore(%run_scoped3A : memref<!tpu.dma_semaphore, #tpu.memory_space<semaphore_mem>>) src(%arg13 : memref<128x40xf32, #tpu.memory_space<vmem>>) dst(%dma_wait3A_64 : memref<128x40xf32, #tpu.memory_space<hbm>>)
        tpu.yield
      }) : () -> ()
    }
    %scan3A_45 = arith.constant 200 : i32
    return
  }
}

#map = affine_map<(d0, d1) -> (0, 0)>
#map1 = affine_map<(d0, d1) -> (0)>
#map2 = affine_map<(d0, d1) -> (0, 0, 0)>
module attributes {stable_mosaic.version = 14 : i64} {
  func.func @_sage_sc(%arg0: i32, %arg1: i32, %arg2: memref<50176x32xf32, #tpu.memory_space<hbm>>, %arg3: memref<819200xi32, #tpu.memory_space<hbm>>, %arg4: memref<2x819200xi32, #tpu.memory_space<hbm>>, %arg5: memref<1576x32xf32, #tpu.memory_space<hbm>>, %arg6: memref<2x25216x32xf32, #tpu.memory_space<hbm>>, %arg7: memref<128xi32, #tpu.memory_space<vmem>>, %arg8: memref<128xi32, #tpu.memory_space<vmem>>, %arg9: memref<128x32xf32, #tpu.memory_space<vmem>>, %arg10: memref<25216x32xf32, #tpu.memory_space<vmem_shared>>, %arg11: memref<!tpu.dma_semaphore, #tpu.memory_space<semaphore_mem>>) attributes {dimension_semantics = [#tpu.dimension_semantics<core_parallel>, #tpu.dimension_semantics<subcore_parallel>], iteration_bounds = array<i64: 2, 16>, scalar_prefetch = 0 : i64, scratch_operands = 5 : i64, tpu.core_type = #tpu.core_type<sc_vector_subcore>, window_params = [{transform_indices = #map}, {transform_indices = #map1}, {transform_indices = #map}, {transform_indices = #map}, {transform_indices = #map2}]} {
    %mul3A = arith.constant 1576 : i32
    %mul3A_0 = arith.muli %arg1, %mul3A : i32
    %multiple_of3A = tpu.assume_multiple %mul3A_0, 8 : i32
    "tpu.region"() ({
      %run_scoped3A = tpu.sem_alloc : memref<!tpu.dma_semaphore, #tpu.memory_space<semaphore_mem>>
      %dma_start3A = arith.constant 0 : i32
      %dma_start3A_11 = tpu.memref_slice %arg10[%multiple_of3A, %dma_start3A] : memref<25216x32xf32, #tpu.memory_space<vmem_shared>> -> memref<1576x32xf32, #tpu.memory_space<vmem_shared>>
      tpu.enqueue_dma source(%arg5 : memref<1576x32xf32, #tpu.memory_space<hbm>>) target(%dma_start3A_11 : memref<1576x32xf32, #tpu.memory_space<vmem_shared>>) target_semaphore(%run_scoped3A : memref<!tpu.dma_semaphore, #tpu.memory_space<semaphore_mem>>)
      %dma_wait3A = arith.constant 0 : i32
      %dma_wait3A_12 = tpu.memref_slice %arg10[%multiple_of3A, %dma_wait3A] : memref<25216x32xf32, #tpu.memory_space<vmem_shared>> -> memref<1576x32xf32, #tpu.memory_space<vmem_shared>>
      tpu.wait_dma2 semaphore(%run_scoped3A : memref<!tpu.dma_semaphore, #tpu.memory_space<semaphore_mem>>) src(%arg5 : memref<1576x32xf32, #tpu.memory_space<hbm>>) dst(%dma_wait3A_12 : memref<1576x32xf32, #tpu.memory_space<vmem_shared>>)
      tpu.yield
    }) : () -> ()
    %barrier3A = arith.constant 0 : index
    tpu.barrier barrier_id(%barrier3A)
    %mul3A_1 = arith.constant 51200 : i32
    %mul3A_2 = arith.muli %arg1, %mul3A_1 : i32
    %scan3A = arith.constant 0 : i32
    %scan3A_3 = arith.constant 400 : i32
    %scan3A_4 = arith.addi %scan3A, %scan3A_3 : i32
    %scan3A_5 = arith.constant 1 : i32
    scf.for %scan3A_11 = %scan3A to %scan3A_4 step %scan3A_5  : i32 {
      %mul3A_12 = arith.constant 1 : i32
      %mul3A_13 = arith.muli %scan3A_11, %mul3A_12 : i32
      %add3A = arith.constant 0 : i32
      %add3A_14 = arith.addi %add3A, %mul3A_13 : i32
      %mul3A_15 = arith.constant 128 : i32
      %mul3A_16 = arith.muli %add3A_14, %mul3A_15 : i32
      %add3A_17 = arith.addi %mul3A_2, %mul3A_16 : i32
      %multiple_of3A_18 = tpu.assume_multiple %add3A_17, 8 : i32
      "tpu.region"() ({
        %run_scoped3A = tpu.sem_alloc : memref<!tpu.dma_semaphore, #tpu.memory_space<semaphore_mem>>
        %dma_start3A_23 = tpu.memref_slice %arg3[%multiple_of3A_18] : memref<819200xi32, #tpu.memory_space<hbm>> -> memref<128xi32, #tpu.memory_space<hbm>>
        %dma_start3A_24 = tpu.memref_slice %arg3[%multiple_of3A_18] : memref<819200xi32, #tpu.memory_space<hbm>> -> memref<128xi32, #tpu.memory_space<hbm>>
        tpu.enqueue_dma source(%dma_start3A_24 : memref<128xi32, #tpu.memory_space<hbm>>) target(%arg7 : memref<128xi32, #tpu.memory_space<vmem>>) target_semaphore(%run_scoped3A : memref<!tpu.dma_semaphore, #tpu.memory_space<semaphore_mem>>)
        %dma_start3A_25 = tpu.memref_slice %arg4[%arg0, %multiple_of3A_18] : memref<2x819200xi32, #tpu.memory_space<hbm>> -> memref<1x128xi32, #tpu.memory_space<hbm>>
        %dma_start3A_26 = tpu.memref_squeeze %dma_start3A_25 : memref<1x128xi32, #tpu.memory_space<hbm>> -> memref<128xi32, #tpu.memory_space<hbm>>
        %dma_start3A_27 = tpu.memref_slice %arg4[%arg0, %multiple_of3A_18] : memref<2x819200xi32, #tpu.memory_space<hbm>> -> memref<1x128xi32, #tpu.memory_space<hbm>>
        %dma_start3A_28 = tpu.memref_squeeze %dma_start3A_27 : memref<1x128xi32, #tpu.memory_space<hbm>> -> memref<128xi32, #tpu.memory_space<hbm>>
        tpu.enqueue_dma source(%dma_start3A_28 : memref<128xi32, #tpu.memory_space<hbm>>) target(%arg8 : memref<128xi32, #tpu.memory_space<vmem>>) target_semaphore(%run_scoped3A : memref<!tpu.dma_semaphore, #tpu.memory_space<semaphore_mem>>)
        %dma_wait3A_29 = tpu.memref_slice %arg3[%multiple_of3A_18] : memref<819200xi32, #tpu.memory_space<hbm>> -> memref<128xi32, #tpu.memory_space<hbm>>
        %dma_wait3A_30 = tpu.memref_slice %arg3[%multiple_of3A_18] : memref<819200xi32, #tpu.memory_space<hbm>> -> memref<128xi32, #tpu.memory_space<hbm>>
        tpu.wait_dma2 semaphore(%run_scoped3A : memref<!tpu.dma_semaphore, #tpu.memory_space<semaphore_mem>>) src(%dma_wait3A_30 : memref<128xi32, #tpu.memory_space<hbm>>) dst(%arg7 : memref<128xi32, #tpu.memory_space<vmem>>)
        %dma_wait3A_31 = tpu.memref_slice %arg4[%arg0, %multiple_of3A_18] : memref<2x819200xi32, #tpu.memory_space<hbm>> -> memref<1x128xi32, #tpu.memory_space<hbm>>
        %dma_wait3A_32 = tpu.memref_squeeze %dma_wait3A_31 : memref<1x128xi32, #tpu.memory_space<hbm>> -> memref<128xi32, #tpu.memory_space<hbm>>
        %dma_wait3A_33 = tpu.memref_slice %arg4[%arg0, %multiple_of3A_18] : memref<2x819200xi32, #tpu.memory_space<hbm>> -> memref<1x128xi32, #tpu.memory_space<hbm>>
        %dma_wait3A_34 = tpu.memref_squeeze %dma_wait3A_33 : memref<1x128xi32, #tpu.memory_space<hbm>> -> memref<128xi32, #tpu.memory_space<hbm>>
        tpu.wait_dma2 semaphore(%run_scoped3A : memref<!tpu.dma_semaphore, #tpu.memory_space<semaphore_mem>>) src(%dma_wait3A_34 : memref<128xi32, #tpu.memory_space<hbm>>) dst(%arg8 : memref<128xi32, #tpu.memory_space<vmem>>)
        tpu.yield
      }) : () -> ()
      %dma_start3A = arith.constant 0 : i32
      %dma_start3A_19 = arith.constant 0 : i32
      %dma_start3A_20 = tpu.memref_slice %arg2[%dma_start3A, %dma_start3A_19] : memref<50176x32xf32, #tpu.memory_space<hbm>> -> memref<50176x32xf32, #tpu.memory_space<hbm>>
      tpu.enqueue_indirect_dma source(%dma_start3A_20 : memref<50176x32xf32, #tpu.memory_space<hbm>>) target(%arg9 : memref<128x32xf32, #tpu.memory_space<vmem>>) offsets(%arg7 : memref<128xi32, #tpu.memory_space<vmem>>) semaphore(%arg11 : memref<!tpu.dma_semaphore, #tpu.memory_space<semaphore_mem>>)
      %dma_wait3A = arith.constant 0 : i32
      %dma_wait3A_21 = arith.constant 0 : i32
      %dma_wait3A_22 = tpu.memref_slice %arg2[%dma_wait3A, %dma_wait3A_21] : memref<50176x32xf32, #tpu.memory_space<hbm>> -> memref<50176x32xf32, #tpu.memory_space<hbm>>
      tpu.wait_indirect_dma semaphore(%arg11 : memref<!tpu.dma_semaphore, #tpu.memory_space<semaphore_mem>>) src(%dma_wait3A_22 : memref<50176x32xf32, #tpu.memory_space<hbm>>) dst(%arg9 : memref<128x32xf32, #tpu.memory_space<vmem>>)
      "tpu.region"() ({
        %run_scoped3A = tpu.sem_alloc : memref<!tpu.dma_semaphore, #tpu.memory_space<semaphore_mem>>
        %dma_start3A_23 = arith.constant 0 : i32
        %dma_start3A_24 = arith.constant 0 : i32
        %dma_start3A_25 = tpu.memref_slice %arg10[%dma_start3A_23, %dma_start3A_24] : memref<25216x32xf32, #tpu.memory_space<vmem_shared>> -> memref<25216x32xf32, #tpu.memory_space<vmem_shared>>
        tpu.enqueue_indirect_dma source(%arg9 : memref<128x32xf32, #tpu.memory_space<vmem>>) target(%dma_start3A_25 : memref<25216x32xf32, #tpu.memory_space<vmem_shared>>) offsets(%arg8 : memref<128xi32, #tpu.memory_space<vmem>>) semaphore(%run_scoped3A : memref<!tpu.dma_semaphore, #tpu.memory_space<semaphore_mem>>) {add = true}
        %dma_wait3A_26 = arith.constant 0 : i32
        %dma_wait3A_27 = arith.constant 0 : i32
        %dma_wait3A_28 = tpu.memref_slice %arg10[%dma_wait3A_26, %dma_wait3A_27] : memref<25216x32xf32, #tpu.memory_space<vmem_shared>> -> memref<25216x32xf32, #tpu.memory_space<vmem_shared>>
        tpu.wait_indirect_dma semaphore(%run_scoped3A : memref<!tpu.dma_semaphore, #tpu.memory_space<semaphore_mem>>) src(%arg9 : memref<128x32xf32, #tpu.memory_space<vmem>>) dst(%dma_wait3A_28 : memref<25216x32xf32, #tpu.memory_space<vmem_shared>>)
        tpu.yield
      }) : () -> ()
    }
    %scan3A_6 = arith.constant 400 : i32
    %barrier3A_7 = arith.constant 0 : index
    tpu.barrier barrier_id(%barrier3A_7)
    %mul3A_8 = arith.constant 1576 : i32
    %mul3A_9 = arith.muli %arg1, %mul3A_8 : i32
    %multiple_of3A_10 = tpu.assume_multiple %mul3A_9, 8 : i32
    "tpu.region"() ({
      %run_scoped3A = tpu.sem_alloc : memref<!tpu.dma_semaphore, #tpu.memory_space<semaphore_mem>>
      %dma_start3A = arith.constant 0 : i32
      %dma_start3A_11 = tpu.memref_slice %arg6[%arg0, %multiple_of3A_10, %dma_start3A] : memref<2x25216x32xf32, #tpu.memory_space<hbm>> -> memref<1x1576x32xf32, #tpu.memory_space<hbm>>
      %dma_start3A_12 = tpu.memref_squeeze %dma_start3A_11 : memref<1x1576x32xf32, #tpu.memory_space<hbm>> -> memref<1576x32xf32, #tpu.memory_space<hbm>>
      %dma_start3A_13 = arith.constant 0 : i32
      %dma_start3A_14 = tpu.memref_slice %arg10[%multiple_of3A_10, %dma_start3A_13] : memref<25216x32xf32, #tpu.memory_space<vmem_shared>> -> memref<1576x32xf32, #tpu.memory_space<vmem_shared>>
      tpu.enqueue_dma source(%dma_start3A_14 : memref<1576x32xf32, #tpu.memory_space<vmem_shared>>) target(%dma_start3A_12 : memref<1576x32xf32, #tpu.memory_space<hbm>>) target_semaphore(%run_scoped3A : memref<!tpu.dma_semaphore, #tpu.memory_space<semaphore_mem>>)
      %dma_wait3A = arith.constant 0 : i32
      %dma_wait3A_15 = tpu.memref_slice %arg6[%arg0, %multiple_of3A_10, %dma_wait3A] : memref<2x25216x32xf32, #tpu.memory_space<hbm>> -> memref<1x1576x32xf32, #tpu.memory_space<hbm>>
      %dma_wait3A_16 = tpu.memref_squeeze %dma_wait3A_15 : memref<1x1576x32xf32, #tpu.memory_space<hbm>> -> memref<1576x32xf32, #tpu.memory_space<hbm>>
      %dma_wait3A_17 = arith.constant 0 : i32
      %dma_wait3A_18 = tpu.memref_slice %arg10[%multiple_of3A_10, %dma_wait3A_17] : memref<25216x32xf32, #tpu.memory_space<vmem_shared>> -> memref<1576x32xf32, #tpu.memory_space<vmem_shared>>
      tpu.wait_dma2 semaphore(%run_scoped3A : memref<!tpu.dma_semaphore, #tpu.memory_space<semaphore_mem>>) src(%dma_wait3A_18 : memref<1576x32xf32, #tpu.memory_space<vmem_shared>>) dst(%dma_wait3A_16 : memref<1576x32xf32, #tpu.memory_space<hbm>>)
      tpu.yield
    }) : () -> ()
    return
  }
}

#map = affine_map<(d0, d1) -> (0, 0)>
#map1 = affine_map<(d0, d1) -> (0)>
#map2 = affine_map<(d0, d1) -> (0, 0, 0)>
module attributes {stable_mosaic.version = 14 : i64} {
  func.func @_sage_sc(%arg0: i32, %arg1: i32, %arg2: memref<50176x32xf32, #tpu.memory_space<hbm>>, %arg3: memref<819200xi32, #tpu.memory_space<hbm>>, %arg4: memref<2x819200xi32, #tpu.memory_space<hbm>>, %arg5: memref<1576x32xf32, #tpu.memory_space<hbm>>, %arg6: memref<2x25216x32xf32, #tpu.memory_space<hbm>>, %arg7: memref<128xi32, #tpu.memory_space<vmem>>, %arg8: memref<128xi32, #tpu.memory_space<vmem>>, %arg9: memref<128x32xf32, #tpu.memory_space<vmem>>, %arg10: memref<25216x32xf32, #tpu.memory_space<vmem_shared>>, %arg11: memref<!tpu.dma_semaphore, #tpu.memory_space<semaphore_mem>>) attributes {dimension_semantics = [#tpu.dimension_semantics<core_parallel>, #tpu.dimension_semantics<subcore_parallel>], iteration_bounds = array<i64: 2, 16>, scalar_prefetch = 0 : i64, scratch_operands = 5 : i64, tpu.core_type = #tpu.core_type<sc_vector_subcore>, window_params = [{transform_indices = #map}, {transform_indices = #map1}, {transform_indices = #map}, {transform_indices = #map}, {transform_indices = #map2}]} {
    %mul3A = arith.constant 1576 : i32
    %mul3A_0 = arith.muli %arg1, %mul3A : i32
    %multiple_of3A = tpu.assume_multiple %mul3A_0, 8 : i32
    "tpu.region"() ({
      %run_scoped3A = tpu.sem_alloc : memref<!tpu.dma_semaphore, #tpu.memory_space<semaphore_mem>>
      %dma_start3A = arith.constant 0 : i32
      %dma_start3A_11 = tpu.memref_slice %arg10[%multiple_of3A, %dma_start3A] : memref<25216x32xf32, #tpu.memory_space<vmem_shared>> -> memref<1576x32xf32, #tpu.memory_space<vmem_shared>>
      tpu.enqueue_dma source(%arg5 : memref<1576x32xf32, #tpu.memory_space<hbm>>) target(%dma_start3A_11 : memref<1576x32xf32, #tpu.memory_space<vmem_shared>>) target_semaphore(%run_scoped3A : memref<!tpu.dma_semaphore, #tpu.memory_space<semaphore_mem>>)
      %dma_wait3A = arith.constant 0 : i32
      %dma_wait3A_12 = tpu.memref_slice %arg10[%multiple_of3A, %dma_wait3A] : memref<25216x32xf32, #tpu.memory_space<vmem_shared>> -> memref<1576x32xf32, #tpu.memory_space<vmem_shared>>
      tpu.wait_dma2 semaphore(%run_scoped3A : memref<!tpu.dma_semaphore, #tpu.memory_space<semaphore_mem>>) src(%arg5 : memref<1576x32xf32, #tpu.memory_space<hbm>>) dst(%dma_wait3A_12 : memref<1576x32xf32, #tpu.memory_space<vmem_shared>>)
      tpu.yield
    }) : () -> ()
    %barrier3A = arith.constant 0 : index
    tpu.barrier barrier_id(%barrier3A)
    %mul3A_1 = arith.constant 51200 : i32
    %mul3A_2 = arith.muli %arg1, %mul3A_1 : i32
    %scan3A = arith.constant 0 : i32
    %scan3A_3 = arith.constant 400 : i32
    %scan3A_4 = arith.addi %scan3A, %scan3A_3 : i32
    %scan3A_5 = arith.constant 1 : i32
    scf.for %scan3A_11 = %scan3A to %scan3A_4 step %scan3A_5  : i32 {
      %mul3A_12 = arith.constant 1 : i32
      %mul3A_13 = arith.muli %scan3A_11, %mul3A_12 : i32
      %add3A = arith.constant 0 : i32
      %add3A_14 = arith.addi %add3A, %mul3A_13 : i32
      %mul3A_15 = arith.constant 128 : i32
      %mul3A_16 = arith.muli %add3A_14, %mul3A_15 : i32
      %add3A_17 = arith.addi %mul3A_2, %mul3A_16 : i32
      %multiple_of3A_18 = tpu.assume_multiple %add3A_17, 8 : i32
      "tpu.region"() ({
        %run_scoped3A = tpu.sem_alloc : memref<!tpu.dma_semaphore, #tpu.memory_space<semaphore_mem>>
        %dma_start3A_23 = tpu.memref_slice %arg3[%multiple_of3A_18] : memref<819200xi32, #tpu.memory_space<hbm>> -> memref<128xi32, #tpu.memory_space<hbm>>
        %dma_start3A_24 = tpu.memref_slice %arg3[%multiple_of3A_18] : memref<819200xi32, #tpu.memory_space<hbm>> -> memref<128xi32, #tpu.memory_space<hbm>>
        tpu.enqueue_dma source(%dma_start3A_24 : memref<128xi32, #tpu.memory_space<hbm>>) target(%arg7 : memref<128xi32, #tpu.memory_space<vmem>>) target_semaphore(%run_scoped3A : memref<!tpu.dma_semaphore, #tpu.memory_space<semaphore_mem>>)
        %dma_start3A_25 = tpu.memref_slice %arg4[%arg0, %multiple_of3A_18] : memref<2x819200xi32, #tpu.memory_space<hbm>> -> memref<1x128xi32, #tpu.memory_space<hbm>>
        %dma_start3A_26 = tpu.memref_squeeze %dma_start3A_25 : memref<1x128xi32, #tpu.memory_space<hbm>> -> memref<128xi32, #tpu.memory_space<hbm>>
        %dma_start3A_27 = tpu.memref_slice %arg4[%arg0, %multiple_of3A_18] : memref<2x819200xi32, #tpu.memory_space<hbm>> -> memref<1x128xi32, #tpu.memory_space<hbm>>
        %dma_start3A_28 = tpu.memref_squeeze %dma_start3A_27 : memref<1x128xi32, #tpu.memory_space<hbm>> -> memref<128xi32, #tpu.memory_space<hbm>>
        tpu.enqueue_dma source(%dma_start3A_28 : memref<128xi32, #tpu.memory_space<hbm>>) target(%arg8 : memref<128xi32, #tpu.memory_space<vmem>>) target_semaphore(%run_scoped3A : memref<!tpu.dma_semaphore, #tpu.memory_space<semaphore_mem>>)
        %dma_wait3A_29 = tpu.memref_slice %arg3[%multiple_of3A_18] : memref<819200xi32, #tpu.memory_space<hbm>> -> memref<128xi32, #tpu.memory_space<hbm>>
        %dma_wait3A_30 = tpu.memref_slice %arg3[%multiple_of3A_18] : memref<819200xi32, #tpu.memory_space<hbm>> -> memref<128xi32, #tpu.memory_space<hbm>>
        tpu.wait_dma2 semaphore(%run_scoped3A : memref<!tpu.dma_semaphore, #tpu.memory_space<semaphore_mem>>) src(%dma_wait3A_30 : memref<128xi32, #tpu.memory_space<hbm>>) dst(%arg7 : memref<128xi32, #tpu.memory_space<vmem>>)
        %dma_wait3A_31 = tpu.memref_slice %arg4[%arg0, %multiple_of3A_18] : memref<2x819200xi32, #tpu.memory_space<hbm>> -> memref<1x128xi32, #tpu.memory_space<hbm>>
        %dma_wait3A_32 = tpu.memref_squeeze %dma_wait3A_31 : memref<1x128xi32, #tpu.memory_space<hbm>> -> memref<128xi32, #tpu.memory_space<hbm>>
        %dma_wait3A_33 = tpu.memref_slice %arg4[%arg0, %multiple_of3A_18] : memref<2x819200xi32, #tpu.memory_space<hbm>> -> memref<1x128xi32, #tpu.memory_space<hbm>>
        %dma_wait3A_34 = tpu.memref_squeeze %dma_wait3A_33 : memref<1x128xi32, #tpu.memory_space<hbm>> -> memref<128xi32, #tpu.memory_space<hbm>>
        tpu.wait_dma2 semaphore(%run_scoped3A : memref<!tpu.dma_semaphore, #tpu.memory_space<semaphore_mem>>) src(%dma_wait3A_34 : memref<128xi32, #tpu.memory_space<hbm>>) dst(%arg8 : memref<128xi32, #tpu.memory_space<vmem>>)
        tpu.yield
      }) : () -> ()
      %dma_start3A = arith.constant 0 : i32
      %dma_start3A_19 = arith.constant 0 : i32
      %dma_start3A_20 = tpu.memref_slice %arg2[%dma_start3A, %dma_start3A_19] : memref<50176x32xf32, #tpu.memory_space<hbm>> -> memref<50176x32xf32, #tpu.memory_space<hbm>>
      tpu.enqueue_indirect_dma source(%dma_start3A_20 : memref<50176x32xf32, #tpu.memory_space<hbm>>) target(%arg9 : memref<128x32xf32, #tpu.memory_space<vmem>>) offsets(%arg7 : memref<128xi32, #tpu.memory_space<vmem>>) semaphore(%arg11 : memref<!tpu.dma_semaphore, #tpu.memory_space<semaphore_mem>>)
      %dma_wait3A = arith.constant 0 : i32
      %dma_wait3A_21 = arith.constant 0 : i32
      %dma_wait3A_22 = tpu.memref_slice %arg2[%dma_wait3A, %dma_wait3A_21] : memref<50176x32xf32, #tpu.memory_space<hbm>> -> memref<50176x32xf32, #tpu.memory_space<hbm>>
      tpu.wait_indirect_dma semaphore(%arg11 : memref<!tpu.dma_semaphore, #tpu.memory_space<semaphore_mem>>) src(%dma_wait3A_22 : memref<50176x32xf32, #tpu.memory_space<hbm>>) dst(%arg9 : memref<128x32xf32, #tpu.memory_space<vmem>>)
      "tpu.region"() ({
        %run_scoped3A = tpu.sem_alloc : memref<!tpu.dma_semaphore, #tpu.memory_space<semaphore_mem>>
        %dma_start3A_23 = arith.constant 0 : i32
        %dma_start3A_24 = arith.constant 0 : i32
        %dma_start3A_25 = tpu.memref_slice %arg10[%dma_start3A_23, %dma_start3A_24] : memref<25216x32xf32, #tpu.memory_space<vmem_shared>> -> memref<25216x32xf32, #tpu.memory_space<vmem_shared>>
        tpu.enqueue_indirect_dma source(%arg9 : memref<128x32xf32, #tpu.memory_space<vmem>>) target(%dma_start3A_25 : memref<25216x32xf32, #tpu.memory_space<vmem_shared>>) offsets(%arg8 : memref<128xi32, #tpu.memory_space<vmem>>) semaphore(%run_scoped3A : memref<!tpu.dma_semaphore, #tpu.memory_space<semaphore_mem>>) {add = true}
        %dma_wait3A_26 = arith.constant 0 : i32
        %dma_wait3A_27 = arith.constant 0 : i32
        %dma_wait3A_28 = tpu.memref_slice %arg10[%dma_wait3A_26, %dma_wait3A_27] : memref<25216x32xf32, #tpu.memory_space<vmem_shared>> -> memref<25216x32xf32, #tpu.memory_space<vmem_shared>>
        tpu.wait_indirect_dma semaphore(%run_scoped3A : memref<!tpu.dma_semaphore, #tpu.memory_space<semaphore_mem>>) src(%arg9 : memref<128x32xf32, #tpu.memory_space<vmem>>) dst(%dma_wait3A_28 : memref<25216x32xf32, #tpu.memory_space<vmem_shared>>)
        tpu.yield
      }) : () -> ()
    }
    %scan3A_6 = arith.constant 400 : i32
    %barrier3A_7 = arith.constant 0 : index
    tpu.barrier barrier_id(%barrier3A_7)
    %mul3A_8 = arith.constant 1576 : i32
    %mul3A_9 = arith.muli %arg1, %mul3A_8 : i32
    %multiple_of3A_10 = tpu.assume_multiple %mul3A_9, 8 : i32
    "tpu.region"() ({
      %run_scoped3A = tpu.sem_alloc : memref<!tpu.dma_semaphore, #tpu.memory_space<semaphore_mem>>
      %dma_start3A = arith.constant 0 : i32
      %dma_start3A_11 = tpu.memref_slice %arg6[%arg0, %multiple_of3A_10, %dma_start3A] : memref<2x25216x32xf32, #tpu.memory_space<hbm>> -> memref<1x1576x32xf32, #tpu.memory_space<hbm>>
      %dma_start3A_12 = tpu.memref_squeeze %dma_start3A_11 : memref<1x1576x32xf32, #tpu.memory_space<hbm>> -> memref<1576x32xf32, #tpu.memory_space<hbm>>
      %dma_start3A_13 = arith.constant 0 : i32
      %dma_start3A_14 = tpu.memref_slice %arg10[%multiple_of3A_10, %dma_start3A_13] : memref<25216x32xf32, #tpu.memory_space<vmem_shared>> -> memref<1576x32xf32, #tpu.memory_space<vmem_shared>>
      tpu.enqueue_dma source(%dma_start3A_14 : memref<1576x32xf32, #tpu.memory_space<vmem_shared>>) target(%dma_start3A_12 : memref<1576x32xf32, #tpu.memory_space<hbm>>) target_semaphore(%run_scoped3A : memref<!tpu.dma_semaphore, #tpu.memory_space<semaphore_mem>>)
      %dma_wait3A = arith.constant 0 : i32
      %dma_wait3A_15 = tpu.memref_slice %arg6[%arg0, %multiple_of3A_10, %dma_wait3A] : memref<2x25216x32xf32, #tpu.memory_space<hbm>> -> memref<1x1576x32xf32, #tpu.memory_space<hbm>>
      %dma_wait3A_16 = tpu.memref_squeeze %dma_wait3A_15 : memref<1x1576x32xf32, #tpu.memory_space<hbm>> -> memref<1576x32xf32, #tpu.memory_space<hbm>>
      %dma_wait3A_17 = arith.constant 0 : i32
      %dma_wait3A_18 = tpu.memref_slice %arg10[%multiple_of3A_10, %dma_wait3A_17] : memref<25216x32xf32, #tpu.memory_space<vmem_shared>> -> memref<1576x32xf32, #tpu.memory_space<vmem_shared>>
      tpu.wait_dma2 semaphore(%run_scoped3A : memref<!tpu.dma_semaphore, #tpu.memory_space<semaphore_mem>>) src(%dma_wait3A_18 : memref<1576x32xf32, #tpu.memory_space<vmem_shared>>) dst(%dma_wait3A_16 : memref<1576x32xf32, #tpu.memory_space<hbm>>)
      tpu.yield
    }) : () -> ()
    return
  }
}

#map = affine_map<(d0, d1) -> (0, 0)>
#map1 = affine_map<(d0, d1) -> (0, 0, 0)>
module attributes {stable_mosaic.version = 14 : i64} {
  func.func @_scat_sc(%arg0: i32, %arg1: i32, %arg2: memref<819200x40xf32, #tpu.memory_space<hbm>>, %arg3: memref<2x819200xi32, #tpu.memory_space<hbm>>, %arg4: memref<1576x40xf32, #tpu.memory_space<hbm>>, %arg5: memref<2x25216x40xf32, #tpu.memory_space<hbm>>, %arg6: memref<128xi32, #tpu.memory_space<vmem>>, %arg7: memref<128x40xf32, #tpu.memory_space<vmem>>, %arg8: memref<25216x40xf32, #tpu.memory_space<vmem_shared>>) attributes {dimension_semantics = [#tpu.dimension_semantics<core_parallel>, #tpu.dimension_semantics<subcore_parallel>], iteration_bounds = array<i64: 2, 16>, scalar_prefetch = 0 : i64, scratch_operands = 3 : i64, tpu.core_type = #tpu.core_type<sc_vector_subcore>, window_params = [{transform_indices = #map}, {transform_indices = #map}, {transform_indices = #map}, {transform_indices = #map1}]} {
    %mul3A = arith.constant 1576 : i32
    %mul3A_0 = arith.muli %arg1, %mul3A : i32
    %multiple_of3A = tpu.assume_multiple %mul3A_0, 8 : i32
    "tpu.region"() ({
      %run_scoped3A = tpu.sem_alloc : memref<!tpu.dma_semaphore, #tpu.memory_space<semaphore_mem>>
      %dma_start3A = arith.constant 0 : i32
      %dma_start3A_11 = tpu.memref_slice %arg8[%multiple_of3A, %dma_start3A] : memref<25216x40xf32, #tpu.memory_space<vmem_shared>> -> memref<1576x40xf32, #tpu.memory_space<vmem_shared>>
      tpu.enqueue_dma source(%arg4 : memref<1576x40xf32, #tpu.memory_space<hbm>>) target(%dma_start3A_11 : memref<1576x40xf32, #tpu.memory_space<vmem_shared>>) target_semaphore(%run_scoped3A : memref<!tpu.dma_semaphore, #tpu.memory_space<semaphore_mem>>)
      %dma_wait3A = arith.constant 0 : i32
      %dma_wait3A_12 = tpu.memref_slice %arg8[%multiple_of3A, %dma_wait3A] : memref<25216x40xf32, #tpu.memory_space<vmem_shared>> -> memref<1576x40xf32, #tpu.memory_space<vmem_shared>>
      tpu.wait_dma2 semaphore(%run_scoped3A : memref<!tpu.dma_semaphore, #tpu.memory_space<semaphore_mem>>) src(%arg4 : memref<1576x40xf32, #tpu.memory_space<hbm>>) dst(%dma_wait3A_12 : memref<1576x40xf32, #tpu.memory_space<vmem_shared>>)
      tpu.yield
    }) : () -> ()
    %barrier3A = arith.constant 0 : index
    tpu.barrier barrier_id(%barrier3A)
    %mul3A_1 = arith.constant 51200 : i32
    %mul3A_2 = arith.muli %arg1, %mul3A_1 : i32
    %scan3A = arith.constant 0 : i32
    %scan3A_3 = arith.constant 400 : i32
    %scan3A_4 = arith.addi %scan3A, %scan3A_3 : i32
    %scan3A_5 = arith.constant 1 : i32
    scf.for %scan3A_11 = %scan3A to %scan3A_4 step %scan3A_5  : i32 {
      %mul3A_12 = arith.constant 1 : i32
      %mul3A_13 = arith.muli %scan3A_11, %mul3A_12 : i32
      %add3A = arith.constant 0 : i32
      %add3A_14 = arith.addi %add3A, %mul3A_13 : i32
      %mul3A_15 = arith.constant 128 : i32
      %mul3A_16 = arith.muli %add3A_14, %mul3A_15 : i32
      %add3A_17 = arith.addi %mul3A_2, %mul3A_16 : i32
      %multiple_of3A_18 = tpu.assume_multiple %add3A_17, 8 : i32
      "tpu.region"() ({
        %run_scoped3A = tpu.sem_alloc : memref<!tpu.dma_semaphore, #tpu.memory_space<semaphore_mem>>
        %dma_start3A = tpu.memref_slice %arg3[%arg0, %multiple_of3A_18] : memref<2x819200xi32, #tpu.memory_space<hbm>> -> memref<1x128xi32, #tpu.memory_space<hbm>>
        %dma_start3A_19 = tpu.memref_squeeze %dma_start3A : memref<1x128xi32, #tpu.memory_space<hbm>> -> memref<128xi32, #tpu.memory_space<hbm>>
        %dma_start3A_20 = tpu.memref_slice %arg3[%arg0, %multiple_of3A_18] : memref<2x819200xi32, #tpu.memory_space<hbm>> -> memref<1x128xi32, #tpu.memory_space<hbm>>
        %dma_start3A_21 = tpu.memref_squeeze %dma_start3A_20 : memref<1x128xi32, #tpu.memory_space<hbm>> -> memref<128xi32, #tpu.memory_space<hbm>>
        tpu.enqueue_dma source(%dma_start3A_21 : memref<128xi32, #tpu.memory_space<hbm>>) target(%arg6 : memref<128xi32, #tpu.memory_space<vmem>>) target_semaphore(%run_scoped3A : memref<!tpu.dma_semaphore, #tpu.memory_space<semaphore_mem>>)
        %dma_start3A_22 = arith.constant 0 : i32
        %dma_start3A_23 = tpu.memref_slice %arg2[%multiple_of3A_18, %dma_start3A_22] : memref<819200x40xf32, #tpu.memory_space<hbm>> -> memref<128x40xf32, #tpu.memory_space<hbm>>
        %dma_start3A_24 = arith.constant 0 : i32
        %dma_start3A_25 = tpu.memref_slice %arg2[%multiple_of3A_18, %dma_start3A_24] : memref<819200x40xf32, #tpu.memory_space<hbm>> -> memref<128x40xf32, #tpu.memory_space<hbm>>
        tpu.enqueue_dma source(%dma_start3A_25 : memref<128x40xf32, #tpu.memory_space<hbm>>) target(%arg7 : memref<128x40xf32, #tpu.memory_space<vmem>>) target_semaphore(%run_scoped3A : memref<!tpu.dma_semaphore, #tpu.memory_space<semaphore_mem>>)
        %dma_wait3A = tpu.memref_slice %arg3[%arg0, %multiple_of3A_18] : memref<2x819200xi32, #tpu.memory_space<hbm>> -> memref<1x128xi32, #tpu.memory_space<hbm>>
        %dma_wait3A_26 = tpu.memref_squeeze %dma_wait3A : memref<1x128xi32, #tpu.memory_space<hbm>> -> memref<128xi32, #tpu.memory_space<hbm>>
        %dma_wait3A_27 = tpu.memref_slice %arg3[%arg0, %multiple_of3A_18] : memref<2x819200xi32, #tpu.memory_space<hbm>> -> memref<1x128xi32, #tpu.memory_space<hbm>>
        %dma_wait3A_28 = tpu.memref_squeeze %dma_wait3A_27 : memref<1x128xi32, #tpu.memory_space<hbm>> -> memref<128xi32, #tpu.memory_space<hbm>>
        tpu.wait_dma2 semaphore(%run_scoped3A : memref<!tpu.dma_semaphore, #tpu.memory_space<semaphore_mem>>) src(%dma_wait3A_28 : memref<128xi32, #tpu.memory_space<hbm>>) dst(%arg6 : memref<128xi32, #tpu.memory_space<vmem>>)
        %dma_wait3A_29 = arith.constant 0 : i32
        %dma_wait3A_30 = tpu.memref_slice %arg2[%multiple_of3A_18, %dma_wait3A_29] : memref<819200x40xf32, #tpu.memory_space<hbm>> -> memref<128x40xf32, #tpu.memory_space<hbm>>
        %dma_wait3A_31 = arith.constant 0 : i32
        %dma_wait3A_32 = tpu.memref_slice %arg2[%multiple_of3A_18, %dma_wait3A_31] : memref<819200x40xf32, #tpu.memory_space<hbm>> -> memref<128x40xf32, #tpu.memory_space<hbm>>
        tpu.wait_dma2 semaphore(%run_scoped3A : memref<!tpu.dma_semaphore, #tpu.memory_space<semaphore_mem>>) src(%dma_wait3A_32 : memref<128x40xf32, #tpu.memory_space<hbm>>) dst(%arg7 : memref<128x40xf32, #tpu.memory_space<vmem>>)
        tpu.yield
      }) : () -> ()
      "tpu.region"() ({
        %run_scoped3A = tpu.sem_alloc : memref<!tpu.dma_semaphore, #tpu.memory_space<semaphore_mem>>
        %dma_start3A = arith.constant 0 : i32
        %dma_start3A_19 = arith.constant 0 : i32
        %dma_start3A_20 = tpu.memref_slice %arg8[%dma_start3A, %dma_start3A_19] : memref<25216x40xf32, #tpu.memory_space<vmem_shared>> -> memref<25216x40xf32, #tpu.memory_space<vmem_shared>>
        tpu.enqueue_indirect_dma source(%arg7 : memref<128x40xf32, #tpu.memory_space<vmem>>) target(%dma_start3A_20 : memref<25216x40xf32, #tpu.memory_space<vmem_shared>>) offsets(%arg6 : memref<128xi32, #tpu.memory_space<vmem>>) semaphore(%run_scoped3A : memref<!tpu.dma_semaphore, #tpu.memory_space<semaphore_mem>>) {add = true}
        %dma_wait3A = arith.constant 0 : i32
        %dma_wait3A_21 = arith.constant 0 : i32
        %dma_wait3A_22 = tpu.memref_slice %arg8[%dma_wait3A, %dma_wait3A_21] : memref<25216x40xf32, #tpu.memory_space<vmem_shared>> -> memref<25216x40xf32, #tpu.memory_space<vmem_shared>>
        tpu.wait_indirect_dma semaphore(%run_scoped3A : memref<!tpu.dma_semaphore, #tpu.memory_space<semaphore_mem>>) src(%arg7 : memref<128x40xf32, #tpu.memory_space<vmem>>) dst(%dma_wait3A_22 : memref<25216x40xf32, #tpu.memory_space<vmem_shared>>)
        tpu.yield
      }) : () -> ()
    }
    %scan3A_6 = arith.constant 400 : i32
    %barrier3A_7 = arith.constant 0 : index
    tpu.barrier barrier_id(%barrier3A_7)
    %mul3A_8 = arith.constant 1576 : i32
    %mul3A_9 = arith.muli %arg1, %mul3A_8 : i32
    %multiple_of3A_10 = tpu.assume_multiple %mul3A_9, 8 : i32
    "tpu.region"() ({
      %run_scoped3A = tpu.sem_alloc : memref<!tpu.dma_semaphore, #tpu.memory_space<semaphore_mem>>
      %dma_start3A = arith.constant 0 : i32
      %dma_start3A_11 = tpu.memref_slice %arg5[%arg0, %multiple_of3A_10, %dma_start3A] : memref<2x25216x40xf32, #tpu.memory_space<hbm>> -> memref<1x1576x40xf32, #tpu.memory_space<hbm>>
      %dma_start3A_12 = tpu.memref_squeeze %dma_start3A_11 : memref<1x1576x40xf32, #tpu.memory_space<hbm>> -> memref<1576x40xf32, #tpu.memory_space<hbm>>
      %dma_start3A_13 = arith.constant 0 : i32
      %dma_start3A_14 = tpu.memref_slice %arg8[%multiple_of3A_10, %dma_start3A_13] : memref<25216x40xf32, #tpu.memory_space<vmem_shared>> -> memref<1576x40xf32, #tpu.memory_space<vmem_shared>>
      tpu.enqueue_dma source(%dma_start3A_14 : memref<1576x40xf32, #tpu.memory_space<vmem_shared>>) target(%dma_start3A_12 : memref<1576x40xf32, #tpu.memory_space<hbm>>) target_semaphore(%run_scoped3A : memref<!tpu.dma_semaphore, #tpu.memory_space<semaphore_mem>>)
      %dma_wait3A = arith.constant 0 : i32
      %dma_wait3A_15 = tpu.memref_slice %arg5[%arg0, %multiple_of3A_10, %dma_wait3A] : memref<2x25216x40xf32, #tpu.memory_space<hbm>> -> memref<1x1576x40xf32, #tpu.memory_space<hbm>>
      %dma_wait3A_16 = tpu.memref_squeeze %dma_wait3A_15 : memref<1x1576x40xf32, #tpu.memory_space<hbm>> -> memref<1576x40xf32, #tpu.memory_space<hbm>>
      %dma_wait3A_17 = arith.constant 0 : i32
      %dma_wait3A_18 = tpu.memref_slice %arg8[%multiple_of3A_10, %dma_wait3A_17] : memref<25216x40xf32, #tpu.memory_space<vmem_shared>> -> memref<1576x40xf32, #tpu.memory_space<vmem_shared>>
      tpu.wait_dma2 semaphore(%run_scoped3A : memref<!tpu.dma_semaphore, #tpu.memory_space<semaphore_mem>>) src(%dma_wait3A_18 : memref<1576x40xf32, #tpu.memory_space<vmem_shared>>) dst(%dma_wait3A_16 : memref<1576x40xf32, #tpu.memory_space<hbm>>)
      tpu.yield
    }) : () -> ()
    return
  }
}

module attributes {stable_mosaic.version = 14 : i64} {
  func.func @_idx_body(%arg0: memref<6400x128xi32, #tpu.memory_space<vmem>>, %arg1: memref<6400x128xi32, #tpu.memory_space<vmem>>, %arg2: memref<6400x128xi32, #tpu.memory_space<vmem>>) attributes {dimension_semantics = [], scalar_prefetch = 0 : i64, scratch_operands = 0 : i64, tpu.core_type = #tpu.core_type<tc>} {
    %get3A = arith.constant 0 : index
    %get3A_0 = arith.constant 0 : index
    %get3A_1 = vector.load %arg0[%get3A, %get3A_0] : memref<6400x128xi32, #tpu.memory_space<vmem>>, vector<6400x128xi32>
    %lt3A = arith.constant 25088 : i32
    %lt3A_2 = vector.broadcast %lt3A : i32 to vector<6400x128xi32>
    %lt3A_3 = arith.cmpi slt, %get3A_1, %lt3A_2 : vector<6400x128xi32>
    %jit3A = arith.constant 25088 : i32
    %broadcast_in_dim3A = vector.broadcast %jit3A : i32 to vector<6400x128xi32>
    %select_n3A = arith.select %lt3A_3, %get3A_1, %broadcast_in_dim3A : vector<6400x128xi1>, vector<6400x128xi32>
    %swap3A = arith.constant 0 : index
    %swap3A_4 = arith.constant 0 : index
    %swap3A_5 = vector.load %arg1[%swap3A, %swap3A_4] : memref<6400x128xi32, #tpu.memory_space<vmem>>, vector<6400x128xi32>
    tpu.vector_store %arg1[%swap3A, %swap3A_4], %select_n3A {strides = array<i32>} : memref<6400x128xi32, #tpu.memory_space<vmem>>, vector<6400x128xi32>,
    %ge3A = arith.constant 25088 : i32
    %ge3A_6 = vector.broadcast %ge3A : i32 to vector<6400x128xi32>
    %ge3A_7 = arith.cmpi sge, %get3A_1, %ge3A_6 : vector<6400x128xi32>
    %sub3A = arith.constant 25088 : i32
    %sub3A_8 = vector.broadcast %sub3A : i32 to vector<6400x128xi32>
    %sub3A_9 = arith.subi %get3A_1, %sub3A_8 : vector<6400x128xi32>
    %jit3A_10 = arith.constant 25088 : i32
    %broadcast_in_dim3A_11 = vector.broadcast %jit3A_10 : i32 to vector<6400x128xi32>
    %select_n3A_12 = arith.select %ge3A_7, %sub3A_9, %broadcast_in_dim3A_11 : vector<6400x128xi1>, vector<6400x128xi32>
    %swap3A_13 = arith.constant 0 : index
    %swap3A_14 = arith.constant 0 : index
    %swap3A_15 = vector.load %arg2[%swap3A_13, %swap3A_14] : memref<6400x128xi32, #tpu.memory_space<vmem>>, vector<6400x128xi32>
    tpu.vector_store %arg2[%swap3A_13, %swap3A_14], %select_n3A_12 {strides = array<i32>} : memref<6400x128xi32, #tpu.memory_space<vmem>>, vector<6400x128xi32>,
    return
  }
}

module attributes {stable_mosaic.version = 14 : i64} {
  func.func @_easum_body(%arg0: memref<6400x128xf32, #tpu.memory_space<vmem>>, %arg1: memref<1x1xf32, #tpu.memory_space<vmem>>) attributes {dimension_semantics = [], scalar_prefetch = 0 : i64, scratch_operands = 0 : i64, tpu.core_type = #tpu.core_type<tc>} {
    %get3A = arith.constant 0 : index
    %get3A_0 = arith.constant 0 : index
    %get3A_1 = vector.load %arg0[%get3A, %get3A_0] : memref<6400x128xf32, #tpu.memory_space<vmem>>, vector<6400x128xf32>
    %reduce_sum3A = vector.shape_cast %get3A_1 : vector<6400x128xf32> to vector<1x6400x128xf32>
    %reduce_sum3A_2 = arith.constant dense<0.000000e+00> : vector<1xf32>
    %reduce_sum3A_3 = vector.multi_reduction <add>, %reduce_sum3A, %reduce_sum3A_2 [1, 2] : vector<1x6400x128xf32> to vector<1xf32>
    %reduce_sum3A_4 = vector.shape_cast %reduce_sum3A_3 : vector<1xf32> to vector<1x1x1xf32>
    %reduce_sum3A_5 = vector.extract %reduce_sum3A_4[0, 0, 0] : f32 from vector<1x1x1xf32>
    %reshape3A = vector.broadcast %reduce_sum3A_5 : f32 to vector<1x1xf32>
    %swap3A = arith.constant 0 : index
    %swap3A_6 = arith.constant 0 : index
    %swap3A_7 = vector.load %arg1[%swap3A, %swap3A_6] : memref<1x1xf32, #tpu.memory_space<vmem>>, vector<1x1xf32>
    tpu.vector_store %arg1[%swap3A, %swap3A_6], %reshape3A {strides = array<i32>} : memref<1x1xf32, #tpu.memory_space<vmem>>, vector<1x1xf32>,
    return
  }
}

module attributes {stable_mosaic.version = 14 : i64} {
  func.func @_b1_body(%arg0: i32, %arg1: memref<512x40xf32, #tpu.memory_space<vmem>>, %arg2: memref<512x1xf32, #tpu.memory_space<vmem>>, %arg3: memref<512x1xi32, #tpu.memory_space<vmem>>, %arg4: memref<1x64xf32, #tpu.memory_space<vmem>>, %arg5: memref<1x64xf32, #tpu.memory_space<vmem>>, %arg6: memref<1x64xf32, #tpu.memory_space<vmem>>, %arg7: memref<64x16xf32, #tpu.memory_space<vmem>>, %arg8: memref<1x64xf32, #tpu.memory_space<vmem>>, %arg9: memref<1x64xf32, #tpu.memory_space<vmem>>, %arg10: memref<1x64xf32, #tpu.memory_space<vmem>>, %arg11: memref<16x64xf32, #tpu.memory_space<vmem>>, %arg12: memref<1x1xf32, #tpu.memory_space<vmem>>, %arg13: memref<512x64xf32, #tpu.memory_space<vmem>>, %arg14: memref<512x1xf32, #tpu.memory_space<vmem>>, %arg15: memref<16x64xf32, #tpu.memory_space<vmem>>, %arg16: memref<1x16xf32, #tpu.memory_space<vmem>>, %arg17: memref<16x64xf32, #tpu.memory_space<vmem>>, %arg18: memref<1x16xf32, #tpu.memory_space<vmem>>) attributes {dimension_semantics = [#tpu.dimension_semantics<arbitrary>], iteration_bounds = array<i64: 98>, scalar_prefetch = 0 : i64, scratch_operands = 2 : i64, tpu.core_type = #tpu.core_type<tc>, window_params = [{transform_indices = @transform_0, window_bounds = array<i64: 512, 40>}, {transform_indices = @transform_1, window_bounds = array<i64: 512, 1>}, {transform_indices = @transform_2, window_bounds = array<i64: 512, 1>}, {pipeline_mode = #tpu.pipeline_mode<synchronous>, transform_indices = @transform_3, window_bounds = array<i64: 1, 64>}, {pipeline_mode = #tpu.pipeline_mode<synchronous>, transform_indices = @transform_4, window_bounds = array<i64: 1, 64>}, {pipeline_mode = #tpu.pipeline_mode<synchronous>, transform_indices = @transform_5, window_bounds = array<i64: 1, 64>}, {pipeline_mode = #tpu.pipeline_mode<synchronous>, transform_indices = @transform_6, window_bounds = array<i64: 64, 16>}, {pipeline_mode = #tpu.pipeline_mode<synchronous>, transform_indices = @transform_7, window_bounds = array<i64: 1, 64>}, {pipeline_mode = #tpu.pipeline_mode<synchronous>, transform_indices = @transform_8, window_bounds = array<i64: 1, 64>}, {pipeline_mode = #tpu.pipeline_mode<synchronous>, transform_indices = @transform_9, window_bounds = array<i64: 1, 64>}, {pipeline_mode = #tpu.pipeline_mode<synchronous>, transform_indices = @transform_10, window_bounds = array<i64: 16, 64>}, {pipeline_mode = #tpu.pipeline_mode<synchronous>, transform_indices = @transform_11, window_bounds = array<i64: 1, 1>}, {transform_indices = @transform_12, window_bounds = array<i64: 512, 64>}, {transform_indices = @transform_13, window_bounds = array<i64: 512, 1>}, {pipeline_mode = #tpu.pipeline_mode<synchronous>, transform_indices = @transform_14, window_bounds = array<i64: 16, 64>}, {pipeline_mode = #tpu.pipeline_mode<synchronous>, transform_indices = @transform_15, window_bounds = array<i64: 1, 16>}]} {
    %eq3A = arith.constant 0 : i32
    %eq3A_0 = arith.cmpi eq, %arg0, %eq3A : i32
    %convert_element_type3A = arith.extui %eq3A_0 : i1 to i32
    %cond3A = arith.constant 0 : i32
    %cond3A_1 = arith.cmpi ne, %convert_element_type3A, %cond3A : i32
    scf.if %cond3A_1 {
      %broadcast_in_dim3A_109 = arith.constant 0.000000e+00 : f32
      %broadcast_in_dim3A_110 = vector.broadcast %broadcast_in_dim3A_109 : f32 to vector<16x64xf32>
      %swap3A_111 = arith.constant 0 : index
      %swap3A_112 = arith.constant 0 : index
      %swap3A_113 = vector.load %arg17[%swap3A_111, %swap3A_112] : memref<16x64xf32, #tpu.memory_space<vmem>>, vector<16x64xf32>
      tpu.vector_store %arg17[%swap3A_111, %swap3A_112], %broadcast_in_dim3A_110 {strides = array<i32>} : memref<16x64xf32, #tpu.memory_space<vmem>>, vector<16x64xf32>,
      %broadcast_in_dim3A_114 = arith.constant 0.000000e+00 : f32
      %broadcast_in_dim3A_115 = vector.broadcast %broadcast_in_dim3A_114 : f32 to vector<1x16xf32>
      %swap3A_116 = arith.constant 0 : index
      %swap3A_117 = arith.constant 0 : index
      %swap3A_118 = vector.load %arg18[%swap3A_116, %swap3A_117] : memref<1x16xf32, #tpu.memory_space<vmem>>, vector<1x16xf32>
      tpu.vector_store %arg18[%swap3A_116, %swap3A_117], %broadcast_in_dim3A_115 {strides = array<i32>} : memref<1x16xf32, #tpu.memory_space<vmem>>, vector<1x16xf32>,
    } else {
    }
    %get3A = arith.constant 0 : index
    %get3A_2 = arith.constant 0 : index
    %get3A_3 = vector.load %arg1[%get3A, %get3A_2] : memref<512x40xf32, #tpu.memory_space<vmem>>, vector<512x40xf32>
    %slice3A = vector.extract_strided_slice %get3A_3 {offsets = [0, 0], sizes = [512, 16], strides = [1, 1]} : vector<512x40xf32> to vector<512x16xf32>
    %slice3A_4 = vector.extract_strided_slice %get3A_3 {offsets = [0, 16], sizes = [512, 16], strides = [1, 1]} : vector<512x40xf32> to vector<512x16xf32>
    %slice3A_5 = vector.extract_strided_slice %get3A_3 {offsets = [0, 32], sizes = [512, 1], strides = [1, 1]} : vector<512x40xf32> to vector<512x1xf32>
    %swap3A = arith.constant 0 : index
    %swap3A_6 = arith.constant 0 : index
    %swap3A_7 = vector.load %arg14[%swap3A, %swap3A_6] : memref<512x1xf32, #tpu.memory_space<vmem>>, vector<512x1xf32>
    tpu.vector_store %arg14[%swap3A, %swap3A_6], %slice3A_5 {strides = array<i32>} : memref<512x1xf32, #tpu.memory_space<vmem>>, vector<512x1xf32>,
    %get3A_8 = arith.constant 0 : index
    %get3A_9 = arith.constant 0 : index
    %get3A_10 = vector.load %arg2[%get3A_8, %get3A_9] : memref<512x1xf32, #tpu.memory_space<vmem>>, vector<512x1xf32>
    %get3A_11 = arith.constant 0 : index
    %get3A_12 = arith.constant 0 : index
    %get3A_13 = vector.load %arg12[%get3A_11, %get3A_12] : memref<1x1xf32, #tpu.memory_space<vmem>>, vector<1x1xf32>
    %get3A_14 = vector.extract %get3A_13[0, 0] : f32 from vector<1x1xf32>
    %mul3A = arith.constant 1.250000e-06 : f32
    %mul3A_15 = arith.mulf %get3A_14, %mul3A : f32
    %get3A_16 = arith.constant 0 : index
    %get3A_17 = arith.constant 0 : index
    %get3A_18 = vector.load %arg4[%get3A_16, %get3A_17] : memref<1x64xf32, #tpu.memory_space<vmem>>, vector<1x64xf32>
    %mul3A_19 = vector.broadcast %get3A_10 : vector<512x1xf32> to vector<512x64xf32>
    %mul3A_20 = vector.broadcast %get3A_18 : vector<1x64xf32> to vector<512x64xf32>
    %mul3A_21 = arith.mulf %mul3A_19, %mul3A_20 : vector<512x64xf32>
    %get3A_22 = arith.constant 0 : index
    %get3A_23 = arith.constant 0 : index
    %get3A_24 = vector.load %arg5[%get3A_22, %get3A_23] : memref<1x64xf32, #tpu.memory_space<vmem>>, vector<1x64xf32>
    %mul3A_25 = vector.broadcast %mul3A_15 : f32 to vector<1x64xf32>
    %mul3A_26 = arith.mulf %mul3A_25, %get3A_24 : vector<1x64xf32>
    %add3A = vector.broadcast %mul3A_26 : vector<1x64xf32> to vector<512x64xf32>
    %add3A_27 = arith.addf %mul3A_21, %add3A : vector<512x64xf32>
    %get3A_28 = arith.constant 0 : index
    %get3A_29 = arith.constant 0 : index
    %get3A_30 = vector.load %arg6[%get3A_28, %get3A_29] : memref<1x64xf32, #tpu.memory_space<vmem>>, vector<1x64xf32>
    %add3A_31 = vector.broadcast %get3A_30 : vector<1x64xf32> to vector<512x64xf32>
    %add3A_32 = arith.addf %add3A_27, %add3A_31 : vector<512x64xf32>
    %mul3A_33 = arith.constant 2.000000e-01 : f32
    %mul3A_34 = vector.broadcast %mul3A_33 : f32 to vector<512x64xf32>
    %mul3A_35 = arith.mulf %mul3A_34, %add3A_32 : vector<512x64xf32>
    %max3A = arith.maximumf %add3A_32, %mul3A_35 : vector<512x64xf32>
    %get3A_36 = arith.constant 0 : index
    %get3A_37 = arith.constant 0 : index
    %get3A_38 = vector.load %arg7[%get3A_36, %get3A_37] : memref<64x16xf32, #tpu.memory_space<vmem>>, vector<64x16xf32>
    %dot_general3A = arith.constant dense<0.000000e+00> : vector<512x16xf32>
    %dot_general3A_39 = tpu.matmul %max3A, %get3A_38, %dot_general3A {dimension_numbers = #tpu.dot_dimension_numbers<[1], [0], [0], [1], [0, 0, 1, 1], [], []>, transpose_lhs_hint = false} : vector<512x64xf32>, vector<64x16xf32>, vector<512x16xf32> -> vector<512x16xf32>
    %exp3A = math.exp %dot_general3A_39 : vector<512x16xf32>
    %add3A_40 = arith.addf %slice3A, %exp3A : vector<512x16xf32>
    %mul3A_41 = vector.broadcast %get3A_10 : vector<512x1xf32> to vector<512x16xf32>
    %mul3A_42 = arith.mulf %exp3A, %mul3A_41 : vector<512x16xf32>
    %add3A_43 = arith.addf %slice3A_4, %mul3A_42 : vector<512x16xf32>
    %get3A_44 = arith.constant 0 : index
    %get3A_45 = arith.constant 0 : index
    %get3A_46 = vector.load %arg11[%get3A_44, %get3A_45] : memref<16x64xf32, #tpu.memory_space<vmem>>, vector<16x64xf32>
    %dot_general3A_47 = arith.constant dense<0.000000e+00> : vector<512x64xf32>
    %dot_general3A_48 = tpu.matmul %add3A_40, %get3A_46, %dot_general3A_47 {dimension_numbers = #tpu.dot_dimension_numbers<[1], [0], [0], [1], [0, 0, 1, 1], [], []>, transpose_lhs_hint = false} : vector<512x16xf32>, vector<16x64xf32>, vector<512x64xf32> -> vector<512x64xf32>
    %get3A_49 = arith.constant 0 : index
    %get3A_50 = arith.constant 0 : index
    %get3A_51 = vector.load %arg11[%get3A_49, %get3A_50] : memref<16x64xf32, #tpu.memory_space<vmem>>, vector<16x64xf32>
    %dot_general3A_52 = arith.constant dense<0.000000e+00> : vector<512x64xf32>
    %dot_general3A_53 = tpu.matmul %add3A_43, %get3A_51, %dot_general3A_52 {dimension_numbers = #tpu.dot_dimension_numbers<[1], [0], [0], [1], [0, 0, 1, 1], [], []>, transpose_lhs_hint = false} : vector<512x16xf32>, vector<16x64xf32>, vector<512x64xf32> -> vector<512x64xf32>
    %get3A_54 = arith.constant 0 : index
    %get3A_55 = arith.constant 0 : index
    %get3A_56 = vector.load %arg8[%get3A_54, %get3A_55] : memref<1x64xf32, #tpu.memory_space<vmem>>, vector<1x64xf32>
    %mul3A_57 = vector.broadcast %get3A_56 : vector<1x64xf32> to vector<512x64xf32>
    %mul3A_58 = arith.mulf %mul3A_57, %dot_general3A_53 : vector<512x64xf32>
    %get3A_59 = arith.constant 0 : index
    %get3A_60 = arith.constant 0 : index
    %get3A_61 = vector.load %arg9[%get3A_59, %get3A_60] : memref<1x64xf32, #tpu.memory_space<vmem>>, vector<1x64xf32>
    %mul3A_62 = vector.broadcast %get3A_61 : vector<1x64xf32> to vector<512x64xf32>
    %mul3A_63 = arith.mulf %mul3A_62, %dot_general3A_48 : vector<512x64xf32>
    %add3A_64 = arith.addf %mul3A_58, %mul3A_63 : vector<512x64xf32>
    %add3A_65 = arith.constant 1.000000e-16 : f32
    %add3A_66 = vector.broadcast %add3A_65 : f32 to vector<512x64xf32>
    %add3A_67 = arith.addf %dot_general3A_48, %add3A_66 : vector<512x64xf32>
    %div3A = arith.divf %add3A_64, %add3A_67 : vector<512x64xf32>
    %get3A_68 = arith.constant 0 : index
    %get3A_69 = arith.constant 0 : index
    %get3A_70 = vector.load %arg10[%get3A_68, %get3A_69] : memref<1x64xf32, #tpu.memory_space<vmem>>, vector<1x64xf32>
    %add3A_71 = vector.broadcast %get3A_70 : vector<1x64xf32> to vector<512x64xf32>
    %add3A_72 = arith.addf %div3A, %add3A_71 : vector<512x64xf32>
    %max3A_73 = arith.constant 0.000000e+00 : f32
    %max3A_74 = vector.broadcast %max3A_73 : f32 to vector<512x64xf32>
    %max3A_75 = arith.maximumf %add3A_72, %max3A_74 : vector<512x64xf32>
    %swap3A_76 = arith.constant 0 : index
    %swap3A_77 = arith.constant 0 : index
    %swap3A_78 = vector.load %arg13[%swap3A_76, %swap3A_77] : memref<512x64xf32, #tpu.memory_space<vmem>>, vector<512x64xf32>
    tpu.vector_store %arg13[%swap3A_76, %swap3A_77], %max3A_75 {strides = array<i32>} : memref<512x64xf32, #tpu.memory_space<vmem>>, vector<512x64xf32>,
    %get3A_79 = arith.constant 0 : index
    %get3A_80 = arith.constant 0 : index
    %get3A_81 = vector.load %arg3[%get3A_79, %get3A_80] : memref<512x1xi32, #tpu.memory_space<vmem>>, vector<512x1xi32>
    %iota3A = tpu.iota {dimensions = array<i32: 1>} : vector<1x16xi32>
    %eq3A_82 = vector.broadcast %get3A_81 : vector<512x1xi32> to vector<512x16xi32>
    %eq3A_83 = vector.broadcast %iota3A : vector<1x16xi32> to vector<512x16xi32>
    %eq3A_84 = arith.cmpi eq, %eq3A_82, %eq3A_83 : vector<512x16xi32>
    %convert_element_type3A_85 = arith.extui %eq3A_84 : vector<512x16xi1> to vector<512x16xi32>
    %convert_element_type3A_86 = arith.sitofp %convert_element_type3A_85 : vector<512x16xi32> to vector<512x16xf32>
    %get3A_87 = arith.constant 0 : index
    %get3A_88 = arith.constant 0 : index
    %get3A_89 = vector.load %arg17[%get3A_87, %get3A_88] : memref<16x64xf32, #tpu.memory_space<vmem>>, vector<16x64xf32>
    %dot_general3A_90 = arith.constant dense<0.000000e+00> : vector<16x64xf32>
    %dot_general3A_91 = tpu.matmul %convert_element_type3A_86, %max3A_75, %dot_general3A_90 {dimension_numbers = #tpu.dot_dimension_numbers<[0], [0], [1], [1], [0, 1, 1, 1], [], []>, transpose_lhs_hint = false} : vector<512x16xf32>, vector<512x64xf32>, vector<16x64xf32> -> vector<16x64xf32>
    %add3A_92 = arith.addf %get3A_89, %dot_general3A_91 : vector<16x64xf32>
    %swap3A_93 = arith.constant 0 : index
    %swap3A_94 = arith.constant 0 : index
    %swap3A_95 = vector.load %arg17[%swap3A_93, %swap3A_94] : memref<16x64xf32, #tpu.memory_space<vmem>>, vector<16x64xf32>
    tpu.vector_store %arg17[%swap3A_93, %swap3A_94], %add3A_92 {strides = array<i32>} : memref<16x64xf32, #tpu.memory_space<vmem>>, vector<16x64xf32>,
    %get3A_96 = arith.constant 0 : index
    %get3A_97 = arith.constant 0 : index
    %get3A_98 = vector.load %arg18[%get3A_96, %get3A_97] : memref<1x16xf32, #tpu.memory_space<vmem>>, vector<1x16xf32>
    %reduce_sum3A = arith.constant dense<0.000000e+00> : vector<16xf32>
    %reduce_sum3A_99 = vector.multi_reduction <add>, %convert_element_type3A_86, %reduce_sum3A [0] : vector<512x16xf32> to vector<16xf32>
    %broadcast_in_dim3A = vector.shape_cast %reduce_sum3A_99 : vector<16xf32> to vector<1x16xf32>
    %add3A_100 = arith.addf %get3A_98, %broadcast_in_dim3A : vector<1x16xf32>
    %swap3A_101 = arith.constant 0 : index
    %swap3A_102 = arith.constant 0 : index
    %swap3A_103 = vector.load %arg18[%swap3A_101, %swap3A_102] : memref<1x16xf32, #tpu.memory_space<vmem>>, vector<1x16xf32>
    tpu.vector_store %arg18[%swap3A_101, %swap3A_102], %add3A_100 {strides = array<i32>} : memref<1x16xf32, #tpu.memory_space<vmem>>, vector<1x16xf32>,
    %eq3A_104 = arith.constant 97 : i32
    %eq3A_105 = arith.cmpi eq, %arg0, %eq3A_104 : i32
    %convert_element_type3A_106 = arith.extui %eq3A_105 : i1 to i32
    %cond3A_107 = arith.constant 0 : i32
    %cond3A_108 = arith.cmpi ne, %convert_element_type3A_106, %cond3A_107 : i32
    scf.if %cond3A_108 {
      %get3A_109 = arith.constant 0 : index
      %get3A_110 = arith.constant 0 : index
      %get3A_111 = vector.load %arg17[%get3A_109, %get3A_110] : memref<16x64xf32, #tpu.memory_space<vmem>>, vector<16x64xf32>
      %swap3A_112 = arith.constant 0 : index
      %swap3A_113 = arith.constant 0 : index
      %swap3A_114 = vector.load %arg15[%swap3A_112, %swap3A_113] : memref<16x64xf32, #tpu.memory_space<vmem>>, vector<16x64xf32>
      tpu.vector_store %arg15[%swap3A_112, %swap3A_113], %get3A_111 {strides = array<i32>} : memref<16x64xf32, #tpu.memory_space<vmem>>, vector<16x64xf32>,
      %get3A_115 = arith.constant 0 : index
      %get3A_116 = arith.constant 0 : index
      %get3A_117 = vector.load %arg18[%get3A_115, %get3A_116] : memref<1x16xf32, #tpu.memory_space<vmem>>, vector<1x16xf32>
      %swap3A_118 = arith.constant 0 : index
      %swap3A_119 = arith.constant 0 : index
      %swap3A_120 = vector.load %arg16[%swap3A_118, %swap3A_119] : memref<1x16xf32, #tpu.memory_space<vmem>>, vector<1x16xf32>
      tpu.vector_store %arg16[%swap3A_118, %swap3A_119], %get3A_117 {strides = array<i32>} : memref<1x16xf32, #tpu.memory_space<vmem>>, vector<1x16xf32>,
    } else {
    }
    return
  }
  func.func @transform_0(%arg0: i32) -> (i32, i32) {
    %c0_i32 = arith.constant 0 : i32
    %c0_i32_0 = arith.constant 0 : i32
    return %arg0, %c0_i32 : i32, i32
  }
  func.func @transform_1(%arg0: i32) -> (i32, i32) {
    %c0_i32 = arith.constant 0 : i32
    %c0_i32_0 = arith.constant 0 : i32
    return %arg0, %c0_i32 : i32, i32
  }
  func.func @transform_2(%arg0: i32) -> (i32, i32) {
    %c0_i32 = arith.constant 0 : i32
    %c0_i32_0 = arith.constant 0 : i32
    return %arg0, %c0_i32 : i32, i32
  }
  func.func @transform_3(%arg0: i32) -> (i32, i32) {
    %c0_i32 = arith.constant 0 : i32
    %c0_i32_0 = arith.constant 0 : i32
    %c0_i32_1 = arith.constant 0 : i32
    return %c0_i32, %c0_i32_0 : i32, i32
  }
  func.func @transform_4(%arg0: i32) -> (i32, i32) {
    %c0_i32 = arith.constant 0 : i32
    %c0_i32_0 = arith.constant 0 : i32
    %c0_i32_1 = arith.constant 0 : i32
    return %c0_i32, %c0_i32_0 : i32, i32
  }
  func.func @transform_5(%arg0: i32) -> (i32, i32) {
    %c0_i32 = arith.constant 0 : i32
    %c0_i32_0 = arith.constant 0 : i32
    %c0_i32_1 = arith.constant 0 : i32
    return %c0_i32, %c0_i32_0 : i32, i32
  }
  func.func @transform_6(%arg0: i32) -> (i32, i32) {
    %c0_i32 = arith.constant 0 : i32
    %c0_i32_0 = arith.constant 0 : i32
    %c0_i32_1 = arith.constant 0 : i32
    return %c0_i32, %c0_i32_0 : i32, i32
  }
  func.func @transform_7(%arg0: i32) -> (i32, i32) {
    %c0_i32 = arith.constant 0 : i32
    %c0_i32_0 = arith.constant 0 : i32
    %c0_i32_1 = arith.constant 0 : i32
    return %c0_i32, %c0_i32_0 : i32, i32
  }
  func.func @transform_8(%arg0: i32) -> (i32, i32) {
    %c0_i32 = arith.constant 0 : i32
    %c0_i32_0 = arith.constant 0 : i32
    %c0_i32_1 = arith.constant 0 : i32
    return %c0_i32, %c0_i32_0 : i32, i32
  }
  func.func @transform_9(%arg0: i32) -> (i32, i32) {
    %c0_i32 = arith.constant 0 : i32
    %c0_i32_0 = arith.constant 0 : i32
    %c0_i32_1 = arith.constant 0 : i32
    return %c0_i32, %c0_i32_0 : i32, i32
  }
  func.func @transform_10(%arg0: i32) -> (i32, i32) {
    %c0_i32 = arith.constant 0 : i32
    %c0_i32_0 = arith.constant 0 : i32
    %c0_i32_1 = arith.constant 0 : i32
    return %c0_i32, %c0_i32_0 : i32, i32
  }
  func.func @transform_11(%arg0: i32) -> (i32, i32) {
    %c0_i32 = arith.constant 0 : i32
    %c0_i32_0 = arith.constant 0 : i32
    %c0_i32_1 = arith.constant 0 : i32
    return %c0_i32, %c0_i32_0 : i32, i32
  }
  func.func @transform_12(%arg0: i32) -> (i32, i32) {
    %c0_i32 = arith.constant 0 : i32
    %c0_i32_0 = arith.constant 0 : i32
    return %arg0, %c0_i32 : i32, i32
  }
  func.func @transform_13(%arg0: i32) -> (i32, i32) {
    %c0_i32 = arith.constant 0 : i32
    %c0_i32_0 = arith.constant 0 : i32
    return %arg0, %c0_i32 : i32, i32
  }
  func.func @transform_14(%arg0: i32) -> (i32, i32) {
    %c0_i32 = arith.constant 0 : i32
    %c0_i32_0 = arith.constant 0 : i32
    %c0_i32_1 = arith.constant 0 : i32
    return %c0_i32, %c0_i32_0 : i32, i32
  }
  func.func @transform_15(%arg0: i32) -> (i32, i32) {
    %c0_i32 = arith.constant 0 : i32
    %c0_i32_0 = arith.constant 0 : i32
    %c0_i32_1 = arith.constant 0 : i32
    return %c0_i32, %c0_i32_0 : i32, i32
  }
}

module attributes {stable_mosaic.version = 14 : i64} {
  func.func @_b2_body(%arg0: i32, %arg1: memref<512x64xf32, #tpu.memory_space<vmem>>, %arg2: memref<512x1xi32, #tpu.memory_space<vmem>>, %arg3: memref<16x64xf32, #tpu.memory_space<vmem>>, %arg4: memref<16x1xf32, #tpu.memory_space<vmem>>, %arg5: memref<1x64xf32, #tpu.memory_space<vmem>>, %arg6: memref<512x64xf32, #tpu.memory_space<vmem>>, %arg7: memref<16x64xf32, #tpu.memory_space<vmem>>, %arg8: memref<16x64xf32, #tpu.memory_space<vmem>>) attributes {dimension_semantics = [#tpu.dimension_semantics<arbitrary>], iteration_bounds = array<i64: 98>, scalar_prefetch = 0 : i64, scratch_operands = 1 : i64, tpu.core_type = #tpu.core_type<tc>, window_params = [{transform_indices = @transform_0, window_bounds = array<i64: 512, 64>}, {transform_indices = @transform_1, window_bounds = array<i64: 512, 1>}, {pipeline_mode = #tpu.pipeline_mode<synchronous>, transform_indices = @transform_2, window_bounds = array<i64: 16, 64>}, {pipeline_mode = #tpu.pipeline_mode<synchronous>, transform_indices = @transform_3, window_bounds = array<i64: 16, 1>}, {pipeline_mode = #tpu.pipeline_mode<synchronous>, transform_indices = @transform_4, window_bounds = array<i64: 1, 64>}, {transform_indices = @transform_5, window_bounds = array<i64: 512, 64>}, {pipeline_mode = #tpu.pipeline_mode<synchronous>, transform_indices = @transform_6, window_bounds = array<i64: 16, 64>}]} {
    %eq3A = arith.constant 0 : i32
    %eq3A_0 = arith.cmpi eq, %arg0, %eq3A : i32
    %convert_element_type3A = arith.extui %eq3A_0 : i1 to i32
    %cond3A = arith.constant 0 : i32
    %cond3A_1 = arith.cmpi ne, %convert_element_type3A, %cond3A : i32
    scf.if %cond3A_1 {
      %broadcast_in_dim3A = arith.constant 0.000000e+00 : f32
      %broadcast_in_dim3A_40 = vector.broadcast %broadcast_in_dim3A : f32 to vector<16x64xf32>
      %swap3A_41 = arith.constant 0 : index
      %swap3A_42 = arith.constant 0 : index
      %swap3A_43 = vector.load %arg8[%swap3A_41, %swap3A_42] : memref<16x64xf32, #tpu.memory_space<vmem>>, vector<16x64xf32>
      tpu.vector_store %arg8[%swap3A_41, %swap3A_42], %broadcast_in_dim3A_40 {strides = array<i32>} : memref<16x64xf32, #tpu.memory_space<vmem>>, vector<16x64xf32>,
    } else {
    }
    %get3A = arith.constant 0 : index
    %get3A_2 = arith.constant 0 : index
    %get3A_3 = vector.load %arg3[%get3A, %get3A_2] : memref<16x64xf32, #tpu.memory_space<vmem>>, vector<16x64xf32>
    %get3A_4 = arith.constant 0 : index
    %get3A_5 = arith.constant 0 : index
    %get3A_6 = vector.load %arg4[%get3A_4, %get3A_5] : memref<16x1xf32, #tpu.memory_space<vmem>>, vector<16x1xf32>
    %div3A = vector.broadcast %get3A_6 : vector<16x1xf32> to vector<16x64xf32>
    %div3A_7 = arith.divf %get3A_3, %div3A : vector<16x64xf32>
    %get3A_8 = arith.constant 0 : index
    %get3A_9 = arith.constant 0 : index
    %get3A_10 = vector.load %arg2[%get3A_8, %get3A_9] : memref<512x1xi32, #tpu.memory_space<vmem>>, vector<512x1xi32>
    %iota3A = tpu.iota {dimensions = array<i32: 1>} : vector<1x16xi32>
    %eq3A_11 = vector.broadcast %get3A_10 : vector<512x1xi32> to vector<512x16xi32>
    %eq3A_12 = vector.broadcast %iota3A : vector<1x16xi32> to vector<512x16xi32>
    %eq3A_13 = arith.cmpi eq, %eq3A_11, %eq3A_12 : vector<512x16xi32>
    %convert_element_type3A_14 = arith.extui %eq3A_13 : vector<512x16xi1> to vector<512x16xi32>
    %convert_element_type3A_15 = arith.sitofp %convert_element_type3A_14 : vector<512x16xi32> to vector<512x16xf32>
    %dot_general3A = arith.constant dense<0.000000e+00> : vector<512x64xf32>
    %dot_general3A_16 = tpu.matmul %convert_element_type3A_15, %div3A_7, %dot_general3A {dimension_numbers = #tpu.dot_dimension_numbers<[1], [0], [0], [1], [0, 0, 1, 1], [], []>, transpose_lhs_hint = false} : vector<512x16xf32>, vector<16x64xf32>, vector<512x64xf32> -> vector<512x64xf32>
    %get3A_17 = arith.constant 0 : index
    %get3A_18 = arith.constant 0 : index
    %get3A_19 = vector.load %arg1[%get3A_17, %get3A_18] : memref<512x64xf32, #tpu.memory_space<vmem>>, vector<512x64xf32>
    %get3A_20 = arith.constant 0 : index
    %get3A_21 = arith.constant 0 : index
    %get3A_22 = vector.load %arg5[%get3A_20, %get3A_21] : memref<1x64xf32, #tpu.memory_space<vmem>>, vector<1x64xf32>
    %mul3A = vector.broadcast %get3A_22 : vector<1x64xf32> to vector<512x64xf32>
    %mul3A_23 = arith.mulf %mul3A, %dot_general3A_16 : vector<512x64xf32>
    %sub3A = arith.subf %get3A_19, %mul3A_23 : vector<512x64xf32>
    %swap3A = arith.constant 0 : index
    %swap3A_24 = arith.constant 0 : index
    %swap3A_25 = vector.load %arg6[%swap3A, %swap3A_24] : memref<512x64xf32, #tpu.memory_space<vmem>>, vector<512x64xf32>
    tpu.vector_store %arg6[%swap3A, %swap3A_24], %sub3A {strides = array<i32>} : memref<512x64xf32, #tpu.memory_space<vmem>>, vector<512x64xf32>,
    %get3A_26 = arith.constant 0 : index
    %get3A_27 = arith.constant 0 : index
    %get3A_28 = vector.load %arg8[%get3A_26, %get3A_27] : memref<16x64xf32, #tpu.memory_space<vmem>>, vector<16x64xf32>
    %mul3A_29 = arith.mulf %sub3A, %sub3A : vector<512x64xf32>
    %dot_general3A_30 = arith.constant dense<0.000000e+00> : vector<16x64xf32>
    %dot_general3A_31 = tpu.matmul %convert_element_type3A_15, %mul3A_29, %dot_general3A_30 {dimension_numbers = #tpu.dot_dimension_numbers<[0], [0], [1], [1], [0, 1, 1, 1], [], []>, transpose_lhs_hint = false} : vector<512x16xf32>, vector<512x64xf32>, vector<16x64xf32> -> vector<16x64xf32>
    %add3A = arith.addf %get3A_28, %dot_general3A_31 : vector<16x64xf32>
    %swap3A_32 = arith.constant 0 : index
    %swap3A_33 = arith.constant 0 : index
    %swap3A_34 = vector.load %arg8[%swap3A_32, %swap3A_33] : memref<16x64xf32, #tpu.memory_space<vmem>>, vector<16x64xf32>
    tpu.vector_store %arg8[%swap3A_32, %swap3A_33], %add3A {strides = array<i32>} : memref<16x64xf32, #tpu.memory_space<vmem>>, vector<16x64xf32>,
    %eq3A_35 = arith.constant 97 : i32
    %eq3A_36 = arith.cmpi eq, %arg0, %eq3A_35 : i32
    %convert_element_type3A_37 = arith.extui %eq3A_36 : i1 to i32
    %cond3A_38 = arith.constant 0 : i32
    %cond3A_39 = arith.cmpi ne, %convert_element_type3A_37, %cond3A_38 : i32
    scf.if %cond3A_39 {
      %get3A_40 = arith.constant 0 : index
      %get3A_41 = arith.constant 0 : index
      %get3A_42 = vector.load %arg8[%get3A_40, %get3A_41] : memref<16x64xf32, #tpu.memory_space<vmem>>, vector<16x64xf32>
      %swap3A_43 = arith.constant 0 : index
      %swap3A_44 = arith.constant 0 : index
      %swap3A_45 = vector.load %arg7[%swap3A_43, %swap3A_44] : memref<16x64xf32, #tpu.memory_space<vmem>>, vector<16x64xf32>
      tpu.vector_store %arg7[%swap3A_43, %swap3A_44], %get3A_42 {strides = array<i32>} : memref<16x64xf32, #tpu.memory_space<vmem>>, vector<16x64xf32>,
    } else {
    }
    return
  }
  func.func @transform_0(%arg0: i32) -> (i32, i32) {
    %c0_i32 = arith.constant 0 : i32
    %c0_i32_0 = arith.constant 0 : i32
    return %arg0, %c0_i32 : i32, i32
  }
  func.func @transform_1(%arg0: i32) -> (i32, i32) {
    %c0_i32 = arith.constant 0 : i32
    %c0_i32_0 = arith.constant 0 : i32
    return %arg0, %c0_i32 : i32, i32
  }
  func.func @transform_2(%arg0: i32) -> (i32, i32) {
    %c0_i32 = arith.constant 0 : i32
    %c0_i32_0 = arith.constant 0 : i32
    %c0_i32_1 = arith.constant 0 : i32
    return %c0_i32, %c0_i32_0 : i32, i32
  }
  func.func @transform_3(%arg0: i32) -> (i32, i32) {
    %c0_i32 = arith.constant 0 : i32
    %c0_i32_0 = arith.constant 0 : i32
    %c0_i32_1 = arith.constant 0 : i32
    return %c0_i32, %c0_i32_0 : i32, i32
  }
  func.func @transform_4(%arg0: i32) -> (i32, i32) {
    %c0_i32 = arith.constant 0 : i32
    %c0_i32_0 = arith.constant 0 : i32
    %c0_i32_1 = arith.constant 0 : i32
    return %c0_i32, %c0_i32_0 : i32, i32
  }
  func.func @transform_5(%arg0: i32) -> (i32, i32) {
    %c0_i32 = arith.constant 0 : i32
    %c0_i32_0 = arith.constant 0 : i32
    return %arg0, %c0_i32 : i32, i32
  }
  func.func @transform_6(%arg0: i32) -> (i32, i32) {
    %c0_i32 = arith.constant 0 : i32
    %c0_i32_0 = arith.constant 0 : i32
    %c0_i32_1 = arith.constant 0 : i32
    return %c0_i32, %c0_i32_0 : i32, i32
  }
}

module attributes {stable_mosaic.version = 14 : i64} {
  func.func @_b3_body(%arg0: i32, %arg1: memref<512x64xf32, #tpu.memory_space<vmem>>, %arg2: memref<512x1xi32, #tpu.memory_space<vmem>>, %arg3: memref<16x64xf32, #tpu.memory_space<vmem>>, %arg4: memref<16x1xf32, #tpu.memory_space<vmem>>, %arg5: memref<1x64xf32, #tpu.memory_space<vmem>>, %arg6: memref<1x64xf32, #tpu.memory_space<vmem>>, %arg7: memref<64x64xf32, #tpu.memory_space<vmem>>, %arg8: memref<512x32xf32, #tpu.memory_space<vmem>>, %arg9: memref<512x32xf32, #tpu.memory_space<vmem>>, %arg10: memref<512x64xf32, #tpu.memory_space<vmem>>) attributes {dimension_semantics = [#tpu.dimension_semantics<arbitrary>], iteration_bounds = array<i64: 98>, scalar_prefetch = 0 : i64, scratch_operands = 0 : i64, tpu.core_type = #tpu.core_type<tc>, window_params = [{transform_indices = @transform_0, window_bounds = array<i64: 512, 64>}, {transform_indices = @transform_1, window_bounds = array<i64: 512, 1>}, {pipeline_mode = #tpu.pipeline_mode<synchronous>, transform_indices = @transform_2, window_bounds = array<i64: 16, 64>}, {pipeline_mode = #tpu.pipeline_mode<synchronous>, transform_indices = @transform_3, window_bounds = array<i64: 16, 1>}, {pipeline_mode = #tpu.pipeline_mode<synchronous>, transform_indices = @transform_4, window_bounds = array<i64: 1, 64>}, {pipeline_mode = #tpu.pipeline_mode<synchronous>, transform_indices = @transform_5, window_bounds = array<i64: 1, 64>}, {pipeline_mode = #tpu.pipeline_mode<synchronous>, transform_indices = @transform_6, window_bounds = array<i64: 64, 64>}, {transform_indices = @transform_7, window_bounds = array<i64: 512, 32>}, {transform_indices = @transform_8, window_bounds = array<i64: 512, 32>}, {transform_indices = @transform_9, window_bounds = array<i64: 512, 64>}]} {
    %get3A = arith.constant 0 : index
    %get3A_0 = arith.constant 0 : index
    %get3A_1 = vector.load %arg3[%get3A, %get3A_0] : memref<16x64xf32, #tpu.memory_space<vmem>>, vector<16x64xf32>
    %get3A_2 = arith.constant 0 : index
    %get3A_3 = arith.constant 0 : index
    %get3A_4 = vector.load %arg4[%get3A_2, %get3A_3] : memref<16x1xf32, #tpu.memory_space<vmem>>, vector<16x1xf32>
    %div3A = vector.broadcast %get3A_4 : vector<16x1xf32> to vector<16x64xf32>
    %div3A_5 = arith.divf %get3A_1, %div3A : vector<16x64xf32>
    %add3A = arith.constant 9.99999974E-6 : f32
    %add3A_6 = vector.broadcast %add3A : f32 to vector<16x64xf32>
    %add3A_7 = arith.addf %div3A_5, %add3A_6 : vector<16x64xf32>
    %sqrt3A = math.sqrt %add3A_7 : vector<16x64xf32>
    %div3A_8 = arith.constant 1.000000e+00 : f32
    %div3A_9 = vector.broadcast %div3A_8 : f32 to vector<16x64xf32>
    %div3A_10 = arith.divf %div3A_9, %sqrt3A : vector<16x64xf32>
    %get3A_11 = arith.constant 0 : index
    %get3A_12 = arith.constant 0 : index
    %get3A_13 = vector.load %arg2[%get3A_11, %get3A_12] : memref<512x1xi32, #tpu.memory_space<vmem>>, vector<512x1xi32>
    %iota3A = tpu.iota {dimensions = array<i32: 1>} : vector<1x16xi32>
    %eq3A = vector.broadcast %get3A_13 : vector<512x1xi32> to vector<512x16xi32>
    %eq3A_14 = vector.broadcast %iota3A : vector<1x16xi32> to vector<512x16xi32>
    %eq3A_15 = arith.cmpi eq, %eq3A, %eq3A_14 : vector<512x16xi32>
    %convert_element_type3A = arith.extui %eq3A_15 : vector<512x16xi1> to vector<512x16xi32>
    %convert_element_type3A_16 = arith.sitofp %convert_element_type3A : vector<512x16xi32> to vector<512x16xf32>
    %dot_general3A = arith.constant dense<0.000000e+00> : vector<512x64xf32>
    %dot_general3A_17 = tpu.matmul %convert_element_type3A_16, %div3A_10, %dot_general3A {dimension_numbers = #tpu.dot_dimension_numbers<[1], [0], [0], [1], [0, 0, 1, 1], [], []>, transpose_lhs_hint = false} : vector<512x16xf32>, vector<16x64xf32>, vector<512x64xf32> -> vector<512x64xf32>
    %get3A_18 = arith.constant 0 : index
    %get3A_19 = arith.constant 0 : index
    %get3A_20 = vector.load %arg5[%get3A_18, %get3A_19] : memref<1x64xf32, #tpu.memory_space<vmem>>, vector<1x64xf32>
    %get3A_21 = arith.constant 0 : index
    %get3A_22 = arith.constant 0 : index
    %get3A_23 = vector.load %arg1[%get3A_21, %get3A_22] : memref<512x64xf32, #tpu.memory_space<vmem>>, vector<512x64xf32>
    %mul3A = vector.broadcast %get3A_20 : vector<1x64xf32> to vector<512x64xf32>
    %mul3A_24 = arith.mulf %mul3A, %get3A_23 : vector<512x64xf32>
    %mul3A_25 = arith.mulf %mul3A_24, %dot_general3A_17 : vector<512x64xf32>
    %get3A_26 = arith.constant 0 : index
    %get3A_27 = arith.constant 0 : index
    %get3A_28 = vector.load %arg6[%get3A_26, %get3A_27] : memref<1x64xf32, #tpu.memory_space<vmem>>, vector<1x64xf32>
    %add3A_29 = vector.broadcast %get3A_28 : vector<1x64xf32> to vector<512x64xf32>
    %add3A_30 = arith.addf %mul3A_25, %add3A_29 : vector<512x64xf32>
    %slice3A = vector.extract_strided_slice %add3A_30 {offsets = [0, 0], sizes = [512, 32], strides = [1, 1]} : vector<512x64xf32> to vector<512x32xf32>
    %swap3A = arith.constant 0 : index
    %swap3A_31 = arith.constant 0 : index
    %swap3A_32 = vector.load %arg8[%swap3A, %swap3A_31] : memref<512x32xf32, #tpu.memory_space<vmem>>, vector<512x32xf32>
    tpu.vector_store %arg8[%swap3A, %swap3A_31], %slice3A {strides = array<i32>} : memref<512x32xf32, #tpu.memory_space<vmem>>, vector<512x32xf32>,
    %slice3A_33 = vector.extract_strided_slice %add3A_30 {offsets = [0, 32], sizes = [512, 32], strides = [1, 1]} : vector<512x64xf32> to vector<512x32xf32>
    %swap3A_34 = arith.constant 0 : index
    %swap3A_35 = arith.constant 0 : index
    %swap3A_36 = vector.load %arg9[%swap3A_34, %swap3A_35] : memref<512x32xf32, #tpu.memory_space<vmem>>, vector<512x32xf32>
    tpu.vector_store %arg9[%swap3A_34, %swap3A_35], %slice3A_33 {strides = array<i32>} : memref<512x32xf32, #tpu.memory_space<vmem>>, vector<512x32xf32>,
    %get3A_37 = arith.constant 0 : index
    %get3A_38 = arith.constant 0 : index
    %get3A_39 = vector.load %arg7[%get3A_37, %get3A_38] : memref<64x64xf32, #tpu.memory_space<vmem>>, vector<64x64xf32>
    %dot_general3A_40 = arith.constant dense<0.000000e+00> : vector<512x64xf32>
    %dot_general3A_41 = tpu.matmul %add3A_30, %get3A_39, %dot_general3A_40 {dimension_numbers = #tpu.dot_dimension_numbers<[1], [0], [0], [1], [0, 0, 1, 1], [], []>, transpose_lhs_hint = false} : vector<512x64xf32>, vector<64x64xf32>, vector<512x64xf32> -> vector<512x64xf32>
    %swap3A_42 = arith.constant 0 : index
    %swap3A_43 = arith.constant 0 : index
    %swap3A_44 = vector.load %arg10[%swap3A_42, %swap3A_43] : memref<512x64xf32, #tpu.memory_space<vmem>>, vector<512x64xf32>
    tpu.vector_store %arg10[%swap3A_42, %swap3A_43], %dot_general3A_41 {strides = array<i32>} : memref<512x64xf32, #tpu.memory_space<vmem>>, vector<512x64xf32>,
    return
  }
  func.func @transform_0(%arg0: i32) -> (i32, i32) {
    %c0_i32 = arith.constant 0 : i32
    %c0_i32_0 = arith.constant 0 : i32
    return %arg0, %c0_i32 : i32, i32
  }
  func.func @transform_1(%arg0: i32) -> (i32, i32) {
    %c0_i32 = arith.constant 0 : i32
    %c0_i32_0 = arith.constant 0 : i32
    return %arg0, %c0_i32 : i32, i32
  }
  func.func @transform_2(%arg0: i32) -> (i32, i32) {
    %c0_i32 = arith.constant 0 : i32
    %c0_i32_0 = arith.constant 0 : i32
    %c0_i32_1 = arith.constant 0 : i32
    return %c0_i32, %c0_i32_0 : i32, i32
  }
  func.func @transform_3(%arg0: i32) -> (i32, i32) {
    %c0_i32 = arith.constant 0 : i32
    %c0_i32_0 = arith.constant 0 : i32
    %c0_i32_1 = arith.constant 0 : i32
    return %c0_i32, %c0_i32_0 : i32, i32
  }
  func.func @transform_4(%arg0: i32) -> (i32, i32) {
    %c0_i32 = arith.constant 0 : i32
    %c0_i32_0 = arith.constant 0 : i32
    %c0_i32_1 = arith.constant 0 : i32
    return %c0_i32, %c0_i32_0 : i32, i32
  }
  func.func @transform_5(%arg0: i32) -> (i32, i32) {
    %c0_i32 = arith.constant 0 : i32
    %c0_i32_0 = arith.constant 0 : i32
    %c0_i32_1 = arith.constant 0 : i32
    return %c0_i32, %c0_i32_0 : i32, i32
  }
  func.func @transform_6(%arg0: i32) -> (i32, i32) {
    %c0_i32 = arith.constant 0 : i32
    %c0_i32_0 = arith.constant 0 : i32
    %c0_i32_1 = arith.constant 0 : i32
    return %c0_i32, %c0_i32_0 : i32, i32
  }
  func.func @transform_7(%arg0: i32) -> (i32, i32) {
    %c0_i32 = arith.constant 0 : i32
    %c0_i32_0 = arith.constant 0 : i32
    return %arg0, %c0_i32 : i32, i32
  }
  func.func @transform_8(%arg0: i32) -> (i32, i32) {
    %c0_i32 = arith.constant 0 : i32
    %c0_i32_0 = arith.constant 0 : i32
    return %arg0, %c0_i32 : i32, i32
  }
  func.func @transform_9(%arg0: i32) -> (i32, i32) {
    %c0_i32 = arith.constant 0 : i32
    %c0_i32_0 = arith.constant 0 : i32
    return %arg0, %c0_i32 : i32, i32
  }
}

module attributes {stable_mosaic.version = 14 : i64} {
  func.func @_c_body(%arg0: i32, %arg1: memref<512x32xf32, #tpu.memory_space<vmem>>, %arg2: memref<512x32xf32, #tpu.memory_space<vmem>>, %arg3: memref<512x1xf32, #tpu.memory_space<vmem>>, %arg4: memref<512x64xf32, #tpu.memory_space<vmem>>, %arg5: memref<512x1xi32, #tpu.memory_space<vmem>>, %arg6: memref<64x64xf32, #tpu.memory_space<vmem>>, %arg7: memref<1x64xf32, #tpu.memory_space<vmem>>, %arg8: memref<16x1xf32, #tpu.memory_space<vmem>>, %arg9: memref<16x64xf32, #tpu.memory_space<vmem>>, %arg10: memref<16x64xf32, #tpu.memory_space<vmem>>, %arg11: memref<16x64xf32, #tpu.memory_space<vmem>>, %arg12: memref<16x64xf32, #tpu.memory_space<vmem>>) attributes {dimension_semantics = [#tpu.dimension_semantics<arbitrary>], iteration_bounds = array<i64: 98>, scalar_prefetch = 0 : i64, scratch_operands = 2 : i64, tpu.core_type = #tpu.core_type<tc>, window_params = [{transform_indices = @transform_0, window_bounds = array<i64: 512, 32>}, {transform_indices = @transform_1, window_bounds = array<i64: 512, 32>}, {transform_indices = @transform_2, window_bounds = array<i64: 512, 1>}, {transform_indices = @transform_3, window_bounds = array<i64: 512, 64>}, {transform_indices = @transform_4, window_bounds = array<i64: 512, 1>}, {pipeline_mode = #tpu.pipeline_mode<synchronous>, transform_indices = @transform_5, window_bounds = array<i64: 64, 64>}, {pipeline_mode = #tpu.pipeline_mode<synchronous>, transform_indices = @transform_6, window_bounds = array<i64: 1, 64>}, {pipeline_mode = #tpu.pipeline_mode<synchronous>, transform_indices = @transform_7, window_bounds = array<i64: 16, 1>}, {pipeline_mode = #tpu.pipeline_mode<synchronous>, transform_indices = @transform_8, window_bounds = array<i64: 16, 64>}, {pipeline_mode = #tpu.pipeline_mode<synchronous>, transform_indices = @transform_9, window_bounds = array<i64: 16, 64>}]} {
    %eq3A = arith.constant 0 : i32
    %eq3A_0 = arith.cmpi eq, %arg0, %eq3A : i32
    %convert_element_type3A = arith.extui %eq3A_0 : i1 to i32
    %cond3A = arith.constant 0 : i32
    %cond3A_1 = arith.cmpi ne, %convert_element_type3A, %cond3A : i32
    scf.if %cond3A_1 {
      %broadcast_in_dim3A_333 = arith.constant 0xFF800000 : f32
      %broadcast_in_dim3A_334 = vector.broadcast %broadcast_in_dim3A_333 : f32 to vector<16x64xf32>
      %swap3A_335 = arith.constant 0 : index
      %swap3A_336 = arith.constant 0 : index
      %swap3A_337 = vector.load %arg11[%swap3A_335, %swap3A_336] : memref<16x64xf32, #tpu.memory_space<vmem>>, vector<16x64xf32>
      tpu.vector_store %arg11[%swap3A_335, %swap3A_336], %broadcast_in_dim3A_334 {strides = array<i32>} : memref<16x64xf32, #tpu.memory_space<vmem>>, vector<16x64xf32>,
      %broadcast_in_dim3A_338 = arith.constant 0.000000e+00 : f32
      %broadcast_in_dim3A_339 = vector.broadcast %broadcast_in_dim3A_338 : f32 to vector<16x64xf32>
      %swap3A_340 = arith.constant 0 : index
      %swap3A_341 = arith.constant 0 : index
      %swap3A_342 = vector.load %arg12[%swap3A_340, %swap3A_341] : memref<16x64xf32, #tpu.memory_space<vmem>>, vector<16x64xf32>
      tpu.vector_store %arg12[%swap3A_340, %swap3A_341], %broadcast_in_dim3A_339 {strides = array<i32>} : memref<16x64xf32, #tpu.memory_space<vmem>>, vector<16x64xf32>,
    } else {
    }
    %get3A = arith.constant 0 : index
    %get3A_2 = arith.constant 0 : index
    %get3A_3 = vector.load %arg1[%get3A, %get3A_2] : memref<512x32xf32, #tpu.memory_space<vmem>>, vector<512x32xf32>
    %get3A_4 = arith.constant 0 : index
    %get3A_5 = arith.constant 0 : index
    %get3A_6 = vector.load %arg2[%get3A_4, %get3A_5] : memref<512x32xf32, #tpu.memory_space<vmem>>, vector<512x32xf32>
    %concatenate3A = tpu.concatenate %get3A_3, %get3A_6 in 1 : vector<512x32xf32>, vector<512x32xf32> -> vector<512x64xf32>
    %get3A_7 = arith.constant 0 : index
    %get3A_8 = arith.constant 0 : index
    %get3A_9 = vector.load %arg3[%get3A_7, %get3A_8] : memref<512x1xf32, #tpu.memory_space<vmem>>, vector<512x1xf32>
    %max3A = arith.constant 1.000000e+00 : f32
    %max3A_10 = vector.broadcast %max3A : f32 to vector<512x1xf32>
    %max3A_11 = arith.maximumf %get3A_9, %max3A_10 : vector<512x1xf32>
    %div3A = vector.broadcast %max3A_11 : vector<512x1xf32> to vector<512x64xf32>
    %div3A_12 = arith.divf %concatenate3A, %div3A : vector<512x64xf32>
    %get3A_13 = arith.constant 0 : index
    %get3A_14 = arith.constant 0 : index
    %get3A_15 = vector.load %arg6[%get3A_13, %get3A_14] : memref<64x64xf32, #tpu.memory_space<vmem>>, vector<64x64xf32>
    %dot_general3A = arith.constant dense<0.000000e+00> : vector<512x64xf32>
    %dot_general3A_16 = tpu.matmul %div3A_12, %get3A_15, %dot_general3A {dimension_numbers = #tpu.dot_dimension_numbers<[1], [0], [0], [1], [0, 0, 1, 1], [], []>, transpose_lhs_hint = false} : vector<512x64xf32>, vector<64x64xf32>, vector<512x64xf32> -> vector<512x64xf32>
    %get3A_17 = arith.constant 0 : index
    %get3A_18 = arith.constant 0 : index
    %get3A_19 = vector.load %arg7[%get3A_17, %get3A_18] : memref<1x64xf32, #tpu.memory_space<vmem>>, vector<1x64xf32>
    %add3A = vector.broadcast %get3A_19 : vector<1x64xf32> to vector<512x64xf32>
    %add3A_20 = arith.addf %dot_general3A_16, %add3A : vector<512x64xf32>
    %get3A_21 = arith.constant 0 : index
    %get3A_22 = arith.constant 0 : index
    %get3A_23 = vector.load %arg4[%get3A_21, %get3A_22] : memref<512x64xf32, #tpu.memory_space<vmem>>, vector<512x64xf32>
    %add3A_24 = arith.addf %add3A_20, %get3A_23 : vector<512x64xf32>
    %max3A_25 = arith.constant 0.000000e+00 : f32
    %max3A_26 = vector.broadcast %max3A_25 : f32 to vector<512x64xf32>
    %max3A_27 = arith.maximumf %add3A_24, %max3A_26 : vector<512x64xf32>
    %get3A_28 = arith.constant 0 : index
    %get3A_29 = arith.constant 0 : index
    %get3A_30 = vector.load %arg5[%get3A_28, %get3A_29] : memref<512x1xi32, #tpu.memory_space<vmem>>, vector<512x1xi32>
    %eq3A_31 = arith.constant 0 : i32
    %eq3A_32 = vector.broadcast %eq3A_31 : i32 to vector<512x1xi32>
    %eq3A_33 = arith.cmpi eq, %get3A_30, %eq3A_32 : vector<512x1xi32>
    %jit3A = arith.constant 0xFF800000 : f32
    %broadcast_in_dim3A = vector.shape_cast %eq3A_33 : vector<512x1xi1> to vector<512x1xi1>
    %broadcast_in_dim3A_34 = vector.broadcast %broadcast_in_dim3A : vector<512x1xi1> to vector<512x64xi1>
    %broadcast_in_dim3A_35 = vector.broadcast %jit3A : f32 to vector<512x64xf32>
    %select_n3A = arith.select %broadcast_in_dim3A_34, %max3A_27, %broadcast_in_dim3A_35 : vector<512x64xi1>, vector<512x64xf32>
    %reduce_max3A = arith.constant dense<0xFF800000> : vector<64xf32>
    %reduce_max3A_36 = vector.multi_reduction <maximumf>, %select_n3A, %reduce_max3A [0] : vector<512x64xf32> to vector<64xf32>
    %broadcast_in_dim3A_37 = vector.shape_cast %reduce_max3A_36 : vector<64xf32> to vector<1x64xf32>
    %get3A_38 = arith.constant 0 : index
    %get3A_39 = arith.constant 0 : index
    %get3A_40 = vector.load %arg11[%get3A_38, %get3A_39] : memref<16x64xf32, #tpu.memory_space<vmem>>, vector<1x64xf32>
    %max3A_41 = arith.maximumf %get3A_40, %broadcast_in_dim3A_37 : vector<1x64xf32>
    %swap3A = arith.constant 0 : index
    %swap3A_42 = arith.constant 0 : index
    %swap3A_43 = vector.load %arg11[%swap3A, %swap3A_42] : memref<16x64xf32, #tpu.memory_space<vmem>>, vector<1x64xf32>
    tpu.vector_store %arg11[%swap3A, %swap3A_42], %max3A_41 {strides = array<i32>} : memref<16x64xf32, #tpu.memory_space<vmem>>, vector<1x64xf32>,
    %eq3A_44 = arith.constant 1 : i32
    %eq3A_45 = vector.broadcast %eq3A_44 : i32 to vector<512x1xi32>
    %eq3A_46 = arith.cmpi eq, %get3A_30, %eq3A_45 : vector<512x1xi32>
    %jit3A_47 = arith.constant 0xFF800000 : f32
    %broadcast_in_dim3A_48 = vector.shape_cast %eq3A_46 : vector<512x1xi1> to vector<512x1xi1>
    %broadcast_in_dim3A_49 = vector.broadcast %broadcast_in_dim3A_48 : vector<512x1xi1> to vector<512x64xi1>
    %broadcast_in_dim3A_50 = vector.broadcast %jit3A_47 : f32 to vector<512x64xf32>
    %select_n3A_51 = arith.select %broadcast_in_dim3A_49, %max3A_27, %broadcast_in_dim3A_50 : vector<512x64xi1>, vector<512x64xf32>
    %reduce_max3A_52 = arith.constant dense<0xFF800000> : vector<64xf32>
    %reduce_max3A_53 = vector.multi_reduction <maximumf>, %select_n3A_51, %reduce_max3A_52 [0] : vector<512x64xf32> to vector<64xf32>
    %broadcast_in_dim3A_54 = vector.shape_cast %reduce_max3A_53 : vector<64xf32> to vector<1x64xf32>
    %get3A_55 = arith.constant 1 : index
    %get3A_56 = arith.constant 0 : index
    %get3A_57 = vector.load %arg11[%get3A_55, %get3A_56] : memref<16x64xf32, #tpu.memory_space<vmem>>, vector<1x64xf32>
    %max3A_58 = arith.maximumf %get3A_57, %broadcast_in_dim3A_54 : vector<1x64xf32>
    %swap3A_59 = arith.constant 1 : index
    %swap3A_60 = arith.constant 0 : index
    %swap3A_61 = vector.load %arg11[%swap3A_59, %swap3A_60] : memref<16x64xf32, #tpu.memory_space<vmem>>, vector<1x64xf32>
    tpu.vector_store %arg11[%swap3A_59, %swap3A_60], %max3A_58 {strides = array<i32>} : memref<16x64xf32, #tpu.memory_space<vmem>>, vector<1x64xf32>,
    %eq3A_62 = arith.constant 2 : i32
    %eq3A_63 = vector.broadcast %eq3A_62 : i32 to vector<512x1xi32>
    %eq3A_64 = arith.cmpi eq, %get3A_30, %eq3A_63 : vector<512x1xi32>
    %jit3A_65 = arith.constant 0xFF800000 : f32
    %broadcast_in_dim3A_66 = vector.shape_cast %eq3A_64 : vector<512x1xi1> to vector<512x1xi1>
    %broadcast_in_dim3A_67 = vector.broadcast %broadcast_in_dim3A_66 : vector<512x1xi1> to vector<512x64xi1>
    %broadcast_in_dim3A_68 = vector.broadcast %jit3A_65 : f32 to vector<512x64xf32>
    %select_n3A_69 = arith.select %broadcast_in_dim3A_67, %max3A_27, %broadcast_in_dim3A_68 : vector<512x64xi1>, vector<512x64xf32>
    %reduce_max3A_70 = arith.constant dense<0xFF800000> : vector<64xf32>
    %reduce_max3A_71 = vector.multi_reduction <maximumf>, %select_n3A_69, %reduce_max3A_70 [0] : vector<512x64xf32> to vector<64xf32>
    %broadcast_in_dim3A_72 = vector.shape_cast %reduce_max3A_71 : vector<64xf32> to vector<1x64xf32>
    %get3A_73 = arith.constant 2 : index
    %get3A_74 = arith.constant 0 : index
    %get3A_75 = vector.load %arg11[%get3A_73, %get3A_74] : memref<16x64xf32, #tpu.memory_space<vmem>>, vector<1x64xf32>
    %max3A_76 = arith.maximumf %get3A_75, %broadcast_in_dim3A_72 : vector<1x64xf32>
    %swap3A_77 = arith.constant 2 : index
    %swap3A_78 = arith.constant 0 : index
    %swap3A_79 = vector.load %arg11[%swap3A_77, %swap3A_78] : memref<16x64xf32, #tpu.memory_space<vmem>>, vector<1x64xf32>
    tpu.vector_store %arg11[%swap3A_77, %swap3A_78], %max3A_76 {strides = array<i32>} : memref<16x64xf32, #tpu.memory_space<vmem>>, vector<1x64xf32>,
    %eq3A_80 = arith.constant 3 : i32
    %eq3A_81 = vector.broadcast %eq3A_80 : i32 to vector<512x1xi32>
    %eq3A_82 = arith.cmpi eq, %get3A_30, %eq3A_81 : vector<512x1xi32>
    %jit3A_83 = arith.constant 0xFF800000 : f32
    %broadcast_in_dim3A_84 = vector.shape_cast %eq3A_82 : vector<512x1xi1> to vector<512x1xi1>
    %broadcast_in_dim3A_85 = vector.broadcast %broadcast_in_dim3A_84 : vector<512x1xi1> to vector<512x64xi1>
    %broadcast_in_dim3A_86 = vector.broadcast %jit3A_83 : f32 to vector<512x64xf32>
    %select_n3A_87 = arith.select %broadcast_in_dim3A_85, %max3A_27, %broadcast_in_dim3A_86 : vector<512x64xi1>, vector<512x64xf32>
    %reduce_max3A_88 = arith.constant dense<0xFF800000> : vector<64xf32>
    %reduce_max3A_89 = vector.multi_reduction <maximumf>, %select_n3A_87, %reduce_max3A_88 [0] : vector<512x64xf32> to vector<64xf32>
    %broadcast_in_dim3A_90 = vector.shape_cast %reduce_max3A_89 : vector<64xf32> to vector<1x64xf32>
    %get3A_91 = arith.constant 3 : index
    %get3A_92 = arith.constant 0 : index
    %get3A_93 = vector.load %arg11[%get3A_91, %get3A_92] : memref<16x64xf32, #tpu.memory_space<vmem>>, vector<1x64xf32>
    %max3A_94 = arith.maximumf %get3A_93, %broadcast_in_dim3A_90 : vector<1x64xf32>
    %swap3A_95 = arith.constant 3 : index
    %swap3A_96 = arith.constant 0 : index
    %swap3A_97 = vector.load %arg11[%swap3A_95, %swap3A_96] : memref<16x64xf32, #tpu.memory_space<vmem>>, vector<1x64xf32>
    tpu.vector_store %arg11[%swap3A_95, %swap3A_96], %max3A_94 {strides = array<i32>} : memref<16x64xf32, #tpu.memory_space<vmem>>, vector<1x64xf32>,
    %eq3A_98 = arith.constant 4 : i32
    %eq3A_99 = vector.broadcast %eq3A_98 : i32 to vector<512x1xi32>
    %eq3A_100 = arith.cmpi eq, %get3A_30, %eq3A_99 : vector<512x1xi32>
    %jit3A_101 = arith.constant 0xFF800000 : f32
    %broadcast_in_dim3A_102 = vector.shape_cast %eq3A_100 : vector<512x1xi1> to vector<512x1xi1>
    %broadcast_in_dim3A_103 = vector.broadcast %broadcast_in_dim3A_102 : vector<512x1xi1> to vector<512x64xi1>
    %broadcast_in_dim3A_104 = vector.broadcast %jit3A_101 : f32 to vector<512x64xf32>
    %select_n3A_105 = arith.select %broadcast_in_dim3A_103, %max3A_27, %broadcast_in_dim3A_104 : vector<512x64xi1>, vector<512x64xf32>
    %reduce_max3A_106 = arith.constant dense<0xFF800000> : vector<64xf32>
    %reduce_max3A_107 = vector.multi_reduction <maximumf>, %select_n3A_105, %reduce_max3A_106 [0] : vector<512x64xf32> to vector<64xf32>
    %broadcast_in_dim3A_108 = vector.shape_cast %reduce_max3A_107 : vector<64xf32> to vector<1x64xf32>
    %get3A_109 = arith.constant 4 : index
    %get3A_110 = arith.constant 0 : index
    %get3A_111 = vector.load %arg11[%get3A_109, %get3A_110] : memref<16x64xf32, #tpu.memory_space<vmem>>, vector<1x64xf32>
    %max3A_112 = arith.maximumf %get3A_111, %broadcast_in_dim3A_108 : vector<1x64xf32>
    %swap3A_113 = arith.constant 4 : index
    %swap3A_114 = arith.constant 0 : index
    %swap3A_115 = vector.load %arg11[%swap3A_113, %swap3A_114] : memref<16x64xf32, #tpu.memory_space<vmem>>, vector<1x64xf32>
    tpu.vector_store %arg11[%swap3A_113, %swap3A_114], %max3A_112 {strides = array<i32>} : memref<16x64xf32, #tpu.memory_space<vmem>>, vector<1x64xf32>,
    %eq3A_116 = arith.constant 5 : i32
    %eq3A_117 = vector.broadcast %eq3A_116 : i32 to vector<512x1xi32>
    %eq3A_118 = arith.cmpi eq, %get3A_30, %eq3A_117 : vector<512x1xi32>
    %jit3A_119 = arith.constant 0xFF800000 : f32
    %broadcast_in_dim3A_120 = vector.shape_cast %eq3A_118 : vector<512x1xi1> to vector<512x1xi1>
    %broadcast_in_dim3A_121 = vector.broadcast %broadcast_in_dim3A_120 : vector<512x1xi1> to vector<512x64xi1>
    %broadcast_in_dim3A_122 = vector.broadcast %jit3A_119 : f32 to vector<512x64xf32>
    %select_n3A_123 = arith.select %broadcast_in_dim3A_121, %max3A_27, %broadcast_in_dim3A_122 : vector<512x64xi1>, vector<512x64xf32>
    %reduce_max3A_124 = arith.constant dense<0xFF800000> : vector<64xf32>
    %reduce_max3A_125 = vector.multi_reduction <maximumf>, %select_n3A_123, %reduce_max3A_124 [0] : vector<512x64xf32> to vector<64xf32>
    %broadcast_in_dim3A_126 = vector.shape_cast %reduce_max3A_125 : vector<64xf32> to vector<1x64xf32>
    %get3A_127 = arith.constant 5 : index
    %get3A_128 = arith.constant 0 : index
    %get3A_129 = vector.load %arg11[%get3A_127, %get3A_128] : memref<16x64xf32, #tpu.memory_space<vmem>>, vector<1x64xf32>
    %max3A_130 = arith.maximumf %get3A_129, %broadcast_in_dim3A_126 : vector<1x64xf32>
    %swap3A_131 = arith.constant 5 : index
    %swap3A_132 = arith.constant 0 : index
    %swap3A_133 = vector.load %arg11[%swap3A_131, %swap3A_132] : memref<16x64xf32, #tpu.memory_space<vmem>>, vector<1x64xf32>
    tpu.vector_store %arg11[%swap3A_131, %swap3A_132], %max3A_130 {strides = array<i32>} : memref<16x64xf32, #tpu.memory_space<vmem>>, vector<1x64xf32>,
    %eq3A_134 = arith.constant 6 : i32
    %eq3A_135 = vector.broadcast %eq3A_134 : i32 to vector<512x1xi32>
    %eq3A_136 = arith.cmpi eq, %get3A_30, %eq3A_135 : vector<512x1xi32>
    %jit3A_137 = arith.constant 0xFF800000 : f32
    %broadcast_in_dim3A_138 = vector.shape_cast %eq3A_136 : vector<512x1xi1> to vector<512x1xi1>
    %broadcast_in_dim3A_139 = vector.broadcast %broadcast_in_dim3A_138 : vector<512x1xi1> to vector<512x64xi1>
    %broadcast_in_dim3A_140 = vector.broadcast %jit3A_137 : f32 to vector<512x64xf32>
    %select_n3A_141 = arith.select %broadcast_in_dim3A_139, %max3A_27, %broadcast_in_dim3A_140 : vector<512x64xi1>, vector<512x64xf32>
    %reduce_max3A_142 = arith.constant dense<0xFF800000> : vector<64xf32>
    %reduce_max3A_143 = vector.multi_reduction <maximumf>, %select_n3A_141, %reduce_max3A_142 [0] : vector<512x64xf32> to vector<64xf32>
    %broadcast_in_dim3A_144 = vector.shape_cast %reduce_max3A_143 : vector<64xf32> to vector<1x64xf32>
    %get3A_145 = arith.constant 6 : index
    %get3A_146 = arith.constant 0 : index
    %get3A_147 = vector.load %arg11[%get3A_145, %get3A_146] : memref<16x64xf32, #tpu.memory_space<vmem>>, vector<1x64xf32>
    %max3A_148 = arith.maximumf %get3A_147, %broadcast_in_dim3A_144 : vector<1x64xf32>
    %swap3A_149 = arith.constant 6 : index
    %swap3A_150 = arith.constant 0 : index
    %swap3A_151 = vector.load %arg11[%swap3A_149, %swap3A_150] : memref<16x64xf32, #tpu.memory_space<vmem>>, vector<1x64xf32>
    tpu.vector_store %arg11[%swap3A_149, %swap3A_150], %max3A_148 {strides = array<i32>} : memref<16x64xf32, #tpu.memory_space<vmem>>, vector<1x64xf32>,
    %eq3A_152 = arith.constant 7 : i32
    %eq3A_153 = vector.broadcast %eq3A_152 : i32 to vector<512x1xi32>
    %eq3A_154 = arith.cmpi eq, %get3A_30, %eq3A_153 : vector<512x1xi32>
    %jit3A_155 = arith.constant 0xFF800000 : f32
    %broadcast_in_dim3A_156 = vector.shape_cast %eq3A_154 : vector<512x1xi1> to vector<512x1xi1>
    %broadcast_in_dim3A_157 = vector.broadcast %broadcast_in_dim3A_156 : vector<512x1xi1> to vector<512x64xi1>
    %broadcast_in_dim3A_158 = vector.broadcast %jit3A_155 : f32 to vector<512x64xf32>
    %select_n3A_159 = arith.select %broadcast_in_dim3A_157, %max3A_27, %broadcast_in_dim3A_158 : vector<512x64xi1>, vector<512x64xf32>
    %reduce_max3A_160 = arith.constant dense<0xFF800000> : vector<64xf32>
    %reduce_max3A_161 = vector.multi_reduction <maximumf>, %select_n3A_159, %reduce_max3A_160 [0] : vector<512x64xf32> to vector<64xf32>
    %broadcast_in_dim3A_162 = vector.shape_cast %reduce_max3A_161 : vector<64xf32> to vector<1x64xf32>
    %get3A_163 = arith.constant 7 : index
    %get3A_164 = arith.constant 0 : index
    %get3A_165 = vector.load %arg11[%get3A_163, %get3A_164] : memref<16x64xf32, #tpu.memory_space<vmem>>, vector<1x64xf32>
    %max3A_166 = arith.maximumf %get3A_165, %broadcast_in_dim3A_162 : vector<1x64xf32>
    %swap3A_167 = arith.constant 7 : index
    %swap3A_168 = arith.constant 0 : index
    %swap3A_169 = vector.load %arg11[%swap3A_167, %swap3A_168] : memref<16x64xf32, #tpu.memory_space<vmem>>, vector<1x64xf32>
    tpu.vector_store %arg11[%swap3A_167, %swap3A_168], %max3A_166 {strides = array<i32>} : memref<16x64xf32, #tpu.memory_space<vmem>>, vector<1x64xf32>,
    %eq3A_170 = arith.constant 8 : i32
    %eq3A_171 = vector.broadcast %eq3A_170 : i32 to vector<512x1xi32>
    %eq3A_172 = arith.cmpi eq, %get3A_30, %eq3A_171 : vector<512x1xi32>
    %jit3A_173 = arith.constant 0xFF800000 : f32
    %broadcast_in_dim3A_174 = vector.shape_cast %eq3A_172 : vector<512x1xi1> to vector<512x1xi1>
    %broadcast_in_dim3A_175 = vector.broadcast %broadcast_in_dim3A_174 : vector<512x1xi1> to vector<512x64xi1>
    %broadcast_in_dim3A_176 = vector.broadcast %jit3A_173 : f32 to vector<512x64xf32>
    %select_n3A_177 = arith.select %broadcast_in_dim3A_175, %max3A_27, %broadcast_in_dim3A_176 : vector<512x64xi1>, vector<512x64xf32>
    %reduce_max3A_178 = arith.constant dense<0xFF800000> : vector<64xf32>
    %reduce_max3A_179 = vector.multi_reduction <maximumf>, %select_n3A_177, %reduce_max3A_178 [0] : vector<512x64xf32> to vector<64xf32>
    %broadcast_in_dim3A_180 = vector.shape_cast %reduce_max3A_179 : vector<64xf32> to vector<1x64xf32>
    %get3A_181 = arith.constant 8 : index
    %get3A_182 = arith.constant 0 : index
    %get3A_183 = vector.load %arg11[%get3A_181, %get3A_182] : memref<16x64xf32, #tpu.memory_space<vmem>>, vector<1x64xf32>
    %max3A_184 = arith.maximumf %get3A_183, %broadcast_in_dim3A_180 : vector<1x64xf32>
    %swap3A_185 = arith.constant 8 : index
    %swap3A_186 = arith.constant 0 : index
    %swap3A_187 = vector.load %arg11[%swap3A_185, %swap3A_186] : memref<16x64xf32, #tpu.memory_space<vmem>>, vector<1x64xf32>
    tpu.vector_store %arg11[%swap3A_185, %swap3A_186], %max3A_184 {strides = array<i32>} : memref<16x64xf32, #tpu.memory_space<vmem>>, vector<1x64xf32>,
    %eq3A_188 = arith.constant 9 : i32
    %eq3A_189 = vector.broadcast %eq3A_188 : i32 to vector<512x1xi32>
    %eq3A_190 = arith.cmpi eq, %get3A_30, %eq3A_189 : vector<512x1xi32>
    %jit3A_191 = arith.constant 0xFF800000 : f32
    %broadcast_in_dim3A_192 = vector.shape_cast %eq3A_190 : vector<512x1xi1> to vector<512x1xi1>
    %broadcast_in_dim3A_193 = vector.broadcast %broadcast_in_dim3A_192 : vector<512x1xi1> to vector<512x64xi1>
    %broadcast_in_dim3A_194 = vector.broadcast %jit3A_191 : f32 to vector<512x64xf32>
    %select_n3A_195 = arith.select %broadcast_in_dim3A_193, %max3A_27, %broadcast_in_dim3A_194 : vector<512x64xi1>, vector<512x64xf32>
    %reduce_max3A_196 = arith.constant dense<0xFF800000> : vector<64xf32>
    %reduce_max3A_197 = vector.multi_reduction <maximumf>, %select_n3A_195, %reduce_max3A_196 [0] : vector<512x64xf32> to vector<64xf32>
    %broadcast_in_dim3A_198 = vector.shape_cast %reduce_max3A_197 : vector<64xf32> to vector<1x64xf32>
    %get3A_199 = arith.constant 9 : index
    %get3A_200 = arith.constant 0 : index
    %get3A_201 = vector.load %arg11[%get3A_199, %get3A_200] : memref<16x64xf32, #tpu.memory_space<vmem>>, vector<1x64xf32>
    %max3A_202 = arith.maximumf %get3A_201, %broadcast_in_dim3A_198 : vector<1x64xf32>
    %swap3A_203 = arith.constant 9 : index
    %swap3A_204 = arith.constant 0 : index
    %swap3A_205 = vector.load %arg11[%swap3A_203, %swap3A_204] : memref<16x64xf32, #tpu.memory_space<vmem>>, vector<1x64xf32>
    tpu.vector_store %arg11[%swap3A_203, %swap3A_204], %max3A_202 {strides = array<i32>} : memref<16x64xf32, #tpu.memory_space<vmem>>, vector<1x64xf32>,
    %eq3A_206 = arith.constant 10 : i32
    %eq3A_207 = vector.broadcast %eq3A_206 : i32 to vector<512x1xi32>
    %eq3A_208 = arith.cmpi eq, %get3A_30, %eq3A_207 : vector<512x1xi32>
    %jit3A_209 = arith.constant 0xFF800000 : f32
    %broadcast_in_dim3A_210 = vector.shape_cast %eq3A_208 : vector<512x1xi1> to vector<512x1xi1>
    %broadcast_in_dim3A_211 = vector.broadcast %broadcast_in_dim3A_210 : vector<512x1xi1> to vector<512x64xi1>
    %broadcast_in_dim3A_212 = vector.broadcast %jit3A_209 : f32 to vector<512x64xf32>
    %select_n3A_213 = arith.select %broadcast_in_dim3A_211, %max3A_27, %broadcast_in_dim3A_212 : vector<512x64xi1>, vector<512x64xf32>
    %reduce_max3A_214 = arith.constant dense<0xFF800000> : vector<64xf32>
    %reduce_max3A_215 = vector.multi_reduction <maximumf>, %select_n3A_213, %reduce_max3A_214 [0] : vector<512x64xf32> to vector<64xf32>
    %broadcast_in_dim3A_216 = vector.shape_cast %reduce_max3A_215 : vector<64xf32> to vector<1x64xf32>
    %get3A_217 = arith.constant 10 : index
    %get3A_218 = arith.constant 0 : index
    %get3A_219 = vector.load %arg11[%get3A_217, %get3A_218] : memref<16x64xf32, #tpu.memory_space<vmem>>, vector<1x64xf32>
    %max3A_220 = arith.maximumf %get3A_219, %broadcast_in_dim3A_216 : vector<1x64xf32>
    %swap3A_221 = arith.constant 10 : index
    %swap3A_222 = arith.constant 0 : index
    %swap3A_223 = vector.load %arg11[%swap3A_221, %swap3A_222] : memref<16x64xf32, #tpu.memory_space<vmem>>, vector<1x64xf32>
    tpu.vector_store %arg11[%swap3A_221, %swap3A_222], %max3A_220 {strides = array<i32>} : memref<16x64xf32, #tpu.memory_space<vmem>>, vector<1x64xf32>,
    %eq3A_224 = arith.constant 11 : i32
    %eq3A_225 = vector.broadcast %eq3A_224 : i32 to vector<512x1xi32>
    %eq3A_226 = arith.cmpi eq, %get3A_30, %eq3A_225 : vector<512x1xi32>
    %jit3A_227 = arith.constant 0xFF800000 : f32
    %broadcast_in_dim3A_228 = vector.shape_cast %eq3A_226 : vector<512x1xi1> to vector<512x1xi1>
    %broadcast_in_dim3A_229 = vector.broadcast %broadcast_in_dim3A_228 : vector<512x1xi1> to vector<512x64xi1>
    %broadcast_in_dim3A_230 = vector.broadcast %jit3A_227 : f32 to vector<512x64xf32>
    %select_n3A_231 = arith.select %broadcast_in_dim3A_229, %max3A_27, %broadcast_in_dim3A_230 : vector<512x64xi1>, vector<512x64xf32>
    %reduce_max3A_232 = arith.constant dense<0xFF800000> : vector<64xf32>
    %reduce_max3A_233 = vector.multi_reduction <maximumf>, %select_n3A_231, %reduce_max3A_232 [0] : vector<512x64xf32> to vector<64xf32>
    %broadcast_in_dim3A_234 = vector.shape_cast %reduce_max3A_233 : vector<64xf32> to vector<1x64xf32>
    %get3A_235 = arith.constant 11 : index
    %get3A_236 = arith.constant 0 : index
    %get3A_237 = vector.load %arg11[%get3A_235, %get3A_236] : memref<16x64xf32, #tpu.memory_space<vmem>>, vector<1x64xf32>
    %max3A_238 = arith.maximumf %get3A_237, %broadcast_in_dim3A_234 : vector<1x64xf32>
    %swap3A_239 = arith.constant 11 : index
    %swap3A_240 = arith.constant 0 : index
    %swap3A_241 = vector.load %arg11[%swap3A_239, %swap3A_240] : memref<16x64xf32, #tpu.memory_space<vmem>>, vector<1x64xf32>
    tpu.vector_store %arg11[%swap3A_239, %swap3A_240], %max3A_238 {strides = array<i32>} : memref<16x64xf32, #tpu.memory_space<vmem>>, vector<1x64xf32>,
    %eq3A_242 = arith.constant 12 : i32
    %eq3A_243 = vector.broadcast %eq3A_242 : i32 to vector<512x1xi32>
    %eq3A_244 = arith.cmpi eq, %get3A_30, %eq3A_243 : vector<512x1xi32>
    %jit3A_245 = arith.constant 0xFF800000 : f32
    %broadcast_in_dim3A_246 = vector.shape_cast %eq3A_244 : vector<512x1xi1> to vector<512x1xi1>
    %broadcast_in_dim3A_247 = vector.broadcast %broadcast_in_dim3A_246 : vector<512x1xi1> to vector<512x64xi1>
    %broadcast_in_dim3A_248 = vector.broadcast %jit3A_245 : f32 to vector<512x64xf32>
    %select_n3A_249 = arith.select %broadcast_in_dim3A_247, %max3A_27, %broadcast_in_dim3A_248 : vector<512x64xi1>, vector<512x64xf32>
    %reduce_max3A_250 = arith.constant dense<0xFF800000> : vector<64xf32>
    %reduce_max3A_251 = vector.multi_reduction <maximumf>, %select_n3A_249, %reduce_max3A_250 [0] : vector<512x64xf32> to vector<64xf32>
    %broadcast_in_dim3A_252 = vector.shape_cast %reduce_max3A_251 : vector<64xf32> to vector<1x64xf32>
    %get3A_253 = arith.constant 12 : index
    %get3A_254 = arith.constant 0 : index
    %get3A_255 = vector.load %arg11[%get3A_253, %get3A_254] : memref<16x64xf32, #tpu.memory_space<vmem>>, vector<1x64xf32>
    %max3A_256 = arith.maximumf %get3A_255, %broadcast_in_dim3A_252 : vector<1x64xf32>
    %swap3A_257 = arith.constant 12 : index
    %swap3A_258 = arith.constant 0 : index
    %swap3A_259 = vector.load %arg11[%swap3A_257, %swap3A_258] : memref<16x64xf32, #tpu.memory_space<vmem>>, vector<1x64xf32>
    tpu.vector_store %arg11[%swap3A_257, %swap3A_258], %max3A_256 {strides = array<i32>} : memref<16x64xf32, #tpu.memory_space<vmem>>, vector<1x64xf32>,
    %eq3A_260 = arith.constant 13 : i32
    %eq3A_261 = vector.broadcast %eq3A_260 : i32 to vector<512x1xi32>
    %eq3A_262 = arith.cmpi eq, %get3A_30, %eq3A_261 : vector<512x1xi32>
    %jit3A_263 = arith.constant 0xFF800000 : f32
    %broadcast_in_dim3A_264 = vector.shape_cast %eq3A_262 : vector<512x1xi1> to vector<512x1xi1>
    %broadcast_in_dim3A_265 = vector.broadcast %broadcast_in_dim3A_264 : vector<512x1xi1> to vector<512x64xi1>
    %broadcast_in_dim3A_266 = vector.broadcast %jit3A_263 : f32 to vector<512x64xf32>
    %select_n3A_267 = arith.select %broadcast_in_dim3A_265, %max3A_27, %broadcast_in_dim3A_266 : vector<512x64xi1>, vector<512x64xf32>
    %reduce_max3A_268 = arith.constant dense<0xFF800000> : vector<64xf32>
    %reduce_max3A_269 = vector.multi_reduction <maximumf>, %select_n3A_267, %reduce_max3A_268 [0] : vector<512x64xf32> to vector<64xf32>
    %broadcast_in_dim3A_270 = vector.shape_cast %reduce_max3A_269 : vector<64xf32> to vector<1x64xf32>
    %get3A_271 = arith.constant 13 : index
    %get3A_272 = arith.constant 0 : index
    %get3A_273 = vector.load %arg11[%get3A_271, %get3A_272] : memref<16x64xf32, #tpu.memory_space<vmem>>, vector<1x64xf32>
    %max3A_274 = arith.maximumf %get3A_273, %broadcast_in_dim3A_270 : vector<1x64xf32>
    %swap3A_275 = arith.constant 13 : index
    %swap3A_276 = arith.constant 0 : index
    %swap3A_277 = vector.load %arg11[%swap3A_275, %swap3A_276] : memref<16x64xf32, #tpu.memory_space<vmem>>, vector<1x64xf32>
    tpu.vector_store %arg11[%swap3A_275, %swap3A_276], %max3A_274 {strides = array<i32>} : memref<16x64xf32, #tpu.memory_space<vmem>>, vector<1x64xf32>,
    %eq3A_278 = arith.constant 14 : i32
    %eq3A_279 = vector.broadcast %eq3A_278 : i32 to vector<512x1xi32>
    %eq3A_280 = arith.cmpi eq, %get3A_30, %eq3A_279 : vector<512x1xi32>
    %jit3A_281 = arith.constant 0xFF800000 : f32
    %broadcast_in_dim3A_282 = vector.shape_cast %eq3A_280 : vector<512x1xi1> to vector<512x1xi1>
    %broadcast_in_dim3A_283 = vector.broadcast %broadcast_in_dim3A_282 : vector<512x1xi1> to vector<512x64xi1>
    %broadcast_in_dim3A_284 = vector.broadcast %jit3A_281 : f32 to vector<512x64xf32>
    %select_n3A_285 = arith.select %broadcast_in_dim3A_283, %max3A_27, %broadcast_in_dim3A_284 : vector<512x64xi1>, vector<512x64xf32>
    %reduce_max3A_286 = arith.constant dense<0xFF800000> : vector<64xf32>
    %reduce_max3A_287 = vector.multi_reduction <maximumf>, %select_n3A_285, %reduce_max3A_286 [0] : vector<512x64xf32> to vector<64xf32>
    %broadcast_in_dim3A_288 = vector.shape_cast %reduce_max3A_287 : vector<64xf32> to vector<1x64xf32>
    %get3A_289 = arith.constant 14 : index
    %get3A_290 = arith.constant 0 : index
    %get3A_291 = vector.load %arg11[%get3A_289, %get3A_290] : memref<16x64xf32, #tpu.memory_space<vmem>>, vector<1x64xf32>
    %max3A_292 = arith.maximumf %get3A_291, %broadcast_in_dim3A_288 : vector<1x64xf32>
    %swap3A_293 = arith.constant 14 : index
    %swap3A_294 = arith.constant 0 : index
    %swap3A_295 = vector.load %arg11[%swap3A_293, %swap3A_294] : memref<16x64xf32, #tpu.memory_space<vmem>>, vector<1x64xf32>
    tpu.vector_store %arg11[%swap3A_293, %swap3A_294], %max3A_292 {strides = array<i32>} : memref<16x64xf32, #tpu.memory_space<vmem>>, vector<1x64xf32>,
    %eq3A_296 = arith.constant 15 : i32
    %eq3A_297 = vector.broadcast %eq3A_296 : i32 to vector<512x1xi32>
    %eq3A_298 = arith.cmpi eq, %get3A_30, %eq3A_297 : vector<512x1xi32>
    %jit3A_299 = arith.constant 0xFF800000 : f32
    %broadcast_in_dim3A_300 = vector.shape_cast %eq3A_298 : vector<512x1xi1> to vector<512x1xi1>
    %broadcast_in_dim3A_301 = vector.broadcast %broadcast_in_dim3A_300 : vector<512x1xi1> to vector<512x64xi1>
    %broadcast_in_dim3A_302 = vector.broadcast %jit3A_299 : f32 to vector<512x64xf32>
    %select_n3A_303 = arith.select %broadcast_in_dim3A_301, %max3A_27, %broadcast_in_dim3A_302 : vector<512x64xi1>, vector<512x64xf32>
    %reduce_max3A_304 = arith.constant dense<0xFF800000> : vector<64xf32>
    %reduce_max3A_305 = vector.multi_reduction <maximumf>, %select_n3A_303, %reduce_max3A_304 [0] : vector<512x64xf32> to vector<64xf32>
    %broadcast_in_dim3A_306 = vector.shape_cast %reduce_max3A_305 : vector<64xf32> to vector<1x64xf32>
    %get3A_307 = arith.constant 15 : index
    %get3A_308 = arith.constant 0 : index
    %get3A_309 = vector.load %arg11[%get3A_307, %get3A_308] : memref<16x64xf32, #tpu.memory_space<vmem>>, vector<1x64xf32>
    %max3A_310 = arith.maximumf %get3A_309, %broadcast_in_dim3A_306 : vector<1x64xf32>
    %swap3A_311 = arith.constant 15 : index
    %swap3A_312 = arith.constant 0 : index
    %swap3A_313 = vector.load %arg11[%swap3A_311, %swap3A_312] : memref<16x64xf32, #tpu.memory_space<vmem>>, vector<1x64xf32>
    tpu.vector_store %arg11[%swap3A_311, %swap3A_312], %max3A_310 {strides = array<i32>} : memref<16x64xf32, #tpu.memory_space<vmem>>, vector<1x64xf32>,
    %iota3A = tpu.iota {dimensions = array<i32: 1>} : vector<1x16xi32>
    %eq3A_314 = vector.broadcast %get3A_30 : vector<512x1xi32> to vector<512x16xi32>
    %eq3A_315 = vector.broadcast %iota3A : vector<1x16xi32> to vector<512x16xi32>
    %eq3A_316 = arith.cmpi eq, %eq3A_314, %eq3A_315 : vector<512x16xi32>
    %convert_element_type3A_317 = arith.extui %eq3A_316 : vector<512x16xi1> to vector<512x16xi32>
    %convert_element_type3A_318 = arith.sitofp %convert_element_type3A_317 : vector<512x16xi32> to vector<512x16xf32>
    %get3A_319 = arith.constant 0 : index
    %get3A_320 = arith.constant 0 : index
    %get3A_321 = vector.load %arg12[%get3A_319, %get3A_320] : memref<16x64xf32, #tpu.memory_space<vmem>>, vector<16x64xf32>
    %dot_general3A_322 = arith.constant dense<0.000000e+00> : vector<16x64xf32>
    %dot_general3A_323 = tpu.matmul %convert_element_type3A_318, %max3A_27, %dot_general3A_322 {dimension_numbers = #tpu.dot_dimension_numbers<[0], [0], [1], [1], [0, 1, 1, 1], [], []>, transpose_lhs_hint = false} : vector<512x16xf32>, vector<512x64xf32>, vector<16x64xf32> -> vector<16x64xf32>
    %add3A_324 = arith.addf %get3A_321, %dot_general3A_323 : vector<16x64xf32>
    %swap3A_325 = arith.constant 0 : index
    %swap3A_326 = arith.constant 0 : index
    %swap3A_327 = vector.load %arg12[%swap3A_325, %swap3A_326] : memref<16x64xf32, #tpu.memory_space<vmem>>, vector<16x64xf32>
    tpu.vector_store %arg12[%swap3A_325, %swap3A_326], %add3A_324 {strides = array<i32>} : memref<16x64xf32, #tpu.memory_space<vmem>>, vector<16x64xf32>,
    %eq3A_328 = arith.constant 97 : i32
    %eq3A_329 = arith.cmpi eq, %arg0, %eq3A_328 : i32
    %convert_element_type3A_330 = arith.extui %eq3A_329 : i1 to i32
    %cond3A_331 = arith.constant 0 : i32
    %cond3A_332 = arith.cmpi ne, %convert_element_type3A_330, %cond3A_331 : i32
    scf.if %cond3A_332 {
      %get3A_333 = arith.constant 0 : index
      %get3A_334 = arith.constant 0 : index
      %get3A_335 = vector.load %arg11[%get3A_333, %get3A_334] : memref<16x64xf32, #tpu.memory_space<vmem>>, vector<16x64xf32>
      %is_finite3A = tpu.weird %get3A_335 : vector<16x64xf32> -> vector<16x64xi1>
      %is_finite3A_336 = arith.constant dense<true> : vector<16x64xi1>
      %is_finite3A_337 = arith.xori %is_finite3A, %is_finite3A_336 : vector<16x64xi1>
      %jit3A_338 = arith.constant 0.000000e+00 : f32
      %broadcast_in_dim3A_339 = vector.broadcast %jit3A_338 : f32 to vector<16x64xf32>
      %select_n3A_340 = arith.select %is_finite3A_337, %get3A_335, %broadcast_in_dim3A_339 : vector<16x64xi1>, vector<16x64xf32>
      %swap3A_341 = arith.constant 0 : index
      %swap3A_342 = arith.constant 0 : index
      %swap3A_343 = vector.load %arg9[%swap3A_341, %swap3A_342] : memref<16x64xf32, #tpu.memory_space<vmem>>, vector<16x64xf32>
      tpu.vector_store %arg9[%swap3A_341, %swap3A_342], %select_n3A_340 {strides = array<i32>} : memref<16x64xf32, #tpu.memory_space<vmem>>, vector<16x64xf32>,
      %get3A_344 = arith.constant 0 : index
      %get3A_345 = arith.constant 0 : index
      %get3A_346 = vector.load %arg12[%get3A_344, %get3A_345] : memref<16x64xf32, #tpu.memory_space<vmem>>, vector<16x64xf32>
      %get3A_347 = arith.constant 0 : index
      %get3A_348 = arith.constant 0 : index
      %get3A_349 = vector.load %arg8[%get3A_347, %get3A_348] : memref<16x1xf32, #tpu.memory_space<vmem>>, vector<16x1xf32>
      %div3A_350 = vector.broadcast %get3A_349 : vector<16x1xf32> to vector<16x64xf32>
      %div3A_351 = arith.divf %get3A_346, %div3A_350 : vector<16x64xf32>
      %swap3A_352 = arith.constant 0 : index
      %swap3A_353 = arith.constant 0 : index
      %swap3A_354 = vector.load %arg10[%swap3A_352, %swap3A_353] : memref<16x64xf32, #tpu.memory_space<vmem>>, vector<16x64xf32>
      tpu.vector_store %arg10[%swap3A_352, %swap3A_353], %div3A_351 {strides = array<i32>} : memref<16x64xf32, #tpu.memory_space<vmem>>, vector<16x64xf32>,
    } else {
    }
    return
  }
  func.func @transform_0(%arg0: i32) -> (i32, i32) {
    %c0_i32 = arith.constant 0 : i32
    %c0_i32_0 = arith.constant 0 : i32
    return %arg0, %c0_i32 : i32, i32
  }
  func.func @transform_1(%arg0: i32) -> (i32, i32) {
    %c0_i32 = arith.constant 0 : i32
    %c0_i32_0 = arith.constant 0 : i32
    return %arg0, %c0_i32 : i32, i32
  }
  func.func @transform_2(%arg0: i32) -> (i32, i32) {
    %c0_i32 = arith.constant 0 : i32
    %c0_i32_0 = arith.constant 0 : i32
    return %arg0, %c0_i32 : i32, i32
  }
  func.func @transform_3(%arg0: i32) -> (i32, i32) {
    %c0_i32 = arith.constant 0 : i32
    %c0_i32_0 = arith.constant 0 : i32
    return %arg0, %c0_i32 : i32, i32
  }
  func.func @transform_4(%arg0: i32) -> (i32, i32) {
    %c0_i32 = arith.constant 0 : i32
    %c0_i32_0 = arith.constant 0 : i32
    return %arg0, %c0_i32 : i32, i32
  }
  func.func @transform_5(%arg0: i32) -> (i32, i32) {
    %c0_i32 = arith.constant 0 : i32
    %c0_i32_0 = arith.constant 0 : i32
    %c0_i32_1 = arith.constant 0 : i32
    return %c0_i32, %c0_i32_0 : i32, i32
  }
  func.func @transform_6(%arg0: i32) -> (i32, i32) {
    %c0_i32 = arith.constant 0 : i32
    %c0_i32_0 = arith.constant 0 : i32
    %c0_i32_1 = arith.constant 0 : i32
    return %c0_i32, %c0_i32_0 : i32, i32
  }
  func.func @transform_7(%arg0: i32) -> (i32, i32) {
    %c0_i32 = arith.constant 0 : i32
    %c0_i32_0 = arith.constant 0 : i32
    %c0_i32_1 = arith.constant 0 : i32
    return %c0_i32, %c0_i32_0 : i32, i32
  }
  func.func @transform_8(%arg0: i32) -> (i32, i32) {
    %c0_i32 = arith.constant 0 : i32
    %c0_i32_0 = arith.constant 0 : i32
    %c0_i32_1 = arith.constant 0 : i32
    return %c0_i32, %c0_i32_0 : i32, i32
  }
  func.func @transform_9(%arg0: i32) -> (i32, i32) {
    %c0_i32 = arith.constant 0 : i32
    %c0_i32_0 = arith.constant 0 : i32
    %c0_i32_1 = arith.constant 0 : i32
    return %c0_i32, %c0_i32_0 : i32, i32
  }
}

module attributes {stable_mosaic.version = 14 : i64} {
  func.func @_d_body(%arg0: memref<16x64xf32, #tpu.memory_space<vmem>>, %arg1: memref<16x64xf32, #tpu.memory_space<vmem>>, %arg2: memref<128x2048xf32, #tpu.memory_space<vmem>>, %arg3: memref<1x2048xf32, #tpu.memory_space<vmem>>, %arg4: memref<2048x1024xf32, #tpu.memory_space<vmem>>, %arg5: memref<1x1024xf32, #tpu.memory_space<vmem>>, %arg6: memref<1024x3xf32, #tpu.memory_space<vmem>>, %arg7: memref<1x3xf32, #tpu.memory_space<vmem>>, %arg8: memref<16x3xf32, #tpu.memory_space<vmem>>) attributes {dimension_semantics = [], scalar_prefetch = 0 : i64, scratch_operands = 0 : i64, tpu.core_type = #tpu.core_type<tc>} {
    %get3A = arith.constant 0 : index
    %get3A_0 = arith.constant 0 : index
    %get3A_1 = vector.load %arg0[%get3A, %get3A_0] : memref<16x64xf32, #tpu.memory_space<vmem>>, vector<16x64xf32>
    %get3A_2 = arith.constant 0 : index
    %get3A_3 = arith.constant 0 : index
    %get3A_4 = vector.load %arg1[%get3A_2, %get3A_3] : memref<16x64xf32, #tpu.memory_space<vmem>>, vector<16x64xf32>
    %concatenate3A = tpu.concatenate %get3A_1, %get3A_4 in 1 : vector<16x64xf32>, vector<16x64xf32> -> vector<16x128xf32>
    %get3A_5 = arith.constant 0 : index
    %get3A_6 = arith.constant 0 : index
    %get3A_7 = vector.load %arg2[%get3A_5, %get3A_6] : memref<128x2048xf32, #tpu.memory_space<vmem>>, vector<128x2048xf32>
    %dot_general3A = arith.constant dense<0.000000e+00> : vector<16x2048xf32>
    %dot_general3A_8 = tpu.matmul %concatenate3A, %get3A_7, %dot_general3A {dimension_numbers = #tpu.dot_dimension_numbers<[1], [0], [0], [1], [0, 0, 1, 1], [], []>, transpose_lhs_hint = false} : vector<16x128xf32>, vector<128x2048xf32>, vector<16x2048xf32> -> vector<16x2048xf32>
    %get3A_9 = arith.constant 0 : index
    %get3A_10 = arith.constant 0 : index
    %get3A_11 = vector.load %arg3[%get3A_9, %get3A_10] : memref<1x2048xf32, #tpu.memory_space<vmem>>, vector<1x2048xf32>
    %add3A = vector.broadcast %get3A_11 : vector<1x2048xf32> to vector<16x2048xf32>
    %add3A_12 = arith.addf %dot_general3A_8, %add3A : vector<16x2048xf32>
    %max3A = arith.constant 0.000000e+00 : f32
    %max3A_13 = vector.broadcast %max3A : f32 to vector<16x2048xf32>
    %max3A_14 = arith.maximumf %add3A_12, %max3A_13 : vector<16x2048xf32>
    %get3A_15 = arith.constant 0 : index
    %get3A_16 = arith.constant 0 : index
    %get3A_17 = vector.load %arg4[%get3A_15, %get3A_16] : memref<2048x1024xf32, #tpu.memory_space<vmem>>, vector<2048x1024xf32>
    %dot_general3A_18 = arith.constant dense<0.000000e+00> : vector<16x1024xf32>
    %dot_general3A_19 = tpu.matmul %max3A_14, %get3A_17, %dot_general3A_18 {dimension_numbers = #tpu.dot_dimension_numbers<[1], [0], [0], [1], [0, 0, 1, 1], [], []>, transpose_lhs_hint = false} : vector<16x2048xf32>, vector<2048x1024xf32>, vector<16x1024xf32> -> vector<16x1024xf32>
    %get3A_20 = arith.constant 0 : index
    %get3A_21 = arith.constant 0 : index
    %get3A_22 = vector.load %arg5[%get3A_20, %get3A_21] : memref<1x1024xf32, #tpu.memory_space<vmem>>, vector<1x1024xf32>
    %add3A_23 = vector.broadcast %get3A_22 : vector<1x1024xf32> to vector<16x1024xf32>
    %add3A_24 = arith.addf %dot_general3A_19, %add3A_23 : vector<16x1024xf32>
    %max3A_25 = arith.constant 0.000000e+00 : f32
    %max3A_26 = vector.broadcast %max3A_25 : f32 to vector<16x1024xf32>
    %max3A_27 = arith.maximumf %add3A_24, %max3A_26 : vector<16x1024xf32>
    %get3A_28 = arith.constant 0 : index
    %get3A_29 = arith.constant 0 : index
    %get3A_30 = vector.load %arg6[%get3A_28, %get3A_29] : memref<1024x3xf32, #tpu.memory_space<vmem>>, vector<1024x3xf32>
    %dot_general3A_31 = arith.constant dense<0.000000e+00> : vector<16x3xf32>
    %dot_general3A_32 = tpu.matmul %max3A_27, %get3A_30, %dot_general3A_31 {dimension_numbers = #tpu.dot_dimension_numbers<[1], [0], [0], [1], [0, 0, 1, 1], [], []>, transpose_lhs_hint = false} : vector<16x1024xf32>, vector<1024x3xf32>, vector<16x3xf32> -> vector<16x3xf32>
    %get3A_33 = arith.constant 0 : index
    %get3A_34 = arith.constant 0 : index
    %get3A_35 = vector.load %arg7[%get3A_33, %get3A_34] : memref<1x3xf32, #tpu.memory_space<vmem>>, vector<1x3xf32>
    %add3A_36 = vector.broadcast %get3A_35 : vector<1x3xf32> to vector<16x3xf32>
    %add3A_37 = arith.addf %dot_general3A_32, %add3A_36 : vector<16x3xf32>
    %swap3A = arith.constant 0 : index
    %swap3A_38 = arith.constant 0 : index
    %swap3A_39 = vector.load %arg8[%swap3A, %swap3A_38] : memref<16x3xf32, #tpu.memory_space<vmem>>, vector<16x3xf32>
    tpu.vector_store %arg8[%swap3A, %swap3A_38], %add3A_37 {strides = array<i32>} : memref<16x3xf32, #tpu.memory_space<vmem>>, vector<16x3xf32>,
    return
  }
}

</mosaic_0001>

<sc_bundles>
// kernel: kernel.13.cloned.1.call-start
scs
__scs_entry_jumppad:
0x0: {  	(pc) =	sbr.rel $0x88, $3  }
0x1: {  	(tag) =	ssettag $0x0;
	lr =	simm.s32 $0x1  }
0x2: {  	[smem:$0x3F8A] =	sst lr;
	_ =	strace $0xD0000000  }
0x3: {  	_ = 	snop  }
0x4: {  	_ = 	snop  }
0x5: {  	_ = 	snop  }
0x6: {  	_ = 	snop  }
0x7: {  	_ = 	snop  }
__scs_overlays_trampoline_lowered:
0x8: {  	[smem:$0x3F99] =	sst s0  }
0x9: {  	[smem:$0x3F9A] =	sst s1  }
0xa: {  	[smem:$0x3F9B] =	sst s2  }
0xb: {  	[smem:$0x3F9C] =	sst s3  }
0xc: {  	[smem:$0x3F9D] =	sst s4  }
0xd: {  	[smem:$0x3F9E] =	sst s5  }
0xe: {  	[smem:$0x3F9F] =	sst s6  }
0xf: {  	[smem:$0x3FA0] =	sst s7  }
0x10: {  	[smem:$0x3FA1] =	sst s8  }
0x11: {  	[smem:$0x3FA2] =	sst s9;
	s0 =	simm.s32 @!p0 $0x0  }
0x12: {  	s1 =	sld [smem:$0x3F88];
	s0 =	simm.s32 @p0 $0x1  }
0x13: {  	[smem:$0x3FA3] =	sst s0;
	s0 =	simm.s32 @!p1 $0x0  }
0x14: {  	s2 =	sld [smem:$0x3F87];
	s0 =	simm.s32 @p1 $0x1  }
0x15: {  	[smem:$0x3FA4] =	sst s0;
	s0 =	simm.s32 @!p2 $0x0  }
0x16: {  	s3 =	sld [smem:$0x3FDB];
	s0 =	simm.s32 @p2 $0x1  }
0x17: {  	s4 =	simm.s32 $0x1BF5;
	[smem:$0x3FA6] =	sst s0  }
0x18: {  	s0 =	sld [smem:$0x3F89];
	_ =	swait.ge [sflag:s4], $0x0  }
0x19: {  	s7 =	sld [smem:$0x3F8A]  }
0x1a: {  	s8 =	sadd.s32 $0xFFFFE003, lr  }
0x1b: {  	s9 =	sadd.s32 $0xFFFFFEF7, lr;
	s5 =	simm.s32 $0xFFFFFFFF;
	p2 =	slt.u32 s8, $0xFFFFF086  }
0x1c: {  	p1 =	slt.u32 s9, $0xF7A;
	s5 =	simm.s32 @!p2 $0x0  }
0x1d: {  	s5 =	simm.s32 @p1 $0x1;
	p0 =	seq.s32 s7, s2  }
0x1e: {  	s7 =	smul.u32 @!p0 $0xF7A, s2;
	p2 =	seq.s32 @!p0 s5, $0x0  }
0x1f: {  	s9 =	smul.u32 $0xF7A, s1;
	s8 =	simm.s32 @!p0 $0x1BF5;
	p2 =	por !p2, p0  }
0x20: {  	[sflag:s8] =	ssyncset.s32 @!p0 $0xFFFFF086;
	s6 =	sadd.s32 @!p0 s3, s7;
	s7 =	simm.s32 @!p0 $0x108  }
0x21: {  	s3 =	sadd.s32 s3, s9;
	s6 =	sadd.s32 @!p0 $0x88, s6;
	s7 =	simm.s32 @p2 $0x1082  }
0x22: {  	[simem:s7], [sflag:s8] =	dma.local @!p0 [hbm:s6], $0xF7A  }
0x23: {  	s9 =	sor.u32 $0xD0000000, s2;
	s6 =	simm.s32 $0x108;
	_ =	swait.ge @!p0 [sflag:s8], $0x0  }
0x24: {  	s3 =	sadd.s32 $0x88, s3;
	s6 =	simm.s32 @!p1 $0x1082;
	[sflag:s4] =	ssyncset.s32 $0xFFFFF086  }
0x25: {  	[simem:s6], [sflag:s4] =	dma.local [hbm:s3], $0xF7A  }
0x26: {  	[smem:$0x3F8A] =	sst s1;
	(tag) =	ssettag s2;
	_ =	strace s9  }
0x27: {  	s1 =	sld [smem:$0x3F9A]  }
0x28: {  	s2 =	sld [smem:$0x3F9B]  }
0x29: {  	s4 =	sld [smem:$0x3F9D]  }
0x2a: {  	p0 =	seq.s32 s5, $0x0;
	s5 =	sld [smem:$0x3F9E]  }
0x2b: {  	s6 =	sld [smem:$0x3F9F]  }
0x2c: {  	s7 =	sld [smem:$0x3FA0]  }
0x2d: {  	s3 =	simm.s32 $0x108;
	s8 =	sld [smem:$0x3FA1]  }
0x2e: {  	s3 =	simm.s32 @!p0 $0x1082;
	s9 =	sld [smem:$0x3FA2]  }
0x2f: {  	lr =	sadd.s32 s0, s3;
	s0 =	sld [smem:$0x3F99]  }
0x30: {  	s3 =	sld [smem:$0x3F9C]  }
0x31: {  	[smem:$0x3FA5] =	sst s10  }
0x32: {  	s10 =	sld [smem:$0x3FA3];
	_ =	sdelay $0x3  }
0x33: {  	p0 =	seq.s32 s10, $0x1;
	s10 =	sld [smem:$0x3FA5];
	_ =	sdelay $0x3  }
0x34: {  	[smem:$0x3FA5] =	sst s10  }
0x35: {  	s10 =	sld [smem:$0x3FA4];
	_ =	sdelay $0x3  }
0x36: {  	p1 =	seq.s32 s10, $0x1;
	s10 =	sld [smem:$0x3FA5];
	_ =	sdelay $0x3  }
0x37: {  	[smem:$0x3FA5] =	sst s10  }
0x38: {  	s10 =	sld [smem:$0x3FA6]  }
0x39: {  	_ = 	snop;
	(pc) =	sbr.ind lr, $3  }
0x3a: {  	_ = 	snop  }
0x3b: {  	_ = 	snop  }
0x3c: {  	p2 =	seq.s32 s10, $0x1;
	s10 =	sld [smem:$0x3FA5]  }
0x3d: {  	_ =	shalt  }
0x3e: {  	_ =	shalt  }
0x3f: {  	_ =	shalt  }
0x40: {  	_ =	shalt  }
0x41: {  	_ =	shalt  }
0x42: {  	_ =	shalt  }
0x43: {  	_ =	shalt  }
0x44: {  	_ =	shalt  }
0x45: {  	_ =	shalt  }
0x46: {  	_ =	shalt  }
0x47: {  	_ =	shalt  }
0x48: {  	_ =	shalt  }
0x49: {  	_ =	shalt  }
0x4a: {  	_ =	shalt  }
0x4b: {  	_ =	shalt  }
0x4c: {  	_ =	shalt  }
0x4d: {  	_ =	shalt  }
0x4e: {  	_ =	shalt  }
0x4f: {  	_ =	shalt  }
0x50: {  	_ =	shalt  }
0x51: {  	_ =	shalt  }
0x52: {  	_ =	shalt  }
0x53: {  	_ =	shalt  }
0x54: {  	_ =	shalt  }
0x55: {  	_ =	shalt  }
0x56: {  	_ =	shalt  }
0x57: {  	_ =	shalt  }
0x58: {  	_ =	shalt  }
0x59: {  	_ =	shalt  }
0x5a: {  	_ =	shalt  }
0x5b: {  	_ =	shalt  }
0x5c: {  	_ =	shalt  }
0x5d: {  	_ =	shalt  }
0x5e: {  	_ =	shalt  }
0x5f: {  	_ =	shalt  }
0x60: {  	_ =	shalt  }
0x61: {  	_ =	shalt  }
0x62: {  	_ =	shalt  }
0x63: {  	_ =	shalt  }
0x64: {  	_ =	shalt  }
0x65: {  	_ =	shalt  }
0x66: {  	_ =	shalt  }
0x67: {  	_ =	shalt  }
0x68: {  	_ =	shalt  }
0x69: {  	_ =	shalt  }
0x6a: {  	_ =	shalt  }
0x6b: {  	_ =	shalt  }
0x6c: {  	_ =	shalt  }
0x6d: {  	_ =	shalt  }
0x6e: {  	_ =	shalt  }
0x6f: {  	_ =	shalt  }
0x70: {  	_ =	shalt  }
0x71: {  	_ =	shalt  }
0x72: {  	_ =	shalt  }
0x73: {  	_ =	shalt  }
0x74: {  	_ =	shalt  }
0x75: {  	_ =	shalt  }
0x76: {  	_ =	shalt  }
0x77: {  	_ =	shalt  }
0x78: {  	_ =	shalt  }
0x79: {  	_ =	shalt  }
0x7a: {  	_ =	shalt  }
0x7b: {  	_ =	shalt  }
0x7c: {  	_ =	shalt  }
0x7d: {  	_ =	shalt  }
0x7e: {  	_ =	shalt  }
0x7f: {  	_ =	shalt  }
0x80: {  	_ =	shalt  }
0x81: {  	_ =	shalt  }
0x82: {  	_ =	shalt  }
0x83: {  	_ =	shalt  }
0x84: {  	_ =	shalt  }
0x85: {  	_ =	shalt  }
0x86: {  	_ =	shalt  }
0x87: {  	_ =	shalt  }
.Lfunc_end0:
.L_simem_size_0:
called_computation_lowered:
.L_overlay_start_0:
0x88: {  	s2 =	sld [smem:$0x3FD9]  }
0x89: {  	s3 =	sld [smem:$0x3FFE];
	_ =	sdelay $0x1  }
0x8a: {  	s1 =	srdreg.scid  }
0x8b: {  	s0 =	sand.u32 $0x1, s1  }
0x8c: {  	s17 =	sshll.u32 s0, $0xA;
	s2 =	sadd.s32 s3, s2  }
0x8d: {  	s2 =	sadd.s32 s2, s17  }
0x8e: {  	[smem:$0x3FB1] =	sst s2  }
0x8f: {  	_ = 	snop  }
0x90: {  	s2 =	sld [smem:$0x3FD0];
	(tm) =	ssettm $0x1  }
0x91: {  	s18 =	sld [smem:$0x3FFB];
	_ =	sdelay $0x3  }
0x92: {  	_ =	strace s18  }
0x93: {  	s3 =	sld [smem:$0x3FFC];
	_ =	sdelay $0x3  }
0x94: {  	_ =	strace s3  }
0x95: {  	s3 =	sld [smem:$0x3FFD];
	_ =	sdelay $0x3  }
0x96: {  	_ =	strace s3  }
0x97: {  	_ =	strace $0x8FFFFFFF  }
0x98: {  	s19 =	sld [smem:$0x3FDB];
	_ =	sdelay $0x1  }
0x99: {  	s4 =	simm.s32 $_scs_section_size  }
0x9a: {  	s5 =	simm.s32 $_size__tile_overlayer_lowered;
	s6 =	simm.s32 $_tile_overlayer_lowered  }
0x9b: {  	s22 =	simm.s32 $0x1BFF;
	s21 =	sshll.u32 s6, $0x1;
	s3 =	sadd.s32 s4, s19  }
0x9c: {  	s7 =	simm.s32 $0x0;
	s20 =	sshll.u32 s5, $0x1;
	s5 =	sadd.s32 s21, s3  }
0x9d: {  	[timem:s7], [sflag:s22] =	dma.local [hbm:s5], s20  }
0x9e: {  	_ =	swait.ge [sflag:s22], s20  }
0x9f: {  	s4 =	ssub.s32 $0x0, s20;
	[sflag:s22] =	ssyncset.done $0x0  }
0xa0: {  	[sflag:s22] =	ssyncadd.s32 s4;
	_ =	sdelay $0x1  }
0xa1: {  	s23 =	simm.s32 $0x1B8B  }
0xa2: {  	_ =	swait.ge [sflag:s23], $0x1  }
0xa3: {  	[sflag:s23] =	ssyncset.done $0x0  }
0xa4: {  	s25 =	simm.s32 $0x1B8E;
	s24 =	sld [smem:$0x3FFE];
	[sflag:s23] =	ssyncadd.s32 $0xFFFFFFFF  }
0xa5: {  	s26 =	simm.s32 $execute0_lowered;
	[smem:$0x3FD2] =	sst s25  }
0xa6: {  	s5 =	sshll.u32 s26, $0x1;
	_ =	strace $0x80000046;
	[dreg:$0x1] =	wrdreg $0xFFFFFFFF  }
0xa7: {  	s28 =	simm.s32 $_size_execute0_lowered;
	s3 =	sadd.s32 s3, s5;
	[dreg:$0x0] =	wrdreg $0x0  }
0xa8: {  	s5 =	sshll.u32 s28, $0x1;
	[dreg:$0x2] =	wrdreg s3  }
0xa9: {  	[dreg:$0x3] =	wrdreg s5  }
0xaa: {  	[dreg:$0x4] =	wrdreg $0xC0  }
0xab: {  	_ =	task [dreg:s7], $0x5FFFF  }
0xac: {  	[dreg:$0x1] =	wrdreg $0xFFFFFFFF  }
0xad: {  	[dreg:$0x0] =	wrdreg $0x60  }
0xae: {  	[dreg:$0x2] =	wrdreg s24  }
0xaf: {  	[dreg:$0x3] =	wrdreg s2  }
0xb0: {  	[dreg:$0x4] =	wrdreg $0x9  }
0xb1: {  	_ =	task.clear_ibuf [dreg:s7], $0x5FFFF;
	_ =	strace $0x90000046  }
0xb2: {  	s29 =	simm.s32 $0x9;
	_ =	strace $0x80000048  }
0xb3: {  	_ =	swait.ge [sflag:s29], $0x1  }
0xb4: {  	[sflag:s29] =	ssyncadd.s32 $0xFFFFFFFF  }
0xb5: {  	_ =	strace $0x90000048  }
0xb6: {  	_ =	sfence  }
0xb7: {  	s30 =	sld [smem:$0x0];
	_ =	sdelay $0x2  }
0xb8: {  	s31 =	sshll.u32 s1, $0xD;
	s1 =	sshrl.u32 s1, $0x2  }
0xb9: {  	s3 =	sand.u32 $0x4000, s31;
	s1 =	sadd.s32 s1, s30  }
0xba: {  	s0 =	sor.u32 s3, s0;
	s1 =	sshll.u32 s1, $0x11  }
0xbb: {  	s0 =	sor.u32 s1, s0  }
0xbc: {  	s0 =	sadd.s32 $0x8F2B, s0  }
0xbd: {  	[sflag:s0] =	ssyncadd.remote.s32 $0x1  }
0xbe: {  	_ =	sfence.sel $0xFFFF  }
0xbf: {  	[dreg:$0x0] =	wrdreg $0xFFFFFFFF;
	(pc) =	sbr.abs _section_cstart, $3  }
0xc0: {  	[dreg:$0x1] =	wrdreg $0xFFFFFFFF  }
0xc1: {  	_ =	task.clear_ibuf [dreg:s7], $0x2FFFF;
	_ =	strace $0x9FFFFFFF  }
0xc2: {  	(tm) =	ssettm $0x7FFFFFFF  }
0xc3: {  	_ =	shalt  }
tec
execute0_lowered:
.L_overlay_start_1:
0x0: {  	(tag) =	ssettag $0x1  }
0x1: {  	s9 =	rddreg [dreg:$0x0]  }
0x2: {  	s1 =	rddreg [dreg:$0x1]  }
0x3: {  	s0 =	rddreg [dreg:$0x2];
	s2 =	simm.s32 $0x0;
	s4 =	srdreg.scid  }
0x4: {  	s14 =	simm.s32 $0xC400;
	s15 =	simm.s32 $0xC480;
	s16 =	simm.s32 $0xC500  }
0x5: {  	s17 =	simm.s32 $0xC580;
	s18 =	simm.s32 $0x0;
	[smem:$0x7FF] =	sst s2  }
0x6: {  	s3 =	sadd.s32 $0x83800, s9;
	s5 =	sadd.s32 $0x6A800, s9;
	s6 =	sadd.s32 $0x1F800, s9  }
0x7: {  	s10 =	sand.u32 $0x1, s4;
	s7 =	sadd.s32 $0x38800, s9;
	s4 =	stileid.u32  }
0x8: {  	s8 =	sadd.s32 $0x85200, s9;
	s9 =	sadd.s32 $0x85400, s9;
	s11 =	ssub.s32 $0x2, s10  }
0x9: {  	_ =	strace $0x80000047;
	s13 =	sshll.u32 s4, $0x1;
	s12 =	sshrl.u32 s11, $0x1  }
0xa: {  	s10 =	sor.u32 s10, s13;
	s13 =	simm.s32 $0x1;
	s11 =	ssub.s32 s11, s12  }
0xb: {  	s10 =	smul.u32 $0x6400, s10;
	s12 =	simm.s32 $0xD980;
	s11 =	smax.u32 s11, $0x1  }
.LBB2_1:
0xc: {  	[tilespmem:s12], [sflag:$0x1] =	stream.linear.gather [hbm4b:s1+s2], $0x140, $0x38;
	[tilespmem:$0xDAC0] =	vst v63  }
0xd: {  	_ =	swait.ge [sflag:s13], $0x140  }
0xe: {  	[sflag:s13] =	ssyncset.done $0x0  }
0xf: {  	[sflag:s13] =	ssyncadd.s32 $0xFFFFFEC0  }
0x10: {  	[tilespmem:s2], [sflag:$0x1] =	stream.linear.gather [hbm4b:s3+s2], $0xC400, $0x38;
	[tilespmem:$0xDAC0] =	vst v63  }
0x11: {  	_ =	swait.ge [sflag:s13], $0xC400  }
0x12: {  	s19 =	simm.s32 $0xC5A0;
	s20 =	simm.s32 $0x1;
	[sflag:s13] =	ssyncset.done $0x0  }
0x13: {  	s22 =	sadd.s32 $0x0, s8;
	s21 =	simm.s32 $0xC5C8;
	[sflag:s13] =	ssyncadd.s32 $0xFFFF3C00  }
.LBB2_2:
0x14: {  	[tilespmem:s19], [sflag:$0x1] =	stream.linear.gather [hbm4b:s22+s2], $0x8, $0x38;
	[tilespmem:$0xDAC0] =	vst v63  }
0x15: {  	s22 =	smov.u32 s20;
	s19 =	smov.u32 s21;
	p0 =	sne.s32 s20, $0x7F  }
.Ltmp0:
0x16: {  	s20 =	sadd.s32 $0x1, s20;
	(pc) =	sbr.rel @p0 .LBB2_2-.Ltmp0, $2  }
0x17: {  	_ =	sdelay $0x2  }
0x18: {  	s21 =	sadd.s32 $0x28, s21;
	s22 =	sadd.s32 s22, s8  }
0x19: {  	[tilespmem:s19], [sflag:$0x1] =	stream.linear.gather [hbm4b:s22+s2], $0x8, $0x38;
	[tilespmem:$0xDAC0] =	vst v63  }
0x1a: {  	_ =	swait.ge [sflag:s13], $0x400  }
0x1b: {  	[sflag:s13] =	ssyncset.done $0x0  }
0x1c: {  	[sflag:s13] =	ssyncadd.s32 $0xFFFFFC00  }
0x1d: {  	v0 =	vld [tilespmem:$0xD980]  }
0x1e: {  	v1 =	vld [tilespmem:$0xD990]  }
0x1f: {  	v2 =	vld [tilespmem:$0xD9A0]  }
0x20: {  	v3 =	vld [tilespmem:$0xD9B0]  }
0x21: {  	v4 =	vld [tilespmem:$0xD9C0]  }
0x22: {  	v5 =	vld [tilespmem:$0xD9D0]  }
0x23: {  	v6 =	vld [tilespmem:$0xD9E0]  }
0x24: {  	v7 =	vld [tilespmem:$0xD9F0]  }
0x25: {  	v8 =	vld [tilespmem:$0xDA00]  }
0x26: {  	v9 =	vld [tilespmem:$0xDA10]  }
0x27: {  	v10 =	vld [tilespmem:$0xDA20]  }
0x28: {  	v11 =	vld [tilespmem:$0xDA30]  }
0x29: {  	v12 =	vld [tilespmem:$0xDA40]  }
0x2a: {  	v13 =	vld [tilespmem:$0xDA50]  }
0x2b: {  	v14 =	vld [tilespmem:$0xDA60]  }
0x2c: {  	v15 =	vld [tilespmem:$0xDA70]  }
0x2d: {  	v16 =	vld [tilespmem:$0xDA80]  }
0x2e: {  	v17 =	vld [tilespmem:$0xDA90]  }
0x2f: {  	v18 =	vld [tilespmem:$0xDAA0]  }
0x30: {  	s19 =	simm.s32 $0x0;
	s20 =	simm.s32 $0x0;
	v19 =	vld [tilespmem:$0xDAB0]  }
.LBB2_4:
0x31: {  	s21 =	sshll.u32 s20, $0x7  }
0x32: {  	s21 =	sadd.s32 s10, s21  }
0x33: {  	s22 =	sshrl.u32 s21, $0x3  }
0x34: {  	s23 =	sadd.s32 s5, s22  }
0x35: {  	[tilespmem:s14], [sflag:$0x1] =	stream.linear.gather [hbm4b:s23+s19], $0x80, $0x38;
	[tilespmem:$0xDAC0] =	vst v63  }
0x36: {  	s31 =	sadd.s32 s6, s22  }
0x37: {  	[tilespmem:s15], [sflag:$0x1] =	stream.linear.gather [hbm4b:s31+s19], $0x80, $0x38;
	[tilespmem:$0xDAC0] =	vst v63  }
0x38: {  	s22 =	sadd.s32 s7, s22  }
0x39: {  	[tilespmem:s16], [sflag:$0x1] =	stream.linear.gather [hbm4b:s22+s19], $0x80, $0x38;
	[tilespmem:$0xDAC0] =	vst v63  }
0x3a: {  	_ =	swait.ge [sflag:s13], $0x80  }
0x3b: {  	[sflag:s13] =	ssyncset.done $0x0  }
0x3c: {  	[sflag:s13] =	ssyncadd.s32 $0xFFFFFF80  }
0x3d: {  	_ =	swait.ge [sflag:s13], $0x80  }
0x3e: {  	[sflag:s13] =	ssyncset.done $0x0  }
0x3f: {  	[sflag:s13] =	ssyncadd.s32 $0xFFFFFF80  }
0x40: {  	_ =	swait.ge [sflag:s13], $0x80  }
0x41: {  	[sflag:s13] =	ssyncset.done $0x0  }
0x42: {  	s23 =	simm.s32 $0x0;
	s22 =	simm.s32 $0xC6C0;
	[sflag:s13] =	ssyncadd.s32 $0xFFFFFF80  }
.LBB2_5:
0x43: {  	s24 =	sshra.s32 s23, $0x2  }
0x44: {  	v20 =	vld [tilespmem:s24+$0xC400]  }
0x45: {  	v21 =	vld [tilespmem:s24+$0xC480];
	_ =	sdelay $0x6  }
0x46: {  	v22 =	vld.idx.msk [tilespmem:v20+s2+$0x0], $0xffff  }
0x47: {  	v21 =	vld.idx.msk [tilespmem:v21+s2+$0x0], $0xffff  }
0x48: {  	v20 =	vld [tilespmem:s24+$0xC500];
	_ =	sdelay $0x3  }
0x49: {  	v30 =	vbroadcast v22, $0x0;
	v23 =	vbroadcast v21, $0x0  }
0x4a: {  	v26 =	vbroadcast v20, $0x0;
	v40 =	vbroadcast v21, $0x1  }
0x4b: {  	v43 =	vbroadcast v20, $0x1;
	v54 =	vbroadcast v21, $0x2  }
0x4c: {  	v58 =	vbroadcast v20, $0x2;
	v24 =	vmul.f32 v30, v0  }
0x4d: {  	v25 =	vmul.f32 v23, v4;
	v34 =	vmul.f32 v26, v8  }
0x4e: {  	v27 =	vmul.f32 v30, v1;
	v28 =	vmul.f32 v23, v5  }
0x4f: {  	v36 =	vmul.f32 v30, v2;
	v29 =	vmul.f32 v23, v6  }
0x50: {  	v37 =	vmul.f32 v26, v9;
	v38 =	vmul.f32 v26, v10  }
0x51: {  	v31 =	vmul.f32 v30, v3;
	v32 =	vmul.f32 v23, v7  }
0x52: {  	v23 =	vbroadcast v22, $0x1;
	v26 =	vmul.f32 v26, v11  }
0x53: {  	v42 =	vmul.f32 v40, v4;
	v44 =	vmul.f32 v43, v8  }
0x54: {  	v47 =	vmul.f32 v43, v9;
	v49 =	vmul.f32 v40, v6  }
0x55: {  	v51 =	vmul.f32 v43, v10;
	v57 =	vmul.f32 v54, v4  }
0x56: {  	v60 =	vmul.f32 v58, v8;
	v61 =	vmul.f32 v58, v9  }
0x57: {  	v63 =	vmul.f32 v54, v6;
	v24 =	vadd.f32 v25, v24;
	v27 =	vadd.f32 v28, v27  }
0x58: {  	v25 =	vadd.f32 v29, v36;
	v41 =	vmul.f32 v23, v0;
	v45 =	vmul.f32 v23, v1  }
0x59: {  	v39 =	vadd.f32 v32, v31;
	v48 =	vmul.f32 v23, v2;
	v52 =	vmul.f32 v23, v3  }
0x5a: {  	v29 =	vmul.f32 v40, v7;
	v24 =	vadd.f32 v24, v34;
	v27 =	vadd.f32 v27, v37  }
0x5b: {  	v32 =	vmul.f32 v43, v11;
	v25 =	vadd.f32 v25, v38;
	v26 =	vadd.f32 v39, v26  }
0x5c: {  	v28 =	vadd.f32 v42, v41;
	v29 =	vadd.f32 v29, v52;
	v37 =	vmul.f32 v54, v5  }
0x5d: {  	v39 =	vmul.f32 v58, v10;
	v24 =	vadd.f32 v24, v12;
	v27 =	vadd.f32 v27, v13  }
0x5e: {  	v52 =	vmul.f32 v58, v11;
	v25 =	vadd.f32 v25, v14;
	v26 =	vadd.f32 v26, v15  }
0x5f: {  	v28 =	vadd.f32 v28, v44;
	v29 =	vadd.f32 v29, v32;
	v32 =	vmul.f32 v54, v7  }
0x60: {  	v35 =	vmul.f32 $2.000000030e-01, v24;
	v33 =	vmul.f32 $2.000000030e-01, v27  }
0x61: {  	v34 =	vmul.f32 $2.000000030e-01, v25;
	v36 =	vmul.f32 $2.000000030e-01, v26;
	v28 =	vadd.f32 v28, v12  }
0x62: {  	v29 =	vadd.f32 v29, v15;
	v24 =	vmax.f32 v24, v35;
	v27 =	vmax.f32 v27, v33  }
0x63: {  	v35 =	vmul.f32 v40, v5;
	v25 =	vmax.f32 v25, v34;
	v50 =	vmul.f32 $2.000000030e-01, v28  }
0x64: {  	v33 =	vadd.f32 v49, v48;
	v38 =	vmul.f32 $2.000000030e-01, v29;
	v49 =	vbroadcast v21, $0x3  }
0x65: {  	v26 =	vmax.f32 v26, v36;
	v24 =	vmul.f32 v24, v16;
	v27 =	vmul.f32 v27, v17  }
0x66: {  	v25 =	vmul.f32 v25, v18;
	v26 =	vmul.f32 v26, v19;
	v46 =	vadd.f32 v35, v45  }
0x67: {  	v28 =	vmax.f32 v28, v50;
	v33 =	vadd.f32 v33, v51;
	v50 =	vbroadcast v20, $0x3  }
0x68: {  	v27 =	vadd.f32 v27, v24;
	v28 =	vmul.f32 v28, v16;
	v24 =	vbroadcast v22, $0x2  }
0x69: {  	v31 =	vadd.f32 v46, v47;
	v33 =	vadd.f32 v33, v14;
	v58 =	vmul.f32 v50, v9  }
0x6a: {  	v25 =	vadd.f32 v27, v25;
	v56 =	vmul.f32 v24, v0;
	v59 =	vmul.f32 v24, v1  }
0x6b: {  	v62 =	vmul.f32 v24, v2;
	v31 =	vadd.f32 v31, v13;
	v55 =	vmul.f32 $2.000000030e-01, v33  }
0x6c: {  	v48 =	vmul.f32 v24, v3;
	v34 =	vadd.f32 v57, v56;
	v25 =	vadd.f32 v25, v26  }
0x6d: {  	v53 =	vmul.f32 $2.000000030e-01, v31;
	v27 =	vmax.f32 v33, v55;
	v33 =	vadd.f32 v63, v62  }
0x6e: {  	v27 =	vmul.f32 v27, v18;
	v34 =	vadd.f32 v34, v60;
	v60 =	vmul.f32 v49, v6  }
0x6f: {  	v31 =	vmax.f32 v31, v53;
	v33 =	vadd.f32 v33, v39;
	v39 =	vmul.f32 v49, v4  }
0x70: {  	v29 =	vmax.f32 v29, v38;
	v53 =	vmul.f32 v50, v8;
	v31 =	vmul.f32 v31, v17  }
0x71: {  	v38 =	vadd.f32 v34, v12;
	v34 =	vmul.f32 $1.442695020e+00, v25;
	v25 =	vbroadcast v22, $0x3  }
0x72: {  	v45 =	vadd.f32 v33, v14;
	v33 =	vmul.f32 v49, v7;
	v28 =	vadd.f32 v31, v28  }
0x73: {  	v31 =	vadd.f32 v37, v59;
	v37 =	vmul.f32 v29, v19;
	v41 =	vmul.f32 $2.000000030e-01, v38  }
0x74: {  	v51 =	vmul.f32 v25, v0;
	v54 =	vmul.f32 v25, v1  }
0x75: {  	v59 =	vmul.f32 v25, v2;
	v62 =	vmul.f32 v25, v3  }
0x76: {  	(erf) = vpow2.f32 v34;
	v47 =	vmul.f32 $2.000000030e-01, v45;
	v31 =	vadd.f32 v31, v61  }
0x77: {  	v27 =	vadd.f32 v28, v27;
	v43 =	vmax.f32 v38, v41;
	v38 =	vadd.f32 v39, v51  }
0x78: {  	v61 =	vmul.f32 v50, v10;
	v33 =	vadd.f32 v33, v62;
	v39 =	vbroadcast v21, $0x6  }
0x79: {  	v46 =	vmul.f32 v43, v16;
	v31 =	vadd.f32 v31, v13;
	v40 =	vadd.f32 v27, v37  }
0x7a: {  	v27 =	vmax.f32 v45, v47;
	v45 =	vmul.f32 v50, v11;
	v50 =	vbroadcast v20, $0x4  }
0x7b: {  	v56 =	vadd.f32 v38, v53;
	v27 =	vmul.f32 v27, v18;
	v42 =	vmul.f32 $2.000000030e-01, v31  }
0x7c: {  	v36 =	vadd.f32 v60, v59;
	v35 =	vmul.f32 $1.442695020e+00, v40;
	v40 =	vmul.f32 v49, v5  }
0x7d: {  	v29 =	vadd.f32 v56, v12;
	v33 =	vadd.f32 v33, v45;
	v53 =	vmul.f32 v50, v8  }
0x7e: {  	v60 =	vmul.f32 v50, v9;
	v44 =	vmax.f32 v31, v42;
	v31 =	vadd.f32 v32, v48  }
0x7f: {  	v57 =	vadd.f32 v40, v54;
	v32 =	vadd.f32 v36, v61;
	v48 =	vbroadcast v21, $0x4  }
0x80: {  	v33 =	vadd.f32 v33, v15;
	(erf) = vpow2.f32 v35;
	v26 =	vmul.f32 v44, v17  }
0x81: {  	v44 =	vmul.f32 $2.000000030e-01, v29;
	v55 =	vadd.f32 v31, v52;
	v31 =	vadd.f32 v57, v58  }
0x82: {  	v32 =	vadd.f32 v32, v14;
	v49 =	vmul.f32 $2.000000030e-01, v33;
	v52 =	vmul.f32 v48, v4  }
0x83: {  	v37 =	vmul.f32 v48, v7;
	v26 =	vadd.f32 v26, v46;
	v29 =	vmax.f32 v29, v44  }
0x84: {  	v44 =	vmul.f32 v48, v6;
	v28 =	vadd.f32 v55, v15;
	v29 =	vmul.f32 v29, v16  }
0x85: {  	v31 =	vadd.f32 v31, v13;
	v47 =	vmul.f32 $2.000000030e-01, v32;
	v55 =	vmul.f32 v48, v5  }
0x86: {  	v48 =	vbroadcast v21, $0x5;
	v27 =	vadd.f32 v26, v27;
	v26 =	vbroadcast v22, $0x4  }
0x87: {  	v63 =	vmul.f32 $2.000000030e-01, v28;
	v46 =	vmul.f32 $2.000000030e-01, v31  }
0x88: {  	v32 =	vmax.f32 v32, v47;
	v41 =	vmul.f32 v48, v6;
	v51 =	vmul.f32 v26, v0  }
0x89: {  	v32 =	vmul.f32 v32, v18;
	v54 =	vmul.f32 v26, v1  }
0x8a: {  	v43 =	vmul.f32 v26, v2;
	v47 =	vmul.f32 v26, v3;
	v31 =	vmax.f32 v31, v46  }
0x8b: {  	v28 =	vmax.f32 v28, v63;
	v46 =	vmul.f32 v50, v10;
	v31 =	vmul.f32 v31, v17  }
0x8c: {  	v28 =	vmul.f32 v28, v19;
	v36 =	vadd.f32 v52, v51;
	v59 =	vadd.f32 v55, v54  }
0x8d: {  	v51 =	vmul.f32 v48, v4;
	v52 =	vbroadcast v20, $0x5;
	v29 =	vadd.f32 v31, v29  }
0x8e: {  	v31 =	vmax.f32 v33, v49;
	v27 =	vadd.f32 v27, v28;
	v58 =	vadd.f32 v36, v53  }
0x8f: {  	v62 =	vadd.f32 v59, v60;
	v33 =	vadd.f32 v44, v43;
	v49 =	vmul.f32 v50, v11  }
0x90: {  	v36 =	vadd.f32 v37, v47;
	v60 =	vmul.f32 v48, v5;
	v43 =	vmul.f32 v52, v10  }
0x91: {  	v47 =	vmul.f32 v52, v11;
	v57 =	vmul.f32 v31, v19;
	v56 =	vadd.f32 v29, v32  }
0x92: {  	v27 =	vmul.f32 $1.442695020e+00, v27;
	v61 =	vadd.f32 v58, v12;
	v31 =	vadd.f32 v62, v13  }
0x93: {  	v33 =	vadd.f32 v33, v46;
	v55 =	vadd.f32 v36, v49;
	v62 =	vmul.f32 v52, v9  }
0x94: {  	v28 =	vadd.f32 v56, v57;
	(erf) = vpow2.f32 v27;
	v63 =	vmul.f32 $2.000000030e-01, v61  }
0x95: {  	v45 =	vmul.f32 $2.000000030e-01, v31;
	v27 =	vbroadcast v22, $0x5;
	v54 =	vadd.f32 v33, v14  }
0x96: {  	v57 =	vmul.f32 v52, v8;
	v33 =	vadd.f32 v55, v15;
	v32 =	vmul.f32 $1.442695020e+00, v28  }
0x97: {  	v50 =	vmul.f32 v27, v0;
	v58 =	vmul.f32 $2.000000030e-01, v54  }
0x98: {  	v28 =	vmax.f32 v61, v63;
	v59 =	vmul.f32 v27, v1;
	v61 =	vmul.f32 $2.000000030e-01, v33  }
0x99: {  	v63 =	vmul.f32 v27, v2;
	v44 =	vmul.f32 v27, v3  }
0x9a: {  	v53 =	vmax.f32 v31, v45;
	v45 =	vmul.f32 v48, v7;
	v28 =	vmul.f32 v28, v16  }
0x9b: {  	v29 =	vmul.f32 v53, v17;
	v56 =	vadd.f32 v51, v50;
	v31 =	vmax.f32 v54, v58  }
0x9c: {  	v33 =	vmax.f32 v33, v61;
	v35 =	vadd.f32 v41, v63;
	v50 =	vmul.f32 v39, v4  }
0x9d: {  	v36 =	vadd.f32 v45, v44;
	v51 =	vbroadcast v20, $0x6;
	(erf) = vpow2.f32 v32  }
0x9e: {  	v28 =	vadd.f32 v29, v28;
	v29 =	vadd.f32 v60, v59;
	v31 =	vmul.f32 v31, v18  }
0x9f: {  	v33 =	vmul.f32 v33, v19;
	v34 =	vadd.f32 v56, v57;
	v35 =	vadd.f32 v35, v43  }
0xa0: {  	v36 =	vadd.f32 v36, v47;
	v53 =	vmul.f32 v51, v8;
	v54 =	vmul.f32 v51, v9  }
0xa1: {  	v29 =	vadd.f32 v29, v62;
	v31 =	vadd.f32 v28, v31;
	v28 =	vbroadcast v22, $0x6  }
0xa2: {  	v62 =	vmul.f32 v39, v6;
	v34 =	vadd.f32 v34, v12;
	v35 =	vadd.f32 v35, v14  }
0xa3: {  	v36 =	vadd.f32 v36, v15;
	v49 =	vmul.f32 v28, v0;
	v52 =	vmul.f32 v28, v1  }
0xa4: {  	v29 =	vadd.f32 v29, v13;
	v61 =	vmul.f32 v28, v2;
	v47 =	vmul.f32 v28, v3  }
0xa5: {  	v31 =	vadd.f32 v31, v33;
	v42 =	vmul.f32 $2.000000030e-01, v34;
	v48 =	vmul.f32 $2.000000030e-01, v35  }
0xa6: {  	v55 =	vmul.f32 $2.000000030e-01, v36;
	v46 =	vmul.f32 $2.000000030e-01, v29  }
0xa7: {  	v37 =	vadd.f32 v50, v49;
	v31 =	vmul.f32 $1.442695020e+00, v31;
	v49 =	vbroadcast v21, $0x7  }
0xa8: {  	v50 =	vmul.f32 v51, v11;
	v34 =	vmax.f32 v34, v42;
	v42 =	vmul.f32 v39, v5  }
0xa9: {  	v33 =	vmax.f32 v35, v48;
	v35 =	vmax.f32 v36, v55;
	v48 =	vmul.f32 v39, v7  }
0xaa: {  	v34 =	vmul.f32 v34, v16;
	v29 =	vmax.f32 v29, v46;
	v37 =	vadd.f32 v37, v53  }
0xab: {  	v33 =	vmul.f32 v33, v18;
	v29 =	vmul.f32 v29, v17;
	v38 =	vadd.f32 v42, v52  }
0xac: {  	v58 =	vmul.f32 v35, v19;
	(erf) = vpow2.f32 v31;
	v57 =	vadd.f32 v37, v12  }
0xad: {  	v46 =	vmul.f32 v51, v10;
	v29 =	vadd.f32 v29, v34;
	v56 =	vadd.f32 v38, v54  }
0xae: {  	v53 =	vbroadcast v20, $0x7;
	v55 =	vmul.f32 v49, v5  }
0xaf: {  	v59 =	vmul.f32 $2.000000030e-01, v57;
	v29 =	vadd.f32 v29, v33;
	v34 =	vadd.f32 v56, v13  }
0xb0: {  	v52 =	vmul.f32 v49, v4;
	v33 =	vadd.f32 v62, v61;
	v56 =	vmul.f32 v53, v8  }
0xb1: {  	v32 =	vmax.f32 v57, v59;
	v29 =	vadd.f32 v29, v58;
	v60 =	vmul.f32 $2.000000030e-01, v34  }
0xb2: {  	v57 =	vmul.f32 v53, v9;
	v32 =	vmul.f32 v32, v16;
	v33 =	vadd.f32 v33, v46  }
0xb3: {  	v46 =	vmul.f32 v49, v7;
	v63 =	vmul.f32 $1.442695020e+00, v29;
	v45 =	vmax.f32 v34, v60  }
0xb4: {  	v29 =	vbroadcast v22, $0x7;
	v33 =	vadd.f32 v33, v14;
	v60 =	vmul.f32 v49, v6  }
0xb5: {  	v34 =	vadd.f32 v48, v47;
	v48 =	vmul.f32 v53, v11;
	v31 =	vmul.f32 v45, v17  }
0xb6: {  	v51 =	vmul.f32 v29, v0;
	v54 =	vmul.f32 v29, v1  }
0xb7: {  	v43 =	vmul.f32 $2.000000030e-01, v33;
	(erf) = vpow2.f32 v63  }
0xb8: {  	v59 =	vmul.f32 v29, v2;
	v63 =	vmul.f32 v53, v10  }
0xb9: {  	v34 =	vadd.f32 v34, v50;
	v45 =	vmul.f32 v29, v3;
	v50 =	vbroadcast v21, $0x8  }
0xba: {  	v53 =	vbroadcast v20, $0x8;
	v39 =	vadd.f32 v52, v51;
	v35 =	vadd.f32 v55, v54  }
0xbb: {  	v33 =	vmax.f32 v33, v43;
	v34 =	vadd.f32 v34, v15;
	v52 =	vmul.f32 v50, v4  }
0xbc: {  	v36 =	vadd.f32 v60, v59;
	v55 =	vmul.f32 v50, v5;
	v59 =	vmul.f32 v50, v6  }
0xbd: {  	v31 =	vadd.f32 v31, v32;
	v38 =	vmul.f32 v53, v11;
	v33 =	vmul.f32 v33, v18  }
0xbe: {  	v58 =	vadd.f32 v39, v56;
	v35 =	vadd.f32 v35, v57;
	v61 =	vmul.f32 $2.000000030e-01, v34  }
0xbf: {  	v56 =	vmul.f32 v53, v8;
	v33 =	vadd.f32 v31, v33;
	v31 =	vbroadcast v22, $0x8  }
0xc0: {  	v57 =	vmul.f32 v53, v9;
	v39 =	vmax.f32 v34, v61;
	v61 =	vmul.f32 v53, v10  }
0xc1: {  	v32 =	vadd.f32 v58, v12;
	v39 =	vmul.f32 v39, v19;
	v51 =	vmul.f32 v31, v0  }
0xc2: {  	v35 =	vadd.f32 v35, v13;
	v54 =	vmul.f32 v31, v1;
	v58 =	vmul.f32 v31, v2  }
0xc3: {  	v44 =	vadd.f32 v36, v63;
	v60 =	vmul.f32 v31, v3;
	v62 =	vmul.f32 $2.000000030e-01, v32  }
0xc4: {  	v42 =	vmul.f32 $2.000000030e-01, v35;
	v33 =	vadd.f32 v33, v39;
	v36 =	vadd.f32 v52, v51  }
0xc5: {  	v40 =	vadd.f32 v55, v54;
	v39 =	vmul.f32 v50, v7;
	v41 =	vadd.f32 v59, v58  }
0xc6: {  	v43 =	vmax.f32 v32, v62;
	v34 =	vmax.f32 v35, v42;
	v32 =	vadd.f32 v44, v14  }
0xc7: {  	v35 =	vadd.f32 v46, v45;
	v44 =	vbroadcast v20, $0xA;
	v47 =	vmul.f32 v43, v16  }
0xc8: {  	v34 =	vmul.f32 v34, v17;
	v36 =	vadd.f32 v36, v56;
	v40 =	vadd.f32 v40, v57  }
0xc9: {  	v37 =	vadd.f32 v39, v60;
	v41 =	vadd.f32 v41, v61;
	v33 =	vmul.f32 $1.442695020e+00, v33  }
0xca: {  	v49 =	vmul.f32 $2.000000030e-01, v32;
	v35 =	vadd.f32 v35, v48;
	v36 =	vadd.f32 v36, v12  }
0xcb: {  	v43 =	vbroadcast v20, $0xB;
	v40 =	vadd.f32 v40, v13;
	v37 =	vadd.f32 v37, v38  }
0xcc: {  	v46 =	vadd.f32 v41, v14;
	(erf) = vpow2.f32 v33;
	v32 =	vmax.f32 v32, v49  }
0xcd: {  	v35 =	vadd.f32 v35, v15;
	v49 =	vbroadcast v21, $0x9;
	v32 =	vmul.f32 v32, v18  }
0xce: {  	v34 =	vadd.f32 v34, v47;
	v63 =	vmul.f32 $2.000000030e-01, v36;
	v45 =	vmul.f32 $2.000000030e-01, v40  }
0xcf: {  	v37 =	vadd.f32 v37, v15;
	v47 =	vmul.f32 $2.000000030e-01, v46;
	v62 =	vmul.f32 $2.000000030e-01, v35  }
0xd0: {  	v51 =	vmul.f32 v49, v4;
	v54 =	vmul.f32 v49, v5;
	v36 =	vmax.f32 v36, v63  }
0xd1: {  	v38 =	vmax.f32 v40, v45;
	v34 =	vadd.f32 v34, v32;
	v48 =	vmul.f32 $2.000000030e-01, v37  }
0xd2: {  	v39 =	vmax.f32 v46, v47;
	v32 =	vbroadcast v22, $0x9;
	v46 =	vbroadcast v20, $0x9  }
0xd3: {  	v36 =	vmul.f32 v36, v16;
	v38 =	vmul.f32 v38, v17  }
0xd4: {  	v35 =	vmax.f32 v35, v62;
	v45 =	vmul.f32 v39, v18;
	v62 =	vmul.f32 v49, v6  }
0xd5: {  	v49 =	vmul.f32 v49, v7;
	v35 =	vmul.f32 v35, v19  }
0xd6: {  	v50 =	vmul.f32 v32, v0;
	v52 =	vmul.f32 v46, v8  }
0xd7: {  	v53 =	vmul.f32 v32, v1;
	v57 =	vmul.f32 v46, v9  }
0xd8: {  	v37 =	vmax.f32 v37, v48;
	v61 =	vmul.f32 v32, v2;
	v47 =	vmul.f32 v46, v10  }
0xd9: {  	v48 =	vmul.f32 v32, v3;
	v39 =	vmul.f32 v46, v11;
	v36 =	vadd.f32 v38, v36  }
0xda: {  	v37 =	vmul.f32 v37, v19;
	v41 =	vadd.f32 v51, v50;
	v34 =	vadd.f32 v34, v35  }
0xdb: {  	v56 =	vadd.f32 v54, v53;
	v50 =	vbroadcast v21, $0xA;
	v54 =	vmul.f32 v44, v8  }
0xdc: {  	v36 =	vadd.f32 v36, v45;
	v55 =	vadd.f32 v41, v52;
	v58 =	vmul.f32 $1.442695020e+00, v34  }
0xdd: {  	v38 =	vadd.f32 v56, v57;
	v52 =	vmul.f32 v50, v4;
	v46 =	vmul.f32 v50, v5  }
0xde: {  	v35 =	vpop (erf);
	v56 =	vmul.f32 v44, v10;
	v40 =	vmul.f32 v50, v7;
	v36 =	vadd.f32 v36, v37  }
0xdf: {  	v34 =	vmul.f32 v35, v30;
	v30 =	vbroadcast v22, $0xA;
	v37 =	vadd.f32 v55, v12  }
0xe0: {  	(erf) = vpow2.f32 v58;
	v60 =	vadd.f32 v38, v13;
	v55 =	vmul.f32 v44, v9  }
0xe1: {  	v38 =	vadd.f32 v62, v61;
	v36 =	vmul.f32 $1.442695020e+00, v36;
	v51 =	vmul.f32 v30, v0  }
0xe2: {  	v45 =	vmul.f32 v30, v1;
	v53 =	vmul.f32 v30, v2  }
0xe3: {  	v59 =	vmul.f32 $2.000000030e-01, v37;
	v63 =	vmul.f32 $2.000000030e-01, v60;
	v38 =	vadd.f32 v38, v47  }
0xe4: {  	v47 =	vmul.f32 v50, v6;
	(erf) = vpow2.f32 v36;
	v42 =	vadd.f32 v52, v51  }
0xe5: {  	v45 =	vadd.f32 v46, v45;
	v33 =	vmax.f32 v37, v59;
	v37 =	vadd.f32 v49, v48  }
0xe6: {  	v38 =	vadd.f32 v38, v14;
	v48 =	vmul.f32 v30, v3;
	v49 =	vmul.f32 v44, v11  }
0xe7: {  	v36 =	vmax.f32 v60, v63;
	v44 =	vbroadcast v21, $0xC;
	v33 =	vmul.f32 v33, v16  }
0xe8: {  	v42 =	vadd.f32 v42, v54;
	v57 =	vadd.f32 v45, v55;
	v36 =	vmul.f32 v36, v17  }
0xe9: {  	v37 =	vadd.f32 v37, v39;
	v39 =	vadd.f32 v47, v53;
	v58 =	vmul.f32 $2.000000030e-01, v38  }
0xea: {  	v40 =	vadd.f32 v40, v48;
	v53 =	vmul.f32 v43, v8;
	v48 =	vmul.f32 v44, v4  }
0xeb: {  	v47 =	vbroadcast v21, $0xE;
	v42 =	vadd.f32 v42, v12;
	v41 =	vadd.f32 v57, v13  }
0xec: {  	v37 =	vadd.f32 v37, v15;
	v39 =	vadd.f32 v39, v56;
	v60 =	vmax.f32 v38, v58  }
0xed: {  	v52 =	vadd.f32 v40, v49;
	v58 =	vmul.f32 v43, v9;
	v49 =	vbroadcast v20, $0xC  }
0xee: {  	v33 =	vadd.f32 v36, v33;
	v61 =	vmul.f32 $2.000000030e-01, v42;
	v36 =	vmul.f32 v60, v18  }
0xef: {  	v62 =	vmul.f32 $2.000000030e-01, v41;
	v59 =	vmul.f32 $2.000000030e-01, v37;
	v39 =	vadd.f32 v39, v14  }
0xf0: {  	v38 =	vmax.f32 v42, v61;
	v36 =	vadd.f32 v33, v36;
	v33 =	vbroadcast v22, $0xB  }
0xf1: {  	v41 =	vmax.f32 v41, v62;
	v63 =	vmul.f32 $2.000000030e-01, v39;
	v38 =	vmul.f32 v38, v16  }
0xf2: {  	v37 =	vmax.f32 v37, v59;
	v41 =	vmul.f32 v41, v17;
	v59 =	vmul.f32 v43, v10  }
0xf3: {  	v37 =	vmul.f32 v37, v19;
	v50 =	vmul.f32 v33, v0  }
0xf4: {  	v54 =	vmul.f32 v33, v1;
	v56 =	vmul.f32 v33, v2  }
0xf5: {  	v39 =	vmax.f32 v39, v63;
	v38 =	vadd.f32 v41, v38;
	v41 =	vbroadcast v21, $0xB  }
0xf6: {  	v63 =	vmul.f32 v49, v8;
	v39 =	vmul.f32 v39, v18  }
0xf7: {  	v37 =	vadd.f32 v36, v37;
	v51 =	vmul.f32 v41, v4;
	v55 =	vmul.f32 v41, v5  }
0xf8: {  	v57 =	vmul.f32 v41, v6;
	v38 =	vadd.f32 v38, v39;
	v39 =	vadd.f32 v52, v15  }
0xf9: {  	v41 =	vmul.f32 v41, v7;
	v36 =	vadd.f32 v51, v50;
	v42 =	vadd.f32 v55, v54  }
0xfa: {  	v45 =	vadd.f32 v57, v56;
	v51 =	vmul.f32 $1.442695020e+00, v37;
	v54 =	vmul.f32 v33, v3  }
0xfb: {  	v57 =	vmul.f32 v43, v11;
	v60 =	vmul.f32 $2.000000030e-01, v39;
	v40 =	vadd.f32 v36, v53  }
0xfc: {  	v36 =	vbroadcast v22, $0xC;
	v42 =	vadd.f32 v42, v58;
	v45 =	vadd.f32 v45, v59  }
0xfd: {  	(erf) = vpow2.f32 v51;
	v39 =	vmax.f32 v39, v60;
	v60 =	vmul.f32 v44, v5  }
0xfe: {  	v40 =	vadd.f32 v40, v12;
	v61 =	vmul.f32 v36, v0;
	v42 =	vadd.f32 v42, v13  }
0xff: {  	v45 =	vadd.f32 v45, v14;
	v39 =	vmul.f32 v39, v19;
	v59 =	vmul.f32 v36, v1  }
0x100: {  	v62 =	vmul.f32 $2.000000030e-01, v40;
	v50 =	vmul.f32 $2.000000030e-01, v42  }
0x101: {  	v46 =	vadd.f32 v48, v61;
	v53 =	vmul.f32 $2.000000030e-01, v45;
	v38 =	vadd.f32 v38, v39  }
0x102: {  	v61 =	vmul.f32 v36, v2;
	v48 =	vmul.f32 v49, v10;
	v52 =	vmax.f32 v40, v62  }
0x103: {  	v46 =	vadd.f32 v46, v63;
	v62 =	vmul.f32 v44, v6;
	v63 =	vmul.f32 v49, v9  }
0x104: {  	v42 =	vmax.f32 v42, v50;
	v50 =	vmul.f32 v36, v3;
	v44 =	vmul.f32 v44, v7  }
0x105: {  	v40 =	vmax.f32 v45, v53;
	v53 =	vmul.f32 v49, v11;
	v45 =	vbroadcast v21, $0xD  }
0x106: {  	v56 =	vadd.f32 v41, v54;
	v49 =	vbroadcast v20, $0xD;
	v38 =	vmul.f32 $1.442695020e+00, v38  }
0x107: {  	v21 =	vbroadcast v21, $0xF;
	v37 =	vmul.f32 v52, v16  }
0x108: {  	v42 =	vmul.f32 v42, v17;
	v55 =	vmul.f32 v40, v18;
	v40 =	vadd.f32 v56, v57  }
0x109: {  	v46 =	vadd.f32 v46, v12;
	v41 =	vadd.f32 v62, v61;
	v61 =	vmul.f32 v49, v8  }
0x10a: {  	v52 =	vadd.f32 v44, v50;
	(erf) = vpow2.f32 v38;
	v38 =	vbroadcast v22, $0xE  }
0x10b: {  	v51 =	vmul.f32 v21, v4;
	v37 =	vadd.f32 v42, v37;
	v40 =	vadd.f32 v40, v15  }
0x10c: {  	v58 =	vmul.f32 $2.000000030e-01, v46;
	v41 =	vadd.f32 v41, v48;
	v43 =	vadd.f32 v52, v53  }
0x10d: {  	v48 =	vmul.f32 v45, v5;
	v39 =	vadd.f32 v37, v55;
	v37 =	vadd.f32 v60, v59  }
0x10e: {  	v54 =	vmul.f32 $2.000000030e-01, v40;
	v59 =	vmul.f32 v45, v4;
	v41 =	vadd.f32 v41, v14  }
0x10f: {  	v42 =	vmax.f32 v46, v58;
	v43 =	vadd.f32 v43, v15;
	v37 =	vadd.f32 v37, v63  }
0x110: {  	v42 =	vmul.f32 v42, v16;
	v40 =	vmax.f32 v40, v54;
	v57 =	vmul.f32 $2.000000030e-01, v41  }
0x111: {  	v60 =	vmul.f32 $2.000000030e-01, v43;
	v40 =	vmul.f32 v40, v19;
	v55 =	vadd.f32 v37, v13  }
0x112: {  	v37 =	vbroadcast v22, $0xD;
	v22 =	vbroadcast v22, $0xF;
	v41 =	vmax.f32 v41, v57  }
0x113: {  	v43 =	vmax.f32 v43, v60;
	v60 =	vmul.f32 v45, v6;
	v45 =	vmul.f32 v45, v7  }
0x114: {  	v39 =	vadd.f32 v39, v40;
	v56 =	vmul.f32 $2.000000030e-01, v55;
	v58 =	vmul.f32 v37, v0  }
0x115: {  	v41 =	vmul.f32 v41, v18;
	v63 =	vmul.f32 v37, v1  }
0x116: {  	v52 =	vmul.f32 v43, v19;
	v39 =	vmul.f32 $1.442695020e+00, v39  }
0x117: {  	v44 =	vmax.f32 v55, v56;
	v46 =	vadd.f32 v59, v58;
	v55 =	vmul.f32 v49, v9  }
0x118: {  	v54 =	vadd.f32 v48, v63;
	v59 =	vmul.f32 v37, v2;
	v63 =	vmul.f32 v49, v11  }
0x119: {  	v48 =	vmul.f32 v47, v7;
	v44 =	vmul.f32 v44, v17  }
0x11a: {  	(erf) = vpow2.f32 v39;
	v62 =	vadd.f32 v46, v61;
	v43 =	vadd.f32 v54, v55  }
0x11b: {  	v61 =	vmul.f32 v49, v10;
	v49 =	vbroadcast v20, $0xE;
	v42 =	vadd.f32 v44, v42  }
0x11c: {  	v54 =	vmul.f32 v38, v1;
	v55 =	vmul.f32 v47, v5;
	v53 =	vadd.f32 v62, v12  }
0x11d: {  	v20 =	vbroadcast v20, $0xF;
	v62 =	vmul.f32 v37, v3;
	v50 =	vadd.f32 v42, v41  }
0x11e: {  	v44 =	vadd.f32 v55, v54;
	v42 =	vadd.f32 v60, v59;
	v56 =	vmul.f32 $2.000000030e-01, v53  }
0x11f: {  	v45 =	vadd.f32 v45, v62;
	v62 =	vmul.f32 v47, v6;
	v40 =	vadd.f32 v50, v52  }
0x120: {  	v52 =	vmul.f32 v38, v0;
	v42 =	vadd.f32 v42, v61;
	v61 =	vmul.f32 v38, v2  }
0x121: {  	v50 =	vmul.f32 v22, v0;
	v58 =	vmax.f32 v53, v56;
	v53 =	vmul.f32 v47, v4  }
0x122: {  	v57 =	vmul.f32 $1.442695020e+00, v40;
	v40 =	vadd.f32 v43, v13;
	v39 =	vmul.f32 v58, v16  }
0x123: {  	v43 =	vadd.f32 v45, v63;
	v42 =	vadd.f32 v42, v14;
	v58 =	vmul.f32 v49, v9  }
0x124: {  	v56 =	vadd.f32 v53, v52;
	v53 =	vmul.f32 v49, v10;
	(erf) = vpow2.f32 v57  }
0x125: {  	v45 =	vadd.f32 v62, v61;
	v41 =	vmul.f32 $2.000000030e-01, v40;
	v57 =	vmul.f32 v49, v8  }
0x126: {  	v59 =	vadd.f32 v43, v15;
	v44 =	vadd.f32 v44, v58;
	v63 =	vmul.f32 $2.000000030e-01, v42  }
0x127: {  	v49 =	vmul.f32 v49, v11;
	v45 =	vadd.f32 v45, v53;
	v53 =	vmul.f32 v22, v1  }
0x128: {  	v40 =	vmax.f32 v40, v41;
	v60 =	vadd.f32 v56, v57;
	v52 =	vmul.f32 $2.000000030e-01, v59  }
0x129: {  	v44 =	vadd.f32 v44, v13;
	v42 =	vmax.f32 v42, v63;
	v63 =	vmul.f32 v38, v3  }
0x12a: {  	v40 =	vmul.f32 v40, v17;
	v56 =	vmul.f32 v42, v18;
	v43 =	vadd.f32 v60, v12  }
0x12b: {  	v41 =	vmax.f32 v59, v52;
	v55 =	vmul.f32 $2.000000030e-01, v44;
	v59 =	vadd.f32 v45, v14  }
0x12c: {  	v52 =	vmul.f32 v20, v8;
	v39 =	vadd.f32 v40, v39;
	v41 =	vmul.f32 v41, v19  }
0x12d: {  	v54 =	vmul.f32 $2.000000030e-01, v43;
	v58 =	vmax.f32 v44, v55;
	v62 =	vmul.f32 $2.000000030e-01, v59  }
0x12e: {  	v44 =	vadd.f32 v51, v50;
	v55 =	vmul.f32 v22, v2;
	v61 =	vmul.f32 v58, v17  }
0x12f: {  	v39 =	vadd.f32 v39, v56;
	v56 =	vmul.f32 v21, v6;
	v58 =	vmul.f32 v20, v10  }
0x130: {  	v57 =	vmax.f32 v43, v54;
	v43 =	vmax.f32 v59, v62;
	v54 =	vmul.f32 v21, v5  }
0x131: {  	v21 =	vmul.f32 v21, v7;
	v60 =	vmul.f32 v57, v16;
	v39 =	vadd.f32 v39, v41  }
0x132: {  	v59 =	vpop (erf);
	v41 =	vadd.f32 v48, v63;
	v57 =	vmul.f32 v20, v9;
	v63 =	vadd.f32 v44, v52  }
0x133: {  	[tilespmem:s22+$0xFFFFFEC0] =	vst v35;
	v23 =	vmul.f32 v59, v23;
	v20 =	vmul.f32 v20, v11;
	v42 =	vadd.f32 v54, v53  }
0x134: {  	[tilespmem:s22+$0xFFFFFED0] =	vst v34;
	v54 =	vmul.f32 v43, v18;
	v40 =	vadd.f32 v61, v60;
	v60 =	vadd.f32 v56, v55  }
0x135: {  	[tilespmem:s22+$0xFFFFFEE8] =	vst v59;
	v62 =	vpop (erf);
	v41 =	vadd.f32 v41, v49;
	v61 =	vmul.f32 v22, v3;
	v42 =	vadd.f32 v42, v57  }
0x136: {  	v51 =	vpop (erf);
	v24 =	vmul.f32 v62, v24;
	[tilespmem:s22+$0xFFFFFEF8] =	vst v23;
	v34 =	vadd.f32 v63, v12;
	v35 =	vadd.f32 v60, v58  }
0x137: {  	[tilespmem:s22+$0xFFFFFF10] =	vst v62;
	v52 =	vpop (erf);
	v53 =	vmul.f32 v51, v25;
	v21 =	vadd.f32 v21, v61;
	v42 =	vadd.f32 v42, v13  }
0x138: {  	[tilespmem:s22+$0xFFFFFF38] =	vst v51;
	v26 =	vmul.f32 v52, v26;
	v56 =	vadd.f32 v41, v15;
	v57 =	vmul.f32 $2.000000030e-01, v34  }
0x139: {  	[tilespmem:s22+$0xFFFFFF20] =	vst v24;
	v58 =	vpop (erf);
	v20 =	vadd.f32 v21, v20;
	v35 =	vadd.f32 v35, v14;
	v59 =	vmul.f32 $2.000000030e-01, v42  }
0x13a: {  	[tilespmem:s22+$0xFFFFFF60] =	vst v52;
	v60 =	vmul.f32 v58, v27;
	v61 =	vmax.f32 v34, v57;
	v62 =	vmul.f32 $2.000000030e-01, v56  }
0x13b: {  	[tilespmem:s22+$0xFFFFFF48] =	vst v53;
	v63 =	vmul.f32 $2.000000030e-01, v35;
	v20 =	vadd.f32 v20, v15;
	v21 =	vmax.f32 v42, v59  }
0x13c: {  	v55 =	vadd.f32 v40, v54;
	[tilespmem:s22+$0xFFFFFF88] =	vst v58;
	v44 =	vmul.f32 v61, v16;
	v21 =	vmul.f32 v21, v17  }
0x13d: {  	v45 =	vpop (erf);
	[tilespmem:s22+$0xFFFFFF70] =	vst v26;
	v25 =	vmax.f32 v56, v62;
	v46 =	vmax.f32 v35, v63;
	v47 =	vmul.f32 $2.000000030e-01, v20  }
0x13e: {  	[tilespmem:s22+$0xFFFFFFB0] =	vst v45;
	v25 =	vmul.f32 v25, v19;
	v50 =	vmul.f32 v46, v18;
	v21 =	vadd.f32 v21, v44  }
0x13f: {  	v52 =	vmul.f32 $1.442695020e+00, v39;
	v48 =	vpop (erf);
	v49 =	vmul.f32 v45, v28;
	[tilespmem:s22+$0xFFFFFF98] =	vst v60;
	v20 =	vmax.f32 v20, v47  }
0x140: {  	[tilespmem:s22+$0xFFFFFFD8] =	vst v48;
	v24 =	vadd.f32 v55, v25;
	v20 =	vmul.f32 v20, v19;
	v21 =	vadd.f32 v21, v50  }
0x141: {  	(erf) = vpow2.f32 v52;
	v51 =	vmul.f32 v48, v29;
	v53 =	vpop (erf);
	[tilespmem:s22+$0xFFFFFFC0] =	vst v49  }
0x142: {  	v54 =	vmul.f32 v53, v31;
	[tilespmem:s22+$0x0] =	vst v53;
	v24 =	vmul.f32 $1.442695020e+00, v24;
	v20 =	vadd.f32 v21, v20  }
0x143: {  	[tilespmem:s22+$0xFFFFFFE8] =	vst v51  }
0x144: {  	[tilespmem:s22+$0x10] =	vst v54;
	v55 =	vpop (erf);
	(erf) = vpow2.f32 v24;
	v20 =	vmul.f32 $1.442695020e+00, v20  }
0x145: {  	v56 =	vmul.f32 v55, v32;
	[tilespmem:s22+$0x28] =	vst v55;
	v57 =	vpop (erf)  }
0x146: {  	v58 =	vmul.f32 v57, v30;
	[tilespmem:s22+$0x50] =	vst v57;
	(erf) = vpow2.f32 v20  }
0x147: {  	[tilespmem:s22+$0x38] =	vst v56  }
0x148: {  	[tilespmem:s22+$0x60] =	vst v58;
	v20 =	vpop (erf)  }
0x149: {  	v59 =	vmul.f32 v20, v33;
	v60 =	vpop (erf);
	[tilespmem:s22+$0x78] =	vst v20  }
0x14a: {  	v20 =	vmul.f32 v60, v36;
	[tilespmem:s22+$0xA0] =	vst v60  }
0x14b: {  	v61 =	vpop (erf);
	[tilespmem:s22+$0x88] =	vst v59  }
0x14c: {  	[tilespmem:s22+$0xB0] =	vst v20;
	v20 =	vmul.f32 v61, v37  }
0x14d: {  	p0 =	sne.s32 s23, $0x1C0;
	v62 =	vpop (erf);
	[tilespmem:s22+$0xC8] =	vst v61  }
.Ltmp1:
0x14e: {  	[tilespmem:s22+$0xD8] =	vst v20;
	v20 =	vmul.f32 v62, v38;
	(pc) =	sbr.rel @p0 .LBB2_5-.Ltmp1, $4  }
0x14f: {  	[tilespmem:s22+$0xF0] =	vst v62;
	v63 =	vpop (erf)  }
0x150: {  	[tilespmem:s22+$0x100] =	vst v20;
	v20 =	vmul.f32 v63, v22  }
0x151: {  	[tilespmem:s22+$0x118] =	vst v63  }
0x152: {  	s23 =	sadd.s32 $0x40, s23;
	[tilespmem:s22+$0x128] =	vst v20;
	s22 =	sadd.s32 $0x280, s22  }
0x153: {  	s21 =	smul.u32 $0x5, s21;
	s20 =	sadd.s32 $0x1, s20  }
0x154: {  	p0 =	sne.s32 s20, $0xC8  }
.Ltmp2:
0x155: {  	s21 =	sadd.s32 s9, s21;
	(pc) =	sbr.rel @p0 .LBB2_4-.Ltmp2, $4  }
0x156: {  	[hbm4b:s21+s2] =	stream.linear.scatter [tilespmem:s17], [sflag:$0x1], $0x1400, $0x38;
	[tilespmem:$0xDAC0] =	vst v63  }
0x157: {  	_ =	swait.ge [sflag:s13], $0x1400  }
0x158: {  	[sflag:s13] =	ssyncset.done $0x0  }
0x159: {  	[sflag:s13] =	ssyncadd.s32 $0xFFFFEC00  }
0x15a: {  	s18 =	sadd.s32 $0x1, s18  }
0x15b: {  	p0 =	sne.s32 s18, s11  }
.Ltmp3:
0x15c: {  	_ = 	snop;
	(pc) =	sbr.rel @p0 .LBB2_1-.Ltmp3, $1  }
0x15d: {  	_ =	sdelay $0x3  }
0x15e: {  	_ =	sfence.sel $0x180000  }
0x15f: {  	[bflag:$0x0] =	sbarrier.arrive $0xFFFF  }
0x160: {  	p0 =	sne.s32 s4, $0x0;
	_ =	strace $0x90000047  }
0x161: {  	s0 =	sadd.s32 @!p0 $0x100000, s0;
	[bflag:$0x2] =	sbarrier.arrive $0xFFFF  }
0x162: {  	[sflag:s0] =	ssyncadd.tile.s32 @!p0 $0x1;
	_ =	shalt  }
.Lfunc_end2:
_tile_overlayer_lowered:
.L_overlay_start_2:
0x163: {  	(tag) =	ssettag $0x2  }
0x164: {  	s0 =	rddreg [dreg:$0x0];
	s2 =	stileid.u32  }
0x165: {  	s1 =	rddreg [dreg:$0x1];
	p0 =	sne.s32 s2, $0x0  }
0x166: {  	s3 =	rddreg [dreg:$0x2];
	[bflag:$0x3] =	sbarrier.arrive $0xFFFF;
	s2 =	simm.s32 @!p0 $0x1C01  }
0x167: {  	[timem:s3], [sflag:s2] =	dma.local @!p0 [hbm:s0], s1  }
0x168: {  	s0 =	simm.s32 @!p0 $0x1  }
0x169: {  	_ =	swait.ge @!p0 [sflag:s0], s1  }
0x16a: {  	s1 =	ssub.s32 @!p0 $0x0, s1;
	[sflag:s0] =	ssyncset.done @!p0 $0x0  }
0x16b: {  	[sflag:s0] =	ssyncadd.s32 @!p0 s1  }
0x16c: {  	[bflag:$0x3] =	sbarrier.arrive $0xFFFF  }
0x16d: {  	_ =	shalt  }

// kernel: kernel.16.cloned.1.call-start
scs
__scs_entry_jumppad:
0x0: {  	(pc) =	sbr.rel $0x88, $3  }
0x1: {  	(tag) =	ssettag $0x0;
	lr =	simm.s32 $0x1  }
0x2: {  	[smem:$0x3F8A] =	sst lr;
	_ =	strace $0xD0000000  }
0x3: {  	_ = 	snop  }
0x4: {  	_ = 	snop  }
0x5: {  	_ = 	snop  }
0x6: {  	_ = 	snop  }
0x7: {  	_ = 	snop  }
__scs_overlays_trampoline_lowered:
0x8: {  	[smem:$0x3F99] =	sst s0  }
0x9: {  	[smem:$0x3F9A] =	sst s1  }
0xa: {  	[smem:$0x3F9B] =	sst s2  }
0xb: {  	[smem:$0x3F9C] =	sst s3  }
0xc: {  	[smem:$0x3F9D] =	sst s4  }
0xd: {  	[smem:$0x3F9E] =	sst s5  }
0xe: {  	[smem:$0x3F9F] =	sst s6  }
0xf: {  	[smem:$0x3FA0] =	sst s7  }
0x10: {  	[smem:$0x3FA1] =	sst s8  }
0x11: {  	[smem:$0x3FA2] =	sst s9;
	s0 =	simm.s32 @!p0 $0x0  }
0x12: {  	s1 =	sld [smem:$0x3F88];
	s0 =	simm.s32 @p0 $0x1  }
0x13: {  	[smem:$0x3FA3] =	sst s0;
	s0 =	simm.s32 @!p1 $0x0  }
0x14: {  	s2 =	sld [smem:$0x3F87];
	s0 =	simm.s32 @p1 $0x1  }
0x15: {  	[smem:$0x3FA4] =	sst s0;
	s0 =	simm.s32 @!p2 $0x0  }
0x16: {  	s3 =	sld [smem:$0x3FDB];
	s0 =	simm.s32 @p2 $0x1  }
0x17: {  	s4 =	simm.s32 $0x1BF5;
	[smem:$0x3FA6] =	sst s0  }
0x18: {  	s0 =	sld [smem:$0x3F89];
	_ =	swait.ge [sflag:s4], $0x0  }
0x19: {  	s7 =	sld [smem:$0x3F8A]  }
0x1a: {  	s8 =	sadd.s32 $0xFFFFE003, lr  }
0x1b: {  	s9 =	sadd.s32 $0xFFFFFEF7, lr;
	s5 =	simm.s32 $0xFFFFFFFF;
	p2 =	slt.u32 s8, $0xFFFFF086  }
0x1c: {  	p1 =	slt.u32 s9, $0xF7A;
	s5 =	simm.s32 @!p2 $0x0  }
0x1d: {  	s5 =	simm.s32 @p1 $0x1;
	p0 =	seq.s32 s7, s2  }
0x1e: {  	s7 =	smul.u32 @!p0 $0xF7A, s2;
	p2 =	seq.s32 @!p0 s5, $0x0  }
0x1f: {  	s9 =	smul.u32 $0xF7A, s1;
	s8 =	simm.s32 @!p0 $0x1BF5;
	p2 =	por !p2, p0  }
0x20: {  	[sflag:s8] =	ssyncset.s32 @!p0 $0xFFFFF086;
	s6 =	sadd.s32 @!p0 s3, s7;
	s7 =	simm.s32 @!p0 $0x108  }
0x21: {  	s3 =	sadd.s32 s3, s9;
	s6 =	sadd.s32 @!p0 $0x88, s6;
	s7 =	simm.s32 @p2 $0x1082  }
0x22: {  	[simem:s7], [sflag:s8] =	dma.local @!p0 [hbm:s6], $0xF7A  }
0x23: {  	s9 =	sor.u32 $0xD0000000, s2;
	s6 =	simm.s32 $0x108;
	_ =	swait.ge @!p0 [sflag:s8], $0x0  }
0x24: {  	s3 =	sadd.s32 $0x88, s3;
	s6 =	simm.s32 @!p1 $0x1082;
	[sflag:s4] =	ssyncset.s32 $0xFFFFF086  }
0x25: {  	[simem:s6], [sflag:s4] =	dma.local [hbm:s3], $0xF7A  }
0x26: {  	[smem:$0x3F8A] =	sst s1;
	(tag) =	ssettag s2;
	_ =	strace s9  }
0x27: {  	s1 =	sld [smem:$0x3F9A]  }
0x28: {  	s2 =	sld [smem:$0x3F9B]  }
0x29: {  	s4 =	sld [smem:$0x3F9D]  }
0x2a: {  	p0 =	seq.s32 s5, $0x0;
	s5 =	sld [smem:$0x3F9E]  }
0x2b: {  	s6 =	sld [smem:$0x3F9F]  }
0x2c: {  	s7 =	sld [smem:$0x3FA0]  }
0x2d: {  	s3 =	simm.s32 $0x108;
	s8 =	sld [smem:$0x3FA1]  }
0x2e: {  	s3 =	simm.s32 @!p0 $0x1082;
	s9 =	sld [smem:$0x3FA2]  }
0x2f: {  	lr =	sadd.s32 s0, s3;
	s0 =	sld [smem:$0x3F99]  }
0x30: {  	s3 =	sld [smem:$0x3F9C]  }
0x31: {  	[smem:$0x3FA5] =	sst s10  }
0x32: {  	s10 =	sld [smem:$0x3FA3];
	_ =	sdelay $0x3  }
0x33: {  	p0 =	seq.s32 s10, $0x1;
	s10 =	sld [smem:$0x3FA5];
	_ =	sdelay $0x3  }
0x34: {  	[smem:$0x3FA5] =	sst s10  }
0x35: {  	s10 =	sld [smem:$0x3FA4];
	_ =	sdelay $0x3  }
0x36: {  	p1 =	seq.s32 s10, $0x1;
	s10 =	sld [smem:$0x3FA5];
	_ =	sdelay $0x3  }
0x37: {  	[smem:$0x3FA5] =	sst s10  }
0x38: {  	s10 =	sld [smem:$0x3FA6]  }
0x39: {  	_ = 	snop;
	(pc) =	sbr.ind lr, $3  }
0x3a: {  	_ = 	snop  }
0x3b: {  	_ = 	snop  }
0x3c: {  	p2 =	seq.s32 s10, $0x1;
	s10 =	sld [smem:$0x3FA5]  }
0x3d: {  	_ =	shalt  }
0x3e: {  	_ =	shalt  }
0x3f: {  	_ =	shalt  }
0x40: {  	_ =	shalt  }
0x41: {  	_ =	shalt  }
0x42: {  	_ =	shalt  }
0x43: {  	_ =	shalt  }
0x44: {  	_ =	shalt  }
0x45: {  	_ =	shalt  }
0x46: {  	_ =	shalt  }
0x47: {  	_ =	shalt  }
0x48: {  	_ =	shalt  }
0x49: {  	_ =	shalt  }
0x4a: {  	_ =	shalt  }
0x4b: {  	_ =	shalt  }
0x4c: {  	_ =	shalt  }
0x4d: {  	_ =	shalt  }
0x4e: {  	_ =	shalt  }
0x4f: {  	_ =	shalt  }
0x50: {  	_ =	shalt  }
0x51: {  	_ =	shalt  }
0x52: {  	_ =	shalt  }
0x53: {  	_ =	shalt  }
0x54: {  	_ =	shalt  }
0x55: {  	_ =	shalt  }
0x56: {  	_ =	shalt  }
0x57: {  	_ =	shalt  }
0x58: {  	_ =	shalt  }
0x59: {  	_ =	shalt  }
0x5a: {  	_ =	shalt  }
0x5b: {  	_ =	shalt  }
0x5c: {  	_ =	shalt  }
0x5d: {  	_ =	shalt  }
0x5e: {  	_ =	shalt  }
0x5f: {  	_ =	shalt  }
0x60: {  	_ =	shalt  }
0x61: {  	_ =	shalt  }
0x62: {  	_ =	shalt  }
0x63: {  	_ =	shalt  }
0x64: {  	_ =	shalt  }
0x65: {  	_ =	shalt  }
0x66: {  	_ =	shalt  }
0x67: {  	_ =	shalt  }
0x68: {  	_ =	shalt  }
0x69: {  	_ =	shalt  }
0x6a: {  	_ =	shalt  }
0x6b: {  	_ =	shalt  }
0x6c: {  	_ =	shalt  }
0x6d: {  	_ =	shalt  }
0x6e: {  	_ =	shalt  }
0x6f: {  	_ =	shalt  }
0x70: {  	_ =	shalt  }
0x71: {  	_ =	shalt  }
0x72: {  	_ =	shalt  }
0x73: {  	_ =	shalt  }
0x74: {  	_ =	shalt  }
0x75: {  	_ =	shalt  }
0x76: {  	_ =	shalt  }
0x77: {  	_ =	shalt  }
0x78: {  	_ =	shalt  }
0x79: {  	_ =	shalt  }
0x7a: {  	_ =	shalt  }
0x7b: {  	_ =	shalt  }
0x7c: {  	_ =	shalt  }
0x7d: {  	_ =	shalt  }
0x7e: {  	_ =	shalt  }
0x7f: {  	_ =	shalt  }
0x80: {  	_ =	shalt  }
0x81: {  	_ =	shalt  }
0x82: {  	_ =	shalt  }
0x83: {  	_ =	shalt  }
0x84: {  	_ =	shalt  }
0x85: {  	_ =	shalt  }
0x86: {  	_ =	shalt  }
0x87: {  	_ =	shalt  }
.Lfunc_end0:
.L_simem_size_0:
called_computation.1_lowered:
.L_overlay_start_0:
0x88: {  	s2 =	sld [smem:$0x3FD9]  }
0x89: {  	s3 =	sld [smem:$0x3FFE];
	_ =	sdelay $0x1  }
0x8a: {  	s1 =	srdreg.scid  }
0x8b: {  	s0 =	sand.u32 $0x1, s1  }
0x8c: {  	s16 =	sshll.u32 s0, $0xA;
	s2 =	sadd.s32 s3, s2  }
0x8d: {  	s2 =	sadd.s32 s2, s16  }
0x8e: {  	[smem:$0x3FB1] =	sst s2  }
0x8f: {  	_ = 	snop  }
0x90: {  	(tm) =	ssettm $0x1  }
0x91: {  	s17 =	sld [smem:$0x3FFB];
	_ =	sdelay $0x3  }
0x92: {  	_ =	strace s17  }
0x93: {  	s2 =	sld [smem:$0x3FFC];
	_ =	sdelay $0x3  }
0x94: {  	_ =	strace s2  }
0x95: {  	s2 =	sld [smem:$0x3FFD];
	_ =	sdelay $0x3  }
0x96: {  	_ =	strace s2  }
0x97: {  	_ =	strace $0x8FFFFFFF  }
0x98: {  	s18 =	sld [smem:$0x3FDB];
	_ =	sdelay $0x1  }
0x99: {  	s19 =	simm.s32 $_scs_section_size  }
0x9a: {  	s4 =	simm.s32 $_size__tile_overlayer_lowered;
	s5 =	simm.s32 $_tile_overlayer_lowered  }
0x9b: {  	s22 =	simm.s32 $0x1BFF;
	s21 =	sshll.u32 s5, $0x1;
	s2 =	sadd.s32 s19, s18  }
0x9c: {  	s6 =	simm.s32 $0x0;
	s20 =	sshll.u32 s4, $0x1;
	s4 =	sadd.s32 s21, s2  }
0x9d: {  	[timem:s6], [sflag:s22] =	dma.local [hbm:s4], s20  }
0x9e: {  	_ =	swait.ge [sflag:s22], s20  }
0x9f: {  	s3 =	ssub.s32 $0x0, s20;
	[sflag:s22] =	ssyncset.done $0x0  }
0xa0: {  	[sflag:s22] =	ssyncadd.s32 s3;
	_ =	sdelay $0x1  }
0xa1: {  	s23 =	simm.s32 $0x1B8B  }
0xa2: {  	_ =	swait.ge [sflag:s23], $0x1  }
0xa3: {  	[sflag:s23] =	ssyncset.done $0x0  }
0xa4: {  	s25 =	simm.s32 $0x1B8E;
	s24 =	sld [smem:$0x3FFE];
	[sflag:s23] =	ssyncadd.s32 $0xFFFFFFFF  }
0xa5: {  	s26 =	simm.s32 $execute0_lowered;
	[smem:$0x3FD2] =	sst s25  }
0xa6: {  	s4 =	sshll.u32 s26, $0x1;
	_ =	strace $0x80000049;
	[dreg:$0x1] =	wrdreg $0xFFFFFFFF  }
0xa7: {  	s28 =	simm.s32 $_size_execute0_lowered;
	s2 =	sadd.s32 s2, s4;
	[dreg:$0x0] =	wrdreg $0x0  }
0xa8: {  	s4 =	sshll.u32 s28, $0x1;
	[dreg:$0x2] =	wrdreg s2  }
0xa9: {  	[dreg:$0x3] =	wrdreg s4  }
0xaa: {  	[dreg:$0x4] =	wrdreg $0xC0  }
0xab: {  	_ =	task [dreg:s6], $0x5FFFF  }
0xac: {  	[dreg:$0x1] =	wrdreg $0xFFFFFFFF  }
0xad: {  	[dreg:$0x0] =	wrdreg $0x60  }
0xae: {  	[dreg:$0x2] =	wrdreg s24  }
0xaf: {  	[dreg:$0x3] =	wrdreg $0x14800  }
0xb0: {  	[dreg:$0x4] =	wrdreg $0x9  }
0xb1: {  	_ =	task.clear_ibuf [dreg:s6], $0x5FFFF;
	_ =	strace $0x90000049  }
0xb2: {  	s29 =	simm.s32 $0x9;
	_ =	strace $0x8000004B  }
0xb3: {  	_ =	swait.ge [sflag:s29], $0x1  }
0xb4: {  	[sflag:s29] =	ssyncadd.s32 $0xFFFFFFFF  }
0xb5: {  	_ =	strace $0x9000004B  }
0xb6: {  	_ =	sfence  }
0xb7: {  	s30 =	sld [smem:$0x0];
	_ =	sdelay $0x2  }
0xb8: {  	s31 =	sshll.u32 s1, $0xD;
	s1 =	sshrl.u32 s1, $0x2  }
0xb9: {  	s3 =	sand.u32 $0x4000, s31;
	s1 =	sadd.s32 s1, s30  }
0xba: {  	s0 =	sor.u32 s3, s0;
	s1 =	sshll.u32 s1, $0x11  }
0xbb: {  	s0 =	sor.u32 s1, s0  }
0xbc: {  	s0 =	sadd.s32 $0x8F2B, s0  }
0xbd: {  	[sflag:s0] =	ssyncadd.remote.s32 $0x1  }
0xbe: {  	_ =	sfence.sel $0xFFFF  }
0xbf: {  	[dreg:$0x0] =	wrdreg $0xFFFFFFFF;
	(pc) =	sbr.abs _section_cstart, $3  }
0xc0: {  	[dreg:$0x1] =	wrdreg $0xFFFFFFFF  }
0xc1: {  	_ =	task.clear_ibuf [dreg:s6], $0x2FFFF;
	_ =	strace $0x9FFFFFFF  }
0xc2: {  	(tm) =	ssettm $0x7FFFFFFF  }
0xc3: {  	_ =	shalt  }
tec
execute0_lowered:
.L_overlay_start_1:
0x0: {  	(tag) =	ssettag $0x1  }
0x1: {  	s0 =	stileid.u32;
	s1 =	srdreg.scid  }
0x2: {  	s5 =	rddreg [dreg:$0x0];
	s4 =	smul.u32 $0x3E800, s0  }
0x3: {  	s2 =	rddreg [dreg:$0x1];
	s7 =	smul.u32 $0xC800, s0  }
0x4: {  	s3 =	simm.s32 $0x0;
	s6 =	sand.u32 $0x1, s1;
	s9 =	smul.u32 $0xF640, s0  }
0x5: {  	s13 =	simm.s32 $0x0;
	s1 =	rddreg [dreg:$0x2];
	s8 =	smul.u32 $0xC8000, s6  }
0x6: {  	[smem:$0x7FF] =	sst s3;
	s31 =	sshll.u32 s0, $0x6;
	s10 =	smul.u32 $0xF6400, s6  }
0x7: {  	_ =	strace $0x8000004A;
	s6 =	ssub.s32 $0x2, s6;
	s25 =	sadd.s32 s4, s5  }
0x8: {  	s4 =	sadd.s32 $0x6800, s5;
	s30 =	sshrl.u32 s6, $0x1;
	s12 =	sadd.s32 s9, s2  }
0x9: {  	s7 =	sadd.s32 s7, s8;
	s28 =	sadd.s32 s9, s10;
	s11 =	ssub.s32 s6, s30  }
0xa: {  	s8 =	sadd.s32 $0x85400, s25;
	s26 =	sshrl.u32 s7, $0x3;
	s7 =	sshrl.u32 s28, $0x3  }
0xb: {  	s10 =	sshrl.u32 s12, $0x3;
	s12 =	simm.s32 $0x80;
	s7 =	sadd.s32 s7, s5  }
0xc: {  	s29 =	sadd.s32 s26, s5;
	s5 =	sor.u32 $0x1C01, s31;
	s6 =	sadd.s32 $0x8800, s7  }
0xd: {  	s7 =	smax.u32 s11, $0x1;
	s9 =	sadd.s32 $0x46D400, s29;
	s11 =	simm.s32 $0x1  }
.LBB2_1:
0xe: {  	[spmem:s10], [sflag:s5] =	dma.local [hbm:s4], $0x1EC8  }
0xf: {  	_ =	swait.ge [sflag:s11], $0x1EC8  }
0x10: {  	[sflag:s11] =	ssyncset.done $0x0  }
0x11: {  	[sflag:s11] =	ssyncadd.s32 $0xFFFFE138  }
0x12: {  	s14 =	sadd.s32 $0x0, s9;
	[bflag:$0x0] =	sbarrier.arrive $0xFFFF  }
0x13: {  	[tilespmem:s3], [sflag:$0x1] =	stream.linear.gather [hbm4b:s14+s3], $0x80, $0x38;
	[tilespmem:$0x10AC0] =	vst v63  }
0x14: {  	_ = 	snop  }
0x15: {  	[tilespmem:s12], [sflag:$0x1] =	stream.linear.gather [hbm4b:s8+s3], $0x1400, $0x38;
	[tilespmem:$0x10AC0] =	vst v63  }
0x16: {  	_ =	swait.ge [sflag:s11], $0x80  }
0x17: {  	[sflag:s11] =	ssyncset.done $0x0  }
0x18: {  	[sflag:s11] =	ssyncadd.s32 $0xFFFFFF80  }
0x19: {  	_ =	swait.ge [sflag:s11], $0x1400  }
0x1a: {  	[sflag:s11] =	ssyncset.done $0x0  }
0x1b: {  	[sflag:s11] =	ssyncadd.s32 $0xFFFFEC00  }
0x1c: {  	[spmem:s2] =	stream.indirect.scatter.add.f32 [tilespmem:s12], [sflag:$0x1], $0x28, s3, s12, $0xb8;
	[tilespmem:$0x10AC0] =	vst v63  }
0x1d: {  	s15 =	simm.s32 $0x10;
	_ =	swait.ge [sflag:s11], $0x1400  }
0x1e: {  	s16 =	simm.s32 $0x20;
	s14 =	sadd.s32 $0x280, s8;
	[sflag:s11] =	ssyncset.done $0x0  }
.LBB2_2:
0x1f: {  	s17 =	sadd.s32 s15, s9  }
0x20: {  	[sflag:s11] =	ssyncadd.s32 $0xFFFFEC00;
	s15 =	smov.u32 s16;
	s18 =	sadd.s32 $0x10, s16  }
0x21: {  	[tilespmem:s3], [sflag:$0x1] =	stream.linear.gather [hbm4b:s17+s3], $0x80, $0x38;
	[tilespmem:$0x10AC0] =	vst v63  }
0x22: {  	p0 =	sne.s32 s16, $0x18F0  }
0x23: {  	[tilespmem:s12], [sflag:$0x1] =	stream.linear.gather [hbm4b:s14+s3], $0x1400, $0x38;
	[tilespmem:$0x10AC0] =	vst v63  }
0x24: {  	_ =	swait.ge [sflag:s11], $0x80  }
0x25: {  	[sflag:s11] =	ssyncset.done $0x0  }
0x26: {  	[sflag:s11] =	ssyncadd.s32 $0xFFFFFF80  }
0x27: {  	_ =	swait.ge [sflag:s11], $0x1400  }
.Ltmp0:
0x28: {  	[sflag:s11] =	ssyncset.done $0x0;
	(pc) =	sbr.rel @p0 .LBB2_2-.Ltmp0, $4  }
0x29: {  	[sflag:s11] =	ssyncadd.s32 $0xFFFFEC00  }
0x2a: {  	[spmem:s2] =	stream.indirect.scatter.add.f32 [tilespmem:s12], [sflag:$0x1], $0x28, s3, s12, $0xb8;
	[tilespmem:$0x10AC0] =	vst v63  }
0x2b: {  	_ =	swait.ge [sflag:s11], $0x1400  }
0x2c: {  	s16 =	smov.u32 s18;
	s14 =	sadd.s32 $0x280, s14;
	[sflag:s11] =	ssyncset.done $0x0  }
0x2d: {  	s15 =	sadd.s32 s15, s9;
	[sflag:s11] =	ssyncadd.s32 $0xFFFFEC00  }
0x2e: {  	[tilespmem:s3], [sflag:$0x1] =	stream.linear.gather [hbm4b:s15+s3], $0x80, $0x38;
	[tilespmem:$0x10AC0] =	vst v63  }
0x2f: {  	_ = 	snop  }
0x30: {  	[tilespmem:s12], [sflag:$0x1] =	stream.linear.gather [hbm4b:s14+s3], $0x1400, $0x38;
	[tilespmem:$0x10AC0] =	vst v63  }
0x31: {  	_ =	swait.ge [sflag:s11], $0x80  }
0x32: {  	[sflag:s11] =	ssyncset.done $0x0  }
0x33: {  	[sflag:s11] =	ssyncadd.s32 $0xFFFFFF80  }
0x34: {  	_ =	swait.ge [sflag:s11], $0x1400  }
0x35: {  	[sflag:s11] =	ssyncset.done $0x0  }
0x36: {  	[sflag:s11] =	ssyncadd.s32 $0xFFFFEC00  }
0x37: {  	[spmem:s2] =	stream.indirect.scatter.add.f32 [tilespmem:s12], [sflag:$0x1], $0x28, s3, s12, $0xb8;
	[tilespmem:$0x10AC0] =	vst v63  }
0x38: {  	_ =	swait.ge [sflag:s11], $0x1400  }
0x39: {  	s13 =	sadd.s32 $0x1, s13;
	[sflag:s11] =	ssyncset.done $0x0  }
0x3a: {  	p0 =	sne.s32 s13, s7;
	[sflag:s11] =	ssyncadd.s32 $0xFFFFEC00  }
.Ltmp1:
0x3b: {  	[bflag:$0x0] =	sbarrier.arrive $0xFFFF;
	(pc) =	sbr.rel @p0 .LBB2_1-.Ltmp1, $4  }
0x3c: {  	[hbm:s6], [sflag:s5] =	dma.local [spmem:s10], $0x1EC8  }
0x3d: {  	_ =	swait.ge [sflag:s11], $0x1EC8  }
0x3e: {  	[sflag:s11] =	ssyncset.done $0x0  }
0x3f: {  	[sflag:s11] =	ssyncadd.s32 $0xFFFFE138  }
0x40: {  	_ =	sfence.sel $0x180000  }
0x41: {  	[bflag:$0x0] =	sbarrier.arrive $0xFFFF  }
0x42: {  	p0 =	sne.s32 s0, $0x0;
	_ =	strace $0x9000004A  }
0x43: {  	s0 =	sadd.s32 @!p0 $0x100000, s1;
	[bflag:$0x2] =	sbarrier.arrive $0xFFFF  }
0x44: {  	[sflag:s0] =	ssyncadd.tile.s32 @!p0 $0x1;
	_ =	shalt  }
.Lfunc_end2:
_tile_overlayer_lowered:
.L_overlay_start_2:
0x45: {  	(tag) =	ssettag $0x2  }
0x46: {  	s0 =	rddreg [dreg:$0x0];
	s2 =	stileid.u32  }
0x47: {  	s1 =	rddreg [dreg:$0x1];
	p0 =	sne.s32 s2, $0x0  }
0x48: {  	s3 =	rddreg [dreg:$0x2];
	[bflag:$0x3] =	sbarrier.arrive $0xFFFF;
	s2 =	simm.s32 @!p0 $0x1C01  }
0x49: {  	[timem:s3], [sflag:s2] =	dma.local @!p0 [hbm:s0], s1  }
0x4a: {  	s0 =	simm.s32 @!p0 $0x1  }
0x4b: {  	_ =	swait.ge @!p0 [sflag:s0], s1  }
0x4c: {  	s1 =	ssub.s32 @!p0 $0x0, s1;
	[sflag:s0] =	ssyncset.done @!p0 $0x0  }
0x4d: {  	[sflag:s0] =	ssyncadd.s32 @!p0 s1  }
0x4e: {  	[bflag:$0x3] =	sbarrier.arrive $0xFFFF  }
0x4f: {  	_ =	shalt  }

// kernel: kernel.19.cloned.1.call-start
scs
__scs_entry_jumppad:
0x0: {  	(pc) =	sbr.rel $0x88, $3  }
0x1: {  	(tag) =	ssettag $0x0;
	lr =	simm.s32 $0x1  }
0x2: {  	[smem:$0x3F8A] =	sst lr;
	_ =	strace $0xD0000000  }
0x3: {  	_ = 	snop  }
0x4: {  	_ = 	snop  }
0x5: {  	_ = 	snop  }
0x6: {  	_ = 	snop  }
0x7: {  	_ = 	snop  }
__scs_overlays_trampoline_lowered:
0x8: {  	[smem:$0x3F99] =	sst s0  }
0x9: {  	[smem:$0x3F9A] =	sst s1  }
0xa: {  	[smem:$0x3F9B] =	sst s2  }
0xb: {  	[smem:$0x3F9C] =	sst s3  }
0xc: {  	[smem:$0x3F9D] =	sst s4  }
0xd: {  	[smem:$0x3F9E] =	sst s5  }
0xe: {  	[smem:$0x3F9F] =	sst s6  }
0xf: {  	[smem:$0x3FA0] =	sst s7  }
0x10: {  	[smem:$0x3FA1] =	sst s8  }
0x11: {  	[smem:$0x3FA2] =	sst s9;
	s0 =	simm.s32 @!p0 $0x0  }
0x12: {  	s1 =	sld [smem:$0x3F88];
	s0 =	simm.s32 @p0 $0x1  }
0x13: {  	[smem:$0x3FA3] =	sst s0;
	s0 =	simm.s32 @!p1 $0x0  }
0x14: {  	s2 =	sld [smem:$0x3F87];
	s0 =	simm.s32 @p1 $0x1  }
0x15: {  	[smem:$0x3FA4] =	sst s0;
	s0 =	simm.s32 @!p2 $0x0  }
0x16: {  	s3 =	sld [smem:$0x3FDB];
	s0 =	simm.s32 @p2 $0x1  }
0x17: {  	s4 =	simm.s32 $0x1BF5;
	[smem:$0x3FA6] =	sst s0  }
0x18: {  	s0 =	sld [smem:$0x3F89];
	_ =	swait.ge [sflag:s4], $0x0  }
0x19: {  	s7 =	sld [smem:$0x3F8A]  }
0x1a: {  	s8 =	sadd.s32 $0xFFFFE003, lr  }
0x1b: {  	s9 =	sadd.s32 $0xFFFFFEF7, lr;
	s5 =	simm.s32 $0xFFFFFFFF;
	p2 =	slt.u32 s8, $0xFFFFF086  }
0x1c: {  	p1 =	slt.u32 s9, $0xF7A;
	s5 =	simm.s32 @!p2 $0x0  }
0x1d: {  	s5 =	simm.s32 @p1 $0x1;
	p0 =	seq.s32 s7, s2  }
0x1e: {  	s7 =	smul.u32 @!p0 $0xF7A, s2;
	p2 =	seq.s32 @!p0 s5, $0x0  }
0x1f: {  	s9 =	smul.u32 $0xF7A, s1;
	s8 =	simm.s32 @!p0 $0x1BF5;
	p2 =	por !p2, p0  }
0x20: {  	[sflag:s8] =	ssyncset.s32 @!p0 $0xFFFFF086;
	s6 =	sadd.s32 @!p0 s3, s7;
	s7 =	simm.s32 @!p0 $0x108  }
0x21: {  	s3 =	sadd.s32 s3, s9;
	s6 =	sadd.s32 @!p0 $0x88, s6;
	s7 =	simm.s32 @p2 $0x1082  }
0x22: {  	[simem:s7], [sflag:s8] =	dma.local @!p0 [hbm:s6], $0xF7A  }
0x23: {  	s9 =	sor.u32 $0xD0000000, s2;
	s6 =	simm.s32 $0x108;
	_ =	swait.ge @!p0 [sflag:s8], $0x0  }
0x24: {  	s3 =	sadd.s32 $0x88, s3;
	s6 =	simm.s32 @!p1 $0x1082;
	[sflag:s4] =	ssyncset.s32 $0xFFFFF086  }
0x25: {  	[simem:s6], [sflag:s4] =	dma.local [hbm:s3], $0xF7A  }
0x26: {  	[smem:$0x3F8A] =	sst s1;
	(tag) =	ssettag s2;
	_ =	strace s9  }
0x27: {  	s1 =	sld [smem:$0x3F9A]  }
0x28: {  	s2 =	sld [smem:$0x3F9B]  }
0x29: {  	s4 =	sld [smem:$0x3F9D]  }
0x2a: {  	p0 =	seq.s32 s5, $0x0;
	s5 =	sld [smem:$0x3F9E]  }
0x2b: {  	s6 =	sld [smem:$0x3F9F]  }
0x2c: {  	s7 =	sld [smem:$0x3FA0]  }
0x2d: {  	s3 =	simm.s32 $0x108;
	s8 =	sld [smem:$0x3FA1]  }
0x2e: {  	s3 =	simm.s32 @!p0 $0x1082;
	s9 =	sld [smem:$0x3FA2]  }
0x2f: {  	lr =	sadd.s32 s0, s3;
	s0 =	sld [smem:$0x3F99]  }
0x30: {  	s3 =	sld [smem:$0x3F9C]  }
0x31: {  	[smem:$0x3FA5] =	sst s10  }
0x32: {  	s10 =	sld [smem:$0x3FA3];
	_ =	sdelay $0x3  }
0x33: {  	p0 =	seq.s32 s10, $0x1;
	s10 =	sld [smem:$0x3FA5];
	_ =	sdelay $0x3  }
0x34: {  	[smem:$0x3FA5] =	sst s10  }
0x35: {  	s10 =	sld [smem:$0x3FA4];
	_ =	sdelay $0x3  }
0x36: {  	p1 =	seq.s32 s10, $0x1;
	s10 =	sld [smem:$0x3FA5];
	_ =	sdelay $0x3  }
0x37: {  	[smem:$0x3FA5] =	sst s10  }
0x38: {  	s10 =	sld [smem:$0x3FA6]  }
0x39: {  	_ = 	snop;
	(pc) =	sbr.ind lr, $3  }
0x3a: {  	_ = 	snop  }
0x3b: {  	_ = 	snop  }
0x3c: {  	p2 =	seq.s32 s10, $0x1;
	s10 =	sld [smem:$0x3FA5]  }
0x3d: {  	_ =	shalt  }
0x3e: {  	_ =	shalt  }
0x3f: {  	_ =	shalt  }
0x40: {  	_ =	shalt  }
0x41: {  	_ =	shalt  }
0x42: {  	_ =	shalt  }
0x43: {  	_ =	shalt  }
0x44: {  	_ =	shalt  }
0x45: {  	_ =	shalt  }
0x46: {  	_ =	shalt  }
0x47: {  	_ =	shalt  }
0x48: {  	_ =	shalt  }
0x49: {  	_ =	shalt  }
0x4a: {  	_ =	shalt  }
0x4b: {  	_ =	shalt  }
0x4c: {  	_ =	shalt  }
0x4d: {  	_ =	shalt  }
0x4e: {  	_ =	shalt  }
0x4f: {  	_ =	shalt  }
0x50: {  	_ =	shalt  }
0x51: {  	_ =	shalt  }
0x52: {  	_ =	shalt  }
0x53: {  	_ =	shalt  }
0x54: {  	_ =	shalt  }
0x55: {  	_ =	shalt  }
0x56: {  	_ =	shalt  }
0x57: {  	_ =	shalt  }
0x58: {  	_ =	shalt  }
0x59: {  	_ =	shalt  }
0x5a: {  	_ =	shalt  }
0x5b: {  	_ =	shalt  }
0x5c: {  	_ =	shalt  }
0x5d: {  	_ =	shalt  }
0x5e: {  	_ =	shalt  }
0x5f: {  	_ =	shalt  }
0x60: {  	_ =	shalt  }
0x61: {  	_ =	shalt  }
0x62: {  	_ =	shalt  }
0x63: {  	_ =	shalt  }
0x64: {  	_ =	shalt  }
0x65: {  	_ =	shalt  }
0x66: {  	_ =	shalt  }
0x67: {  	_ =	shalt  }
0x68: {  	_ =	shalt  }
0x69: {  	_ =	shalt  }
0x6a: {  	_ =	shalt  }
0x6b: {  	_ =	shalt  }
0x6c: {  	_ =	shalt  }
0x6d: {  	_ =	shalt  }
0x6e: {  	_ =	shalt  }
0x6f: {  	_ =	shalt  }
0x70: {  	_ =	shalt  }
0x71: {  	_ =	shalt  }
0x72: {  	_ =	shalt  }
0x73: {  	_ =	shalt  }
0x74: {  	_ =	shalt  }
0x75: {  	_ =	shalt  }
0x76: {  	_ =	shalt  }
0x77: {  	_ =	shalt  }
0x78: {  	_ =	shalt  }
0x79: {  	_ =	shalt  }
0x7a: {  	_ =	shalt  }
0x7b: {  	_ =	shalt  }
0x7c: {  	_ =	shalt  }
0x7d: {  	_ =	shalt  }
0x7e: {  	_ =	shalt  }
0x7f: {  	_ =	shalt  }
0x80: {  	_ =	shalt  }
0x81: {  	_ =	shalt  }
0x82: {  	_ =	shalt  }
0x83: {  	_ =	shalt  }
0x84: {  	_ =	shalt  }
0x85: {  	_ =	shalt  }
0x86: {  	_ =	shalt  }
0x87: {  	_ =	shalt  }
.Lfunc_end0:
.L_simem_size_0:
called_computation.2_lowered:
.L_overlay_start_0:
0x88: {  	s2 =	sld [smem:$0x3FD9]  }
0x89: {  	s3 =	sld [smem:$0x3FFE];
	_ =	sdelay $0x1  }
0x8a: {  	s1 =	srdreg.scid  }
0x8b: {  	s0 =	sand.u32 $0x1, s1  }
0x8c: {  	s17 =	sshll.u32 s0, $0xA;
	s2 =	sadd.s32 s3, s2  }
0x8d: {  	s2 =	sadd.s32 s2, s17  }
0x8e: {  	[smem:$0x3FB1] =	sst s2  }
0x8f: {  	_ = 	snop  }
0x90: {  	(tm) =	ssettm $0x1  }
0x91: {  	s18 =	sld [smem:$0x3FFB];
	_ =	sdelay $0x3  }
0x92: {  	_ =	strace s18  }
0x93: {  	s2 =	sld [smem:$0x3FFC];
	_ =	sdelay $0x3  }
0x94: {  	_ =	strace s2  }
0x95: {  	s2 =	sld [smem:$0x3FFD];
	_ =	sdelay $0x3  }
0x96: {  	_ =	strace s2  }
0x97: {  	_ =	strace $0x8FFFFFFF  }
0x98: {  	s19 =	sld [smem:$0x3FDB];
	_ =	sdelay $0x1  }
0x99: {  	s20 =	simm.s32 $_scs_section_size  }
0x9a: {  	s4 =	simm.s32 $_size__tile_overlayer_lowered;
	s5 =	simm.s32 $_tile_overlayer_lowered  }
0x9b: {  	s6 =	simm.s32 $0x1BFF;
	s21 =	sshll.u32 s5, $0x1;
	s3 =	sadd.s32 s20, s19  }
0x9c: {  	s22 =	simm.s32 $0x0;
	s4 =	sshll.u32 s4, $0x1;
	s5 =	sadd.s32 s21, s3  }
0x9d: {  	[timem:s22], [sflag:s6] =	dma.local [hbm:s5], s4  }
0x9e: {  	_ =	swait.ge [sflag:s6], s4  }
0x9f: {  	s4 =	ssub.s32 $0x0, s4;
	[sflag:s6] =	ssyncset.done $0x0  }
0xa0: {  	[sflag:s6] =	ssyncadd.s32 s4;
	_ =	sdelay $0x1  }
0xa1: {  	s23 =	simm.s32 $0x1B8B  }
0xa2: {  	_ =	swait.ge [sflag:s23], $0x1  }
0xa3: {  	[sflag:s23] =	ssyncset.done $0x0  }
0xa4: {  	[sflag:s23] =	ssyncadd.s32 $0xFFFFFFFF  }
0xa5: {  	s4 =	sld [smem:$0x0]  }
0xa6: {  	s5 =	sand.u32 $0xFFFFFFFE, s1  }
0xa7: {  	p0 =	sne.s32 s1, s5  }
0xa8: {  	s5 =	sshll.u32 @p0 s5, $0xE  }
0xa9: {  	s5 =	sadd.s32 @p0 $0x11B8D, s5;
	s6 =	sshll.u32 @p0 s4, $0x11  }
0xaa: {  	s5 =	sor.u32 @p0 s6, s5  }
0xab: {  	[sflag:s5] =	ssyncadd.remote.s32 @p0 $0x1;
	_ =	sdelay $0x1  }
0xac: {  	s5 =	simm.s32 @p0 $0x1B8D  }
0xad: {  	_ =	swait.eq @p0 [sflag:s5], $0x1  }
0xae: {  	[sflag:s5] =	ssyncadd.s32 @p0 $0xFFFFFFFF  }
0xaf: {  	s6 =	sshll.u32 @!p0 s1, $0xE  }
0xb0: {  	s6 =	sor.u32 @!p0 $0x4000, s6;
	s5 =	simm.s32 @!p0 $0x1B8D  }
0xb1: {  	s4 =	sshll.u32 @!p0 s4, $0x11;
	s6 =	sadd.s32 @!p0 $0x11B8D, s6;
	_ =	swait.eq @!p0 [sflag:s5], $0x1  }
0xb2: {  	s4 =	sor.u32 @!p0 s4, s6;
	[sflag:s5] =	ssyncadd.s32 @!p0 $0xFFFFFFFF  }
0xb3: {  	s25 =	simm.s32 $0x1B8E;
	s24 =	sld [smem:$0x3FFE];
	[sflag:s4] =	ssyncadd.remote.s32 @!p0 $0x1  }
0xb4: {  	s26 =	simm.s32 $execute0_lowered;
	[smem:$0x3FD2] =	sst s25  }
0xb5: {  	s5 =	sshll.u32 s26, $0x1;
	_ =	strace $0x8000004F;
	[dreg:$0x1] =	wrdreg $0xFFFFFFFF  }
0xb6: {  	s28 =	simm.s32 $_size_execute0_lowered;
	s3 =	sadd.s32 s3, s5;
	[dreg:$0x0] =	wrdreg $0x0  }
0xb7: {  	s5 =	sshll.u32 s28, $0x1;
	[dreg:$0x2] =	wrdreg s3  }
0xb8: {  	[dreg:$0x3] =	wrdreg s5  }
0xb9: {  	[dreg:$0x4] =	wrdreg $0xC0  }
0xba: {  	_ =	task [dreg:s22], $0x5FFFF  }
0xbb: {  	[dreg:$0x1] =	wrdreg $0xFFFFFFFF  }
0xbc: {  	[dreg:$0x0] =	wrdreg $0x60  }
0xbd: {  	[dreg:$0x2] =	wrdreg s24  }
0xbe: {  	[dreg:$0x3] =	wrdreg $0x11000  }
0xbf: {  	[dreg:$0x4] =	wrdreg $0x9  }
0xc0: {  	_ =	task.clear_ibuf [dreg:s22], $0x5FFFF;
	_ =	strace $0x9000004F  }
0xc1: {  	s29 =	simm.s32 $0x9;
	_ =	strace $0x80000051  }
0xc2: {  	_ =	swait.ge [sflag:s29], $0x1  }
0xc3: {  	[sflag:s29] =	ssyncadd.s32 $0xFFFFFFFF  }
0xc4: {  	_ =	strace $0x90000051  }
0xc5: {  	_ =	sfence  }
0xc6: {  	s30 =	sld [smem:$0x0];
	_ =	sdelay $0x2  }
0xc7: {  	s31 =	sshll.u32 s1, $0xD;
	s1 =	sshrl.u32 s1, $0x2  }
0xc8: {  	s4 =	sand.u32 $0x4000, s31;
	s1 =	sadd.s32 s1, s30  }
0xc9: {  	s0 =	sor.u32 s4, s0;
	s1 =	sshll.u32 s1, $0x11  }
0xca: {  	s0 =	sor.u32 s1, s0  }
0xcb: {  	s0 =	sadd.s32 $0x8F2B, s0  }
0xcc: {  	[sflag:s0] =	ssyncadd.remote.s32 $0x1  }
0xcd: {  	_ =	sfence.sel $0xFFFF  }
0xce: {  	[dreg:$0x0] =	wrdreg $0xFFFFFFFF;
	(pc) =	sbr.abs _section_cstart, $3  }
0xcf: {  	[dreg:$0x1] =	wrdreg $0xFFFFFFFF  }
0xd0: {  	_ =	task.clear_ibuf [dreg:s22], $0x2FFFF;
	_ =	strace $0x9FFFFFFF  }
0xd1: {  	(tm) =	ssettm $0x7FFFFFFF  }
tec
execute0_lowered:
.L_overlay_start_1:
0x0: {  	(tag) =	ssettag $0x1  }
0x1: {  	s6 =	rddreg [dreg:$0x0]  }
0x2: {  	s0 =	stileid.u32;
	s1 =	srdreg.scid  }
0x3: {  	s2 =	rddreg [dreg:$0x1];
	s3 =	simm.s32 $0x0;
	s5 =	smul.u32 $0x1900, s0  }
0x4: {  	s14 =	simm.s32 $0x100;
	s15 =	simm.s32 $0x1;
	s4 =	smul.u32 $0xC800, s0  }
0x5: {  	s7 =	sand.u32 $0x1, s1;
	s1 =	rddreg [dreg:$0x2];
	s9 =	smul.u32 $0xC500, s0  }
0x6: {  	s16 =	simm.s32 $0x0;
	[smem:$0x7FF] =	sst s3;
	s8 =	smul.u32 $0xC8000, s7  }
0x7: {  	s31 =	sshll.u32 s0, $0x6;
	_ =	strace $0x80000050;
	s10 =	smul.u32 $0xC5000, s7  }
0x8: {  	s7 =	ssub.s32 $0x2, s7;
	s11 =	sadd.s32 s5, s6;
	s5 =	sadd.s32 $0x23C800, s6  }
0x9: {  	s30 =	sshrl.u32 s7, $0x1;
	s13 =	sadd.s32 s9, s2;
	s8 =	sadd.s32 s4, s8  }
0xa: {  	s4 =	sadd.s32 $0x37800, s6;
	s29 =	sadd.s32 s9, s10;
	s10 =	ssub.s32 s7, s30  }
0xb: {  	s9 =	sadd.s32 $0x6A800, s11;
	s28 =	sshrl.u32 s8, $0x3;
	s8 =	sshrl.u32 s29, $0x3  }
0xc: {  	s11 =	sshrl.u32 s13, $0x3;
	s13 =	simm.s32 $0x80;
	s8 =	sadd.s32 s8, s6  }
0xd: {  	s12 =	sadd.s32 s28, s6;
	s6 =	sor.u32 $0x1C02, s31;
	s7 =	sadd.s32 $0x331800, s8  }
0xe: {  	s8 =	smax.u32 s10, $0x1;
	s10 =	sadd.s32 $0x46D400, s12;
	s12 =	simm.s32 $0x2  }
.LBB2_1:
0xf: {  	[spmem:s11], [sflag:s6] =	dma.local [hbm:s5], $0x18A0  }
0x10: {  	_ =	swait.ge [sflag:s12], $0x18A0  }
0x11: {  	[sflag:s12] =	ssyncset.done $0x0  }
0x12: {  	[sflag:s12] =	ssyncadd.s32 $0xFFFFE760  }
0x13: {  	s17 =	sadd.s32 $0x0, s9;
	[bflag:$0x0] =	sbarrier.arrive $0xFFFF  }
0x14: {  	[tilespmem:s3], [sflag:$0x2] =	stream.linear.gather [hbm4b:s17+s3], $0x80, $0x38;
	[tilespmem:$0xD600] =	vst v63  }
0x15: {  	s31 =	sadd.s32 $0x0, s10  }
0x16: {  	[tilespmem:s13], [sflag:$0x2] =	stream.linear.gather [hbm4b:s31+s3], $0x80, $0x38;
	[tilespmem:$0xD600] =	vst v63  }
0x17: {  	_ =	swait.ge [sflag:s12], $0x80  }
0x18: {  	[sflag:s12] =	ssyncset.done $0x0  }
0x19: {  	[sflag:s12] =	ssyncadd.s32 $0xFFFFFF80  }
0x1a: {  	_ =	swait.ge [sflag:s12], $0x80  }
0x1b: {  	[sflag:s12] =	ssyncset.done $0x0  }
0x1c: {  	[sflag:s12] =	ssyncadd.s32 $0xFFFFFF80  }
0x1d: {  	[tilespmem:s14], [sflag:$0x1] =	stream.indirect.gather [hbm4b:s4+s13], $0x20, s3, s13, $0xb8;
	[tilespmem:$0xD600] =	vst v63  }
0x1e: {  	_ =	swait.ge [sflag:s15], $0x1000  }
0x1f: {  	[sflag:s15] =	ssyncset.done $0x0  }
0x20: {  	[sflag:s15] =	ssyncadd.s32 $0xFFFFF000  }
0x21: {  	[spmem:s2] =	stream.indirect.scatter.add.f32 [tilespmem:s14], [sflag:$0x2], $0x20, s13, s13, $0xb8;
	[tilespmem:$0xD600] =	vst v63  }
0x22: {  	_ =	swait.ge [sflag:s12], $0x1000  }
0x23: {  	s18 =	simm.s32 $0x20;
	s17 =	simm.s32 $0x10;
	[sflag:s12] =	ssyncset.done $0x0  }
.LBB2_2:
0x24: {  	s19 =	sadd.s32 s17, s9  }
0x25: {  	[sflag:s12] =	ssyncadd.s32 $0xFFFFF000;
	s20 =	smov.u32 s18;
	s21 =	sadd.s32 $0x10, s18  }
0x26: {  	[tilespmem:s3], [sflag:$0x2] =	stream.linear.gather [hbm4b:s19+s3], $0x80, $0x38;
	[tilespmem:$0xD600] =	vst v63  }
0x27: {  	p0 =	sne.s32 s18, $0x18F0;
	s18 =	sadd.s32 s17, s10;
	s17 =	smov.u32 s20  }
0x28: {  	[tilespmem:s13], [sflag:$0x2] =	stream.linear.gather [hbm4b:s18+s3], $0x80, $0x38;
	[tilespmem:$0xD600] =	vst v63  }
0x29: {  	_ =	swait.ge [sflag:s12], $0x80  }
0x2a: {  	[sflag:s12] =	ssyncset.done $0x0  }
0x2b: {  	[sflag:s12] =	ssyncadd.s32 $0xFFFFFF80  }
0x2c: {  	_ =	swait.ge [sflag:s12], $0x80  }
0x2d: {  	[sflag:s12] =	ssyncset.done $0x0  }
0x2e: {  	[sflag:s12] =	ssyncadd.s32 $0xFFFFFF80  }
0x2f: {  	[tilespmem:s14], [sflag:$0x1] =	stream.indirect.gather [hbm4b:s4+s13], $0x20, s3, s13, $0xb8;
	[tilespmem:$0xD600] =	vst v63  }
0x30: {  	_ =	swait.ge [sflag:s15], $0x1000  }
.Ltmp0:
0x31: {  	[sflag:s15] =	ssyncset.done $0x0;
	(pc) =	sbr.rel @p0 .LBB2_2-.Ltmp0, $4  }
0x32: {  	[sflag:s15] =	ssyncadd.s32 $0xFFFFF000  }
0x33: {  	[spmem:s2] =	stream.indirect.scatter.add.f32 [tilespmem:s14], [sflag:$0x2], $0x20, s13, s13, $0xb8;
	[tilespmem:$0xD600] =	vst v63  }
0x34: {  	_ =	swait.ge [sflag:s12], $0x1000  }
0x35: {  	s18 =	smov.u32 s21;
	[sflag:s12] =	ssyncset.done $0x0  }
0x36: {  	s18 =	sadd.s32 s17, s9;
	[sflag:s12] =	ssyncadd.s32 $0xFFFFF000  }
0x37: {  	[tilespmem:s3], [sflag:$0x2] =	stream.linear.gather [hbm4b:s18+s3], $0x80, $0x38;
	[tilespmem:$0xD600] =	vst v63  }
0x38: {  	s31 =	sadd.s32 s17, s10  }
0x39: {  	[tilespmem:s13], [sflag:$0x2] =	stream.linear.gather [hbm4b:s31+s3], $0x80, $0x38;
	[tilespmem:$0xD600] =	vst v63  }
0x3a: {  	_ =	swait.ge [sflag:s12], $0x80  }
0x3b: {  	[sflag:s12] =	ssyncset.done $0x0  }
0x3c: {  	[sflag:s12] =	ssyncadd.s32 $0xFFFFFF80  }
0x3d: {  	_ =	swait.ge [sflag:s12], $0x80  }
0x3e: {  	[sflag:s12] =	ssyncset.done $0x0  }
0x3f: {  	[sflag:s12] =	ssyncadd.s32 $0xFFFFFF80  }
0x40: {  	[tilespmem:s14], [sflag:$0x1] =	stream.indirect.gather [hbm4b:s4+s13], $0x20, s3, s13, $0xb8;
	[tilespmem:$0xD600] =	vst v63  }
0x41: {  	_ =	swait.ge [sflag:s15], $0x1000  }
0x42: {  	[sflag:s15] =	ssyncset.done $0x0  }
0x43: {  	[sflag:s15] =	ssyncadd.s32 $0xFFFFF000  }
0x44: {  	[spmem:s2] =	stream.indirect.scatter.add.f32 [tilespmem:s14], [sflag:$0x2], $0x20, s13, s13, $0xb8;
	[tilespmem:$0xD600] =	vst v63  }
0x45: {  	_ =	swait.ge [sflag:s12], $0x1000  }
0x46: {  	s16 =	sadd.s32 $0x1, s16;
	[sflag:s12] =	ssyncset.done $0x0  }
0x47: {  	p0 =	sne.s32 s16, s8;
	[sflag:s12] =	ssyncadd.s32 $0xFFFFF000  }
.Ltmp1:
0x48: {  	[bflag:$0x0] =	sbarrier.arrive $0xFFFF;
	(pc) =	sbr.rel @p0 .LBB2_1-.Ltmp1, $4  }
0x49: {  	[hbm:s7], [sflag:s6] =	dma.local [spmem:s11], $0x18A0  }
0x4a: {  	_ =	swait.ge [sflag:s12], $0x18A0  }
0x4b: {  	[sflag:s12] =	ssyncset.done $0x0  }
0x4c: {  	[sflag:s12] =	ssyncadd.s32 $0xFFFFE760  }
0x4d: {  	_ =	sfence.sel $0x180000  }
0x4e: {  	[bflag:$0x0] =	sbarrier.arrive $0xFFFF  }
0x4f: {  	p0 =	sne.s32 s0, $0x0;
	_ =	strace $0x90000050  }
0x50: {  	s0 =	sadd.s32 @!p0 $0x100000, s1;
	[bflag:$0x2] =	sbarrier.arrive $0xFFFF  }
0x51: {  	[sflag:s0] =	ssyncadd.tile.s32 @!p0 $0x1;
	_ =	shalt  }
.Lfunc_end2:
_tile_overlayer_lowered:
.L_overlay_start_2:
0x52: {  	(tag) =	ssettag $0x2  }
0x53: {  	s0 =	rddreg [dreg:$0x0];
	s2 =	stileid.u32  }
0x54: {  	s1 =	rddreg [dreg:$0x1];
	p0 =	sne.s32 s2, $0x0  }
0x55: {  	s3 =	rddreg [dreg:$0x2];
	[bflag:$0x3] =	sbarrier.arrive $0xFFFF;
	s2 =	simm.s32 @!p0 $0x1C02  }
0x56: {  	[timem:s3], [sflag:s2] =	dma.local @!p0 [hbm:s0], s1  }
0x57: {  	s0 =	simm.s32 @!p0 $0x2  }
0x58: {  	_ =	swait.ge @!p0 [sflag:s0], s1  }
0x59: {  	s1 =	ssub.s32 @!p0 $0x0, s1;
	[sflag:s0] =	ssyncset.done @!p0 $0x0  }
0x5a: {  	[sflag:s0] =	ssyncadd.s32 @!p0 s1  }
0x5b: {  	[bflag:$0x3] =	sbarrier.arrive $0xFFFF  }
0x5c: {  	_ =	shalt  }

// kernel: kernel.22.cloned.1.call-start
scs
__scs_entry_jumppad:
0x0: {  	(pc) =	sbr.rel $0x88, $3  }
0x1: {  	(tag) =	ssettag $0x0;
	lr =	simm.s32 $0x1  }
0x2: {  	[smem:$0x3F8A] =	sst lr;
	_ =	strace $0xD0000000  }
0x3: {  	_ = 	snop  }
0x4: {  	_ = 	snop  }
0x5: {  	_ = 	snop  }
0x6: {  	_ = 	snop  }
0x7: {  	_ = 	snop  }
__scs_overlays_trampoline_lowered:
0x8: {  	[smem:$0x3F99] =	sst s0  }
0x9: {  	[smem:$0x3F9A] =	sst s1  }
0xa: {  	[smem:$0x3F9B] =	sst s2  }
0xb: {  	[smem:$0x3F9C] =	sst s3  }
0xc: {  	[smem:$0x3F9D] =	sst s4  }
0xd: {  	[smem:$0x3F9E] =	sst s5  }
0xe: {  	[smem:$0x3F9F] =	sst s6  }
0xf: {  	[smem:$0x3FA0] =	sst s7  }
0x10: {  	[smem:$0x3FA1] =	sst s8  }
0x11: {  	[smem:$0x3FA2] =	sst s9;
	s0 =	simm.s32 @!p0 $0x0  }
0x12: {  	s1 =	sld [smem:$0x3F88];
	s0 =	simm.s32 @p0 $0x1  }
0x13: {  	[smem:$0x3FA3] =	sst s0;
	s0 =	simm.s32 @!p1 $0x0  }
0x14: {  	s2 =	sld [smem:$0x3F87];
	s0 =	simm.s32 @p1 $0x1  }
0x15: {  	[smem:$0x3FA4] =	sst s0;
	s0 =	simm.s32 @!p2 $0x0  }
0x16: {  	s3 =	sld [smem:$0x3FDB];
	s0 =	simm.s32 @p2 $0x1  }
0x17: {  	s4 =	simm.s32 $0x1BF5;
	[smem:$0x3FA6] =	sst s0  }
0x18: {  	s0 =	sld [smem:$0x3F89];
	_ =	swait.ge [sflag:s4], $0x0  }
0x19: {  	s7 =	sld [smem:$0x3F8A]  }
0x1a: {  	s8 =	sadd.s32 $0xFFFFE003, lr  }
0x1b: {  	s9 =	sadd.s32 $0xFFFFFEF7, lr;
	s5 =	simm.s32 $0xFFFFFFFF;
	p2 =	slt.u32 s8, $0xFFFFF086  }
0x1c: {  	p1 =	slt.u32 s9, $0xF7A;
	s5 =	simm.s32 @!p2 $0x0  }
0x1d: {  	s5 =	simm.s32 @p1 $0x1;
	p0 =	seq.s32 s7, s2  }
0x1e: {  	s7 =	smul.u32 @!p0 $0xF7A, s2;
	p2 =	seq.s32 @!p0 s5, $0x0  }
0x1f: {  	s9 =	smul.u32 $0xF7A, s1;
	s8 =	simm.s32 @!p0 $0x1BF5;
	p2 =	por !p2, p0  }
0x20: {  	[sflag:s8] =	ssyncset.s32 @!p0 $0xFFFFF086;
	s6 =	sadd.s32 @!p0 s3, s7;
	s7 =	simm.s32 @!p0 $0x108  }
0x21: {  	s3 =	sadd.s32 s3, s9;
	s6 =	sadd.s32 @!p0 $0x88, s6;
	s7 =	simm.s32 @p2 $0x1082  }
0x22: {  	[simem:s7], [sflag:s8] =	dma.local @!p0 [hbm:s6], $0xF7A  }
0x23: {  	s9 =	sor.u32 $0xD0000000, s2;
	s6 =	simm.s32 $0x108;
	_ =	swait.ge @!p0 [sflag:s8], $0x0  }
0x24: {  	s3 =	sadd.s32 $0x88, s3;
	s6 =	simm.s32 @!p1 $0x1082;
	[sflag:s4] =	ssyncset.s32 $0xFFFFF086  }
0x25: {  	[simem:s6], [sflag:s4] =	dma.local [hbm:s3], $0xF7A  }
0x26: {  	[smem:$0x3F8A] =	sst s1;
	(tag) =	ssettag s2;
	_ =	strace s9  }
0x27: {  	s1 =	sld [smem:$0x3F9A]  }
0x28: {  	s2 =	sld [smem:$0x3F9B]  }
0x29: {  	s4 =	sld [smem:$0x3F9D]  }
0x2a: {  	p0 =	seq.s32 s5, $0x0;
	s5 =	sld [smem:$0x3F9E]  }
0x2b: {  	s6 =	sld [smem:$0x3F9F]  }
0x2c: {  	s7 =	sld [smem:$0x3FA0]  }
0x2d: {  	s3 =	simm.s32 $0x108;
	s8 =	sld [smem:$0x3FA1]  }
0x2e: {  	s3 =	simm.s32 @!p0 $0x1082;
	s9 =	sld [smem:$0x3FA2]  }
0x2f: {  	lr =	sadd.s32 s0, s3;
	s0 =	sld [smem:$0x3F99]  }
0x30: {  	s3 =	sld [smem:$0x3F9C]  }
0x31: {  	[smem:$0x3FA5] =	sst s10  }
0x32: {  	s10 =	sld [smem:$0x3FA3];
	_ =	sdelay $0x3  }
0x33: {  	p0 =	seq.s32 s10, $0x1;
	s10 =	sld [smem:$0x3FA5];
	_ =	sdelay $0x3  }
0x34: {  	[smem:$0x3FA5] =	sst s10  }
0x35: {  	s10 =	sld [smem:$0x3FA4];
	_ =	sdelay $0x3  }
0x36: {  	p1 =	seq.s32 s10, $0x1;
	s10 =	sld [smem:$0x3FA5];
	_ =	sdelay $0x3  }
0x37: {  	[smem:$0x3FA5] =	sst s10  }
0x38: {  	s10 =	sld [smem:$0x3FA6]  }
0x39: {  	_ = 	snop;
	(pc) =	sbr.ind lr, $3  }
0x3a: {  	_ = 	snop  }
0x3b: {  	_ = 	snop  }
0x3c: {  	p2 =	seq.s32 s10, $0x1;
	s10 =	sld [smem:$0x3FA5]  }
0x3d: {  	_ =	shalt  }
0x3e: {  	_ =	shalt  }
0x3f: {  	_ =	shalt  }
0x40: {  	_ =	shalt  }
0x41: {  	_ =	shalt  }
0x42: {  	_ =	shalt  }
0x43: {  	_ =	shalt  }
0x44: {  	_ =	shalt  }
0x45: {  	_ =	shalt  }
0x46: {  	_ =	shalt  }
0x47: {  	_ =	shalt  }
0x48: {  	_ =	shalt  }
0x49: {  	_ =	shalt  }
0x4a: {  	_ =	shalt  }
0x4b: {  	_ =	shalt  }
0x4c: {  	_ =	shalt  }
0x4d: {  	_ =	shalt  }
0x4e: {  	_ =	shalt  }
0x4f: {  	_ =	shalt  }
0x50: {  	_ =	shalt  }
0x51: {  	_ =	shalt  }
0x52: {  	_ =	shalt  }
0x53: {  	_ =	shalt  }
0x54: {  	_ =	shalt  }
0x55: {  	_ =	shalt  }
0x56: {  	_ =	shalt  }
0x57: {  	_ =	shalt  }
0x58: {  	_ =	shalt  }
0x59: {  	_ =	shalt  }
0x5a: {  	_ =	shalt  }
0x5b: {  	_ =	shalt  }
0x5c: {  	_ =	shalt  }
0x5d: {  	_ =	shalt  }
0x5e: {  	_ =	shalt  }
0x5f: {  	_ =	shalt  }
0x60: {  	_ =	shalt  }
0x61: {  	_ =	shalt  }
0x62: {  	_ =	shalt  }
0x63: {  	_ =	shalt  }
0x64: {  	_ =	shalt  }
0x65: {  	_ =	shalt  }
0x66: {  	_ =	shalt  }
0x67: {  	_ =	shalt  }
0x68: {  	_ =	shalt  }
0x69: {  	_ =	shalt  }
0x6a: {  	_ =	shalt  }
0x6b: {  	_ =	shalt  }
0x6c: {  	_ =	shalt  }
0x6d: {  	_ =	shalt  }
0x6e: {  	_ =	shalt  }
0x6f: {  	_ =	shalt  }
0x70: {  	_ =	shalt  }
0x71: {  	_ =	shalt  }
0x72: {  	_ =	shalt  }
0x73: {  	_ =	shalt  }
0x74: {  	_ =	shalt  }
0x75: {  	_ =	shalt  }
0x76: {  	_ =	shalt  }
0x77: {  	_ =	shalt  }
0x78: {  	_ =	shalt  }
0x79: {  	_ =	shalt  }
0x7a: {  	_ =	shalt  }
0x7b: {  	_ =	shalt  }
0x7c: {  	_ =	shalt  }
0x7d: {  	_ =	shalt  }
0x7e: {  	_ =	shalt  }
0x7f: {  	_ =	shalt  }
0x80: {  	_ =	shalt  }
0x81: {  	_ =	shalt  }
0x82: {  	_ =	shalt  }
0x83: {  	_ =	shalt  }
0x84: {  	_ =	shalt  }
0x85: {  	_ =	shalt  }
0x86: {  	_ =	shalt  }
0x87: {  	_ =	shalt  }
.Lfunc_end0:
.L_simem_size_0:
called_computation.3_lowered:
.L_overlay_start_0:
0x88: {  	s2 =	sld [smem:$0x3FD9]  }
0x89: {  	s3 =	sld [smem:$0x3FFE];
	_ =	sdelay $0x1  }
0x8a: {  	s1 =	srdreg.scid  }
0x8b: {  	s0 =	sand.u32 $0x1, s1  }
0x8c: {  	s16 =	sshll.u32 s0, $0xA;
	s2 =	sadd.s32 s3, s2  }
0x8d: {  	s2 =	sadd.s32 s2, s16  }
0x8e: {  	[smem:$0x3FB1] =	sst s2  }
0x8f: {  	_ = 	snop  }
0x90: {  	(tm) =	ssettm $0x1  }
0x91: {  	s17 =	sld [smem:$0x3FFB];
	_ =	sdelay $0x3  }
0x92: {  	_ =	strace s17  }
0x93: {  	s2 =	sld [smem:$0x3FFC];
	_ =	sdelay $0x3  }
0x94: {  	_ =	strace s2  }
0x95: {  	s2 =	sld [smem:$0x3FFD];
	_ =	sdelay $0x3  }
0x96: {  	_ =	strace s2  }
0x97: {  	_ =	strace $0x8FFFFFFF  }
0x98: {  	s18 =	sld [smem:$0x3FDB];
	_ =	sdelay $0x1  }
0x99: {  	s19 =	simm.s32 $_scs_section_size  }
0x9a: {  	s4 =	simm.s32 $_size__tile_overlayer_lowered;
	s5 =	simm.s32 $_tile_overlayer_lowered  }
0x9b: {  	s22 =	simm.s32 $0x1BFF;
	s21 =	sshll.u32 s5, $0x1;
	s2 =	sadd.s32 s19, s18  }
0x9c: {  	s6 =	simm.s32 $0x0;
	s20 =	sshll.u32 s4, $0x1;
	s4 =	sadd.s32 s21, s2  }
0x9d: {  	[timem:s6], [sflag:s22] =	dma.local [hbm:s4], s20  }
0x9e: {  	_ =	swait.ge [sflag:s22], s20  }
0x9f: {  	s3 =	ssub.s32 $0x0, s20;
	[sflag:s22] =	ssyncset.done $0x0  }
0xa0: {  	[sflag:s22] =	ssyncadd.s32 s3;
	_ =	sdelay $0x1  }
0xa1: {  	s23 =	simm.s32 $0x1B8B  }
0xa2: {  	_ =	swait.ge [sflag:s23], $0x1  }
0xa3: {  	[sflag:s23] =	ssyncset.done $0x0  }
0xa4: {  	s25 =	simm.s32 $0x1B8E;
	s24 =	sld [smem:$0x3FFE];
	[sflag:s23] =	ssyncadd.s32 $0xFFFFFFFF  }
0xa5: {  	s26 =	simm.s32 $execute0_lowered;
	[smem:$0x3FD2] =	sst s25  }
0xa6: {  	s4 =	sshll.u32 s26, $0x1;
	_ =	strace $0x8000004C;
	[dreg:$0x1] =	wrdreg $0xFFFFFFFF  }
0xa7: {  	s28 =	simm.s32 $_size_execute0_lowered;
	s2 =	sadd.s32 s2, s4;
	[dreg:$0x0] =	wrdreg $0x0  }
0xa8: {  	s4 =	sshll.u32 s28, $0x1;
	[dreg:$0x2] =	wrdreg s2  }
0xa9: {  	[dreg:$0x3] =	wrdreg s4  }
0xaa: {  	[dreg:$0x4] =	wrdreg $0xC0  }
0xab: {  	_ =	task [dreg:s6], $0x5FFFF  }
0xac: {  	[dreg:$0x1] =	wrdreg $0xFFFFFFFF  }
0xad: {  	[dreg:$0x0] =	wrdreg $0x60  }
0xae: {  	[dreg:$0x2] =	wrdreg s24  }
0xaf: {  	[dreg:$0x3] =	wrdreg $0x11000  }
0xb0: {  	[dreg:$0x4] =	wrdreg $0xA  }
0xb1: {  	_ =	task.clear_ibuf [dreg:s6], $0x5FFFF;
	_ =	strace $0x9000004C  }
0xb2: {  	s29 =	simm.s32 $0xA;
	_ =	strace $0x8000004E  }
0xb3: {  	_ =	swait.ge [sflag:s29], $0x1  }
0xb4: {  	[sflag:s29] =	ssyncadd.s32 $0xFFFFFFFF  }
0xb5: {  	_ =	strace $0x9000004E  }
0xb6: {  	_ =	sfence  }
0xb7: {  	s30 =	sld [smem:$0x0];
	_ =	sdelay $0x2  }
0xb8: {  	s31 =	sshll.u32 s1, $0xD;
	s1 =	sshrl.u32 s1, $0x2  }
0xb9: {  	s3 =	sand.u32 $0x4000, s31;
	s1 =	sadd.s32 s1, s30  }
0xba: {  	s0 =	sor.u32 s3, s0;
	s1 =	sshll.u32 s1, $0x11  }
0xbb: {  	s0 =	sor.u32 s1, s0  }
0xbc: {  	s0 =	sadd.s32 $0x8F2B, s0  }
0xbd: {  	[sflag:s0] =	ssyncadd.remote.s32 $0x1  }
0xbe: {  	_ =	sfence.sel $0xFFFF  }
0xbf: {  	[dreg:$0x0] =	wrdreg $0xFFFFFFFF;
	(pc) =	sbr.abs _section_cstart, $3  }
0xc0: {  	[dreg:$0x1] =	wrdreg $0xFFFFFFFF  }
0xc1: {  	_ =	task.clear_ibuf [dreg:s6], $0x2FFFF;
	_ =	strace $0x9FFFFFFF  }
0xc2: {  	(tm) =	ssettm $0x7FFFFFFF  }
0xc3: {  	_ =	shalt  }
tec
execute0_lowered:
.L_overlay_start_1:
0x0: {  	(tag) =	ssettag $0x1  }
0x1: {  	s6 =	rddreg [dreg:$0x0]  }
0x2: {  	s0 =	stileid.u32;
	s1 =	srdreg.scid  }
0x3: {  	s2 =	rddreg [dreg:$0x1];
	s3 =	simm.s32 $0x0;
	s5 =	smul.u32 $0x1900, s0  }
0x4: {  	s14 =	simm.s32 $0x100;
	s15 =	simm.s32 $0x1;
	s4 =	smul.u32 $0xC800, s0  }
0x5: {  	s7 =	sand.u32 $0x1, s1;
	s1 =	rddreg [dreg:$0x2];
	s9 =	smul.u32 $0xC500, s0  }
0x6: {  	s16 =	simm.s32 $0x0;
	[smem:$0x7FF] =	sst s3;
	s8 =	smul.u32 $0xC8000, s7  }
0x7: {  	s31 =	sshll.u32 s0, $0x6;
	_ =	strace $0x8000004D;
	s10 =	smul.u32 $0xC5000, s7  }
0x8: {  	s7 =	ssub.s32 $0x2, s7;
	s11 =	sadd.s32 s5, s6;
	s5 =	sadd.s32 $0x23C800, s6  }
0x9: {  	s30 =	sshrl.u32 s7, $0x1;
	s13 =	sadd.s32 s9, s2;
	s8 =	sadd.s32 s4, s8  }
0xa: {  	s4 =	sadd.s32 $0x20B800, s6;
	s29 =	sadd.s32 s9, s10;
	s10 =	ssub.s32 s7, s30  }
0xb: {  	s9 =	sadd.s32 $0x6A800, s11;
	s28 =	sshrl.u32 s8, $0x3;
	s8 =	sshrl.u32 s29, $0x3  }
0xc: {  	s11 =	sshrl.u32 s13, $0x3;
	s13 =	simm.s32 $0x80;
	s8 =	sadd.s32 s8, s6  }
0xd: {  	s12 =	sadd.s32 s28, s6;
	s6 =	sor.u32 $0x1C02, s31;
	s7 =	sadd.s32 $0x6400, s8  }
0xe: {  	s8 =	smax.u32 s10, $0x1;
	s10 =	sadd.s32 $0x46D400, s12;
	s12 =	simm.s32 $0x2  }
.LBB2_1:
0xf: {  	[spmem:s11], [sflag:s6] =	dma.local [hbm:s5], $0x18A0  }
0x10: {  	_ =	swait.ge [sflag:s12], $0x18A0  }
0x11: {  	[sflag:s12] =	ssyncset.done $0x0  }
0x12: {  	[sflag:s12] =	ssyncadd.s32 $0xFFFFE760  }
0x13: {  	s17 =	sadd.s32 $0x0, s9;
	[bflag:$0x0] =	sbarrier.arrive $0xFFFF  }
0x14: {  	[tilespmem:s3], [sflag:$0x2] =	stream.linear.gather [hbm4b:s17+s3], $0x80, $0x38;
	[tilespmem:$0xD600] =	vst v63  }
0x15: {  	s31 =	sadd.s32 $0x0, s10  }
0x16: {  	[tilespmem:s13], [sflag:$0x2] =	stream.linear.gather [hbm4b:s31+s3], $0x80, $0x38;
	[tilespmem:$0xD600] =	vst v63  }
0x17: {  	_ =	swait.ge [sflag:s12], $0x80  }
0x18: {  	[sflag:s12] =	ssyncset.done $0x0  }
0x19: {  	[sflag:s12] =	ssyncadd.s32 $0xFFFFFF80  }
0x1a: {  	_ =	swait.ge [sflag:s12], $0x80  }
0x1b: {  	[sflag:s12] =	ssyncset.done $0x0  }
0x1c: {  	[sflag:s12] =	ssyncadd.s32 $0xFFFFFF80  }
0x1d: {  	[tilespmem:s14], [sflag:$0x1] =	stream.indirect.gather [hbm4b:s4+s13], $0x20, s3, s13, $0xb8;
	[tilespmem:$0xD600] =	vst v63  }
0x1e: {  	_ =	swait.ge [sflag:s15], $0x1000  }
0x1f: {  	[sflag:s15] =	ssyncset.done $0x0  }
0x20: {  	[sflag:s15] =	ssyncadd.s32 $0xFFFFF000  }
0x21: {  	[spmem:s2] =	stream.indirect.scatter.add.f32 [tilespmem:s14], [sflag:$0x2], $0x20, s13, s13, $0xb8;
	[tilespmem:$0xD600] =	vst v63  }
0x22: {  	_ =	swait.ge [sflag:s12], $0x1000  }
0x23: {  	s18 =	simm.s32 $0x20;
	s17 =	simm.s32 $0x10;
	[sflag:s12] =	ssyncset.done $0x0  }
.LBB2_2:
0x24: {  	s19 =	sadd.s32 s17, s9  }
0x25: {  	[sflag:s12] =	ssyncadd.s32 $0xFFFFF000;
	s20 =	smov.u32 s18;
	s21 =	sadd.s32 $0x10, s18  }
0x26: {  	[tilespmem:s3], [sflag:$0x2] =	stream.linear.gather [hbm4b:s19+s3], $0x80, $0x38;
	[tilespmem:$0xD600] =	vst v63  }
0x27: {  	p0 =	sne.s32 s18, $0x18F0;
	s18 =	sadd.s32 s17, s10;
	s17 =	smov.u32 s20  }
0x28: {  	[tilespmem:s13], [sflag:$0x2] =	stream.linear.gather [hbm4b:s18+s3], $0x80, $0x38;
	[tilespmem:$0xD600] =	vst v63  }
0x29: {  	_ =	swait.ge [sflag:s12], $0x80  }
0x2a: {  	[sflag:s12] =	ssyncset.done $0x0  }
0x2b: {  	[sflag:s12] =	ssyncadd.s32 $0xFFFFFF80  }
0x2c: {  	_ =	swait.ge [sflag:s12], $0x80  }
0x2d: {  	[sflag:s12] =	ssyncset.done $0x0  }
0x2e: {  	[sflag:s12] =	ssyncadd.s32 $0xFFFFFF80  }
0x2f: {  	[tilespmem:s14], [sflag:$0x1] =	stream.indirect.gather [hbm4b:s4+s13], $0x20, s3, s13, $0xb8;
	[tilespmem:$0xD600] =	vst v63  }
0x30: {  	_ =	swait.ge [sflag:s15], $0x1000  }
.Ltmp0:
0x31: {  	[sflag:s15] =	ssyncset.done $0x0;
	(pc) =	sbr.rel @p0 .LBB2_2-.Ltmp0, $4  }
0x32: {  	[sflag:s15] =	ssyncadd.s32 $0xFFFFF000  }
0x33: {  	[spmem:s2] =	stream.indirect.scatter.add.f32 [tilespmem:s14], [sflag:$0x2], $0x20, s13, s13, $0xb8;
	[tilespmem:$0xD600] =	vst v63  }
0x34: {  	_ =	swait.ge [sflag:s12], $0x1000  }
0x35: {  	s18 =	smov.u32 s21;
	[sflag:s12] =	ssyncset.done $0x0  }
0x36: {  	s18 =	sadd.s32 s17, s9;
	[sflag:s12] =	ssyncadd.s32 $0xFFFFF000  }
0x37: {  	[tilespmem:s3], [sflag:$0x2] =	stream.linear.gather [hbm4b:s18+s3], $0x80, $0x38;
	[tilespmem:$0xD600] =	vst v63  }
0x38: {  	s31 =	sadd.s32 s17, s10  }
0x39: {  	[tilespmem:s13], [sflag:$0x2] =	stream.linear.gather [hbm4b:s31+s3], $0x80, $0x38;
	[tilespmem:$0xD600] =	vst v63  }
0x3a: {  	_ =	swait.ge [sflag:s12], $0x80  }
0x3b: {  	[sflag:s12] =	ssyncset.done $0x0  }
0x3c: {  	[sflag:s12] =	ssyncadd.s32 $0xFFFFFF80  }
0x3d: {  	_ =	swait.ge [sflag:s12], $0x80  }
0x3e: {  	[sflag:s12] =	ssyncset.done $0x0  }
0x3f: {  	[sflag:s12] =	ssyncadd.s32 $0xFFFFFF80  }
0x40: {  	[tilespmem:s14], [sflag:$0x1] =	stream.indirect.gather [hbm4b:s4+s13], $0x20, s3, s13, $0xb8;
	[tilespmem:$0xD600] =	vst v63  }
0x41: {  	_ =	swait.ge [sflag:s15], $0x1000  }
0x42: {  	[sflag:s15] =	ssyncset.done $0x0  }
0x43: {  	[sflag:s15] =	ssyncadd.s32 $0xFFFFF000  }
0x44: {  	[spmem:s2] =	stream.indirect.scatter.add.f32 [tilespmem:s14], [sflag:$0x2], $0x20, s13, s13, $0xb8;
	[tilespmem:$0xD600] =	vst v63  }
0x45: {  	_ =	swait.ge [sflag:s12], $0x1000  }
0x46: {  	s16 =	sadd.s32 $0x1, s16;
	[sflag:s12] =	ssyncset.done $0x0  }
0x47: {  	p0 =	sne.s32 s16, s8;
	[sflag:s12] =	ssyncadd.s32 $0xFFFFF000  }
.Ltmp1:
0x48: {  	[bflag:$0x0] =	sbarrier.arrive $0xFFFF;
	(pc) =	sbr.rel @p0 .LBB2_1-.Ltmp1, $4  }
0x49: {  	[hbm:s7], [sflag:s6] =	dma.local [spmem:s11], $0x18A0  }
0x4a: {  	_ =	swait.ge [sflag:s12], $0x18A0  }
0x4b: {  	[sflag:s12] =	ssyncset.done $0x0  }
0x4c: {  	[sflag:s12] =	ssyncadd.s32 $0xFFFFE760  }
0x4d: {  	_ =	sfence.sel $0x180000  }
0x4e: {  	[bflag:$0x0] =	sbarrier.arrive $0xFFFF  }
0x4f: {  	p0 =	sne.s32 s0, $0x0;
	_ =	strace $0x9000004D  }
0x50: {  	s0 =	sadd.s32 @!p0 $0x100000, s1;
	[bflag:$0x2] =	sbarrier.arrive $0xFFFF  }
0x51: {  	[sflag:s0] =	ssyncadd.tile.s32 @!p0 $0x1;
	_ =	shalt  }
.Lfunc_end2:
_tile_overlayer_lowered:
.L_overlay_start_2:
0x52: {  	(tag) =	ssettag $0x2  }
0x53: {  	s0 =	rddreg [dreg:$0x0];
	s2 =	stileid.u32  }
0x54: {  	s1 =	rddreg [dreg:$0x1];
	p0 =	sne.s32 s2, $0x0  }
0x55: {  	s3 =	rddreg [dreg:$0x2];
	[bflag:$0x3] =	sbarrier.arrive $0xFFFF;
	s2 =	simm.s32 @!p0 $0x1C02  }
0x56: {  	[timem:s3], [sflag:s2] =	dma.local @!p0 [hbm:s0], s1  }
0x57: {  	s0 =	simm.s32 @!p0 $0x2  }
0x58: {  	_ =	swait.ge @!p0 [sflag:s0], s1  }
0x59: {  	s1 =	ssub.s32 @!p0 $0x0, s1;
	[sflag:s0] =	ssyncset.done @!p0 $0x0  }
0x5a: {  	[sflag:s0] =	ssyncadd.s32 @!p0 s1  }
0x5b: {  	[bflag:$0x3] =	sbarrier.arrive $0xFFFF  }
0x5c: {  	_ =	shalt  }

</sc_bundles>
